<compile_context>
chip_gen: v7x
topology: tpu7x:2x2x1
jax: 0.10.2.dev20260603
libtpu: 0.0.44.dev20260713+nightly
codegen_flags: <defaults>
</compile_context>

<pallas_src>
import functools

import jax
import jax.numpy as jnp
from jax import lax
from jax.experimental import pallas as pl
from jax.experimental.pallas import tpu as pltpu
from jax.experimental.pallas import tpu_sc as plsc

_CHUNK = 128
_NC = 2
_NS = 16


def _make_sc_agg(N_acc, D, n_chunks):
    mesh = plsc.VectorSubcoreMesh(core_axis_name="c", subcore_axis_name="s")
    rows_tile = N_acc // _NS

    @functools.partial(
        pl.kernel,
        out_type=jax.ShapeDtypeStruct((_NC, N_acc, D), jnp.float32),
        mesh=mesh,
        scratch_types=[
            pltpu.VMEM_SHARED((N_acc, D), jnp.float32),
            pltpu.VMEM((n_chunks // 2, _CHUNK), jnp.int32),
            pltpu.VMEM((n_chunks // 2, _CHUNK), jnp.int32),
            pltpu.VMEM((_CHUNK, D), jnp.float32),
            pltpu.VMEM((_CHUNK, D), jnp.float32),
            pltpu.SemaphoreType.DMA,
            pltpu.SemaphoreType.DMA,
        ],
    )
    def sc_agg(x_hbm, src_hbm, dst_hbm, zero_hbm, out_hbm,
               acc_sh, src_v, dst_v, buf0, buf1, sem0, sem1):
        cid = lax.axis_index("c")
        sid = lax.axis_index("s")
        pltpu.sync_copy(zero_hbm.at[pl.ds(sid * rows_tile, rows_tile)],
                        acc_sh.at[pl.ds(sid * rows_tile, rows_tile)])
        plsc.subcore_barrier()

        wbase = (cid * _NS + sid) * n_chunks
        n_half = n_chunks // 2
        bufs = (buf0, buf1)
        sems = (sem0, sem1)
        for half in range(2):
            hbase = wbase + half * n_half
            pltpu.sync_copy(src_hbm.at[pl.ds(hbase, n_half)], src_v)
            pltpu.sync_copy(dst_hbm.at[pl.ds(hbase, n_half)], dst_v)
            pltpu.async_copy(x_hbm.at[src_v.at[0]], buf0, sem0)
            pltpu.async_copy(x_hbm.at[src_v.at[1]], buf1, sem1)

            def step(j, carry):
                for bi in range(2):
                    jj = j + bi
                    buf, sem = bufs[bi], sems[bi]
                    pltpu.make_async_copy(
                        x_hbm.at[src_v.at[jj]], buf, sem).wait()
                    pltpu.sync_copy(buf, acc_sh.at[dst_v.at[jj]], add=True)

                    @pl.when(jj + 2 < n_half)
                    def _start_next():
                        pltpu.async_copy(
                            x_hbm.at[src_v.at[jj + 2]], buf, sem)
                return carry

            lax.fori_loop(0, n_half // 2, lambda i, c: step(2 * i, c), 0)
        plsc.subcore_barrier()
        pltpu.sync_copy(acc_sh.at[pl.ds(sid * rows_tile, rows_tile)],
                        out_hbm.at[cid, pl.ds(sid * rows_tile, rows_tile)])

    return sc_agg


def _make_tc_combine(N, D, BN, relu, res):

    def body(agg0, agg1, x, wr, ws, bb, o):
        s = agg0[...] + agg1[...]
        acc = jnp.dot(s, wr[...], preferred_element_type=jnp.float32)
        acc = acc + jnp.dot(x[...], ws[...], preferred_element_type=jnp.float32)
        acc = acc + bb[...]
        if relu:
            acc = jnp.maximum(acc, 0.0)
        if res:
            acc = acc + x[...]
        o[...] = acc

    row_spec = pl.BlockSpec((BN, D), lambda i: (i, 0))
    full_spec = pl.BlockSpec((D, D), lambda i: (0, 0))
    return pl.pallas_call(
        body,
        grid=(N // BN,),
        in_specs=[row_spec, row_spec, row_spec, full_spec, full_spec,
                  pl.BlockSpec((1, D), lambda i: (0, 0))],
        out_specs=row_spec,
        out_shape=jax.ShapeDtypeStruct((N, D), jnp.float32),
    )


def kernel(x, edge_index, W_rel, W_root, b):
    N, D = x.shape
    L = W_rel.shape[0]
    E = edge_index.shape[1]
    NW = _NC * _NS

    per_w_chunks = -(-E // (_CHUNK * NW * 2)) * 2
    E_pad = per_w_chunks * _CHUNK * NW
    N_acc = -(-(N + 1) // (_NS * 8)) * (_NS * 8)
    pad = E_pad - E
    src = jnp.concatenate(
        [edge_index[0], jnp.zeros((pad,), jnp.int32)]).reshape(-1, _CHUNK)
    dst = jnp.concatenate(
        [edge_index[1], jnp.full((pad,), N, jnp.int32)]).reshape(-1, _CHUNK)
    zero = jnp.zeros((N_acc, D), jnp.float32)

    Wr_t = jnp.swapaxes(W_rel, 1, 2)
    Ws_t = jnp.swapaxes(W_root, 1, 2)

    sc_agg = _make_sc_agg(N_acc, D, per_w_chunks)
    BN = 1000 if N % 1000 == 0 else 8
    combines = {}

    h = x
    for i in range(L):
        aggs = sc_agg(h, src, dst, zero)
        key = (i < L - 1, i > 0)
        if key not in combines:
            combines[key] = _make_tc_combine(N, D, BN, *key)
        h = combines[key](aggs[0, :N], aggs[1, :N], h,
                          Wr_t[i], Ws_t[i], b[i][None])
    return h

# --- scband reference (transcript-rebuilt; emitter-appended) ---
"""Pipeline reference for scband-gnn-84559316123938 (READ-ONLY COPY).

The authoritative reference and input builder live on the scoring server;
editing this copy changes nothing except your own understanding.
"""

import jax, jax.numpy as jnp
import numpy as np

N, E, D = 10000, 320000, 128
L = 5


def setup_inputs(seed: int = 0) -> dict:
    key = jax.random.key(seed)
    ks = jax.random.split(key, 6)
    x = jax.random.normal(ks[0], (N, D), dtype=jnp.float32)
    edge_index = jax.random.randint(ks[1], (2, E), 0, N, dtype=jnp.int32)
    # GraphConv params per layer: lin_rel (weight + bias), lin_root (weight, no bias)
    scale = 1.0 / np.sqrt(D)
    W_rel = jax.random.normal(ks[2], (L, D, D), dtype=jnp.float32) * scale
    W_root = jax.random.normal(ks[3], (L, D, D), dtype=jnp.float32) * scale
    b = jax.random.normal(ks[4], (L, D), dtype=jnp.float32) * scale
    return {"x": x, "edge_index": edge_index, "W_rel": W_rel, "W_root": W_root, "b": b}


def _graph_conv(x, Wr, Ws, bb, src, dst):
    # PyG GraphConv with aggr='add': out = lin_rel(sum_{j in N(i)} x_j) + lin_root(x)
    msgs = jnp.take(x, src, axis=0)
    agg = jax.ops.segment_sum(msgs, dst, num_segments=N)
    return agg @ Wr.T + bb + x @ Ws.T


def reference(x, edge_index, W_rel, W_root, b):
    src = edge_index[0]
    dst = edge_index[1]
    x1 = jax.nn.relu(_graph_conv(x, W_rel[0], W_root[0], b[0], src, dst))
    x2 = jax.nn.relu(_graph_conv(x1, W_rel[1], W_root[1], b[1], src, dst)) + x1
    x3 = jax.nn.relu(_graph_conv(x2, W_rel[2], W_root[2], b[2], src, dst)) + x2
    x4 = jax.nn.relu(_graph_conv(x3, W_rel[3], W_root[3], b[3], src, dst)) + x3
    x5 = _graph_conv(x4, W_rel[4], W_root[4], b[4], src, dst) + x4
    return x5

if __name__ == "__main__":
    import jax
    _d = setup_inputs()
    print(jax.jit(kernel)(*tuple(_d.values())))

</pallas_src>

<mosaic_0001>
#map = affine_map<(d0, d1) -> (0, 0)>
#map1 = affine_map<(d0, d1) -> (0, 0, 0)>
module attributes {stable_mosaic.version = 14 : i64} {
  func.func @sc_agg(%arg0: i32, %arg1: i32, %arg2: memref<10000x128xf32, #tpu.memory_space<hbm>>, %arg3: memref<2560x128xi32, #tpu.memory_space<hbm>>, %arg4: memref<2560x128xi32, #tpu.memory_space<hbm>>, %arg5: memref<10112x128xf32, #tpu.memory_space<hbm>>, %arg6: memref<2x10112x128xf32, #tpu.memory_space<hbm>>, %arg7: memref<10112x128xf32, #tpu.memory_space<vmem_shared>>, %arg8: memref<40x128xi32, #tpu.memory_space<vmem>>, %arg9: memref<40x128xi32, #tpu.memory_space<vmem>>, %arg10: memref<128x128xf32, #tpu.memory_space<vmem>>, %arg11: memref<128x128xf32, #tpu.memory_space<vmem>>, %arg12: memref<!tpu.dma_semaphore, #tpu.memory_space<semaphore_mem>>, %arg13: memref<!tpu.dma_semaphore, #tpu.memory_space<semaphore_mem>>) attributes {dimension_semantics = [#tpu.dimension_semantics<core_parallel>, #tpu.dimension_semantics<subcore_parallel>], iteration_bounds = array<i64: 2, 16>, scalar_prefetch = 0 : i64, scratch_operands = 7 : i64, tpu.core_type = #tpu.core_type<sc_vector_subcore>, window_params = [{transform_indices = #map}, {transform_indices = #map}, {transform_indices = #map}, {transform_indices = #map}, {transform_indices = #map1}]} {
    %mul3A = arith.constant 632 : i32
    %mul3A_0 = arith.muli %arg1, %mul3A : i32
    %mul3A_1 = arith.constant 632 : i32
    %mul3A_2 = arith.muli %arg1, %mul3A_1 : i32
    "tpu.region"() ({
      %run_scoped3A = tpu.sem_alloc : memref<!tpu.dma_semaphore, #tpu.memory_space<semaphore_mem>>
      %dma_start3A_54 = arith.constant 0 : i32
      %dma_start3A_55 = tpu.memref_slice %arg7[%mul3A_2, %dma_start3A_54] : memref<10112x128xf32, #tpu.memory_space<vmem_shared>> -> memref<632x128xf32, #tpu.memory_space<vmem_shared>>
      %dma_start3A_56 = arith.constant 0 : i32
      %dma_start3A_57 = tpu.memref_slice %arg5[%mul3A_0, %dma_start3A_56] : memref<10112x128xf32, #tpu.memory_space<hbm>> -> memref<632x128xf32, #tpu.memory_space<hbm>>
      tpu.enqueue_dma source(%dma_start3A_57 : memref<632x128xf32, #tpu.memory_space<hbm>>) target(%dma_start3A_55 : memref<632x128xf32, #tpu.memory_space<vmem_shared>>) target_semaphore(%run_scoped3A : memref<!tpu.dma_semaphore, #tpu.memory_space<semaphore_mem>>)
      %dma_wait3A = arith.constant 0 : i32
      %dma_wait3A_58 = tpu.memref_slice %arg7[%mul3A_2, %dma_wait3A] : memref<10112x128xf32, #tpu.memory_space<vmem_shared>> -> memref<632x128xf32, #tpu.memory_space<vmem_shared>>
      %dma_wait3A_59 = arith.constant 0 : i32
      %dma_wait3A_60 = tpu.memref_slice %arg5[%mul3A_0, %dma_wait3A_59] : memref<10112x128xf32, #tpu.memory_space<hbm>> -> memref<632x128xf32, #tpu.memory_space<hbm>>
      tpu.wait_dma2 semaphore(%run_scoped3A : memref<!tpu.dma_semaphore, #tpu.memory_space<semaphore_mem>>) src(%dma_wait3A_60 : memref<632x128xf32, #tpu.memory_space<hbm>>) dst(%dma_wait3A_58 : memref<632x128xf32, #tpu.memory_space<vmem_shared>>)
      tpu.yield
    }) : () -> ()
    %barrier3A = arith.constant 0 : index
    tpu.barrier barrier_id(%barrier3A)
    %mul3A_3 = arith.constant 16 : i32
    %mul3A_4 = arith.muli %arg0, %mul3A_3 : i32
    %add3A = arith.addi %mul3A_4, %arg1 : i32
    %mul3A_5 = arith.constant 80 : i32
    %mul3A_6 = arith.muli %add3A, %mul3A_5 : i32
    %add3A_7 = arith.constant 0 : i32
    %add3A_8 = arith.addi %mul3A_6, %add3A_7 : i32
    "tpu.region"() ({
      %run_scoped3A = tpu.sem_alloc : memref<!tpu.dma_semaphore, #tpu.memory_space<semaphore_mem>>
      %dma_start3A_54 = arith.constant 0 : i32
      %dma_start3A_55 = tpu.memref_slice %arg3[%add3A_8, %dma_start3A_54] : memref<2560x128xi32, #tpu.memory_space<hbm>> -> memref<40x128xi32, #tpu.memory_space<hbm>>
      %dma_start3A_56 = arith.constant 0 : i32
      %dma_start3A_57 = tpu.memref_slice %arg3[%add3A_8, %dma_start3A_56] : memref<2560x128xi32, #tpu.memory_space<hbm>> -> memref<40x128xi32, #tpu.memory_space<hbm>>
      tpu.enqueue_dma source(%dma_start3A_57 : memref<40x128xi32, #tpu.memory_space<hbm>>) target(%arg8 : memref<40x128xi32, #tpu.memory_space<vmem>>) target_semaphore(%run_scoped3A : memref<!tpu.dma_semaphore, #tpu.memory_space<semaphore_mem>>)
      %dma_wait3A = arith.constant 0 : i32
      %dma_wait3A_58 = tpu.memref_slice %arg3[%add3A_8, %dma_wait3A] : memref<2560x128xi32, #tpu.memory_space<hbm>> -> memref<40x128xi32, #tpu.memory_space<hbm>>
      %dma_wait3A_59 = arith.constant 0 : i32
      %dma_wait3A_60 = tpu.memref_slice %arg3[%add3A_8, %dma_wait3A_59] : memref<2560x128xi32, #tpu.memory_space<hbm>> -> memref<40x128xi32, #tpu.memory_space<hbm>>
      tpu.wait_dma2 semaphore(%run_scoped3A : memref<!tpu.dma_semaphore, #tpu.memory_space<semaphore_mem>>) src(%dma_wait3A_60 : memref<40x128xi32, #tpu.memory_space<hbm>>) dst(%arg8 : memref<40x128xi32, #tpu.memory_space<vmem>>)
      tpu.yield
    }) : () -> ()
    "tpu.region"() ({
      %run_scoped3A = tpu.sem_alloc : memref<!tpu.dma_semaphore, #tpu.memory_space<semaphore_mem>>
      %dma_start3A_54 = arith.constant 0 : i32
      %dma_start3A_55 = tpu.memref_slice %arg4[%add3A_8, %dma_start3A_54] : memref<2560x128xi32, #tpu.memory_space<hbm>> -> memref<40x128xi32, #tpu.memory_space<hbm>>
      %dma_start3A_56 = arith.constant 0 : i32
      %dma_start3A_57 = tpu.memref_slice %arg4[%add3A_8, %dma_start3A_56] : memref<2560x128xi32, #tpu.memory_space<hbm>> -> memref<40x128xi32, #tpu.memory_space<hbm>>
      tpu.enqueue_dma source(%dma_start3A_57 : memref<40x128xi32, #tpu.memory_space<hbm>>) target(%arg9 : memref<40x128xi32, #tpu.memory_space<vmem>>) target_semaphore(%run_scoped3A : memref<!tpu.dma_semaphore, #tpu.memory_space<semaphore_mem>>)
      %dma_wait3A = arith.constant 0 : i32
      %dma_wait3A_58 = tpu.memref_slice %arg4[%add3A_8, %dma_wait3A] : memref<2560x128xi32, #tpu.memory_space<hbm>> -> memref<40x128xi32, #tpu.memory_space<hbm>>
      %dma_wait3A_59 = arith.constant 0 : i32
      %dma_wait3A_60 = tpu.memref_slice %arg4[%add3A_8, %dma_wait3A_59] : memref<2560x128xi32, #tpu.memory_space<hbm>> -> memref<40x128xi32, #tpu.memory_space<hbm>>
      tpu.wait_dma2 semaphore(%run_scoped3A : memref<!tpu.dma_semaphore, #tpu.memory_space<semaphore_mem>>) src(%dma_wait3A_60 : memref<40x128xi32, #tpu.memory_space<hbm>>) dst(%arg9 : memref<40x128xi32, #tpu.memory_space<vmem>>)
      tpu.yield
    }) : () -> ()
    %dma_start3A = arith.constant 0 : i32
    %dma_start3A_9 = arith.constant 0 : i32
    %dma_start3A_10 = tpu.memref_slice %arg8[%dma_start3A, %dma_start3A_9] : memref<40x128xi32, #tpu.memory_space<vmem>> -> memref<1x128xi32, #tpu.memory_space<vmem>>
    %dma_start3A_11 = tpu.memref_squeeze %dma_start3A_10 : memref<1x128xi32, #tpu.memory_space<vmem>> -> memref<128xi32, #tpu.memory_space<vmem>>
    %dma_start3A_12 = arith.constant 0 : i32
    %dma_start3A_13 = arith.constant 0 : i32
    %dma_start3A_14 = tpu.memref_slice %arg2[%dma_start3A_12, %dma_start3A_13] : memref<10000x128xf32, #tpu.memory_space<hbm>> -> memref<10000x128xf32, #tpu.memory_space<hbm>>
    tpu.enqueue_indirect_dma source(%dma_start3A_14 : memref<10000x128xf32, #tpu.memory_space<hbm>>) target(%arg10 : memref<128x128xf32, #tpu.memory_space<vmem>>) offsets(%dma_start3A_11 : memref<128xi32, #tpu.memory_space<vmem>>) semaphore(%arg12 : memref<!tpu.dma_semaphore, #tpu.memory_space<semaphore_mem>>)
    %dma_start3A_15 = arith.constant 1 : i32
    %dma_start3A_16 = arith.constant 0 : i32
    %dma_start3A_17 = tpu.memref_slice %arg8[%dma_start3A_15, %dma_start3A_16] : memref<40x128xi32, #tpu.memory_space<vmem>> -> memref<1x128xi32, #tpu.memory_space<vmem>>
    %dma_start3A_18 = tpu.memref_squeeze %dma_start3A_17 : memref<1x128xi32, #tpu.memory_space<vmem>> -> memref<128xi32, #tpu.memory_space<vmem>>
    %dma_start3A_19 = arith.constant 0 : i32
    %dma_start3A_20 = arith.constant 0 : i32
    %dma_start3A_21 = tpu.memref_slice %arg2[%dma_start3A_19, %dma_start3A_20] : memref<10000x128xf32, #tpu.memory_space<hbm>> -> memref<10000x128xf32, #tpu.memory_space<hbm>>
    tpu.enqueue_indirect_dma source(%dma_start3A_21 : memref<10000x128xf32, #tpu.memory_space<hbm>>) target(%arg11 : memref<128x128xf32, #tpu.memory_space<vmem>>) offsets(%dma_start3A_18 : memref<128xi32, #tpu.memory_space<vmem>>) semaphore(%arg13 : memref<!tpu.dma_semaphore, #tpu.memory_space<semaphore_mem>>)
    %scan3A = arith.constant 0 : i32
    %scan3A_22 = arith.constant 0 : i32
    %scan3A_23 = arith.constant 20 : i32
    %scan3A_24 = arith.addi %scan3A_22, %scan3A_23 : i32
    %scan3A_25 = arith.constant 1 : i32
    scf.for %scan3A_54 = %scan3A_22 to %scan3A_24 step %scan3A_25  : i32 {
      %mul3A_55 = arith.constant 2 : i32
      %mul3A_56 = arith.muli %mul3A_55, %scan3A_54 : i32
      %add3A_57 = arith.constant 0 : i32
      %add3A_58 = arith.addi %mul3A_56, %add3A_57 : i32
      %dma_wait3A = arith.constant 0 : i32
      %dma_wait3A_59 = tpu.memref_slice %arg8[%add3A_58, %dma_wait3A] : memref<40x128xi32, #tpu.memory_space<vmem>> -> memref<1x128xi32, #tpu.memory_space<vmem>>
      %dma_wait3A_60 = tpu.memref_squeeze %dma_wait3A_59 : memref<1x128xi32, #tpu.memory_space<vmem>> -> memref<128xi32, #tpu.memory_space<vmem>>
      %dma_wait3A_61 = arith.constant 0 : i32
      %dma_wait3A_62 = arith.constant 0 : i32
      %dma_wait3A_63 = tpu.memref_slice %arg2[%dma_wait3A_61, %dma_wait3A_62] : memref<10000x128xf32, #tpu.memory_space<hbm>> -> memref<10000x128xf32, #tpu.memory_space<hbm>>
      tpu.wait_indirect_dma semaphore(%arg12 : memref<!tpu.dma_semaphore, #tpu.memory_space<semaphore_mem>>) src(%dma_wait3A_63 : memref<10000x128xf32, #tpu.memory_space<hbm>>) dst(%arg10 : memref<128x128xf32, #tpu.memory_space<vmem>>)
      "tpu.region"() ({
        %run_scoped3A = tpu.sem_alloc : memref<!tpu.dma_semaphore, #tpu.memory_space<semaphore_mem>>
        %dma_start3A_83 = arith.constant 0 : i32
        %dma_start3A_84 = tpu.memref_slice %arg9[%add3A_58, %dma_start3A_83] : memref<40x128xi32, #tpu.memory_space<vmem>> -> memref<1x128xi32, #tpu.memory_space<vmem>>
        %dma_start3A_85 = tpu.memref_squeeze %dma_start3A_84 : memref<1x128xi32, #tpu.memory_space<vmem>> -> memref<128xi32, #tpu.memory_space<vmem>>
        %dma_start3A_86 = arith.constant 0 : i32
        %dma_start3A_87 = arith.constant 0 : i32
        %dma_start3A_88 = tpu.memref_slice %arg7[%dma_start3A_86, %dma_start3A_87] : memref<10112x128xf32, #tpu.memory_space<vmem_shared>> -> memref<10112x128xf32, #tpu.memory_space<vmem_shared>>
        tpu.enqueue_indirect_dma source(%arg10 : memref<128x128xf32, #tpu.memory_space<vmem>>) target(%dma_start3A_88 : memref<10112x128xf32, #tpu.memory_space<vmem_shared>>) offsets(%dma_start3A_85 : memref<128xi32, #tpu.memory_space<vmem>>) semaphore(%run_scoped3A : memref<!tpu.dma_semaphore, #tpu.memory_space<semaphore_mem>>) {add = true}
        %dma_wait3A_89 = arith.constant 0 : i32
        %dma_wait3A_90 = tpu.memref_slice %arg9[%add3A_58, %dma_wait3A_89] : memref<40x128xi32, #tpu.memory_space<vmem>> -> memref<1x128xi32, #tpu.memory_space<vmem>>
        %dma_wait3A_91 = tpu.memref_squeeze %dma_wait3A_90 : memref<1x128xi32, #tpu.memory_space<vmem>> -> memref<128xi32, #tpu.memory_space<vmem>>
        %dma_wait3A_92 = arith.constant 0 : i32
        %dma_wait3A_93 = arith.constant 0 : i32
        %dma_wait3A_94 = tpu.memref_slice %arg7[%dma_wait3A_92, %dma_wait3A_93] : memref<10112x128xf32, #tpu.memory_space<vmem_shared>> -> memref<10112x128xf32, #tpu.memory_space<vmem_shared>>
        tpu.wait_indirect_dma semaphore(%run_scoped3A : memref<!tpu.dma_semaphore, #tpu.memory_space<semaphore_mem>>) src(%arg10 : memref<128x128xf32, #tpu.memory_space<vmem>>) dst(%dma_wait3A_94 : memref<10112x128xf32, #tpu.memory_space<vmem_shared>>)
        tpu.yield
      }) : () -> ()
      %add3A_64 = arith.constant 2 : i32
      %add3A_65 = arith.addi %add3A_58, %add3A_64 : i32
      %lt3A = arith.constant 40 : i32
      %lt3A_66 = arith.cmpi slt, %add3A_65, %lt3A : i32
      %convert_element_type3A = arith.extui %lt3A_66 : i1 to i32
      %cond3A = arith.constant 0 : i32
      %cond3A_67 = arith.cmpi ne, %convert_element_type3A, %cond3A : i32
      scf.if %cond3A_67 {
        %add3A_83 = arith.constant 2 : i32
        %add3A_84 = arith.addi %add3A_58, %add3A_83 : i32
        %dma_start3A_85 = arith.constant 0 : i32
        %dma_start3A_86 = tpu.memref_slice %arg8[%add3A_84, %dma_start3A_85] : memref<40x128xi32, #tpu.memory_space<vmem>> -> memref<1x128xi32, #tpu.memory_space<vmem>>
        %dma_start3A_87 = tpu.memref_squeeze %dma_start3A_86 : memref<1x128xi32, #tpu.memory_space<vmem>> -> memref<128xi32, #tpu.memory_space<vmem>>
        %dma_start3A_88 = arith.constant 0 : i32
        %dma_start3A_89 = arith.constant 0 : i32
        %dma_start3A_90 = tpu.memref_slice %arg2[%dma_start3A_88, %dma_start3A_89] : memref<10000x128xf32, #tpu.memory_space<hbm>> -> memref<10000x128xf32, #tpu.memory_space<hbm>>
        tpu.enqueue_indirect_dma source(%dma_start3A_90 : memref<10000x128xf32, #tpu.memory_space<hbm>>) target(%arg10 : memref<128x128xf32, #tpu.memory_space<vmem>>) offsets(%dma_start3A_87 : memref<128xi32, #tpu.memory_space<vmem>>) semaphore(%arg12 : memref<!tpu.dma_semaphore, #tpu.memory_space<semaphore_mem>>)
      } else {
      }
      %add3A_68 = arith.constant 1 : i32
      %add3A_69 = arith.addi %mul3A_56, %add3A_68 : i32
      %dma_wait3A_70 = arith.constant 0 : i32
      %dma_wait3A_71 = tpu.memref_slice %arg8[%add3A_69, %dma_wait3A_70] : memref<40x128xi32, #tpu.memory_space<vmem>> -> memref<1x128xi32, #tpu.memory_space<vmem>>
      %dma_wait3A_72 = tpu.memref_squeeze %dma_wait3A_71 : memref<1x128xi32, #tpu.memory_space<vmem>> -> memref<128xi32, #tpu.memory_space<vmem>>
      %dma_wait3A_73 = arith.constant 0 : i32
      %dma_wait3A_74 = arith.constant 0 : i32
      %dma_wait3A_75 = tpu.memref_slice %arg2[%dma_wait3A_73, %dma_wait3A_74] : memref<10000x128xf32, #tpu.memory_space<hbm>> -> memref<10000x128xf32, #tpu.memory_space<hbm>>
      tpu.wait_indirect_dma semaphore(%arg13 : memref<!tpu.dma_semaphore, #tpu.memory_space<semaphore_mem>>) src(%dma_wait3A_75 : memref<10000x128xf32, #tpu.memory_space<hbm>>) dst(%arg11 : memref<128x128xf32, #tpu.memory_space<vmem>>)
      "tpu.region"() ({
        %run_scoped3A = tpu.sem_alloc : memref<!tpu.dma_semaphore, #tpu.memory_space<semaphore_mem>>
        %dma_start3A_83 = arith.constant 0 : i32
        %dma_start3A_84 = tpu.memref_slice %arg9[%add3A_69, %dma_start3A_83] : memref<40x128xi32, #tpu.memory_space<vmem>> -> memref<1x128xi32, #tpu.memory_space<vmem>>
        %dma_start3A_85 = tpu.memref_squeeze %dma_start3A_84 : memref<1x128xi32, #tpu.memory_space<vmem>> -> memref<128xi32, #tpu.memory_space<vmem>>
        %dma_start3A_86 = arith.constant 0 : i32
        %dma_start3A_87 = arith.constant 0 : i32
        %dma_start3A_88 = tpu.memref_slice %arg7[%dma_start3A_86, %dma_start3A_87] : memref<10112x128xf32, #tpu.memory_space<vmem_shared>> -> memref<10112x128xf32, #tpu.memory_space<vmem_shared>>
        tpu.enqueue_indirect_dma source(%arg11 : memref<128x128xf32, #tpu.memory_space<vmem>>) target(%dma_start3A_88 : memref<10112x128xf32, #tpu.memory_space<vmem_shared>>) offsets(%dma_start3A_85 : memref<128xi32, #tpu.memory_space<vmem>>) semaphore(%run_scoped3A : memref<!tpu.dma_semaphore, #tpu.memory_space<semaphore_mem>>) {add = true}
        %dma_wait3A_89 = arith.constant 0 : i32
        %dma_wait3A_90 = tpu.memref_slice %arg9[%add3A_69, %dma_wait3A_89] : memref<40x128xi32, #tpu.memory_space<vmem>> -> memref<1x128xi32, #tpu.memory_space<vmem>>
        %dma_wait3A_91 = tpu.memref_squeeze %dma_wait3A_90 : memref<1x128xi32, #tpu.memory_space<vmem>> -> memref<128xi32, #tpu.memory_space<vmem>>
        %dma_wait3A_92 = arith.constant 0 : i32
        %dma_wait3A_93 = arith.constant 0 : i32
        %dma_wait3A_94 = tpu.memref_slice %arg7[%dma_wait3A_92, %dma_wait3A_93] : memref<10112x128xf32, #tpu.memory_space<vmem_shared>> -> memref<10112x128xf32, #tpu.memory_space<vmem_shared>>
        tpu.wait_indirect_dma semaphore(%run_scoped3A : memref<!tpu.dma_semaphore, #tpu.memory_space<semaphore_mem>>) src(%arg11 : memref<128x128xf32, #tpu.memory_space<vmem>>) dst(%dma_wait3A_94 : memref<10112x128xf32, #tpu.memory_space<vmem_shared>>)
        tpu.yield
      }) : () -> ()
      %add3A_76 = arith.constant 2 : i32
      %add3A_77 = arith.addi %add3A_69, %add3A_76 : i32
      %lt3A_78 = arith.constant 40 : i32
      %lt3A_79 = arith.cmpi slt, %add3A_77, %lt3A_78 : i32
      %convert_element_type3A_80 = arith.extui %lt3A_79 : i1 to i32
      %cond3A_81 = arith.constant 0 : i32
      %cond3A_82 = arith.cmpi ne, %convert_element_type3A_80, %cond3A_81 : i32
      scf.if %cond3A_82 {
        %add3A_83 = arith.constant 2 : i32
        %add3A_84 = arith.addi %add3A_69, %add3A_83 : i32
        %dma_start3A_85 = arith.constant 0 : i32
        %dma_start3A_86 = tpu.memref_slice %arg8[%add3A_84, %dma_start3A_85] : memref<40x128xi32, #tpu.memory_space<vmem>> -> memref<1x128xi32, #tpu.memory_space<vmem>>
        %dma_start3A_87 = tpu.memref_squeeze %dma_start3A_86 : memref<1x128xi32, #tpu.memory_space<vmem>> -> memref<128xi32, #tpu.memory_space<vmem>>
        %dma_start3A_88 = arith.constant 0 : i32
        %dma_start3A_89 = arith.constant 0 : i32
        %dma_start3A_90 = tpu.memref_slice %arg2[%dma_start3A_88, %dma_start3A_89] : memref<10000x128xf32, #tpu.memory_space<hbm>> -> memref<10000x128xf32, #tpu.memory_space<hbm>>
        tpu.enqueue_indirect_dma source(%dma_start3A_90 : memref<10000x128xf32, #tpu.memory_space<hbm>>) target(%arg11 : memref<128x128xf32, #tpu.memory_space<vmem>>) offsets(%dma_start3A_87 : memref<128xi32, #tpu.memory_space<vmem>>) semaphore(%arg13 : memref<!tpu.dma_semaphore, #tpu.memory_space<semaphore_mem>>)
      } else {
      }
    }
    %scan3A_26 = arith.constant 20 : i32
    %add3A_27 = arith.constant 40 : i32
    %add3A_28 = arith.addi %mul3A_6, %add3A_27 : i32
    "tpu.region"() ({
      %run_scoped3A = tpu.sem_alloc : memref<!tpu.dma_semaphore, #tpu.memory_space<semaphore_mem>>
      %dma_start3A_54 = arith.constant 0 : i32
      %dma_start3A_55 = tpu.memref_slice %arg3[%add3A_28, %dma_start3A_54] : memref<2560x128xi32, #tpu.memory_space<hbm>> -> memref<40x128xi32, #tpu.memory_space<hbm>>
      %dma_start3A_56 = arith.constant 0 : i32
      %dma_start3A_57 = tpu.memref_slice %arg3[%add3A_28, %dma_start3A_56] : memref<2560x128xi32, #tpu.memory_space<hbm>> -> memref<40x128xi32, #tpu.memory_space<hbm>>
      tpu.enqueue_dma source(%dma_start3A_57 : memref<40x128xi32, #tpu.memory_space<hbm>>) target(%arg8 : memref<40x128xi32, #tpu.memory_space<vmem>>) target_semaphore(%run_scoped3A : memref<!tpu.dma_semaphore, #tpu.memory_space<semaphore_mem>>)
      %dma_wait3A = arith.constant 0 : i32
      %dma_wait3A_58 = tpu.memref_slice %arg3[%add3A_28, %dma_wait3A] : memref<2560x128xi32, #tpu.memory_space<hbm>> -> memref<40x128xi32, #tpu.memory_space<hbm>>
      %dma_wait3A_59 = arith.constant 0 : i32
      %dma_wait3A_60 = tpu.memref_slice %arg3[%add3A_28, %dma_wait3A_59] : memref<2560x128xi32, #tpu.memory_space<hbm>> -> memref<40x128xi32, #tpu.memory_space<hbm>>
      tpu.wait_dma2 semaphore(%run_scoped3A : memref<!tpu.dma_semaphore, #tpu.memory_space<semaphore_mem>>) src(%dma_wait3A_60 : memref<40x128xi32, #tpu.memory_space<hbm>>) dst(%arg8 : memref<40x128xi32, #tpu.memory_space<vmem>>)
      tpu.yield
    }) : () -> ()
    "tpu.region"() ({
      %run_scoped3A = tpu.sem_alloc : memref<!tpu.dma_semaphore, #tpu.memory_space<semaphore_mem>>
      %dma_start3A_54 = arith.constant 0 : i32
      %dma_start3A_55 = tpu.memref_slice %arg4[%add3A_28, %dma_start3A_54] : memref<2560x128xi32, #tpu.memory_space<hbm>> -> memref<40x128xi32, #tpu.memory_space<hbm>>
      %dma_start3A_56 = arith.constant 0 : i32
      %dma_start3A_57 = tpu.memref_slice %arg4[%add3A_28, %dma_start3A_56] : memref<2560x128xi32, #tpu.memory_space<hbm>> -> memref<40x128xi32, #tpu.memory_space<hbm>>
      tpu.enqueue_dma source(%dma_start3A_57 : memref<40x128xi32, #tpu.memory_space<hbm>>) target(%arg9 : memref<40x128xi32, #tpu.memory_space<vmem>>) target_semaphore(%run_scoped3A : memref<!tpu.dma_semaphore, #tpu.memory_space<semaphore_mem>>)
      %dma_wait3A = arith.constant 0 : i32
      %dma_wait3A_58 = tpu.memref_slice %arg4[%add3A_28, %dma_wait3A] : memref<2560x128xi32, #tpu.memory_space<hbm>> -> memref<40x128xi32, #tpu.memory_space<hbm>>
      %dma_wait3A_59 = arith.constant 0 : i32
      %dma_wait3A_60 = tpu.memref_slice %arg4[%add3A_28, %dma_wait3A_59] : memref<2560x128xi32, #tpu.memory_space<hbm>> -> memref<40x128xi32, #tpu.memory_space<hbm>>
      tpu.wait_dma2 semaphore(%run_scoped3A : memref<!tpu.dma_semaphore, #tpu.memory_space<semaphore_mem>>) src(%dma_wait3A_60 : memref<40x128xi32, #tpu.memory_space<hbm>>) dst(%arg9 : memref<40x128xi32, #tpu.memory_space<vmem>>)
      tpu.yield
    }) : () -> ()
    %dma_start3A_29 = arith.constant 0 : i32
    %dma_start3A_30 = arith.constant 0 : i32
    %dma_start3A_31 = tpu.memref_slice %arg8[%dma_start3A_29, %dma_start3A_30] : memref<40x128xi32, #tpu.memory_space<vmem>> -> memref<1x128xi32, #tpu.memory_space<vmem>>
    %dma_start3A_32 = tpu.memref_squeeze %dma_start3A_31 : memref<1x128xi32, #tpu.memory_space<vmem>> -> memref<128xi32, #tpu.memory_space<vmem>>
    %dma_start3A_33 = arith.constant 0 : i32
    %dma_start3A_34 = arith.constant 0 : i32
    %dma_start3A_35 = tpu.memref_slice %arg2[%dma_start3A_33, %dma_start3A_34] : memref<10000x128xf32, #tpu.memory_space<hbm>> -> memref<10000x128xf32, #tpu.memory_space<hbm>>
    tpu.enqueue_indirect_dma source(%dma_start3A_35 : memref<10000x128xf32, #tpu.memory_space<hbm>>) target(%arg10 : memref<128x128xf32, #tpu.memory_space<vmem>>) offsets(%dma_start3A_32 : memref<128xi32, #tpu.memory_space<vmem>>) semaphore(%arg12 : memref<!tpu.dma_semaphore, #tpu.memory_space<semaphore_mem>>)
    %dma_start3A_36 = arith.constant 1 : i32
    %dma_start3A_37 = arith.constant 0 : i32
    %dma_start3A_38 = tpu.memref_slice %arg8[%dma_start3A_36, %dma_start3A_37] : memref<40x128xi32, #tpu.memory_space<vmem>> -> memref<1x128xi32, #tpu.memory_space<vmem>>
    %dma_start3A_39 = tpu.memref_squeeze %dma_start3A_38 : memref<1x128xi32, #tpu.memory_space<vmem>> -> memref<128xi32, #tpu.memory_space<vmem>>
    %dma_start3A_40 = arith.constant 0 : i32
    %dma_start3A_41 = arith.constant 0 : i32
    %dma_start3A_42 = tpu.memref_slice %arg2[%dma_start3A_40, %dma_start3A_41] : memref<10000x128xf32, #tpu.memory_space<hbm>> -> memref<10000x128xf32, #tpu.memory_space<hbm>>
    tpu.enqueue_indirect_dma source(%dma_start3A_42 : memref<10000x128xf32, #tpu.memory_space<hbm>>) target(%arg11 : memref<128x128xf32, #tpu.memory_space<vmem>>) offsets(%dma_start3A_39 : memref<128xi32, #tpu.memory_space<vmem>>) semaphore(%arg13 : memref<!tpu.dma_semaphore, #tpu.memory_space<semaphore_mem>>)
    %scan3A_43 = arith.constant 0 : i32
    %scan3A_44 = arith.constant 0 : i32
    %scan3A_45 = arith.constant 20 : i32
    %scan3A_46 = arith.addi %scan3A_44, %scan3A_45 : i32
    %scan3A_47 = arith.constant 1 : i32
    scf.for %scan3A_54 = %scan3A_44 to %scan3A_46 step %scan3A_47  : i32 {
      %mul3A_55 = arith.constant 2 : i32
      %mul3A_56 = arith.muli %mul3A_55, %scan3A_54 : i32
      %add3A_57 = arith.constant 0 : i32
      %add3A_58 = arith.addi %mul3A_56, %add3A_57 : i32
      %dma_wait3A = arith.constant 0 : i32
      %dma_wait3A_59 = tpu.memref_slice %arg8[%add3A_58, %dma_wait3A] : memref<40x128xi32, #tpu.memory_space<vmem>> -> memref<1x128xi32, #tpu.memory_space<vmem>>
      %dma_wait3A_60 = tpu.memref_squeeze %dma_wait3A_59 : memref<1x128xi32, #tpu.memory_space<vmem>> -> memref<128xi32, #tpu.memory_space<vmem>>
      %dma_wait3A_61 = arith.constant 0 : i32
      %dma_wait3A_62 = arith.constant 0 : i32
      %dma_wait3A_63 = tpu.memref_slice %arg2[%dma_wait3A_61, %dma_wait3A_62] : memref<10000x128xf32, #tpu.memory_space<hbm>> -> memref<10000x128xf32, #tpu.memory_space<hbm>>
      tpu.wait_indirect_dma semaphore(%arg12 : memref<!tpu.dma_semaphore, #tpu.memory_space<semaphore_mem>>) src(%dma_wait3A_63 : memref<10000x128xf32, #tpu.memory_space<hbm>>) dst(%arg10 : memref<128x128xf32, #tpu.memory_space<vmem>>)
      "tpu.region"() ({
        %run_scoped3A = tpu.sem_alloc : memref<!tpu.dma_semaphore, #tpu.memory_space<semaphore_mem>>
        %dma_start3A_83 = arith.constant 0 : i32
        %dma_start3A_84 = tpu.memref_slice %arg9[%add3A_58, %dma_start3A_83] : memref<40x128xi32, #tpu.memory_space<vmem>> -> memref<1x128xi32, #tpu.memory_space<vmem>>
        %dma_start3A_85 = tpu.memref_squeeze %dma_start3A_84 : memref<1x128xi32, #tpu.memory_space<vmem>> -> memref<128xi32, #tpu.memory_space<vmem>>
        %dma_start3A_86 = arith.constant 0 : i32
        %dma_start3A_87 = arith.constant 0 : i32
        %dma_start3A_88 = tpu.memref_slice %arg7[%dma_start3A_86, %dma_start3A_87] : memref<10112x128xf32, #tpu.memory_space<vmem_shared>> -> memref<10112x128xf32, #tpu.memory_space<vmem_shared>>
        tpu.enqueue_indirect_dma source(%arg10 : memref<128x128xf32, #tpu.memory_space<vmem>>) target(%dma_start3A_88 : memref<10112x128xf32, #tpu.memory_space<vmem_shared>>) offsets(%dma_start3A_85 : memref<128xi32, #tpu.memory_space<vmem>>) semaphore(%run_scoped3A : memref<!tpu.dma_semaphore, #tpu.memory_space<semaphore_mem>>) {add = true}
        %dma_wait3A_89 = arith.constant 0 : i32
        %dma_wait3A_90 = tpu.memref_slice %arg9[%add3A_58, %dma_wait3A_89] : memref<40x128xi32, #tpu.memory_space<vmem>> -> memref<1x128xi32, #tpu.memory_space<vmem>>
        %dma_wait3A_91 = tpu.memref_squeeze %dma_wait3A_90 : memref<1x128xi32, #tpu.memory_space<vmem>> -> memref<128xi32, #tpu.memory_space<vmem>>
        %dma_wait3A_92 = arith.constant 0 : i32
        %dma_wait3A_93 = arith.constant 0 : i32
        %dma_wait3A_94 = tpu.memref_slice %arg7[%dma_wait3A_92, %dma_wait3A_93] : memref<10112x128xf32, #tpu.memory_space<vmem_shared>> -> memref<10112x128xf32, #tpu.memory_space<vmem_shared>>
        tpu.wait_indirect_dma semaphore(%run_scoped3A : memref<!tpu.dma_semaphore, #tpu.memory_space<semaphore_mem>>) src(%arg10 : memref<128x128xf32, #tpu.memory_space<vmem>>) dst(%dma_wait3A_94 : memref<10112x128xf32, #tpu.memory_space<vmem_shared>>)
        tpu.yield
      }) : () -> ()
      %add3A_64 = arith.constant 2 : i32
      %add3A_65 = arith.addi %add3A_58, %add3A_64 : i32
      %lt3A = arith.constant 40 : i32
      %lt3A_66 = arith.cmpi slt, %add3A_65, %lt3A : i32
      %convert_element_type3A = arith.extui %lt3A_66 : i1 to i32
      %cond3A = arith.constant 0 : i32
      %cond3A_67 = arith.cmpi ne, %convert_element_type3A, %cond3A : i32
      scf.if %cond3A_67 {
        %add3A_83 = arith.constant 2 : i32
        %add3A_84 = arith.addi %add3A_58, %add3A_83 : i32
        %dma_start3A_85 = arith.constant 0 : i32
        %dma_start3A_86 = tpu.memref_slice %arg8[%add3A_84, %dma_start3A_85] : memref<40x128xi32, #tpu.memory_space<vmem>> -> memref<1x128xi32, #tpu.memory_space<vmem>>
        %dma_start3A_87 = tpu.memref_squeeze %dma_start3A_86 : memref<1x128xi32, #tpu.memory_space<vmem>> -> memref<128xi32, #tpu.memory_space<vmem>>
        %dma_start3A_88 = arith.constant 0 : i32
        %dma_start3A_89 = arith.constant 0 : i32
        %dma_start3A_90 = tpu.memref_slice %arg2[%dma_start3A_88, %dma_start3A_89] : memref<10000x128xf32, #tpu.memory_space<hbm>> -> memref<10000x128xf32, #tpu.memory_space<hbm>>
        tpu.enqueue_indirect_dma source(%dma_start3A_90 : memref<10000x128xf32, #tpu.memory_space<hbm>>) target(%arg10 : memref<128x128xf32, #tpu.memory_space<vmem>>) offsets(%dma_start3A_87 : memref<128xi32, #tpu.memory_space<vmem>>) semaphore(%arg12 : memref<!tpu.dma_semaphore, #tpu.memory_space<semaphore_mem>>)
      } else {
      }
      %add3A_68 = arith.constant 1 : i32
      %add3A_69 = arith.addi %mul3A_56, %add3A_68 : i32
      %dma_wait3A_70 = arith.constant 0 : i32
      %dma_wait3A_71 = tpu.memref_slice %arg8[%add3A_69, %dma_wait3A_70] : memref<40x128xi32, #tpu.memory_space<vmem>> -> memref<1x128xi32, #tpu.memory_space<vmem>>
      %dma_wait3A_72 = tpu.memref_squeeze %dma_wait3A_71 : memref<1x128xi32, #tpu.memory_space<vmem>> -> memref<128xi32, #tpu.memory_space<vmem>>
      %dma_wait3A_73 = arith.constant 0 : i32
      %dma_wait3A_74 = arith.constant 0 : i32
      %dma_wait3A_75 = tpu.memref_slice %arg2[%dma_wait3A_73, %dma_wait3A_74] : memref<10000x128xf32, #tpu.memory_space<hbm>> -> memref<10000x128xf32, #tpu.memory_space<hbm>>
      tpu.wait_indirect_dma semaphore(%arg13 : memref<!tpu.dma_semaphore, #tpu.memory_space<semaphore_mem>>) src(%dma_wait3A_75 : memref<10000x128xf32, #tpu.memory_space<hbm>>) dst(%arg11 : memref<128x128xf32, #tpu.memory_space<vmem>>)
      "tpu.region"() ({
        %run_scoped3A = tpu.sem_alloc : memref<!tpu.dma_semaphore, #tpu.memory_space<semaphore_mem>>
        %dma_start3A_83 = arith.constant 0 : i32
        %dma_start3A_84 = tpu.memref_slice %arg9[%add3A_69, %dma_start3A_83] : memref<40x128xi32, #tpu.memory_space<vmem>> -> memref<1x128xi32, #tpu.memory_space<vmem>>
        %dma_start3A_85 = tpu.memref_squeeze %dma_start3A_84 : memref<1x128xi32, #tpu.memory_space<vmem>> -> memref<128xi32, #tpu.memory_space<vmem>>
        %dma_start3A_86 = arith.constant 0 : i32
        %dma_start3A_87 = arith.constant 0 : i32
        %dma_start3A_88 = tpu.memref_slice %arg7[%dma_start3A_86, %dma_start3A_87] : memref<10112x128xf32, #tpu.memory_space<vmem_shared>> -> memref<10112x128xf32, #tpu.memory_space<vmem_shared>>
        tpu.enqueue_indirect_dma source(%arg11 : memref<128x128xf32, #tpu.memory_space<vmem>>) target(%dma_start3A_88 : memref<10112x128xf32, #tpu.memory_space<vmem_shared>>) offsets(%dma_start3A_85 : memref<128xi32, #tpu.memory_space<vmem>>) semaphore(%run_scoped3A : memref<!tpu.dma_semaphore, #tpu.memory_space<semaphore_mem>>) {add = true}
        %dma_wait3A_89 = arith.constant 0 : i32
        %dma_wait3A_90 = tpu.memref_slice %arg9[%add3A_69, %dma_wait3A_89] : memref<40x128xi32, #tpu.memory_space<vmem>> -> memref<1x128xi32, #tpu.memory_space<vmem>>
        %dma_wait3A_91 = tpu.memref_squeeze %dma_wait3A_90 : memref<1x128xi32, #tpu.memory_space<vmem>> -> memref<128xi32, #tpu.memory_space<vmem>>
        %dma_wait3A_92 = arith.constant 0 : i32
        %dma_wait3A_93 = arith.constant 0 : i32
        %dma_wait3A_94 = tpu.memref_slice %arg7[%dma_wait3A_92, %dma_wait3A_93] : memref<10112x128xf32, #tpu.memory_space<vmem_shared>> -> memref<10112x128xf32, #tpu.memory_space<vmem_shared>>
        tpu.wait_indirect_dma semaphore(%run_scoped3A : memref<!tpu.dma_semaphore, #tpu.memory_space<semaphore_mem>>) src(%arg11 : memref<128x128xf32, #tpu.memory_space<vmem>>) dst(%dma_wait3A_94 : memref<10112x128xf32, #tpu.memory_space<vmem_shared>>)
        tpu.yield
      }) : () -> ()
      %add3A_76 = arith.constant 2 : i32
      %add3A_77 = arith.addi %add3A_69, %add3A_76 : i32
      %lt3A_78 = arith.constant 40 : i32
      %lt3A_79 = arith.cmpi slt, %add3A_77, %lt3A_78 : i32
      %convert_element_type3A_80 = arith.extui %lt3A_79 : i1 to i32
      %cond3A_81 = arith.constant 0 : i32
      %cond3A_82 = arith.cmpi ne, %convert_element_type3A_80, %cond3A_81 : i32
      scf.if %cond3A_82 {
        %add3A_83 = arith.constant 2 : i32
        %add3A_84 = arith.addi %add3A_69, %add3A_83 : i32
        %dma_start3A_85 = arith.constant 0 : i32
        %dma_start3A_86 = tpu.memref_slice %arg8[%add3A_84, %dma_start3A_85] : memref<40x128xi32, #tpu.memory_space<vmem>> -> memref<1x128xi32, #tpu.memory_space<vmem>>
        %dma_start3A_87 = tpu.memref_squeeze %dma_start3A_86 : memref<1x128xi32, #tpu.memory_space<vmem>> -> memref<128xi32, #tpu.memory_space<vmem>>
        %dma_start3A_88 = arith.constant 0 : i32
        %dma_start3A_89 = arith.constant 0 : i32
        %dma_start3A_90 = tpu.memref_slice %arg2[%dma_start3A_88, %dma_start3A_89] : memref<10000x128xf32, #tpu.memory_space<hbm>> -> memref<10000x128xf32, #tpu.memory_space<hbm>>
        tpu.enqueue_indirect_dma source(%dma_start3A_90 : memref<10000x128xf32, #tpu.memory_space<hbm>>) target(%arg11 : memref<128x128xf32, #tpu.memory_space<vmem>>) offsets(%dma_start3A_87 : memref<128xi32, #tpu.memory_space<vmem>>) semaphore(%arg13 : memref<!tpu.dma_semaphore, #tpu.memory_space<semaphore_mem>>)
      } else {
      }
    }
    %scan3A_48 = arith.constant 20 : i32
    %barrier3A_49 = arith.constant 0 : index
    tpu.barrier barrier_id(%barrier3A_49)
    %mul3A_50 = arith.constant 632 : i32
    %mul3A_51 = arith.muli %arg1, %mul3A_50 : i32
    %mul3A_52 = arith.constant 632 : i32
    %mul3A_53 = arith.muli %arg1, %mul3A_52 : i32
    "tpu.region"() ({
      %run_scoped3A = tpu.sem_alloc : memref<!tpu.dma_semaphore, #tpu.memory_space<semaphore_mem>>
      %dma_start3A_54 = arith.constant 0 : i32
      %dma_start3A_55 = tpu.memref_slice %arg6[%arg0, %mul3A_53, %dma_start3A_54] : memref<2x10112x128xf32, #tpu.memory_space<hbm>> -> memref<1x632x128xf32, #tpu.memory_space<hbm>>
      %dma_start3A_56 = tpu.memref_squeeze %dma_start3A_55 : memref<1x632x128xf32, #tpu.memory_space<hbm>> -> memref<632x128xf32, #tpu.memory_space<hbm>>
      %dma_start3A_57 = arith.constant 0 : i32
      %dma_start3A_58 = tpu.memref_slice %arg7[%mul3A_51, %dma_start3A_57] : memref<10112x128xf32, #tpu.memory_space<vmem_shared>> -> memref<632x128xf32, #tpu.memory_space<vmem_shared>>
      tpu.enqueue_dma source(%dma_start3A_58 : memref<632x128xf32, #tpu.memory_space<vmem_shared>>) target(%dma_start3A_56 : memref<632x128xf32, #tpu.memory_space<hbm>>) target_semaphore(%run_scoped3A : memref<!tpu.dma_semaphore, #tpu.memory_space<semaphore_mem>>)
      %dma_wait3A = arith.constant 0 : i32
      %dma_wait3A_59 = tpu.memref_slice %arg6[%arg0, %mul3A_53, %dma_wait3A] : memref<2x10112x128xf32, #tpu.memory_space<hbm>> -> memref<1x632x128xf32, #tpu.memory_space<hbm>>
      %dma_wait3A_60 = tpu.memref_squeeze %dma_wait3A_59 : memref<1x632x128xf32, #tpu.memory_space<hbm>> -> memref<632x128xf32, #tpu.memory_space<hbm>>
      %dma_wait3A_61 = arith.constant 0 : i32
      %dma_wait3A_62 = tpu.memref_slice %arg7[%mul3A_51, %dma_wait3A_61] : memref<10112x128xf32, #tpu.memory_space<vmem_shared>> -> memref<632x128xf32, #tpu.memory_space<vmem_shared>>
      tpu.wait_dma2 semaphore(%run_scoped3A : memref<!tpu.dma_semaphore, #tpu.memory_space<semaphore_mem>>) src(%dma_wait3A_62 : memref<632x128xf32, #tpu.memory_space<vmem_shared>>) dst(%dma_wait3A_60 : memref<632x128xf32, #tpu.memory_space<hbm>>)
      tpu.yield
    }) : () -> ()
    return
  }
}

#map = affine_map<(d0, d1) -> (0, 0)>
#map1 = affine_map<(d0, d1) -> (0, 0, 0)>
module attributes {stable_mosaic.version = 14 : i64} {
  func.func @sc_agg(%arg0: i32, %arg1: i32, %arg2: memref<10000x128xf32, #tpu.memory_space<hbm>>, %arg3: memref<2560x128xi32, #tpu.memory_space<hbm>>, %arg4: memref<2560x128xi32, #tpu.memory_space<hbm>>, %arg5: memref<10112x128xf32, #tpu.memory_space<hbm>>, %arg6: memref<2x10112x128xf32, #tpu.memory_space<hbm>>, %arg7: memref<10112x128xf32, #tpu.memory_space<vmem_shared>>, %arg8: memref<40x128xi32, #tpu.memory_space<vmem>>, %arg9: memref<40x128xi32, #tpu.memory_space<vmem>>, %arg10: memref<128x128xf32, #tpu.memory_space<vmem>>, %arg11: memref<128x128xf32, #tpu.memory_space<vmem>>, %arg12: memref<!tpu.dma_semaphore, #tpu.memory_space<semaphore_mem>>, %arg13: memref<!tpu.dma_semaphore, #tpu.memory_space<semaphore_mem>>) attributes {dimension_semantics = [#tpu.dimension_semantics<core_parallel>, #tpu.dimension_semantics<subcore_parallel>], iteration_bounds = array<i64: 2, 16>, scalar_prefetch = 0 : i64, scratch_operands = 7 : i64, tpu.core_type = #tpu.core_type<sc_vector_subcore>, window_params = [{transform_indices = #map}, {transform_indices = #map}, {transform_indices = #map}, {transform_indices = #map}, {transform_indices = #map1}]} {
    %mul3A = arith.constant 632 : i32
    %mul3A_0 = arith.muli %arg1, %mul3A : i32
    %mul3A_1 = arith.constant 632 : i32
    %mul3A_2 = arith.muli %arg1, %mul3A_1 : i32
    "tpu.region"() ({
      %run_scoped3A = tpu.sem_alloc : memref<!tpu.dma_semaphore, #tpu.memory_space<semaphore_mem>>
      %dma_start3A_54 = arith.constant 0 : i32
      %dma_start3A_55 = tpu.memref_slice %arg7[%mul3A_2, %dma_start3A_54] : memref<10112x128xf32, #tpu.memory_space<vmem_shared>> -> memref<632x128xf32, #tpu.memory_space<vmem_shared>>
      %dma_start3A_56 = arith.constant 0 : i32
      %dma_start3A_57 = tpu.memref_slice %arg5[%mul3A_0, %dma_start3A_56] : memref<10112x128xf32, #tpu.memory_space<hbm>> -> memref<632x128xf32, #tpu.memory_space<hbm>>
      tpu.enqueue_dma source(%dma_start3A_57 : memref<632x128xf32, #tpu.memory_space<hbm>>) target(%dma_start3A_55 : memref<632x128xf32, #tpu.memory_space<vmem_shared>>) target_semaphore(%run_scoped3A : memref<!tpu.dma_semaphore, #tpu.memory_space<semaphore_mem>>)
      %dma_wait3A = arith.constant 0 : i32
      %dma_wait3A_58 = tpu.memref_slice %arg7[%mul3A_2, %dma_wait3A] : memref<10112x128xf32, #tpu.memory_space<vmem_shared>> -> memref<632x128xf32, #tpu.memory_space<vmem_shared>>
      %dma_wait3A_59 = arith.constant 0 : i32
      %dma_wait3A_60 = tpu.memref_slice %arg5[%mul3A_0, %dma_wait3A_59] : memref<10112x128xf32, #tpu.memory_space<hbm>> -> memref<632x128xf32, #tpu.memory_space<hbm>>
      tpu.wait_dma2 semaphore(%run_scoped3A : memref<!tpu.dma_semaphore, #tpu.memory_space<semaphore_mem>>) src(%dma_wait3A_60 : memref<632x128xf32, #tpu.memory_space<hbm>>) dst(%dma_wait3A_58 : memref<632x128xf32, #tpu.memory_space<vmem_shared>>)
      tpu.yield
    }) : () -> ()
    %barrier3A = arith.constant 0 : index
    tpu.barrier barrier_id(%barrier3A)
    %mul3A_3 = arith.constant 16 : i32
    %mul3A_4 = arith.muli %arg0, %mul3A_3 : i32
    %add3A = arith.addi %mul3A_4, %arg1 : i32
    %mul3A_5 = arith.constant 80 : i32
    %mul3A_6 = arith.muli %add3A, %mul3A_5 : i32
    %add3A_7 = arith.constant 0 : i32
    %add3A_8 = arith.addi %mul3A_6, %add3A_7 : i32
    "tpu.region"() ({
      %run_scoped3A = tpu.sem_alloc : memref<!tpu.dma_semaphore, #tpu.memory_space<semaphore_mem>>
      %dma_start3A_54 = arith.constant 0 : i32
      %dma_start3A_55 = tpu.memref_slice %arg3[%add3A_8, %dma_start3A_54] : memref<2560x128xi32, #tpu.memory_space<hbm>> -> memref<40x128xi32, #tpu.memory_space<hbm>>
      %dma_start3A_56 = arith.constant 0 : i32
      %dma_start3A_57 = tpu.memref_slice %arg3[%add3A_8, %dma_start3A_56] : memref<2560x128xi32, #tpu.memory_space<hbm>> -> memref<40x128xi32, #tpu.memory_space<hbm>>
      tpu.enqueue_dma source(%dma_start3A_57 : memref<40x128xi32, #tpu.memory_space<hbm>>) target(%arg8 : memref<40x128xi32, #tpu.memory_space<vmem>>) target_semaphore(%run_scoped3A : memref<!tpu.dma_semaphore, #tpu.memory_space<semaphore_mem>>)
      %dma_wait3A = arith.constant 0 : i32
      %dma_wait3A_58 = tpu.memref_slice %arg3[%add3A_8, %dma_wait3A] : memref<2560x128xi32, #tpu.memory_space<hbm>> -> memref<40x128xi32, #tpu.memory_space<hbm>>
      %dma_wait3A_59 = arith.constant 0 : i32
      %dma_wait3A_60 = tpu.memref_slice %arg3[%add3A_8, %dma_wait3A_59] : memref<2560x128xi32, #tpu.memory_space<hbm>> -> memref<40x128xi32, #tpu.memory_space<hbm>>
      tpu.wait_dma2 semaphore(%run_scoped3A : memref<!tpu.dma_semaphore, #tpu.memory_space<semaphore_mem>>) src(%dma_wait3A_60 : memref<40x128xi32, #tpu.memory_space<hbm>>) dst(%arg8 : memref<40x128xi32, #tpu.memory_space<vmem>>)
      tpu.yield
    }) : () -> ()
    "tpu.region"() ({
      %run_scoped3A = tpu.sem_alloc : memref<!tpu.dma_semaphore, #tpu.memory_space<semaphore_mem>>
      %dma_start3A_54 = arith.constant 0 : i32
      %dma_start3A_55 = tpu.memref_slice %arg4[%add3A_8, %dma_start3A_54] : memref<2560x128xi32, #tpu.memory_space<hbm>> -> memref<40x128xi32, #tpu.memory_space<hbm>>
      %dma_start3A_56 = arith.constant 0 : i32
      %dma_start3A_57 = tpu.memref_slice %arg4[%add3A_8, %dma_start3A_56] : memref<2560x128xi32, #tpu.memory_space<hbm>> -> memref<40x128xi32, #tpu.memory_space<hbm>>
      tpu.enqueue_dma source(%dma_start3A_57 : memref<40x128xi32, #tpu.memory_space<hbm>>) target(%arg9 : memref<40x128xi32, #tpu.memory_space<vmem>>) target_semaphore(%run_scoped3A : memref<!tpu.dma_semaphore, #tpu.memory_space<semaphore_mem>>)
      %dma_wait3A = arith.constant 0 : i32
      %dma_wait3A_58 = tpu.memref_slice %arg4[%add3A_8, %dma_wait3A] : memref<2560x128xi32, #tpu.memory_space<hbm>> -> memref<40x128xi32, #tpu.memory_space<hbm>>
      %dma_wait3A_59 = arith.constant 0 : i32
      %dma_wait3A_60 = tpu.memref_slice %arg4[%add3A_8, %dma_wait3A_59] : memref<2560x128xi32, #tpu.memory_space<hbm>> -> memref<40x128xi32, #tpu.memory_space<hbm>>
      tpu.wait_dma2 semaphore(%run_scoped3A : memref<!tpu.dma_semaphore, #tpu.memory_space<semaphore_mem>>) src(%dma_wait3A_60 : memref<40x128xi32, #tpu.memory_space<hbm>>) dst(%arg9 : memref<40x128xi32, #tpu.memory_space<vmem>>)
      tpu.yield
    }) : () -> ()
    %dma_start3A = arith.constant 0 : i32
    %dma_start3A_9 = arith.constant 0 : i32
    %dma_start3A_10 = tpu.memref_slice %arg8[%dma_start3A, %dma_start3A_9] : memref<40x128xi32, #tpu.memory_space<vmem>> -> memref<1x128xi32, #tpu.memory_space<vmem>>
    %dma_start3A_11 = tpu.memref_squeeze %dma_start3A_10 : memref<1x128xi32, #tpu.memory_space<vmem>> -> memref<128xi32, #tpu.memory_space<vmem>>
    %dma_start3A_12 = arith.constant 0 : i32
    %dma_start3A_13 = arith.constant 0 : i32
    %dma_start3A_14 = tpu.memref_slice %arg2[%dma_start3A_12, %dma_start3A_13] : memref<10000x128xf32, #tpu.memory_space<hbm>> -> memref<10000x128xf32, #tpu.memory_space<hbm>>
    tpu.enqueue_indirect_dma source(%dma_start3A_14 : memref<10000x128xf32, #tpu.memory_space<hbm>>) target(%arg10 : memref<128x128xf32, #tpu.memory_space<vmem>>) offsets(%dma_start3A_11 : memref<128xi32, #tpu.memory_space<vmem>>) semaphore(%arg12 : memref<!tpu.dma_semaphore, #tpu.memory_space<semaphore_mem>>)
    %dma_start3A_15 = arith.constant 1 : i32
    %dma_start3A_16 = arith.constant 0 : i32
    %dma_start3A_17 = tpu.memref_slice %arg8[%dma_start3A_15, %dma_start3A_16] : memref<40x128xi32, #tpu.memory_space<vmem>> -> memref<1x128xi32, #tpu.memory_space<vmem>>
    %dma_start3A_18 = tpu.memref_squeeze %dma_start3A_17 : memref<1x128xi32, #tpu.memory_space<vmem>> -> memref<128xi32, #tpu.memory_space<vmem>>
    %dma_start3A_19 = arith.constant 0 : i32
    %dma_start3A_20 = arith.constant 0 : i32
    %dma_start3A_21 = tpu.memref_slice %arg2[%dma_start3A_19, %dma_start3A_20] : memref<10000x128xf32, #tpu.memory_space<hbm>> -> memref<10000x128xf32, #tpu.memory_space<hbm>>
    tpu.enqueue_indirect_dma source(%dma_start3A_21 : memref<10000x128xf32, #tpu.memory_space<hbm>>) target(%arg11 : memref<128x128xf32, #tpu.memory_space<vmem>>) offsets(%dma_start3A_18 : memref<128xi32, #tpu.memory_space<vmem>>) semaphore(%arg13 : memref<!tpu.dma_semaphore, #tpu.memory_space<semaphore_mem>>)
    %scan3A = arith.constant 0 : i32
    %scan3A_22 = arith.constant 0 : i32
    %scan3A_23 = arith.constant 20 : i32
    %scan3A_24 = arith.addi %scan3A_22, %scan3A_23 : i32
    %scan3A_25 = arith.constant 1 : i32
    scf.for %scan3A_54 = %scan3A_22 to %scan3A_24 step %scan3A_25  : i32 {
      %mul3A_55 = arith.constant 2 : i32
      %mul3A_56 = arith.muli %mul3A_55, %scan3A_54 : i32
      %add3A_57 = arith.constant 0 : i32
      %add3A_58 = arith.addi %mul3A_56, %add3A_57 : i32
      %dma_wait3A = arith.constant 0 : i32
      %dma_wait3A_59 = tpu.memref_slice %arg8[%add3A_58, %dma_wait3A] : memref<40x128xi32, #tpu.memory_space<vmem>> -> memref<1x128xi32, #tpu.memory_space<vmem>>
      %dma_wait3A_60 = tpu.memref_squeeze %dma_wait3A_59 : memref<1x128xi32, #tpu.memory_space<vmem>> -> memref<128xi32, #tpu.memory_space<vmem>>
      %dma_wait3A_61 = arith.constant 0 : i32
      %dma_wait3A_62 = arith.constant 0 : i32
      %dma_wait3A_63 = tpu.memref_slice %arg2[%dma_wait3A_61, %dma_wait3A_62] : memref<10000x128xf32, #tpu.memory_space<hbm>> -> memref<10000x128xf32, #tpu.memory_space<hbm>>
      tpu.wait_indirect_dma semaphore(%arg12 : memref<!tpu.dma_semaphore, #tpu.memory_space<semaphore_mem>>) src(%dma_wait3A_63 : memref<10000x128xf32, #tpu.memory_space<hbm>>) dst(%arg10 : memref<128x128xf32, #tpu.memory_space<vmem>>)
      "tpu.region"() ({
        %run_scoped3A = tpu.sem_alloc : memref<!tpu.dma_semaphore, #tpu.memory_space<semaphore_mem>>
        %dma_start3A_83 = arith.constant 0 : i32
        %dma_start3A_84 = tpu.memref_slice %arg9[%add3A_58, %dma_start3A_83] : memref<40x128xi32, #tpu.memory_space<vmem>> -> memref<1x128xi32, #tpu.memory_space<vmem>>
        %dma_start3A_85 = tpu.memref_squeeze %dma_start3A_84 : memref<1x128xi32, #tpu.memory_space<vmem>> -> memref<128xi32, #tpu.memory_space<vmem>>
        %dma_start3A_86 = arith.constant 0 : i32
        %dma_start3A_87 = arith.constant 0 : i32
        %dma_start3A_88 = tpu.memref_slice %arg7[%dma_start3A_86, %dma_start3A_87] : memref<10112x128xf32, #tpu.memory_space<vmem_shared>> -> memref<10112x128xf32, #tpu.memory_space<vmem_shared>>
        tpu.enqueue_indirect_dma source(%arg10 : memref<128x128xf32, #tpu.memory_space<vmem>>) target(%dma_start3A_88 : memref<10112x128xf32, #tpu.memory_space<vmem_shared>>) offsets(%dma_start3A_85 : memref<128xi32, #tpu.memory_space<vmem>>) semaphore(%run_scoped3A : memref<!tpu.dma_semaphore, #tpu.memory_space<semaphore_mem>>) {add = true}
        %dma_wait3A_89 = arith.constant 0 : i32
        %dma_wait3A_90 = tpu.memref_slice %arg9[%add3A_58, %dma_wait3A_89] : memref<40x128xi32, #tpu.memory_space<vmem>> -> memref<1x128xi32, #tpu.memory_space<vmem>>
        %dma_wait3A_91 = tpu.memref_squeeze %dma_wait3A_90 : memref<1x128xi32, #tpu.memory_space<vmem>> -> memref<128xi32, #tpu.memory_space<vmem>>
        %dma_wait3A_92 = arith.constant 0 : i32
        %dma_wait3A_93 = arith.constant 0 : i32
        %dma_wait3A_94 = tpu.memref_slice %arg7[%dma_wait3A_92, %dma_wait3A_93] : memref<10112x128xf32, #tpu.memory_space<vmem_shared>> -> memref<10112x128xf32, #tpu.memory_space<vmem_shared>>
        tpu.wait_indirect_dma semaphore(%run_scoped3A : memref<!tpu.dma_semaphore, #tpu.memory_space<semaphore_mem>>) src(%arg10 : memref<128x128xf32, #tpu.memory_space<vmem>>) dst(%dma_wait3A_94 : memref<10112x128xf32, #tpu.memory_space<vmem_shared>>)
        tpu.yield
      }) : () -> ()
      %add3A_64 = arith.constant 2 : i32
      %add3A_65 = arith.addi %add3A_58, %add3A_64 : i32
      %lt3A = arith.constant 40 : i32
      %lt3A_66 = arith.cmpi slt, %add3A_65, %lt3A : i32
      %convert_element_type3A = arith.extui %lt3A_66 : i1 to i32
      %cond3A = arith.constant 0 : i32
      %cond3A_67 = arith.cmpi ne, %convert_element_type3A, %cond3A : i32
      scf.if %cond3A_67 {
        %add3A_83 = arith.constant 2 : i32
        %add3A_84 = arith.addi %add3A_58, %add3A_83 : i32
        %dma_start3A_85 = arith.constant 0 : i32
        %dma_start3A_86 = tpu.memref_slice %arg8[%add3A_84, %dma_start3A_85] : memref<40x128xi32, #tpu.memory_space<vmem>> -> memref<1x128xi32, #tpu.memory_space<vmem>>
        %dma_start3A_87 = tpu.memref_squeeze %dma_start3A_86 : memref<1x128xi32, #tpu.memory_space<vmem>> -> memref<128xi32, #tpu.memory_space<vmem>>
        %dma_start3A_88 = arith.constant 0 : i32
        %dma_start3A_89 = arith.constant 0 : i32
        %dma_start3A_90 = tpu.memref_slice %arg2[%dma_start3A_88, %dma_start3A_89] : memref<10000x128xf32, #tpu.memory_space<hbm>> -> memref<10000x128xf32, #tpu.memory_space<hbm>>
        tpu.enqueue_indirect_dma source(%dma_start3A_90 : memref<10000x128xf32, #tpu.memory_space<hbm>>) target(%arg10 : memref<128x128xf32, #tpu.memory_space<vmem>>) offsets(%dma_start3A_87 : memref<128xi32, #tpu.memory_space<vmem>>) semaphore(%arg12 : memref<!tpu.dma_semaphore, #tpu.memory_space<semaphore_mem>>)
      } else {
      }
      %add3A_68 = arith.constant 1 : i32
      %add3A_69 = arith.addi %mul3A_56, %add3A_68 : i32
      %dma_wait3A_70 = arith.constant 0 : i32
      %dma_wait3A_71 = tpu.memref_slice %arg8[%add3A_69, %dma_wait3A_70] : memref<40x128xi32, #tpu.memory_space<vmem>> -> memref<1x128xi32, #tpu.memory_space<vmem>>
      %dma_wait3A_72 = tpu.memref_squeeze %dma_wait3A_71 : memref<1x128xi32, #tpu.memory_space<vmem>> -> memref<128xi32, #tpu.memory_space<vmem>>
      %dma_wait3A_73 = arith.constant 0 : i32
      %dma_wait3A_74 = arith.constant 0 : i32
      %dma_wait3A_75 = tpu.memref_slice %arg2[%dma_wait3A_73, %dma_wait3A_74] : memref<10000x128xf32, #tpu.memory_space<hbm>> -> memref<10000x128xf32, #tpu.memory_space<hbm>>
      tpu.wait_indirect_dma semaphore(%arg13 : memref<!tpu.dma_semaphore, #tpu.memory_space<semaphore_mem>>) src(%dma_wait3A_75 : memref<10000x128xf32, #tpu.memory_space<hbm>>) dst(%arg11 : memref<128x128xf32, #tpu.memory_space<vmem>>)
      "tpu.region"() ({
        %run_scoped3A = tpu.sem_alloc : memref<!tpu.dma_semaphore, #tpu.memory_space<semaphore_mem>>
        %dma_start3A_83 = arith.constant 0 : i32
        %dma_start3A_84 = tpu.memref_slice %arg9[%add3A_69, %dma_start3A_83] : memref<40x128xi32, #tpu.memory_space<vmem>> -> memref<1x128xi32, #tpu.memory_space<vmem>>
        %dma_start3A_85 = tpu.memref_squeeze %dma_start3A_84 : memref<1x128xi32, #tpu.memory_space<vmem>> -> memref<128xi32, #tpu.memory_space<vmem>>
        %dma_start3A_86 = arith.constant 0 : i32
        %dma_start3A_87 = arith.constant 0 : i32
        %dma_start3A_88 = tpu.memref_slice %arg7[%dma_start3A_86, %dma_start3A_87] : memref<10112x128xf32, #tpu.memory_space<vmem_shared>> -> memref<10112x128xf32, #tpu.memory_space<vmem_shared>>
        tpu.enqueue_indirect_dma source(%arg11 : memref<128x128xf32, #tpu.memory_space<vmem>>) target(%dma_start3A_88 : memref<10112x128xf32, #tpu.memory_space<vmem_shared>>) offsets(%dma_start3A_85 : memref<128xi32, #tpu.memory_space<vmem>>) semaphore(%run_scoped3A : memref<!tpu.dma_semaphore, #tpu.memory_space<semaphore_mem>>) {add = true}
        %dma_wait3A_89 = arith.constant 0 : i32
        %dma_wait3A_90 = tpu.memref_slice %arg9[%add3A_69, %dma_wait3A_89] : memref<40x128xi32, #tpu.memory_space<vmem>> -> memref<1x128xi32, #tpu.memory_space<vmem>>
        %dma_wait3A_91 = tpu.memref_squeeze %dma_wait3A_90 : memref<1x128xi32, #tpu.memory_space<vmem>> -> memref<128xi32, #tpu.memory_space<vmem>>
        %dma_wait3A_92 = arith.constant 0 : i32
        %dma_wait3A_93 = arith.constant 0 : i32
        %dma_wait3A_94 = tpu.memref_slice %arg7[%dma_wait3A_92, %dma_wait3A_93] : memref<10112x128xf32, #tpu.memory_space<vmem_shared>> -> memref<10112x128xf32, #tpu.memory_space<vmem_shared>>
        tpu.wait_indirect_dma semaphore(%run_scoped3A : memref<!tpu.dma_semaphore, #tpu.memory_space<semaphore_mem>>) src(%arg11 : memref<128x128xf32, #tpu.memory_space<vmem>>) dst(%dma_wait3A_94 : memref<10112x128xf32, #tpu.memory_space<vmem_shared>>)
        tpu.yield
      }) : () -> ()
      %add3A_76 = arith.constant 2 : i32
      %add3A_77 = arith.addi %add3A_69, %add3A_76 : i32
      %lt3A_78 = arith.constant 40 : i32
      %lt3A_79 = arith.cmpi slt, %add3A_77, %lt3A_78 : i32
      %convert_element_type3A_80 = arith.extui %lt3A_79 : i1 to i32
      %cond3A_81 = arith.constant 0 : i32
      %cond3A_82 = arith.cmpi ne, %convert_element_type3A_80, %cond3A_81 : i32
      scf.if %cond3A_82 {
        %add3A_83 = arith.constant 2 : i32
        %add3A_84 = arith.addi %add3A_69, %add3A_83 : i32
        %dma_start3A_85 = arith.constant 0 : i32
        %dma_start3A_86 = tpu.memref_slice %arg8[%add3A_84, %dma_start3A_85] : memref<40x128xi32, #tpu.memory_space<vmem>> -> memref<1x128xi32, #tpu.memory_space<vmem>>
        %dma_start3A_87 = tpu.memref_squeeze %dma_start3A_86 : memref<1x128xi32, #tpu.memory_space<vmem>> -> memref<128xi32, #tpu.memory_space<vmem>>
        %dma_start3A_88 = arith.constant 0 : i32
        %dma_start3A_89 = arith.constant 0 : i32
        %dma_start3A_90 = tpu.memref_slice %arg2[%dma_start3A_88, %dma_start3A_89] : memref<10000x128xf32, #tpu.memory_space<hbm>> -> memref<10000x128xf32, #tpu.memory_space<hbm>>
        tpu.enqueue_indirect_dma source(%dma_start3A_90 : memref<10000x128xf32, #tpu.memory_space<hbm>>) target(%arg11 : memref<128x128xf32, #tpu.memory_space<vmem>>) offsets(%dma_start3A_87 : memref<128xi32, #tpu.memory_space<vmem>>) semaphore(%arg13 : memref<!tpu.dma_semaphore, #tpu.memory_space<semaphore_mem>>)
      } else {
      }
    }
    %scan3A_26 = arith.constant 20 : i32
    %add3A_27 = arith.constant 40 : i32
    %add3A_28 = arith.addi %mul3A_6, %add3A_27 : i32
    "tpu.region"() ({
      %run_scoped3A = tpu.sem_alloc : memref<!tpu.dma_semaphore, #tpu.memory_space<semaphore_mem>>
      %dma_start3A_54 = arith.constant 0 : i32
      %dma_start3A_55 = tpu.memref_slice %arg3[%add3A_28, %dma_start3A_54] : memref<2560x128xi32, #tpu.memory_space<hbm>> -> memref<40x128xi32, #tpu.memory_space<hbm>>
      %dma_start3A_56 = arith.constant 0 : i32
      %dma_start3A_57 = tpu.memref_slice %arg3[%add3A_28, %dma_start3A_56] : memref<2560x128xi32, #tpu.memory_space<hbm>> -> memref<40x128xi32, #tpu.memory_space<hbm>>
      tpu.enqueue_dma source(%dma_start3A_57 : memref<40x128xi32, #tpu.memory_space<hbm>>) target(%arg8 : memref<40x128xi32, #tpu.memory_space<vmem>>) target_semaphore(%run_scoped3A : memref<!tpu.dma_semaphore, #tpu.memory_space<semaphore_mem>>)
      %dma_wait3A = arith.constant 0 : i32
      %dma_wait3A_58 = tpu.memref_slice %arg3[%add3A_28, %dma_wait3A] : memref<2560x128xi32, #tpu.memory_space<hbm>> -> memref<40x128xi32, #tpu.memory_space<hbm>>
      %dma_wait3A_59 = arith.constant 0 : i32
      %dma_wait3A_60 = tpu.memref_slice %arg3[%add3A_28, %dma_wait3A_59] : memref<2560x128xi32, #tpu.memory_space<hbm>> -> memref<40x128xi32, #tpu.memory_space<hbm>>
      tpu.wait_dma2 semaphore(%run_scoped3A : memref<!tpu.dma_semaphore, #tpu.memory_space<semaphore_mem>>) src(%dma_wait3A_60 : memref<40x128xi32, #tpu.memory_space<hbm>>) dst(%arg8 : memref<40x128xi32, #tpu.memory_space<vmem>>)
      tpu.yield
    }) : () -> ()
    "tpu.region"() ({
      %run_scoped3A = tpu.sem_alloc : memref<!tpu.dma_semaphore, #tpu.memory_space<semaphore_mem>>
      %dma_start3A_54 = arith.constant 0 : i32
      %dma_start3A_55 = tpu.memref_slice %arg4[%add3A_28, %dma_start3A_54] : memref<2560x128xi32, #tpu.memory_space<hbm>> -> memref<40x128xi32, #tpu.memory_space<hbm>>
      %dma_start3A_56 = arith.constant 0 : i32
      %dma_start3A_57 = tpu.memref_slice %arg4[%add3A_28, %dma_start3A_56] : memref<2560x128xi32, #tpu.memory_space<hbm>> -> memref<40x128xi32, #tpu.memory_space<hbm>>
      tpu.enqueue_dma source(%dma_start3A_57 : memref<40x128xi32, #tpu.memory_space<hbm>>) target(%arg9 : memref<40x128xi32, #tpu.memory_space<vmem>>) target_semaphore(%run_scoped3A : memref<!tpu.dma_semaphore, #tpu.memory_space<semaphore_mem>>)
      %dma_wait3A = arith.constant 0 : i32
      %dma_wait3A_58 = tpu.memref_slice %arg4[%add3A_28, %dma_wait3A] : memref<2560x128xi32, #tpu.memory_space<hbm>> -> memref<40x128xi32, #tpu.memory_space<hbm>>
      %dma_wait3A_59 = arith.constant 0 : i32
      %dma_wait3A_60 = tpu.memref_slice %arg4[%add3A_28, %dma_wait3A_59] : memref<2560x128xi32, #tpu.memory_space<hbm>> -> memref<40x128xi32, #tpu.memory_space<hbm>>
      tpu.wait_dma2 semaphore(%run_scoped3A : memref<!tpu.dma_semaphore, #tpu.memory_space<semaphore_mem>>) src(%dma_wait3A_60 : memref<40x128xi32, #tpu.memory_space<hbm>>) dst(%arg9 : memref<40x128xi32, #tpu.memory_space<vmem>>)
      tpu.yield
    }) : () -> ()
    %dma_start3A_29 = arith.constant 0 : i32
    %dma_start3A_30 = arith.constant 0 : i32
    %dma_start3A_31 = tpu.memref_slice %arg8[%dma_start3A_29, %dma_start3A_30] : memref<40x128xi32, #tpu.memory_space<vmem>> -> memref<1x128xi32, #tpu.memory_space<vmem>>
    %dma_start3A_32 = tpu.memref_squeeze %dma_start3A_31 : memref<1x128xi32, #tpu.memory_space<vmem>> -> memref<128xi32, #tpu.memory_space<vmem>>
    %dma_start3A_33 = arith.constant 0 : i32
    %dma_start3A_34 = arith.constant 0 : i32
    %dma_start3A_35 = tpu.memref_slice %arg2[%dma_start3A_33, %dma_start3A_34] : memref<10000x128xf32, #tpu.memory_space<hbm>> -> memref<10000x128xf32, #tpu.memory_space<hbm>>
    tpu.enqueue_indirect_dma source(%dma_start3A_35 : memref<10000x128xf32, #tpu.memory_space<hbm>>) target(%arg10 : memref<128x128xf32, #tpu.memory_space<vmem>>) offsets(%dma_start3A_32 : memref<128xi32, #tpu.memory_space<vmem>>) semaphore(%arg12 : memref<!tpu.dma_semaphore, #tpu.memory_space<semaphore_mem>>)
    %dma_start3A_36 = arith.constant 1 : i32
    %dma_start3A_37 = arith.constant 0 : i32
    %dma_start3A_38 = tpu.memref_slice %arg8[%dma_start3A_36, %dma_start3A_37] : memref<40x128xi32, #tpu.memory_space<vmem>> -> memref<1x128xi32, #tpu.memory_space<vmem>>
    %dma_start3A_39 = tpu.memref_squeeze %dma_start3A_38 : memref<1x128xi32, #tpu.memory_space<vmem>> -> memref<128xi32, #tpu.memory_space<vmem>>
    %dma_start3A_40 = arith.constant 0 : i32
    %dma_start3A_41 = arith.constant 0 : i32
    %dma_start3A_42 = tpu.memref_slice %arg2[%dma_start3A_40, %dma_start3A_41] : memref<10000x128xf32, #tpu.memory_space<hbm>> -> memref<10000x128xf32, #tpu.memory_space<hbm>>
    tpu.enqueue_indirect_dma source(%dma_start3A_42 : memref<10000x128xf32, #tpu.memory_space<hbm>>) target(%arg11 : memref<128x128xf32, #tpu.memory_space<vmem>>) offsets(%dma_start3A_39 : memref<128xi32, #tpu.memory_space<vmem>>) semaphore(%arg13 : memref<!tpu.dma_semaphore, #tpu.memory_space<semaphore_mem>>)
    %scan3A_43 = arith.constant 0 : i32
    %scan3A_44 = arith.constant 0 : i32
    %scan3A_45 = arith.constant 20 : i32
    %scan3A_46 = arith.addi %scan3A_44, %scan3A_45 : i32
    %scan3A_47 = arith.constant 1 : i32
    scf.for %scan3A_54 = %scan3A_44 to %scan3A_46 step %scan3A_47  : i32 {
      %mul3A_55 = arith.constant 2 : i32
      %mul3A_56 = arith.muli %mul3A_55, %scan3A_54 : i32
      %add3A_57 = arith.constant 0 : i32
      %add3A_58 = arith.addi %mul3A_56, %add3A_57 : i32
      %dma_wait3A = arith.constant 0 : i32
      %dma_wait3A_59 = tpu.memref_slice %arg8[%add3A_58, %dma_wait3A] : memref<40x128xi32, #tpu.memory_space<vmem>> -> memref<1x128xi32, #tpu.memory_space<vmem>>
      %dma_wait3A_60 = tpu.memref_squeeze %dma_wait3A_59 : memref<1x128xi32, #tpu.memory_space<vmem>> -> memref<128xi32, #tpu.memory_space<vmem>>
      %dma_wait3A_61 = arith.constant 0 : i32
      %dma_wait3A_62 = arith.constant 0 : i32
      %dma_wait3A_63 = tpu.memref_slice %arg2[%dma_wait3A_61, %dma_wait3A_62] : memref<10000x128xf32, #tpu.memory_space<hbm>> -> memref<10000x128xf32, #tpu.memory_space<hbm>>
      tpu.wait_indirect_dma semaphore(%arg12 : memref<!tpu.dma_semaphore, #tpu.memory_space<semaphore_mem>>) src(%dma_wait3A_63 : memref<10000x128xf32, #tpu.memory_space<hbm>>) dst(%arg10 : memref<128x128xf32, #tpu.memory_space<vmem>>)
      "tpu.region"() ({
        %run_scoped3A = tpu.sem_alloc : memref<!tpu.dma_semaphore, #tpu.memory_space<semaphore_mem>>
        %dma_start3A_83 = arith.constant 0 : i32
        %dma_start3A_84 = tpu.memref_slice %arg9[%add3A_58, %dma_start3A_83] : memref<40x128xi32, #tpu.memory_space<vmem>> -> memref<1x128xi32, #tpu.memory_space<vmem>>
        %dma_start3A_85 = tpu.memref_squeeze %dma_start3A_84 : memref<1x128xi32, #tpu.memory_space<vmem>> -> memref<128xi32, #tpu.memory_space<vmem>>
        %dma_start3A_86 = arith.constant 0 : i32
        %dma_start3A_87 = arith.constant 0 : i32
        %dma_start3A_88 = tpu.memref_slice %arg7[%dma_start3A_86, %dma_start3A_87] : memref<10112x128xf32, #tpu.memory_space<vmem_shared>> -> memref<10112x128xf32, #tpu.memory_space<vmem_shared>>
        tpu.enqueue_indirect_dma source(%arg10 : memref<128x128xf32, #tpu.memory_space<vmem>>) target(%dma_start3A_88 : memref<10112x128xf32, #tpu.memory_space<vmem_shared>>) offsets(%dma_start3A_85 : memref<128xi32, #tpu.memory_space<vmem>>) semaphore(%run_scoped3A : memref<!tpu.dma_semaphore, #tpu.memory_space<semaphore_mem>>) {add = true}
        %dma_wait3A_89 = arith.constant 0 : i32
        %dma_wait3A_90 = tpu.memref_slice %arg9[%add3A_58, %dma_wait3A_89] : memref<40x128xi32, #tpu.memory_space<vmem>> -> memref<1x128xi32, #tpu.memory_space<vmem>>
        %dma_wait3A_91 = tpu.memref_squeeze %dma_wait3A_90 : memref<1x128xi32, #tpu.memory_space<vmem>> -> memref<128xi32, #tpu.memory_space<vmem>>
        %dma_wait3A_92 = arith.constant 0 : i32
        %dma_wait3A_93 = arith.constant 0 : i32
        %dma_wait3A_94 = tpu.memref_slice %arg7[%dma_wait3A_92, %dma_wait3A_93] : memref<10112x128xf32, #tpu.memory_space<vmem_shared>> -> memref<10112x128xf32, #tpu.memory_space<vmem_shared>>
        tpu.wait_indirect_dma semaphore(%run_scoped3A : memref<!tpu.dma_semaphore, #tpu.memory_space<semaphore_mem>>) src(%arg10 : memref<128x128xf32, #tpu.memory_space<vmem>>) dst(%dma_wait3A_94 : memref<10112x128xf32, #tpu.memory_space<vmem_shared>>)
        tpu.yield
      }) : () -> ()
      %add3A_64 = arith.constant 2 : i32
      %add3A_65 = arith.addi %add3A_58, %add3A_64 : i32
      %lt3A = arith.constant 40 : i32
      %lt3A_66 = arith.cmpi slt, %add3A_65, %lt3A : i32
      %convert_element_type3A = arith.extui %lt3A_66 : i1 to i32
      %cond3A = arith.constant 0 : i32
      %cond3A_67 = arith.cmpi ne, %convert_element_type3A, %cond3A : i32
      scf.if %cond3A_67 {
        %add3A_83 = arith.constant 2 : i32
        %add3A_84 = arith.addi %add3A_58, %add3A_83 : i32
        %dma_start3A_85 = arith.constant 0 : i32
        %dma_start3A_86 = tpu.memref_slice %arg8[%add3A_84, %dma_start3A_85] : memref<40x128xi32, #tpu.memory_space<vmem>> -> memref<1x128xi32, #tpu.memory_space<vmem>>
        %dma_start3A_87 = tpu.memref_squeeze %dma_start3A_86 : memref<1x128xi32, #tpu.memory_space<vmem>> -> memref<128xi32, #tpu.memory_space<vmem>>
        %dma_start3A_88 = arith.constant 0 : i32
        %dma_start3A_89 = arith.constant 0 : i32
        %dma_start3A_90 = tpu.memref_slice %arg2[%dma_start3A_88, %dma_start3A_89] : memref<10000x128xf32, #tpu.memory_space<hbm>> -> memref<10000x128xf32, #tpu.memory_space<hbm>>
        tpu.enqueue_indirect_dma source(%dma_start3A_90 : memref<10000x128xf32, #tpu.memory_space<hbm>>) target(%arg10 : memref<128x128xf32, #tpu.memory_space<vmem>>) offsets(%dma_start3A_87 : memref<128xi32, #tpu.memory_space<vmem>>) semaphore(%arg12 : memref<!tpu.dma_semaphore, #tpu.memory_space<semaphore_mem>>)
      } else {
      }
      %add3A_68 = arith.constant 1 : i32
      %add3A_69 = arith.addi %mul3A_56, %add3A_68 : i32
      %dma_wait3A_70 = arith.constant 0 : i32
      %dma_wait3A_71 = tpu.memref_slice %arg8[%add3A_69, %dma_wait3A_70] : memref<40x128xi32, #tpu.memory_space<vmem>> -> memref<1x128xi32, #tpu.memory_space<vmem>>
      %dma_wait3A_72 = tpu.memref_squeeze %dma_wait3A_71 : memref<1x128xi32, #tpu.memory_space<vmem>> -> memref<128xi32, #tpu.memory_space<vmem>>
      %dma_wait3A_73 = arith.constant 0 : i32
      %dma_wait3A_74 = arith.constant 0 : i32
      %dma_wait3A_75 = tpu.memref_slice %arg2[%dma_wait3A_73, %dma_wait3A_74] : memref<10000x128xf32, #tpu.memory_space<hbm>> -> memref<10000x128xf32, #tpu.memory_space<hbm>>
      tpu.wait_indirect_dma semaphore(%arg13 : memref<!tpu.dma_semaphore, #tpu.memory_space<semaphore_mem>>) src(%dma_wait3A_75 : memref<10000x128xf32, #tpu.memory_space<hbm>>) dst(%arg11 : memref<128x128xf32, #tpu.memory_space<vmem>>)
      "tpu.region"() ({
        %run_scoped3A = tpu.sem_alloc : memref<!tpu.dma_semaphore, #tpu.memory_space<semaphore_mem>>
        %dma_start3A_83 = arith.constant 0 : i32
        %dma_start3A_84 = tpu.memref_slice %arg9[%add3A_69, %dma_start3A_83] : memref<40x128xi32, #tpu.memory_space<vmem>> -> memref<1x128xi32, #tpu.memory_space<vmem>>
        %dma_start3A_85 = tpu.memref_squeeze %dma_start3A_84 : memref<1x128xi32, #tpu.memory_space<vmem>> -> memref<128xi32, #tpu.memory_space<vmem>>
        %dma_start3A_86 = arith.constant 0 : i32
        %dma_start3A_87 = arith.constant 0 : i32
        %dma_start3A_88 = tpu.memref_slice %arg7[%dma_start3A_86, %dma_start3A_87] : memref<10112x128xf32, #tpu.memory_space<vmem_shared>> -> memref<10112x128xf32, #tpu.memory_space<vmem_shared>>
        tpu.enqueue_indirect_dma source(%arg11 : memref<128x128xf32, #tpu.memory_space<vmem>>) target(%dma_start3A_88 : memref<10112x128xf32, #tpu.memory_space<vmem_shared>>) offsets(%dma_start3A_85 : memref<128xi32, #tpu.memory_space<vmem>>) semaphore(%run_scoped3A : memref<!tpu.dma_semaphore, #tpu.memory_space<semaphore_mem>>) {add = true}
        %dma_wait3A_89 = arith.constant 0 : i32
        %dma_wait3A_90 = tpu.memref_slice %arg9[%add3A_69, %dma_wait3A_89] : memref<40x128xi32, #tpu.memory_space<vmem>> -> memref<1x128xi32, #tpu.memory_space<vmem>>
        %dma_wait3A_91 = tpu.memref_squeeze %dma_wait3A_90 : memref<1x128xi32, #tpu.memory_space<vmem>> -> memref<128xi32, #tpu.memory_space<vmem>>
        %dma_wait3A_92 = arith.constant 0 : i32
        %dma_wait3A_93 = arith.constant 0 : i32
        %dma_wait3A_94 = tpu.memref_slice %arg7[%dma_wait3A_92, %dma_wait3A_93] : memref<10112x128xf32, #tpu.memory_space<vmem_shared>> -> memref<10112x128xf32, #tpu.memory_space<vmem_shared>>
        tpu.wait_indirect_dma semaphore(%run_scoped3A : memref<!tpu.dma_semaphore, #tpu.memory_space<semaphore_mem>>) src(%arg11 : memref<128x128xf32, #tpu.memory_space<vmem>>) dst(%dma_wait3A_94 : memref<10112x128xf32, #tpu.memory_space<vmem_shared>>)
        tpu.yield
      }) : () -> ()
      %add3A_76 = arith.constant 2 : i32
      %add3A_77 = arith.addi %add3A_69, %add3A_76 : i32
      %lt3A_78 = arith.constant 40 : i32
      %lt3A_79 = arith.cmpi slt, %add3A_77, %lt3A_78 : i32
      %convert_element_type3A_80 = arith.extui %lt3A_79 : i1 to i32
      %cond3A_81 = arith.constant 0 : i32
      %cond3A_82 = arith.cmpi ne, %convert_element_type3A_80, %cond3A_81 : i32
      scf.if %cond3A_82 {
        %add3A_83 = arith.constant 2 : i32
        %add3A_84 = arith.addi %add3A_69, %add3A_83 : i32
        %dma_start3A_85 = arith.constant 0 : i32
        %dma_start3A_86 = tpu.memref_slice %arg8[%add3A_84, %dma_start3A_85] : memref<40x128xi32, #tpu.memory_space<vmem>> -> memref<1x128xi32, #tpu.memory_space<vmem>>
        %dma_start3A_87 = tpu.memref_squeeze %dma_start3A_86 : memref<1x128xi32, #tpu.memory_space<vmem>> -> memref<128xi32, #tpu.memory_space<vmem>>
        %dma_start3A_88 = arith.constant 0 : i32
        %dma_start3A_89 = arith.constant 0 : i32
        %dma_start3A_90 = tpu.memref_slice %arg2[%dma_start3A_88, %dma_start3A_89] : memref<10000x128xf32, #tpu.memory_space<hbm>> -> memref<10000x128xf32, #tpu.memory_space<hbm>>
        tpu.enqueue_indirect_dma source(%dma_start3A_90 : memref<10000x128xf32, #tpu.memory_space<hbm>>) target(%arg11 : memref<128x128xf32, #tpu.memory_space<vmem>>) offsets(%dma_start3A_87 : memref<128xi32, #tpu.memory_space<vmem>>) semaphore(%arg13 : memref<!tpu.dma_semaphore, #tpu.memory_space<semaphore_mem>>)
      } else {
      }
    }
    %scan3A_48 = arith.constant 20 : i32
    %barrier3A_49 = arith.constant 0 : index
    tpu.barrier barrier_id(%barrier3A_49)
    %mul3A_50 = arith.constant 632 : i32
    %mul3A_51 = arith.muli %arg1, %mul3A_50 : i32
    %mul3A_52 = arith.constant 632 : i32
    %mul3A_53 = arith.muli %arg1, %mul3A_52 : i32
    "tpu.region"() ({
      %run_scoped3A = tpu.sem_alloc : memref<!tpu.dma_semaphore, #tpu.memory_space<semaphore_mem>>
      %dma_start3A_54 = arith.constant 0 : i32
      %dma_start3A_55 = tpu.memref_slice %arg6[%arg0, %mul3A_53, %dma_start3A_54] : memref<2x10112x128xf32, #tpu.memory_space<hbm>> -> memref<1x632x128xf32, #tpu.memory_space<hbm>>
      %dma_start3A_56 = tpu.memref_squeeze %dma_start3A_55 : memref<1x632x128xf32, #tpu.memory_space<hbm>> -> memref<632x128xf32, #tpu.memory_space<hbm>>
      %dma_start3A_57 = arith.constant 0 : i32
      %dma_start3A_58 = tpu.memref_slice %arg7[%mul3A_51, %dma_start3A_57] : memref<10112x128xf32, #tpu.memory_space<vmem_shared>> -> memref<632x128xf32, #tpu.memory_space<vmem_shared>>
      tpu.enqueue_dma source(%dma_start3A_58 : memref<632x128xf32, #tpu.memory_space<vmem_shared>>) target(%dma_start3A_56 : memref<632x128xf32, #tpu.memory_space<hbm>>) target_semaphore(%run_scoped3A : memref<!tpu.dma_semaphore, #tpu.memory_space<semaphore_mem>>)
      %dma_wait3A = arith.constant 0 : i32
      %dma_wait3A_59 = tpu.memref_slice %arg6[%arg0, %mul3A_53, %dma_wait3A] : memref<2x10112x128xf32, #tpu.memory_space<hbm>> -> memref<1x632x128xf32, #tpu.memory_space<hbm>>
      %dma_wait3A_60 = tpu.memref_squeeze %dma_wait3A_59 : memref<1x632x128xf32, #tpu.memory_space<hbm>> -> memref<632x128xf32, #tpu.memory_space<hbm>>
      %dma_wait3A_61 = arith.constant 0 : i32
      %dma_wait3A_62 = tpu.memref_slice %arg7[%mul3A_51, %dma_wait3A_61] : memref<10112x128xf32, #tpu.memory_space<vmem_shared>> -> memref<632x128xf32, #tpu.memory_space<vmem_shared>>
      tpu.wait_dma2 semaphore(%run_scoped3A : memref<!tpu.dma_semaphore, #tpu.memory_space<semaphore_mem>>) src(%dma_wait3A_62 : memref<632x128xf32, #tpu.memory_space<vmem_shared>>) dst(%dma_wait3A_60 : memref<632x128xf32, #tpu.memory_space<hbm>>)
      tpu.yield
    }) : () -> ()
    return
  }
}

#map = affine_map<(d0, d1) -> (0, 0)>
#map1 = affine_map<(d0, d1) -> (0, 0, 0)>
module attributes {stable_mosaic.version = 14 : i64} {
  func.func @sc_agg(%arg0: i32, %arg1: i32, %arg2: memref<10000x128xf32, #tpu.memory_space<hbm>>, %arg3: memref<2560x128xi32, #tpu.memory_space<hbm>>, %arg4: memref<2560x128xi32, #tpu.memory_space<hbm>>, %arg5: memref<10112x128xf32, #tpu.memory_space<hbm>>, %arg6: memref<2x10112x128xf32, #tpu.memory_space<hbm>>, %arg7: memref<10112x128xf32, #tpu.memory_space<vmem_shared>>, %arg8: memref<40x128xi32, #tpu.memory_space<vmem>>, %arg9: memref<40x128xi32, #tpu.memory_space<vmem>>, %arg10: memref<128x128xf32, #tpu.memory_space<vmem>>, %arg11: memref<128x128xf32, #tpu.memory_space<vmem>>, %arg12: memref<!tpu.dma_semaphore, #tpu.memory_space<semaphore_mem>>, %arg13: memref<!tpu.dma_semaphore, #tpu.memory_space<semaphore_mem>>) attributes {dimension_semantics = [#tpu.dimension_semantics<core_parallel>, #tpu.dimension_semantics<subcore_parallel>], iteration_bounds = array<i64: 2, 16>, scalar_prefetch = 0 : i64, scratch_operands = 7 : i64, tpu.core_type = #tpu.core_type<sc_vector_subcore>, window_params = [{transform_indices = #map}, {transform_indices = #map}, {transform_indices = #map}, {transform_indices = #map}, {transform_indices = #map1}]} {
    %mul3A = arith.constant 632 : i32
    %mul3A_0 = arith.muli %arg1, %mul3A : i32
    %mul3A_1 = arith.constant 632 : i32
    %mul3A_2 = arith.muli %arg1, %mul3A_1 : i32
    "tpu.region"() ({
      %run_scoped3A = tpu.sem_alloc : memref<!tpu.dma_semaphore, #tpu.memory_space<semaphore_mem>>
      %dma_start3A_54 = arith.constant 0 : i32
      %dma_start3A_55 = tpu.memref_slice %arg7[%mul3A_2, %dma_start3A_54] : memref<10112x128xf32, #tpu.memory_space<vmem_shared>> -> memref<632x128xf32, #tpu.memory_space<vmem_shared>>
      %dma_start3A_56 = arith.constant 0 : i32
      %dma_start3A_57 = tpu.memref_slice %arg5[%mul3A_0, %dma_start3A_56] : memref<10112x128xf32, #tpu.memory_space<hbm>> -> memref<632x128xf32, #tpu.memory_space<hbm>>
      tpu.enqueue_dma source(%dma_start3A_57 : memref<632x128xf32, #tpu.memory_space<hbm>>) target(%dma_start3A_55 : memref<632x128xf32, #tpu.memory_space<vmem_shared>>) target_semaphore(%run_scoped3A : memref<!tpu.dma_semaphore, #tpu.memory_space<semaphore_mem>>)
      %dma_wait3A = arith.constant 0 : i32
      %dma_wait3A_58 = tpu.memref_slice %arg7[%mul3A_2, %dma_wait3A] : memref<10112x128xf32, #tpu.memory_space<vmem_shared>> -> memref<632x128xf32, #tpu.memory_space<vmem_shared>>
      %dma_wait3A_59 = arith.constant 0 : i32
      %dma_wait3A_60 = tpu.memref_slice %arg5[%mul3A_0, %dma_wait3A_59] : memref<10112x128xf32, #tpu.memory_space<hbm>> -> memref<632x128xf32, #tpu.memory_space<hbm>>
      tpu.wait_dma2 semaphore(%run_scoped3A : memref<!tpu.dma_semaphore, #tpu.memory_space<semaphore_mem>>) src(%dma_wait3A_60 : memref<632x128xf32, #tpu.memory_space<hbm>>) dst(%dma_wait3A_58 : memref<632x128xf32, #tpu.memory_space<vmem_shared>>)
      tpu.yield
    }) : () -> ()
    %barrier3A = arith.constant 0 : index
    tpu.barrier barrier_id(%barrier3A)
    %mul3A_3 = arith.constant 16 : i32
    %mul3A_4 = arith.muli %arg0, %mul3A_3 : i32
    %add3A = arith.addi %mul3A_4, %arg1 : i32
    %mul3A_5 = arith.constant 80 : i32
    %mul3A_6 = arith.muli %add3A, %mul3A_5 : i32
    %add3A_7 = arith.constant 0 : i32
    %add3A_8 = arith.addi %mul3A_6, %add3A_7 : i32
    "tpu.region"() ({
      %run_scoped3A = tpu.sem_alloc : memref<!tpu.dma_semaphore, #tpu.memory_space<semaphore_mem>>
      %dma_start3A_54 = arith.constant 0 : i32
      %dma_start3A_55 = tpu.memref_slice %arg3[%add3A_8, %dma_start3A_54] : memref<2560x128xi32, #tpu.memory_space<hbm>> -> memref<40x128xi32, #tpu.memory_space<hbm>>
      %dma_start3A_56 = arith.constant 0 : i32
      %dma_start3A_57 = tpu.memref_slice %arg3[%add3A_8, %dma_start3A_56] : memref<2560x128xi32, #tpu.memory_space<hbm>> -> memref<40x128xi32, #tpu.memory_space<hbm>>
      tpu.enqueue_dma source(%dma_start3A_57 : memref<40x128xi32, #tpu.memory_space<hbm>>) target(%arg8 : memref<40x128xi32, #tpu.memory_space<vmem>>) target_semaphore(%run_scoped3A : memref<!tpu.dma_semaphore, #tpu.memory_space<semaphore_mem>>)
      %dma_wait3A = arith.constant 0 : i32
      %dma_wait3A_58 = tpu.memref_slice %arg3[%add3A_8, %dma_wait3A] : memref<2560x128xi32, #tpu.memory_space<hbm>> -> memref<40x128xi32, #tpu.memory_space<hbm>>
      %dma_wait3A_59 = arith.constant 0 : i32
      %dma_wait3A_60 = tpu.memref_slice %arg3[%add3A_8, %dma_wait3A_59] : memref<2560x128xi32, #tpu.memory_space<hbm>> -> memref<40x128xi32, #tpu.memory_space<hbm>>
      tpu.wait_dma2 semaphore(%run_scoped3A : memref<!tpu.dma_semaphore, #tpu.memory_space<semaphore_mem>>) src(%dma_wait3A_60 : memref<40x128xi32, #tpu.memory_space<hbm>>) dst(%arg8 : memref<40x128xi32, #tpu.memory_space<vmem>>)
      tpu.yield
    }) : () -> ()
    "tpu.region"() ({
      %run_scoped3A = tpu.sem_alloc : memref<!tpu.dma_semaphore, #tpu.memory_space<semaphore_mem>>
      %dma_start3A_54 = arith.constant 0 : i32
      %dma_start3A_55 = tpu.memref_slice %arg4[%add3A_8, %dma_start3A_54] : memref<2560x128xi32, #tpu.memory_space<hbm>> -> memref<40x128xi32, #tpu.memory_space<hbm>>
      %dma_start3A_56 = arith.constant 0 : i32
      %dma_start3A_57 = tpu.memref_slice %arg4[%add3A_8, %dma_start3A_56] : memref<2560x128xi32, #tpu.memory_space<hbm>> -> memref<40x128xi32, #tpu.memory_space<hbm>>
      tpu.enqueue_dma source(%dma_start3A_57 : memref<40x128xi32, #tpu.memory_space<hbm>>) target(%arg9 : memref<40x128xi32, #tpu.memory_space<vmem>>) target_semaphore(%run_scoped3A : memref<!tpu.dma_semaphore, #tpu.memory_space<semaphore_mem>>)
      %dma_wait3A = arith.constant 0 : i32
      %dma_wait3A_58 = tpu.memref_slice %arg4[%add3A_8, %dma_wait3A] : memref<2560x128xi32, #tpu.memory_space<hbm>> -> memref<40x128xi32, #tpu.memory_space<hbm>>
      %dma_wait3A_59 = arith.constant 0 : i32
      %dma_wait3A_60 = tpu.memref_slice %arg4[%add3A_8, %dma_wait3A_59] : memref<2560x128xi32, #tpu.memory_space<hbm>> -> memref<40x128xi32, #tpu.memory_space<hbm>>
      tpu.wait_dma2 semaphore(%run_scoped3A : memref<!tpu.dma_semaphore, #tpu.memory_space<semaphore_mem>>) src(%dma_wait3A_60 : memref<40x128xi32, #tpu.memory_space<hbm>>) dst(%arg9 : memref<40x128xi32, #tpu.memory_space<vmem>>)
      tpu.yield
    }) : () -> ()
    %dma_start3A = arith.constant 0 : i32
    %dma_start3A_9 = arith.constant 0 : i32
    %dma_start3A_10 = tpu.memref_slice %arg8[%dma_start3A, %dma_start3A_9] : memref<40x128xi32, #tpu.memory_space<vmem>> -> memref<1x128xi32, #tpu.memory_space<vmem>>
    %dma_start3A_11 = tpu.memref_squeeze %dma_start3A_10 : memref<1x128xi32, #tpu.memory_space<vmem>> -> memref<128xi32, #tpu.memory_space<vmem>>
    %dma_start3A_12 = arith.constant 0 : i32
    %dma_start3A_13 = arith.constant 0 : i32
    %dma_start3A_14 = tpu.memref_slice %arg2[%dma_start3A_12, %dma_start3A_13] : memref<10000x128xf32, #tpu.memory_space<hbm>> -> memref<10000x128xf32, #tpu.memory_space<hbm>>
    tpu.enqueue_indirect_dma source(%dma_start3A_14 : memref<10000x128xf32, #tpu.memory_space<hbm>>) target(%arg10 : memref<128x128xf32, #tpu.memory_space<vmem>>) offsets(%dma_start3A_11 : memref<128xi32, #tpu.memory_space<vmem>>) semaphore(%arg12 : memref<!tpu.dma_semaphore, #tpu.memory_space<semaphore_mem>>)
    %dma_start3A_15 = arith.constant 1 : i32
    %dma_start3A_16 = arith.constant 0 : i32
    %dma_start3A_17 = tpu.memref_slice %arg8[%dma_start3A_15, %dma_start3A_16] : memref<40x128xi32, #tpu.memory_space<vmem>> -> memref<1x128xi32, #tpu.memory_space<vmem>>
    %dma_start3A_18 = tpu.memref_squeeze %dma_start3A_17 : memref<1x128xi32, #tpu.memory_space<vmem>> -> memref<128xi32, #tpu.memory_space<vmem>>
    %dma_start3A_19 = arith.constant 0 : i32
    %dma_start3A_20 = arith.constant 0 : i32
    %dma_start3A_21 = tpu.memref_slice %arg2[%dma_start3A_19, %dma_start3A_20] : memref<10000x128xf32, #tpu.memory_space<hbm>> -> memref<10000x128xf32, #tpu.memory_space<hbm>>
    tpu.enqueue_indirect_dma source(%dma_start3A_21 : memref<10000x128xf32, #tpu.memory_space<hbm>>) target(%arg11 : memref<128x128xf32, #tpu.memory_space<vmem>>) offsets(%dma_start3A_18 : memref<128xi32, #tpu.memory_space<vmem>>) semaphore(%arg13 : memref<!tpu.dma_semaphore, #tpu.memory_space<semaphore_mem>>)
    %scan3A = arith.constant 0 : i32
    %scan3A_22 = arith.constant 0 : i32
    %scan3A_23 = arith.constant 20 : i32
    %scan3A_24 = arith.addi %scan3A_22, %scan3A_23 : i32
    %scan3A_25 = arith.constant 1 : i32
    scf.for %scan3A_54 = %scan3A_22 to %scan3A_24 step %scan3A_25  : i32 {
      %mul3A_55 = arith.constant 2 : i32
      %mul3A_56 = arith.muli %mul3A_55, %scan3A_54 : i32
      %add3A_57 = arith.constant 0 : i32
      %add3A_58 = arith.addi %mul3A_56, %add3A_57 : i32
      %dma_wait3A = arith.constant 0 : i32
      %dma_wait3A_59 = tpu.memref_slice %arg8[%add3A_58, %dma_wait3A] : memref<40x128xi32, #tpu.memory_space<vmem>> -> memref<1x128xi32, #tpu.memory_space<vmem>>
      %dma_wait3A_60 = tpu.memref_squeeze %dma_wait3A_59 : memref<1x128xi32, #tpu.memory_space<vmem>> -> memref<128xi32, #tpu.memory_space<vmem>>
      %dma_wait3A_61 = arith.constant 0 : i32
      %dma_wait3A_62 = arith.constant 0 : i32
      %dma_wait3A_63 = tpu.memref_slice %arg2[%dma_wait3A_61, %dma_wait3A_62] : memref<10000x128xf32, #tpu.memory_space<hbm>> -> memref<10000x128xf32, #tpu.memory_space<hbm>>
      tpu.wait_indirect_dma semaphore(%arg12 : memref<!tpu.dma_semaphore, #tpu.memory_space<semaphore_mem>>) src(%dma_wait3A_63 : memref<10000x128xf32, #tpu.memory_space<hbm>>) dst(%arg10 : memref<128x128xf32, #tpu.memory_space<vmem>>)
      "tpu.region"() ({
        %run_scoped3A = tpu.sem_alloc : memref<!tpu.dma_semaphore, #tpu.memory_space<semaphore_mem>>
        %dma_start3A_83 = arith.constant 0 : i32
        %dma_start3A_84 = tpu.memref_slice %arg9[%add3A_58, %dma_start3A_83] : memref<40x128xi32, #tpu.memory_space<vmem>> -> memref<1x128xi32, #tpu.memory_space<vmem>>
        %dma_start3A_85 = tpu.memref_squeeze %dma_start3A_84 : memref<1x128xi32, #tpu.memory_space<vmem>> -> memref<128xi32, #tpu.memory_space<vmem>>
        %dma_start3A_86 = arith.constant 0 : i32
        %dma_start3A_87 = arith.constant 0 : i32
        %dma_start3A_88 = tpu.memref_slice %arg7[%dma_start3A_86, %dma_start3A_87] : memref<10112x128xf32, #tpu.memory_space<vmem_shared>> -> memref<10112x128xf32, #tpu.memory_space<vmem_shared>>
        tpu.enqueue_indirect_dma source(%arg10 : memref<128x128xf32, #tpu.memory_space<vmem>>) target(%dma_start3A_88 : memref<10112x128xf32, #tpu.memory_space<vmem_shared>>) offsets(%dma_start3A_85 : memref<128xi32, #tpu.memory_space<vmem>>) semaphore(%run_scoped3A : memref<!tpu.dma_semaphore, #tpu.memory_space<semaphore_mem>>) {add = true}
        %dma_wait3A_89 = arith.constant 0 : i32
        %dma_wait3A_90 = tpu.memref_slice %arg9[%add3A_58, %dma_wait3A_89] : memref<40x128xi32, #tpu.memory_space<vmem>> -> memref<1x128xi32, #tpu.memory_space<vmem>>
        %dma_wait3A_91 = tpu.memref_squeeze %dma_wait3A_90 : memref<1x128xi32, #tpu.memory_space<vmem>> -> memref<128xi32, #tpu.memory_space<vmem>>
        %dma_wait3A_92 = arith.constant 0 : i32
        %dma_wait3A_93 = arith.constant 0 : i32
        %dma_wait3A_94 = tpu.memref_slice %arg7[%dma_wait3A_92, %dma_wait3A_93] : memref<10112x128xf32, #tpu.memory_space<vmem_shared>> -> memref<10112x128xf32, #tpu.memory_space<vmem_shared>>
        tpu.wait_indirect_dma semaphore(%run_scoped3A : memref<!tpu.dma_semaphore, #tpu.memory_space<semaphore_mem>>) src(%arg10 : memref<128x128xf32, #tpu.memory_space<vmem>>) dst(%dma_wait3A_94 : memref<10112x128xf32, #tpu.memory_space<vmem_shared>>)
        tpu.yield
      }) : () -> ()
      %add3A_64 = arith.constant 2 : i32
      %add3A_65 = arith.addi %add3A_58, %add3A_64 : i32
      %lt3A = arith.constant 40 : i32
      %lt3A_66 = arith.cmpi slt, %add3A_65, %lt3A : i32
      %convert_element_type3A = arith.extui %lt3A_66 : i1 to i32
      %cond3A = arith.constant 0 : i32
      %cond3A_67 = arith.cmpi ne, %convert_element_type3A, %cond3A : i32
      scf.if %cond3A_67 {
        %add3A_83 = arith.constant 2 : i32
        %add3A_84 = arith.addi %add3A_58, %add3A_83 : i32
        %dma_start3A_85 = arith.constant 0 : i32
        %dma_start3A_86 = tpu.memref_slice %arg8[%add3A_84, %dma_start3A_85] : memref<40x128xi32, #tpu.memory_space<vmem>> -> memref<1x128xi32, #tpu.memory_space<vmem>>
        %dma_start3A_87 = tpu.memref_squeeze %dma_start3A_86 : memref<1x128xi32, #tpu.memory_space<vmem>> -> memref<128xi32, #tpu.memory_space<vmem>>
        %dma_start3A_88 = arith.constant 0 : i32
        %dma_start3A_89 = arith.constant 0 : i32
        %dma_start3A_90 = tpu.memref_slice %arg2[%dma_start3A_88, %dma_start3A_89] : memref<10000x128xf32, #tpu.memory_space<hbm>> -> memref<10000x128xf32, #tpu.memory_space<hbm>>
        tpu.enqueue_indirect_dma source(%dma_start3A_90 : memref<10000x128xf32, #tpu.memory_space<hbm>>) target(%arg10 : memref<128x128xf32, #tpu.memory_space<vmem>>) offsets(%dma_start3A_87 : memref<128xi32, #tpu.memory_space<vmem>>) semaphore(%arg12 : memref<!tpu.dma_semaphore, #tpu.memory_space<semaphore_mem>>)
      } else {
      }
      %add3A_68 = arith.constant 1 : i32
      %add3A_69 = arith.addi %mul3A_56, %add3A_68 : i32
      %dma_wait3A_70 = arith.constant 0 : i32
      %dma_wait3A_71 = tpu.memref_slice %arg8[%add3A_69, %dma_wait3A_70] : memref<40x128xi32, #tpu.memory_space<vmem>> -> memref<1x128xi32, #tpu.memory_space<vmem>>
      %dma_wait3A_72 = tpu.memref_squeeze %dma_wait3A_71 : memref<1x128xi32, #tpu.memory_space<vmem>> -> memref<128xi32, #tpu.memory_space<vmem>>
      %dma_wait3A_73 = arith.constant 0 : i32
      %dma_wait3A_74 = arith.constant 0 : i32
      %dma_wait3A_75 = tpu.memref_slice %arg2[%dma_wait3A_73, %dma_wait3A_74] : memref<10000x128xf32, #tpu.memory_space<hbm>> -> memref<10000x128xf32, #tpu.memory_space<hbm>>
      tpu.wait_indirect_dma semaphore(%arg13 : memref<!tpu.dma_semaphore, #tpu.memory_space<semaphore_mem>>) src(%dma_wait3A_75 : memref<10000x128xf32, #tpu.memory_space<hbm>>) dst(%arg11 : memref<128x128xf32, #tpu.memory_space<vmem>>)
      "tpu.region"() ({
        %run_scoped3A = tpu.sem_alloc : memref<!tpu.dma_semaphore, #tpu.memory_space<semaphore_mem>>
        %dma_start3A_83 = arith.constant 0 : i32
        %dma_start3A_84 = tpu.memref_slice %arg9[%add3A_69, %dma_start3A_83] : memref<40x128xi32, #tpu.memory_space<vmem>> -> memref<1x128xi32, #tpu.memory_space<vmem>>
        %dma_start3A_85 = tpu.memref_squeeze %dma_start3A_84 : memref<1x128xi32, #tpu.memory_space<vmem>> -> memref<128xi32, #tpu.memory_space<vmem>>
        %dma_start3A_86 = arith.constant 0 : i32
        %dma_start3A_87 = arith.constant 0 : i32
        %dma_start3A_88 = tpu.memref_slice %arg7[%dma_start3A_86, %dma_start3A_87] : memref<10112x128xf32, #tpu.memory_space<vmem_shared>> -> memref<10112x128xf32, #tpu.memory_space<vmem_shared>>
        tpu.enqueue_indirect_dma source(%arg11 : memref<128x128xf32, #tpu.memory_space<vmem>>) target(%dma_start3A_88 : memref<10112x128xf32, #tpu.memory_space<vmem_shared>>) offsets(%dma_start3A_85 : memref<128xi32, #tpu.memory_space<vmem>>) semaphore(%run_scoped3A : memref<!tpu.dma_semaphore, #tpu.memory_space<semaphore_mem>>) {add = true}
        %dma_wait3A_89 = arith.constant 0 : i32
        %dma_wait3A_90 = tpu.memref_slice %arg9[%add3A_69, %dma_wait3A_89] : memref<40x128xi32, #tpu.memory_space<vmem>> -> memref<1x128xi32, #tpu.memory_space<vmem>>
        %dma_wait3A_91 = tpu.memref_squeeze %dma_wait3A_90 : memref<1x128xi32, #tpu.memory_space<vmem>> -> memref<128xi32, #tpu.memory_space<vmem>>
        %dma_wait3A_92 = arith.constant 0 : i32
        %dma_wait3A_93 = arith.constant 0 : i32
        %dma_wait3A_94 = tpu.memref_slice %arg7[%dma_wait3A_92, %dma_wait3A_93] : memref<10112x128xf32, #tpu.memory_space<vmem_shared>> -> memref<10112x128xf32, #tpu.memory_space<vmem_shared>>
        tpu.wait_indirect_dma semaphore(%run_scoped3A : memref<!tpu.dma_semaphore, #tpu.memory_space<semaphore_mem>>) src(%arg11 : memref<128x128xf32, #tpu.memory_space<vmem>>) dst(%dma_wait3A_94 : memref<10112x128xf32, #tpu.memory_space<vmem_shared>>)
        tpu.yield
      }) : () -> ()
      %add3A_76 = arith.constant 2 : i32
      %add3A_77 = arith.addi %add3A_69, %add3A_76 : i32
      %lt3A_78 = arith.constant 40 : i32
      %lt3A_79 = arith.cmpi slt, %add3A_77, %lt3A_78 : i32
      %convert_element_type3A_80 = arith.extui %lt3A_79 : i1 to i32
      %cond3A_81 = arith.constant 0 : i32
      %cond3A_82 = arith.cmpi ne, %convert_element_type3A_80, %cond3A_81 : i32
      scf.if %cond3A_82 {
        %add3A_83 = arith.constant 2 : i32
        %add3A_84 = arith.addi %add3A_69, %add3A_83 : i32
        %dma_start3A_85 = arith.constant 0 : i32
        %dma_start3A_86 = tpu.memref_slice %arg8[%add3A_84, %dma_start3A_85] : memref<40x128xi32, #tpu.memory_space<vmem>> -> memref<1x128xi32, #tpu.memory_space<vmem>>
        %dma_start3A_87 = tpu.memref_squeeze %dma_start3A_86 : memref<1x128xi32, #tpu.memory_space<vmem>> -> memref<128xi32, #tpu.memory_space<vmem>>
        %dma_start3A_88 = arith.constant 0 : i32
        %dma_start3A_89 = arith.constant 0 : i32
        %dma_start3A_90 = tpu.memref_slice %arg2[%dma_start3A_88, %dma_start3A_89] : memref<10000x128xf32, #tpu.memory_space<hbm>> -> memref<10000x128xf32, #tpu.memory_space<hbm>>
        tpu.enqueue_indirect_dma source(%dma_start3A_90 : memref<10000x128xf32, #tpu.memory_space<hbm>>) target(%arg11 : memref<128x128xf32, #tpu.memory_space<vmem>>) offsets(%dma_start3A_87 : memref<128xi32, #tpu.memory_space<vmem>>) semaphore(%arg13 : memref<!tpu.dma_semaphore, #tpu.memory_space<semaphore_mem>>)
      } else {
      }
    }
    %scan3A_26 = arith.constant 20 : i32
    %add3A_27 = arith.constant 40 : i32
    %add3A_28 = arith.addi %mul3A_6, %add3A_27 : i32
    "tpu.region"() ({
      %run_scoped3A = tpu.sem_alloc : memref<!tpu.dma_semaphore, #tpu.memory_space<semaphore_mem>>
      %dma_start3A_54 = arith.constant 0 : i32
      %dma_start3A_55 = tpu.memref_slice %arg3[%add3A_28, %dma_start3A_54] : memref<2560x128xi32, #tpu.memory_space<hbm>> -> memref<40x128xi32, #tpu.memory_space<hbm>>
      %dma_start3A_56 = arith.constant 0 : i32
      %dma_start3A_57 = tpu.memref_slice %arg3[%add3A_28, %dma_start3A_56] : memref<2560x128xi32, #tpu.memory_space<hbm>> -> memref<40x128xi32, #tpu.memory_space<hbm>>
      tpu.enqueue_dma source(%dma_start3A_57 : memref<40x128xi32, #tpu.memory_space<hbm>>) target(%arg8 : memref<40x128xi32, #tpu.memory_space<vmem>>) target_semaphore(%run_scoped3A : memref<!tpu.dma_semaphore, #tpu.memory_space<semaphore_mem>>)
      %dma_wait3A = arith.constant 0 : i32
      %dma_wait3A_58 = tpu.memref_slice %arg3[%add3A_28, %dma_wait3A] : memref<2560x128xi32, #tpu.memory_space<hbm>> -> memref<40x128xi32, #tpu.memory_space<hbm>>
      %dma_wait3A_59 = arith.constant 0 : i32
      %dma_wait3A_60 = tpu.memref_slice %arg3[%add3A_28, %dma_wait3A_59] : memref<2560x128xi32, #tpu.memory_space<hbm>> -> memref<40x128xi32, #tpu.memory_space<hbm>>
      tpu.wait_dma2 semaphore(%run_scoped3A : memref<!tpu.dma_semaphore, #tpu.memory_space<semaphore_mem>>) src(%dma_wait3A_60 : memref<40x128xi32, #tpu.memory_space<hbm>>) dst(%arg8 : memref<40x128xi32, #tpu.memory_space<vmem>>)
      tpu.yield
    }) : () -> ()
    "tpu.region"() ({
      %run_scoped3A = tpu.sem_alloc : memref<!tpu.dma_semaphore, #tpu.memory_space<semaphore_mem>>
      %dma_start3A_54 = arith.constant 0 : i32
      %dma_start3A_55 = tpu.memref_slice %arg4[%add3A_28, %dma_start3A_54] : memref<2560x128xi32, #tpu.memory_space<hbm>> -> memref<40x128xi32, #tpu.memory_space<hbm>>
      %dma_start3A_56 = arith.constant 0 : i32
      %dma_start3A_57 = tpu.memref_slice %arg4[%add3A_28, %dma_start3A_56] : memref<2560x128xi32, #tpu.memory_space<hbm>> -> memref<40x128xi32, #tpu.memory_space<hbm>>
      tpu.enqueue_dma source(%dma_start3A_57 : memref<40x128xi32, #tpu.memory_space<hbm>>) target(%arg9 : memref<40x128xi32, #tpu.memory_space<vmem>>) target_semaphore(%run_scoped3A : memref<!tpu.dma_semaphore, #tpu.memory_space<semaphore_mem>>)
      %dma_wait3A = arith.constant 0 : i32
      %dma_wait3A_58 = tpu.memref_slice %arg4[%add3A_28, %dma_wait3A] : memref<2560x128xi32, #tpu.memory_space<hbm>> -> memref<40x128xi32, #tpu.memory_space<hbm>>
      %dma_wait3A_59 = arith.constant 0 : i32
      %dma_wait3A_60 = tpu.memref_slice %arg4[%add3A_28, %dma_wait3A_59] : memref<2560x128xi32, #tpu.memory_space<hbm>> -> memref<40x128xi32, #tpu.memory_space<hbm>>
      tpu.wait_dma2 semaphore(%run_scoped3A : memref<!tpu.dma_semaphore, #tpu.memory_space<semaphore_mem>>) src(%dma_wait3A_60 : memref<40x128xi32, #tpu.memory_space<hbm>>) dst(%arg9 : memref<40x128xi32, #tpu.memory_space<vmem>>)
      tpu.yield
    }) : () -> ()
    %dma_start3A_29 = arith.constant 0 : i32
    %dma_start3A_30 = arith.constant 0 : i32
    %dma_start3A_31 = tpu.memref_slice %arg8[%dma_start3A_29, %dma_start3A_30] : memref<40x128xi32, #tpu.memory_space<vmem>> -> memref<1x128xi32, #tpu.memory_space<vmem>>
    %dma_start3A_32 = tpu.memref_squeeze %dma_start3A_31 : memref<1x128xi32, #tpu.memory_space<vmem>> -> memref<128xi32, #tpu.memory_space<vmem>>
    %dma_start3A_33 = arith.constant 0 : i32
    %dma_start3A_34 = arith.constant 0 : i32
    %dma_start3A_35 = tpu.memref_slice %arg2[%dma_start3A_33, %dma_start3A_34] : memref<10000x128xf32, #tpu.memory_space<hbm>> -> memref<10000x128xf32, #tpu.memory_space<hbm>>
    tpu.enqueue_indirect_dma source(%dma_start3A_35 : memref<10000x128xf32, #tpu.memory_space<hbm>>) target(%arg10 : memref<128x128xf32, #tpu.memory_space<vmem>>) offsets(%dma_start3A_32 : memref<128xi32, #tpu.memory_space<vmem>>) semaphore(%arg12 : memref<!tpu.dma_semaphore, #tpu.memory_space<semaphore_mem>>)
    %dma_start3A_36 = arith.constant 1 : i32
    %dma_start3A_37 = arith.constant 0 : i32
    %dma_start3A_38 = tpu.memref_slice %arg8[%dma_start3A_36, %dma_start3A_37] : memref<40x128xi32, #tpu.memory_space<vmem>> -> memref<1x128xi32, #tpu.memory_space<vmem>>
    %dma_start3A_39 = tpu.memref_squeeze %dma_start3A_38 : memref<1x128xi32, #tpu.memory_space<vmem>> -> memref<128xi32, #tpu.memory_space<vmem>>
    %dma_start3A_40 = arith.constant 0 : i32
    %dma_start3A_41 = arith.constant 0 : i32
    %dma_start3A_42 = tpu.memref_slice %arg2[%dma_start3A_40, %dma_start3A_41] : memref<10000x128xf32, #tpu.memory_space<hbm>> -> memref<10000x128xf32, #tpu.memory_space<hbm>>
    tpu.enqueue_indirect_dma source(%dma_start3A_42 : memref<10000x128xf32, #tpu.memory_space<hbm>>) target(%arg11 : memref<128x128xf32, #tpu.memory_space<vmem>>) offsets(%dma_start3A_39 : memref<128xi32, #tpu.memory_space<vmem>>) semaphore(%arg13 : memref<!tpu.dma_semaphore, #tpu.memory_space<semaphore_mem>>)
    %scan3A_43 = arith.constant 0 : i32
    %scan3A_44 = arith.constant 0 : i32
    %scan3A_45 = arith.constant 20 : i32
    %scan3A_46 = arith.addi %scan3A_44, %scan3A_45 : i32
    %scan3A_47 = arith.constant 1 : i32
    scf.for %scan3A_54 = %scan3A_44 to %scan3A_46 step %scan3A_47  : i32 {
      %mul3A_55 = arith.constant 2 : i32
      %mul3A_56 = arith.muli %mul3A_55, %scan3A_54 : i32
      %add3A_57 = arith.constant 0 : i32
      %add3A_58 = arith.addi %mul3A_56, %add3A_57 : i32
      %dma_wait3A = arith.constant 0 : i32
      %dma_wait3A_59 = tpu.memref_slice %arg8[%add3A_58, %dma_wait3A] : memref<40x128xi32, #tpu.memory_space<vmem>> -> memref<1x128xi32, #tpu.memory_space<vmem>>
      %dma_wait3A_60 = tpu.memref_squeeze %dma_wait3A_59 : memref<1x128xi32, #tpu.memory_space<vmem>> -> memref<128xi32, #tpu.memory_space<vmem>>
      %dma_wait3A_61 = arith.constant 0 : i32
      %dma_wait3A_62 = arith.constant 0 : i32
      %dma_wait3A_63 = tpu.memref_slice %arg2[%dma_wait3A_61, %dma_wait3A_62] : memref<10000x128xf32, #tpu.memory_space<hbm>> -> memref<10000x128xf32, #tpu.memory_space<hbm>>
      tpu.wait_indirect_dma semaphore(%arg12 : memref<!tpu.dma_semaphore, #tpu.memory_space<semaphore_mem>>) src(%dma_wait3A_63 : memref<10000x128xf32, #tpu.memory_space<hbm>>) dst(%arg10 : memref<128x128xf32, #tpu.memory_space<vmem>>)
      "tpu.region"() ({
        %run_scoped3A = tpu.sem_alloc : memref<!tpu.dma_semaphore, #tpu.memory_space<semaphore_mem>>
        %dma_start3A_83 = arith.constant 0 : i32
        %dma_start3A_84 = tpu.memref_slice %arg9[%add3A_58, %dma_start3A_83] : memref<40x128xi32, #tpu.memory_space<vmem>> -> memref<1x128xi32, #tpu.memory_space<vmem>>
        %dma_start3A_85 = tpu.memref_squeeze %dma_start3A_84 : memref<1x128xi32, #tpu.memory_space<vmem>> -> memref<128xi32, #tpu.memory_space<vmem>>
        %dma_start3A_86 = arith.constant 0 : i32
        %dma_start3A_87 = arith.constant 0 : i32
        %dma_start3A_88 = tpu.memref_slice %arg7[%dma_start3A_86, %dma_start3A_87] : memref<10112x128xf32, #tpu.memory_space<vmem_shared>> -> memref<10112x128xf32, #tpu.memory_space<vmem_shared>>
        tpu.enqueue_indirect_dma source(%arg10 : memref<128x128xf32, #tpu.memory_space<vmem>>) target(%dma_start3A_88 : memref<10112x128xf32, #tpu.memory_space<vmem_shared>>) offsets(%dma_start3A_85 : memref<128xi32, #tpu.memory_space<vmem>>) semaphore(%run_scoped3A : memref<!tpu.dma_semaphore, #tpu.memory_space<semaphore_mem>>) {add = true}
        %dma_wait3A_89 = arith.constant 0 : i32
        %dma_wait3A_90 = tpu.memref_slice %arg9[%add3A_58, %dma_wait3A_89] : memref<40x128xi32, #tpu.memory_space<vmem>> -> memref<1x128xi32, #tpu.memory_space<vmem>>
        %dma_wait3A_91 = tpu.memref_squeeze %dma_wait3A_90 : memref<1x128xi32, #tpu.memory_space<vmem>> -> memref<128xi32, #tpu.memory_space<vmem>>
        %dma_wait3A_92 = arith.constant 0 : i32
        %dma_wait3A_93 = arith.constant 0 : i32
        %dma_wait3A_94 = tpu.memref_slice %arg7[%dma_wait3A_92, %dma_wait3A_93] : memref<10112x128xf32, #tpu.memory_space<vmem_shared>> -> memref<10112x128xf32, #tpu.memory_space<vmem_shared>>
        tpu.wait_indirect_dma semaphore(%run_scoped3A : memref<!tpu.dma_semaphore, #tpu.memory_space<semaphore_mem>>) src(%arg10 : memref<128x128xf32, #tpu.memory_space<vmem>>) dst(%dma_wait3A_94 : memref<10112x128xf32, #tpu.memory_space<vmem_shared>>)
        tpu.yield
      }) : () -> ()
      %add3A_64 = arith.constant 2 : i32
      %add3A_65 = arith.addi %add3A_58, %add3A_64 : i32
      %lt3A = arith.constant 40 : i32
      %lt3A_66 = arith.cmpi slt, %add3A_65, %lt3A : i32
      %convert_element_type3A = arith.extui %lt3A_66 : i1 to i32
      %cond3A = arith.constant 0 : i32
      %cond3A_67 = arith.cmpi ne, %convert_element_type3A, %cond3A : i32
      scf.if %cond3A_67 {
        %add3A_83 = arith.constant 2 : i32
        %add3A_84 = arith.addi %add3A_58, %add3A_83 : i32
        %dma_start3A_85 = arith.constant 0 : i32
        %dma_start3A_86 = tpu.memref_slice %arg8[%add3A_84, %dma_start3A_85] : memref<40x128xi32, #tpu.memory_space<vmem>> -> memref<1x128xi32, #tpu.memory_space<vmem>>
        %dma_start3A_87 = tpu.memref_squeeze %dma_start3A_86 : memref<1x128xi32, #tpu.memory_space<vmem>> -> memref<128xi32, #tpu.memory_space<vmem>>
        %dma_start3A_88 = arith.constant 0 : i32
        %dma_start3A_89 = arith.constant 0 : i32
        %dma_start3A_90 = tpu.memref_slice %arg2[%dma_start3A_88, %dma_start3A_89] : memref<10000x128xf32, #tpu.memory_space<hbm>> -> memref<10000x128xf32, #tpu.memory_space<hbm>>
        tpu.enqueue_indirect_dma source(%dma_start3A_90 : memref<10000x128xf32, #tpu.memory_space<hbm>>) target(%arg10 : memref<128x128xf32, #tpu.memory_space<vmem>>) offsets(%dma_start3A_87 : memref<128xi32, #tpu.memory_space<vmem>>) semaphore(%arg12 : memref<!tpu.dma_semaphore, #tpu.memory_space<semaphore_mem>>)
      } else {
      }
      %add3A_68 = arith.constant 1 : i32
      %add3A_69 = arith.addi %mul3A_56, %add3A_68 : i32
      %dma_wait3A_70 = arith.constant 0 : i32
      %dma_wait3A_71 = tpu.memref_slice %arg8[%add3A_69, %dma_wait3A_70] : memref<40x128xi32, #tpu.memory_space<vmem>> -> memref<1x128xi32, #tpu.memory_space<vmem>>
      %dma_wait3A_72 = tpu.memref_squeeze %dma_wait3A_71 : memref<1x128xi32, #tpu.memory_space<vmem>> -> memref<128xi32, #tpu.memory_space<vmem>>
      %dma_wait3A_73 = arith.constant 0 : i32
      %dma_wait3A_74 = arith.constant 0 : i32
      %dma_wait3A_75 = tpu.memref_slice %arg2[%dma_wait3A_73, %dma_wait3A_74] : memref<10000x128xf32, #tpu.memory_space<hbm>> -> memref<10000x128xf32, #tpu.memory_space<hbm>>
      tpu.wait_indirect_dma semaphore(%arg13 : memref<!tpu.dma_semaphore, #tpu.memory_space<semaphore_mem>>) src(%dma_wait3A_75 : memref<10000x128xf32, #tpu.memory_space<hbm>>) dst(%arg11 : memref<128x128xf32, #tpu.memory_space<vmem>>)
      "tpu.region"() ({
        %run_scoped3A = tpu.sem_alloc : memref<!tpu.dma_semaphore, #tpu.memory_space<semaphore_mem>>
        %dma_start3A_83 = arith.constant 0 : i32
        %dma_start3A_84 = tpu.memref_slice %arg9[%add3A_69, %dma_start3A_83] : memref<40x128xi32, #tpu.memory_space<vmem>> -> memref<1x128xi32, #tpu.memory_space<vmem>>
        %dma_start3A_85 = tpu.memref_squeeze %dma_start3A_84 : memref<1x128xi32, #tpu.memory_space<vmem>> -> memref<128xi32, #tpu.memory_space<vmem>>
        %dma_start3A_86 = arith.constant 0 : i32
        %dma_start3A_87 = arith.constant 0 : i32
        %dma_start3A_88 = tpu.memref_slice %arg7[%dma_start3A_86, %dma_start3A_87] : memref<10112x128xf32, #tpu.memory_space<vmem_shared>> -> memref<10112x128xf32, #tpu.memory_space<vmem_shared>>
        tpu.enqueue_indirect_dma source(%arg11 : memref<128x128xf32, #tpu.memory_space<vmem>>) target(%dma_start3A_88 : memref<10112x128xf32, #tpu.memory_space<vmem_shared>>) offsets(%dma_start3A_85 : memref<128xi32, #tpu.memory_space<vmem>>) semaphore(%run_scoped3A : memref<!tpu.dma_semaphore, #tpu.memory_space<semaphore_mem>>) {add = true}
        %dma_wait3A_89 = arith.constant 0 : i32
        %dma_wait3A_90 = tpu.memref_slice %arg9[%add3A_69, %dma_wait3A_89] : memref<40x128xi32, #tpu.memory_space<vmem>> -> memref<1x128xi32, #tpu.memory_space<vmem>>
        %dma_wait3A_91 = tpu.memref_squeeze %dma_wait3A_90 : memref<1x128xi32, #tpu.memory_space<vmem>> -> memref<128xi32, #tpu.memory_space<vmem>>
        %dma_wait3A_92 = arith.constant 0 : i32
        %dma_wait3A_93 = arith.constant 0 : i32
        %dma_wait3A_94 = tpu.memref_slice %arg7[%dma_wait3A_92, %dma_wait3A_93] : memref<10112x128xf32, #tpu.memory_space<vmem_shared>> -> memref<10112x128xf32, #tpu.memory_space<vmem_shared>>
        tpu.wait_indirect_dma semaphore(%run_scoped3A : memref<!tpu.dma_semaphore, #tpu.memory_space<semaphore_mem>>) src(%arg11 : memref<128x128xf32, #tpu.memory_space<vmem>>) dst(%dma_wait3A_94 : memref<10112x128xf32, #tpu.memory_space<vmem_shared>>)
        tpu.yield
      }) : () -> ()
      %add3A_76 = arith.constant 2 : i32
      %add3A_77 = arith.addi %add3A_69, %add3A_76 : i32
      %lt3A_78 = arith.constant 40 : i32
      %lt3A_79 = arith.cmpi slt, %add3A_77, %lt3A_78 : i32
      %convert_element_type3A_80 = arith.extui %lt3A_79 : i1 to i32
      %cond3A_81 = arith.constant 0 : i32
      %cond3A_82 = arith.cmpi ne, %convert_element_type3A_80, %cond3A_81 : i32
      scf.if %cond3A_82 {
        %add3A_83 = arith.constant 2 : i32
        %add3A_84 = arith.addi %add3A_69, %add3A_83 : i32
        %dma_start3A_85 = arith.constant 0 : i32
        %dma_start3A_86 = tpu.memref_slice %arg8[%add3A_84, %dma_start3A_85] : memref<40x128xi32, #tpu.memory_space<vmem>> -> memref<1x128xi32, #tpu.memory_space<vmem>>
        %dma_start3A_87 = tpu.memref_squeeze %dma_start3A_86 : memref<1x128xi32, #tpu.memory_space<vmem>> -> memref<128xi32, #tpu.memory_space<vmem>>
        %dma_start3A_88 = arith.constant 0 : i32
        %dma_start3A_89 = arith.constant 0 : i32
        %dma_start3A_90 = tpu.memref_slice %arg2[%dma_start3A_88, %dma_start3A_89] : memref<10000x128xf32, #tpu.memory_space<hbm>> -> memref<10000x128xf32, #tpu.memory_space<hbm>>
        tpu.enqueue_indirect_dma source(%dma_start3A_90 : memref<10000x128xf32, #tpu.memory_space<hbm>>) target(%arg11 : memref<128x128xf32, #tpu.memory_space<vmem>>) offsets(%dma_start3A_87 : memref<128xi32, #tpu.memory_space<vmem>>) semaphore(%arg13 : memref<!tpu.dma_semaphore, #tpu.memory_space<semaphore_mem>>)
      } else {
      }
    }
    %scan3A_48 = arith.constant 20 : i32
    %barrier3A_49 = arith.constant 0 : index
    tpu.barrier barrier_id(%barrier3A_49)
    %mul3A_50 = arith.constant 632 : i32
    %mul3A_51 = arith.muli %arg1, %mul3A_50 : i32
    %mul3A_52 = arith.constant 632 : i32
    %mul3A_53 = arith.muli %arg1, %mul3A_52 : i32
    "tpu.region"() ({
      %run_scoped3A = tpu.sem_alloc : memref<!tpu.dma_semaphore, #tpu.memory_space<semaphore_mem>>
      %dma_start3A_54 = arith.constant 0 : i32
      %dma_start3A_55 = tpu.memref_slice %arg6[%arg0, %mul3A_53, %dma_start3A_54] : memref<2x10112x128xf32, #tpu.memory_space<hbm>> -> memref<1x632x128xf32, #tpu.memory_space<hbm>>
      %dma_start3A_56 = tpu.memref_squeeze %dma_start3A_55 : memref<1x632x128xf32, #tpu.memory_space<hbm>> -> memref<632x128xf32, #tpu.memory_space<hbm>>
      %dma_start3A_57 = arith.constant 0 : i32
      %dma_start3A_58 = tpu.memref_slice %arg7[%mul3A_51, %dma_start3A_57] : memref<10112x128xf32, #tpu.memory_space<vmem_shared>> -> memref<632x128xf32, #tpu.memory_space<vmem_shared>>
      tpu.enqueue_dma source(%dma_start3A_58 : memref<632x128xf32, #tpu.memory_space<vmem_shared>>) target(%dma_start3A_56 : memref<632x128xf32, #tpu.memory_space<hbm>>) target_semaphore(%run_scoped3A : memref<!tpu.dma_semaphore, #tpu.memory_space<semaphore_mem>>)
      %dma_wait3A = arith.constant 0 : i32
      %dma_wait3A_59 = tpu.memref_slice %arg6[%arg0, %mul3A_53, %dma_wait3A] : memref<2x10112x128xf32, #tpu.memory_space<hbm>> -> memref<1x632x128xf32, #tpu.memory_space<hbm>>
      %dma_wait3A_60 = tpu.memref_squeeze %dma_wait3A_59 : memref<1x632x128xf32, #tpu.memory_space<hbm>> -> memref<632x128xf32, #tpu.memory_space<hbm>>
      %dma_wait3A_61 = arith.constant 0 : i32
      %dma_wait3A_62 = tpu.memref_slice %arg7[%mul3A_51, %dma_wait3A_61] : memref<10112x128xf32, #tpu.memory_space<vmem_shared>> -> memref<632x128xf32, #tpu.memory_space<vmem_shared>>
      tpu.wait_dma2 semaphore(%run_scoped3A : memref<!tpu.dma_semaphore, #tpu.memory_space<semaphore_mem>>) src(%dma_wait3A_62 : memref<632x128xf32, #tpu.memory_space<vmem_shared>>) dst(%dma_wait3A_60 : memref<632x128xf32, #tpu.memory_space<hbm>>)
      tpu.yield
    }) : () -> ()
    return
  }
}

#map = affine_map<(d0, d1) -> (0, 0)>
#map1 = affine_map<(d0, d1) -> (0, 0, 0)>
module attributes {stable_mosaic.version = 14 : i64} {
  func.func @sc_agg(%arg0: i32, %arg1: i32, %arg2: memref<10000x128xf32, #tpu.memory_space<hbm>>, %arg3: memref<2560x128xi32, #tpu.memory_space<hbm>>, %arg4: memref<2560x128xi32, #tpu.memory_space<hbm>>, %arg5: memref<10112x128xf32, #tpu.memory_space<hbm>>, %arg6: memref<2x10112x128xf32, #tpu.memory_space<hbm>>, %arg7: memref<10112x128xf32, #tpu.memory_space<vmem_shared>>, %arg8: memref<40x128xi32, #tpu.memory_space<vmem>>, %arg9: memref<40x128xi32, #tpu.memory_space<vmem>>, %arg10: memref<128x128xf32, #tpu.memory_space<vmem>>, %arg11: memref<128x128xf32, #tpu.memory_space<vmem>>, %arg12: memref<!tpu.dma_semaphore, #tpu.memory_space<semaphore_mem>>, %arg13: memref<!tpu.dma_semaphore, #tpu.memory_space<semaphore_mem>>) attributes {dimension_semantics = [#tpu.dimension_semantics<core_parallel>, #tpu.dimension_semantics<subcore_parallel>], iteration_bounds = array<i64: 2, 16>, scalar_prefetch = 0 : i64, scratch_operands = 7 : i64, tpu.core_type = #tpu.core_type<sc_vector_subcore>, window_params = [{transform_indices = #map}, {transform_indices = #map}, {transform_indices = #map}, {transform_indices = #map}, {transform_indices = #map1}]} {
    %mul3A = arith.constant 632 : i32
    %mul3A_0 = arith.muli %arg1, %mul3A : i32
    %mul3A_1 = arith.constant 632 : i32
    %mul3A_2 = arith.muli %arg1, %mul3A_1 : i32
    "tpu.region"() ({
      %run_scoped3A = tpu.sem_alloc : memref<!tpu.dma_semaphore, #tpu.memory_space<semaphore_mem>>
      %dma_start3A_54 = arith.constant 0 : i32
      %dma_start3A_55 = tpu.memref_slice %arg7[%mul3A_2, %dma_start3A_54] : memref<10112x128xf32, #tpu.memory_space<vmem_shared>> -> memref<632x128xf32, #tpu.memory_space<vmem_shared>>
      %dma_start3A_56 = arith.constant 0 : i32
      %dma_start3A_57 = tpu.memref_slice %arg5[%mul3A_0, %dma_start3A_56] : memref<10112x128xf32, #tpu.memory_space<hbm>> -> memref<632x128xf32, #tpu.memory_space<hbm>>
      tpu.enqueue_dma source(%dma_start3A_57 : memref<632x128xf32, #tpu.memory_space<hbm>>) target(%dma_start3A_55 : memref<632x128xf32, #tpu.memory_space<vmem_shared>>) target_semaphore(%run_scoped3A : memref<!tpu.dma_semaphore, #tpu.memory_space<semaphore_mem>>)
      %dma_wait3A = arith.constant 0 : i32
      %dma_wait3A_58 = tpu.memref_slice %arg7[%mul3A_2, %dma_wait3A] : memref<10112x128xf32, #tpu.memory_space<vmem_shared>> -> memref<632x128xf32, #tpu.memory_space<vmem_shared>>
      %dma_wait3A_59 = arith.constant 0 : i32
      %dma_wait3A_60 = tpu.memref_slice %arg5[%mul3A_0, %dma_wait3A_59] : memref<10112x128xf32, #tpu.memory_space<hbm>> -> memref<632x128xf32, #tpu.memory_space<hbm>>
      tpu.wait_dma2 semaphore(%run_scoped3A : memref<!tpu.dma_semaphore, #tpu.memory_space<semaphore_mem>>) src(%dma_wait3A_60 : memref<632x128xf32, #tpu.memory_space<hbm>>) dst(%dma_wait3A_58 : memref<632x128xf32, #tpu.memory_space<vmem_shared>>)
      tpu.yield
    }) : () -> ()
    %barrier3A = arith.constant 0 : index
    tpu.barrier barrier_id(%barrier3A)
    %mul3A_3 = arith.constant 16 : i32
    %mul3A_4 = arith.muli %arg0, %mul3A_3 : i32
    %add3A = arith.addi %mul3A_4, %arg1 : i32
    %mul3A_5 = arith.constant 80 : i32
    %mul3A_6 = arith.muli %add3A, %mul3A_5 : i32
    %add3A_7 = arith.constant 0 : i32
    %add3A_8 = arith.addi %mul3A_6, %add3A_7 : i32
    "tpu.region"() ({
      %run_scoped3A = tpu.sem_alloc : memref<!tpu.dma_semaphore, #tpu.memory_space<semaphore_mem>>
      %dma_start3A_54 = arith.constant 0 : i32
      %dma_start3A_55 = tpu.memref_slice %arg3[%add3A_8, %dma_start3A_54] : memref<2560x128xi32, #tpu.memory_space<hbm>> -> memref<40x128xi32, #tpu.memory_space<hbm>>
      %dma_start3A_56 = arith.constant 0 : i32
      %dma_start3A_57 = tpu.memref_slice %arg3[%add3A_8, %dma_start3A_56] : memref<2560x128xi32, #tpu.memory_space<hbm>> -> memref<40x128xi32, #tpu.memory_space<hbm>>
      tpu.enqueue_dma source(%dma_start3A_57 : memref<40x128xi32, #tpu.memory_space<hbm>>) target(%arg8 : memref<40x128xi32, #tpu.memory_space<vmem>>) target_semaphore(%run_scoped3A : memref<!tpu.dma_semaphore, #tpu.memory_space<semaphore_mem>>)
      %dma_wait3A = arith.constant 0 : i32
      %dma_wait3A_58 = tpu.memref_slice %arg3[%add3A_8, %dma_wait3A] : memref<2560x128xi32, #tpu.memory_space<hbm>> -> memref<40x128xi32, #tpu.memory_space<hbm>>
      %dma_wait3A_59 = arith.constant 0 : i32
      %dma_wait3A_60 = tpu.memref_slice %arg3[%add3A_8, %dma_wait3A_59] : memref<2560x128xi32, #tpu.memory_space<hbm>> -> memref<40x128xi32, #tpu.memory_space<hbm>>
      tpu.wait_dma2 semaphore(%run_scoped3A : memref<!tpu.dma_semaphore, #tpu.memory_space<semaphore_mem>>) src(%dma_wait3A_60 : memref<40x128xi32, #tpu.memory_space<hbm>>) dst(%arg8 : memref<40x128xi32, #tpu.memory_space<vmem>>)
      tpu.yield
    }) : () -> ()
    "tpu.region"() ({
      %run_scoped3A = tpu.sem_alloc : memref<!tpu.dma_semaphore, #tpu.memory_space<semaphore_mem>>
      %dma_start3A_54 = arith.constant 0 : i32
      %dma_start3A_55 = tpu.memref_slice %arg4[%add3A_8, %dma_start3A_54] : memref<2560x128xi32, #tpu.memory_space<hbm>> -> memref<40x128xi32, #tpu.memory_space<hbm>>
      %dma_start3A_56 = arith.constant 0 : i32
      %dma_start3A_57 = tpu.memref_slice %arg4[%add3A_8, %dma_start3A_56] : memref<2560x128xi32, #tpu.memory_space<hbm>> -> memref<40x128xi32, #tpu.memory_space<hbm>>
      tpu.enqueue_dma source(%dma_start3A_57 : memref<40x128xi32, #tpu.memory_space<hbm>>) target(%arg9 : memref<40x128xi32, #tpu.memory_space<vmem>>) target_semaphore(%run_scoped3A : memref<!tpu.dma_semaphore, #tpu.memory_space<semaphore_mem>>)
      %dma_wait3A = arith.constant 0 : i32
      %dma_wait3A_58 = tpu.memref_slice %arg4[%add3A_8, %dma_wait3A] : memref<2560x128xi32, #tpu.memory_space<hbm>> -> memref<40x128xi32, #tpu.memory_space<hbm>>
      %dma_wait3A_59 = arith.constant 0 : i32
      %dma_wait3A_60 = tpu.memref_slice %arg4[%add3A_8, %dma_wait3A_59] : memref<2560x128xi32, #tpu.memory_space<hbm>> -> memref<40x128xi32, #tpu.memory_space<hbm>>
      tpu.wait_dma2 semaphore(%run_scoped3A : memref<!tpu.dma_semaphore, #tpu.memory_space<semaphore_mem>>) src(%dma_wait3A_60 : memref<40x128xi32, #tpu.memory_space<hbm>>) dst(%arg9 : memref<40x128xi32, #tpu.memory_space<vmem>>)
      tpu.yield
    }) : () -> ()
    %dma_start3A = arith.constant 0 : i32
    %dma_start3A_9 = arith.constant 0 : i32
    %dma_start3A_10 = tpu.memref_slice %arg8[%dma_start3A, %dma_start3A_9] : memref<40x128xi32, #tpu.memory_space<vmem>> -> memref<1x128xi32, #tpu.memory_space<vmem>>
    %dma_start3A_11 = tpu.memref_squeeze %dma_start3A_10 : memref<1x128xi32, #tpu.memory_space<vmem>> -> memref<128xi32, #tpu.memory_space<vmem>>
    %dma_start3A_12 = arith.constant 0 : i32
    %dma_start3A_13 = arith.constant 0 : i32
    %dma_start3A_14 = tpu.memref_slice %arg2[%dma_start3A_12, %dma_start3A_13] : memref<10000x128xf32, #tpu.memory_space<hbm>> -> memref<10000x128xf32, #tpu.memory_space<hbm>>
    tpu.enqueue_indirect_dma source(%dma_start3A_14 : memref<10000x128xf32, #tpu.memory_space<hbm>>) target(%arg10 : memref<128x128xf32, #tpu.memory_space<vmem>>) offsets(%dma_start3A_11 : memref<128xi32, #tpu.memory_space<vmem>>) semaphore(%arg12 : memref<!tpu.dma_semaphore, #tpu.memory_space<semaphore_mem>>)
    %dma_start3A_15 = arith.constant 1 : i32
    %dma_start3A_16 = arith.constant 0 : i32
    %dma_start3A_17 = tpu.memref_slice %arg8[%dma_start3A_15, %dma_start3A_16] : memref<40x128xi32, #tpu.memory_space<vmem>> -> memref<1x128xi32, #tpu.memory_space<vmem>>
    %dma_start3A_18 = tpu.memref_squeeze %dma_start3A_17 : memref<1x128xi32, #tpu.memory_space<vmem>> -> memref<128xi32, #tpu.memory_space<vmem>>
    %dma_start3A_19 = arith.constant 0 : i32
    %dma_start3A_20 = arith.constant 0 : i32
    %dma_start3A_21 = tpu.memref_slice %arg2[%dma_start3A_19, %dma_start3A_20] : memref<10000x128xf32, #tpu.memory_space<hbm>> -> memref<10000x128xf32, #tpu.memory_space<hbm>>
    tpu.enqueue_indirect_dma source(%dma_start3A_21 : memref<10000x128xf32, #tpu.memory_space<hbm>>) target(%arg11 : memref<128x128xf32, #tpu.memory_space<vmem>>) offsets(%dma_start3A_18 : memref<128xi32, #tpu.memory_space<vmem>>) semaphore(%arg13 : memref<!tpu.dma_semaphore, #tpu.memory_space<semaphore_mem>>)
    %scan3A = arith.constant 0 : i32
    %scan3A_22 = arith.constant 0 : i32
    %scan3A_23 = arith.constant 20 : i32
    %scan3A_24 = arith.addi %scan3A_22, %scan3A_23 : i32
    %scan3A_25 = arith.constant 1 : i32
    scf.for %scan3A_54 = %scan3A_22 to %scan3A_24 step %scan3A_25  : i32 {
      %mul3A_55 = arith.constant 2 : i32
      %mul3A_56 = arith.muli %mul3A_55, %scan3A_54 : i32
      %add3A_57 = arith.constant 0 : i32
      %add3A_58 = arith.addi %mul3A_56, %add3A_57 : i32
      %dma_wait3A = arith.constant 0 : i32
      %dma_wait3A_59 = tpu.memref_slice %arg8[%add3A_58, %dma_wait3A] : memref<40x128xi32, #tpu.memory_space<vmem>> -> memref<1x128xi32, #tpu.memory_space<vmem>>
      %dma_wait3A_60 = tpu.memref_squeeze %dma_wait3A_59 : memref<1x128xi32, #tpu.memory_space<vmem>> -> memref<128xi32, #tpu.memory_space<vmem>>
      %dma_wait3A_61 = arith.constant 0 : i32
      %dma_wait3A_62 = arith.constant 0 : i32
      %dma_wait3A_63 = tpu.memref_slice %arg2[%dma_wait3A_61, %dma_wait3A_62] : memref<10000x128xf32, #tpu.memory_space<hbm>> -> memref<10000x128xf32, #tpu.memory_space<hbm>>
      tpu.wait_indirect_dma semaphore(%arg12 : memref<!tpu.dma_semaphore, #tpu.memory_space<semaphore_mem>>) src(%dma_wait3A_63 : memref<10000x128xf32, #tpu.memory_space<hbm>>) dst(%arg10 : memref<128x128xf32, #tpu.memory_space<vmem>>)
      "tpu.region"() ({
        %run_scoped3A = tpu.sem_alloc : memref<!tpu.dma_semaphore, #tpu.memory_space<semaphore_mem>>
        %dma_start3A_83 = arith.constant 0 : i32
        %dma_start3A_84 = tpu.memref_slice %arg9[%add3A_58, %dma_start3A_83] : memref<40x128xi32, #tpu.memory_space<vmem>> -> memref<1x128xi32, #tpu.memory_space<vmem>>
        %dma_start3A_85 = tpu.memref_squeeze %dma_start3A_84 : memref<1x128xi32, #tpu.memory_space<vmem>> -> memref<128xi32, #tpu.memory_space<vmem>>
        %dma_start3A_86 = arith.constant 0 : i32
        %dma_start3A_87 = arith.constant 0 : i32
        %dma_start3A_88 = tpu.memref_slice %arg7[%dma_start3A_86, %dma_start3A_87] : memref<10112x128xf32, #tpu.memory_space<vmem_shared>> -> memref<10112x128xf32, #tpu.memory_space<vmem_shared>>
        tpu.enqueue_indirect_dma source(%arg10 : memref<128x128xf32, #tpu.memory_space<vmem>>) target(%dma_start3A_88 : memref<10112x128xf32, #tpu.memory_space<vmem_shared>>) offsets(%dma_start3A_85 : memref<128xi32, #tpu.memory_space<vmem>>) semaphore(%run_scoped3A : memref<!tpu.dma_semaphore, #tpu.memory_space<semaphore_mem>>) {add = true}
        %dma_wait3A_89 = arith.constant 0 : i32
        %dma_wait3A_90 = tpu.memref_slice %arg9[%add3A_58, %dma_wait3A_89] : memref<40x128xi32, #tpu.memory_space<vmem>> -> memref<1x128xi32, #tpu.memory_space<vmem>>
        %dma_wait3A_91 = tpu.memref_squeeze %dma_wait3A_90 : memref<1x128xi32, #tpu.memory_space<vmem>> -> memref<128xi32, #tpu.memory_space<vmem>>
        %dma_wait3A_92 = arith.constant 0 : i32
        %dma_wait3A_93 = arith.constant 0 : i32
        %dma_wait3A_94 = tpu.memref_slice %arg7[%dma_wait3A_92, %dma_wait3A_93] : memref<10112x128xf32, #tpu.memory_space<vmem_shared>> -> memref<10112x128xf32, #tpu.memory_space<vmem_shared>>
        tpu.wait_indirect_dma semaphore(%run_scoped3A : memref<!tpu.dma_semaphore, #tpu.memory_space<semaphore_mem>>) src(%arg10 : memref<128x128xf32, #tpu.memory_space<vmem>>) dst(%dma_wait3A_94 : memref<10112x128xf32, #tpu.memory_space<vmem_shared>>)
        tpu.yield
      }) : () -> ()
      %add3A_64 = arith.constant 2 : i32
      %add3A_65 = arith.addi %add3A_58, %add3A_64 : i32
      %lt3A = arith.constant 40 : i32
      %lt3A_66 = arith.cmpi slt, %add3A_65, %lt3A : i32
      %convert_element_type3A = arith.extui %lt3A_66 : i1 to i32
      %cond3A = arith.constant 0 : i32
      %cond3A_67 = arith.cmpi ne, %convert_element_type3A, %cond3A : i32
      scf.if %cond3A_67 {
        %add3A_83 = arith.constant 2 : i32
        %add3A_84 = arith.addi %add3A_58, %add3A_83 : i32
        %dma_start3A_85 = arith.constant 0 : i32
        %dma_start3A_86 = tpu.memref_slice %arg8[%add3A_84, %dma_start3A_85] : memref<40x128xi32, #tpu.memory_space<vmem>> -> memref<1x128xi32, #tpu.memory_space<vmem>>
        %dma_start3A_87 = tpu.memref_squeeze %dma_start3A_86 : memref<1x128xi32, #tpu.memory_space<vmem>> -> memref<128xi32, #tpu.memory_space<vmem>>
        %dma_start3A_88 = arith.constant 0 : i32
        %dma_start3A_89 = arith.constant 0 : i32
        %dma_start3A_90 = tpu.memref_slice %arg2[%dma_start3A_88, %dma_start3A_89] : memref<10000x128xf32, #tpu.memory_space<hbm>> -> memref<10000x128xf32, #tpu.memory_space<hbm>>
        tpu.enqueue_indirect_dma source(%dma_start3A_90 : memref<10000x128xf32, #tpu.memory_space<hbm>>) target(%arg10 : memref<128x128xf32, #tpu.memory_space<vmem>>) offsets(%dma_start3A_87 : memref<128xi32, #tpu.memory_space<vmem>>) semaphore(%arg12 : memref<!tpu.dma_semaphore, #tpu.memory_space<semaphore_mem>>)
      } else {
      }
      %add3A_68 = arith.constant 1 : i32
      %add3A_69 = arith.addi %mul3A_56, %add3A_68 : i32
      %dma_wait3A_70 = arith.constant 0 : i32
      %dma_wait3A_71 = tpu.memref_slice %arg8[%add3A_69, %dma_wait3A_70] : memref<40x128xi32, #tpu.memory_space<vmem>> -> memref<1x128xi32, #tpu.memory_space<vmem>>
      %dma_wait3A_72 = tpu.memref_squeeze %dma_wait3A_71 : memref<1x128xi32, #tpu.memory_space<vmem>> -> memref<128xi32, #tpu.memory_space<vmem>>
      %dma_wait3A_73 = arith.constant 0 : i32
      %dma_wait3A_74 = arith.constant 0 : i32
      %dma_wait3A_75 = tpu.memref_slice %arg2[%dma_wait3A_73, %dma_wait3A_74] : memref<10000x128xf32, #tpu.memory_space<hbm>> -> memref<10000x128xf32, #tpu.memory_space<hbm>>
      tpu.wait_indirect_dma semaphore(%arg13 : memref<!tpu.dma_semaphore, #tpu.memory_space<semaphore_mem>>) src(%dma_wait3A_75 : memref<10000x128xf32, #tpu.memory_space<hbm>>) dst(%arg11 : memref<128x128xf32, #tpu.memory_space<vmem>>)
      "tpu.region"() ({
        %run_scoped3A = tpu.sem_alloc : memref<!tpu.dma_semaphore, #tpu.memory_space<semaphore_mem>>
        %dma_start3A_83 = arith.constant 0 : i32
        %dma_start3A_84 = tpu.memref_slice %arg9[%add3A_69, %dma_start3A_83] : memref<40x128xi32, #tpu.memory_space<vmem>> -> memref<1x128xi32, #tpu.memory_space<vmem>>
        %dma_start3A_85 = tpu.memref_squeeze %dma_start3A_84 : memref<1x128xi32, #tpu.memory_space<vmem>> -> memref<128xi32, #tpu.memory_space<vmem>>
        %dma_start3A_86 = arith.constant 0 : i32
        %dma_start3A_87 = arith.constant 0 : i32
        %dma_start3A_88 = tpu.memref_slice %arg7[%dma_start3A_86, %dma_start3A_87] : memref<10112x128xf32, #tpu.memory_space<vmem_shared>> -> memref<10112x128xf32, #tpu.memory_space<vmem_shared>>
        tpu.enqueue_indirect_dma source(%arg11 : memref<128x128xf32, #tpu.memory_space<vmem>>) target(%dma_start3A_88 : memref<10112x128xf32, #tpu.memory_space<vmem_shared>>) offsets(%dma_start3A_85 : memref<128xi32, #tpu.memory_space<vmem>>) semaphore(%run_scoped3A : memref<!tpu.dma_semaphore, #tpu.memory_space<semaphore_mem>>) {add = true}
        %dma_wait3A_89 = arith.constant 0 : i32
        %dma_wait3A_90 = tpu.memref_slice %arg9[%add3A_69, %dma_wait3A_89] : memref<40x128xi32, #tpu.memory_space<vmem>> -> memref<1x128xi32, #tpu.memory_space<vmem>>
        %dma_wait3A_91 = tpu.memref_squeeze %dma_wait3A_90 : memref<1x128xi32, #tpu.memory_space<vmem>> -> memref<128xi32, #tpu.memory_space<vmem>>
        %dma_wait3A_92 = arith.constant 0 : i32
        %dma_wait3A_93 = arith.constant 0 : i32
        %dma_wait3A_94 = tpu.memref_slice %arg7[%dma_wait3A_92, %dma_wait3A_93] : memref<10112x128xf32, #tpu.memory_space<vmem_shared>> -> memref<10112x128xf32, #tpu.memory_space<vmem_shared>>
        tpu.wait_indirect_dma semaphore(%run_scoped3A : memref<!tpu.dma_semaphore, #tpu.memory_space<semaphore_mem>>) src(%arg11 : memref<128x128xf32, #tpu.memory_space<vmem>>) dst(%dma_wait3A_94 : memref<10112x128xf32, #tpu.memory_space<vmem_shared>>)
        tpu.yield
      }) : () -> ()
      %add3A_76 = arith.constant 2 : i32
      %add3A_77 = arith.addi %add3A_69, %add3A_76 : i32
      %lt3A_78 = arith.constant 40 : i32
      %lt3A_79 = arith.cmpi slt, %add3A_77, %lt3A_78 : i32
      %convert_element_type3A_80 = arith.extui %lt3A_79 : i1 to i32
      %cond3A_81 = arith.constant 0 : i32
      %cond3A_82 = arith.cmpi ne, %convert_element_type3A_80, %cond3A_81 : i32
      scf.if %cond3A_82 {
        %add3A_83 = arith.constant 2 : i32
        %add3A_84 = arith.addi %add3A_69, %add3A_83 : i32
        %dma_start3A_85 = arith.constant 0 : i32
        %dma_start3A_86 = tpu.memref_slice %arg8[%add3A_84, %dma_start3A_85] : memref<40x128xi32, #tpu.memory_space<vmem>> -> memref<1x128xi32, #tpu.memory_space<vmem>>
        %dma_start3A_87 = tpu.memref_squeeze %dma_start3A_86 : memref<1x128xi32, #tpu.memory_space<vmem>> -> memref<128xi32, #tpu.memory_space<vmem>>
        %dma_start3A_88 = arith.constant 0 : i32
        %dma_start3A_89 = arith.constant 0 : i32
        %dma_start3A_90 = tpu.memref_slice %arg2[%dma_start3A_88, %dma_start3A_89] : memref<10000x128xf32, #tpu.memory_space<hbm>> -> memref<10000x128xf32, #tpu.memory_space<hbm>>
        tpu.enqueue_indirect_dma source(%dma_start3A_90 : memref<10000x128xf32, #tpu.memory_space<hbm>>) target(%arg11 : memref<128x128xf32, #tpu.memory_space<vmem>>) offsets(%dma_start3A_87 : memref<128xi32, #tpu.memory_space<vmem>>) semaphore(%arg13 : memref<!tpu.dma_semaphore, #tpu.memory_space<semaphore_mem>>)
      } else {
      }
    }
    %scan3A_26 = arith.constant 20 : i32
    %add3A_27 = arith.constant 40 : i32
    %add3A_28 = arith.addi %mul3A_6, %add3A_27 : i32
    "tpu.region"() ({
      %run_scoped3A = tpu.sem_alloc : memref<!tpu.dma_semaphore, #tpu.memory_space<semaphore_mem>>
      %dma_start3A_54 = arith.constant 0 : i32
      %dma_start3A_55 = tpu.memref_slice %arg3[%add3A_28, %dma_start3A_54] : memref<2560x128xi32, #tpu.memory_space<hbm>> -> memref<40x128xi32, #tpu.memory_space<hbm>>
      %dma_start3A_56 = arith.constant 0 : i32
      %dma_start3A_57 = tpu.memref_slice %arg3[%add3A_28, %dma_start3A_56] : memref<2560x128xi32, #tpu.memory_space<hbm>> -> memref<40x128xi32, #tpu.memory_space<hbm>>
      tpu.enqueue_dma source(%dma_start3A_57 : memref<40x128xi32, #tpu.memory_space<hbm>>) target(%arg8 : memref<40x128xi32, #tpu.memory_space<vmem>>) target_semaphore(%run_scoped3A : memref<!tpu.dma_semaphore, #tpu.memory_space<semaphore_mem>>)
      %dma_wait3A = arith.constant 0 : i32
      %dma_wait3A_58 = tpu.memref_slice %arg3[%add3A_28, %dma_wait3A] : memref<2560x128xi32, #tpu.memory_space<hbm>> -> memref<40x128xi32, #tpu.memory_space<hbm>>
      %dma_wait3A_59 = arith.constant 0 : i32
      %dma_wait3A_60 = tpu.memref_slice %arg3[%add3A_28, %dma_wait3A_59] : memref<2560x128xi32, #tpu.memory_space<hbm>> -> memref<40x128xi32, #tpu.memory_space<hbm>>
      tpu.wait_dma2 semaphore(%run_scoped3A : memref<!tpu.dma_semaphore, #tpu.memory_space<semaphore_mem>>) src(%dma_wait3A_60 : memref<40x128xi32, #tpu.memory_space<hbm>>) dst(%arg8 : memref<40x128xi32, #tpu.memory_space<vmem>>)
      tpu.yield
    }) : () -> ()
    "tpu.region"() ({
      %run_scoped3A = tpu.sem_alloc : memref<!tpu.dma_semaphore, #tpu.memory_space<semaphore_mem>>
      %dma_start3A_54 = arith.constant 0 : i32
      %dma_start3A_55 = tpu.memref_slice %arg4[%add3A_28, %dma_start3A_54] : memref<2560x128xi32, #tpu.memory_space<hbm>> -> memref<40x128xi32, #tpu.memory_space<hbm>>
      %dma_start3A_56 = arith.constant 0 : i32
      %dma_start3A_57 = tpu.memref_slice %arg4[%add3A_28, %dma_start3A_56] : memref<2560x128xi32, #tpu.memory_space<hbm>> -> memref<40x128xi32, #tpu.memory_space<hbm>>
      tpu.enqueue_dma source(%dma_start3A_57 : memref<40x128xi32, #tpu.memory_space<hbm>>) target(%arg9 : memref<40x128xi32, #tpu.memory_space<vmem>>) target_semaphore(%run_scoped3A : memref<!tpu.dma_semaphore, #tpu.memory_space<semaphore_mem>>)
      %dma_wait3A = arith.constant 0 : i32
      %dma_wait3A_58 = tpu.memref_slice %arg4[%add3A_28, %dma_wait3A] : memref<2560x128xi32, #tpu.memory_space<hbm>> -> memref<40x128xi32, #tpu.memory_space<hbm>>
      %dma_wait3A_59 = arith.constant 0 : i32
      %dma_wait3A_60 = tpu.memref_slice %arg4[%add3A_28, %dma_wait3A_59] : memref<2560x128xi32, #tpu.memory_space<hbm>> -> memref<40x128xi32, #tpu.memory_space<hbm>>
      tpu.wait_dma2 semaphore(%run_scoped3A : memref<!tpu.dma_semaphore, #tpu.memory_space<semaphore_mem>>) src(%dma_wait3A_60 : memref<40x128xi32, #tpu.memory_space<hbm>>) dst(%arg9 : memref<40x128xi32, #tpu.memory_space<vmem>>)
      tpu.yield
    }) : () -> ()
    %dma_start3A_29 = arith.constant 0 : i32
    %dma_start3A_30 = arith.constant 0 : i32
    %dma_start3A_31 = tpu.memref_slice %arg8[%dma_start3A_29, %dma_start3A_30] : memref<40x128xi32, #tpu.memory_space<vmem>> -> memref<1x128xi32, #tpu.memory_space<vmem>>
    %dma_start3A_32 = tpu.memref_squeeze %dma_start3A_31 : memref<1x128xi32, #tpu.memory_space<vmem>> -> memref<128xi32, #tpu.memory_space<vmem>>
    %dma_start3A_33 = arith.constant 0 : i32
    %dma_start3A_34 = arith.constant 0 : i32
    %dma_start3A_35 = tpu.memref_slice %arg2[%dma_start3A_33, %dma_start3A_34] : memref<10000x128xf32, #tpu.memory_space<hbm>> -> memref<10000x128xf32, #tpu.memory_space<hbm>>
    tpu.enqueue_indirect_dma source(%dma_start3A_35 : memref<10000x128xf32, #tpu.memory_space<hbm>>) target(%arg10 : memref<128x128xf32, #tpu.memory_space<vmem>>) offsets(%dma_start3A_32 : memref<128xi32, #tpu.memory_space<vmem>>) semaphore(%arg12 : memref<!tpu.dma_semaphore, #tpu.memory_space<semaphore_mem>>)
    %dma_start3A_36 = arith.constant 1 : i32
    %dma_start3A_37 = arith.constant 0 : i32
    %dma_start3A_38 = tpu.memref_slice %arg8[%dma_start3A_36, %dma_start3A_37] : memref<40x128xi32, #tpu.memory_space<vmem>> -> memref<1x128xi32, #tpu.memory_space<vmem>>
    %dma_start3A_39 = tpu.memref_squeeze %dma_start3A_38 : memref<1x128xi32, #tpu.memory_space<vmem>> -> memref<128xi32, #tpu.memory_space<vmem>>
    %dma_start3A_40 = arith.constant 0 : i32
    %dma_start3A_41 = arith.constant 0 : i32
    %dma_start3A_42 = tpu.memref_slice %arg2[%dma_start3A_40, %dma_start3A_41] : memref<10000x128xf32, #tpu.memory_space<hbm>> -> memref<10000x128xf32, #tpu.memory_space<hbm>>
    tpu.enqueue_indirect_dma source(%dma_start3A_42 : memref<10000x128xf32, #tpu.memory_space<hbm>>) target(%arg11 : memref<128x128xf32, #tpu.memory_space<vmem>>) offsets(%dma_start3A_39 : memref<128xi32, #tpu.memory_space<vmem>>) semaphore(%arg13 : memref<!tpu.dma_semaphore, #tpu.memory_space<semaphore_mem>>)
    %scan3A_43 = arith.constant 0 : i32
    %scan3A_44 = arith.constant 0 : i32
    %scan3A_45 = arith.constant 20 : i32
    %scan3A_46 = arith.addi %scan3A_44, %scan3A_45 : i32
    %scan3A_47 = arith.constant 1 : i32
    scf.for %scan3A_54 = %scan3A_44 to %scan3A_46 step %scan3A_47  : i32 {
      %mul3A_55 = arith.constant 2 : i32
      %mul3A_56 = arith.muli %mul3A_55, %scan3A_54 : i32
      %add3A_57 = arith.constant 0 : i32
      %add3A_58 = arith.addi %mul3A_56, %add3A_57 : i32
      %dma_wait3A = arith.constant 0 : i32
      %dma_wait3A_59 = tpu.memref_slice %arg8[%add3A_58, %dma_wait3A] : memref<40x128xi32, #tpu.memory_space<vmem>> -> memref<1x128xi32, #tpu.memory_space<vmem>>
      %dma_wait3A_60 = tpu.memref_squeeze %dma_wait3A_59 : memref<1x128xi32, #tpu.memory_space<vmem>> -> memref<128xi32, #tpu.memory_space<vmem>>
      %dma_wait3A_61 = arith.constant 0 : i32
      %dma_wait3A_62 = arith.constant 0 : i32
      %dma_wait3A_63 = tpu.memref_slice %arg2[%dma_wait3A_61, %dma_wait3A_62] : memref<10000x128xf32, #tpu.memory_space<hbm>> -> memref<10000x128xf32, #tpu.memory_space<hbm>>
      tpu.wait_indirect_dma semaphore(%arg12 : memref<!tpu.dma_semaphore, #tpu.memory_space<semaphore_mem>>) src(%dma_wait3A_63 : memref<10000x128xf32, #tpu.memory_space<hbm>>) dst(%arg10 : memref<128x128xf32, #tpu.memory_space<vmem>>)
      "tpu.region"() ({
        %run_scoped3A = tpu.sem_alloc : memref<!tpu.dma_semaphore, #tpu.memory_space<semaphore_mem>>
        %dma_start3A_83 = arith.constant 0 : i32
        %dma_start3A_84 = tpu.memref_slice %arg9[%add3A_58, %dma_start3A_83] : memref<40x128xi32, #tpu.memory_space<vmem>> -> memref<1x128xi32, #tpu.memory_space<vmem>>
        %dma_start3A_85 = tpu.memref_squeeze %dma_start3A_84 : memref<1x128xi32, #tpu.memory_space<vmem>> -> memref<128xi32, #tpu.memory_space<vmem>>
        %dma_start3A_86 = arith.constant 0 : i32
        %dma_start3A_87 = arith.constant 0 : i32
        %dma_start3A_88 = tpu.memref_slice %arg7[%dma_start3A_86, %dma_start3A_87] : memref<10112x128xf32, #tpu.memory_space<vmem_shared>> -> memref<10112x128xf32, #tpu.memory_space<vmem_shared>>
        tpu.enqueue_indirect_dma source(%arg10 : memref<128x128xf32, #tpu.memory_space<vmem>>) target(%dma_start3A_88 : memref<10112x128xf32, #tpu.memory_space<vmem_shared>>) offsets(%dma_start3A_85 : memref<128xi32, #tpu.memory_space<vmem>>) semaphore(%run_scoped3A : memref<!tpu.dma_semaphore, #tpu.memory_space<semaphore_mem>>) {add = true}
        %dma_wait3A_89 = arith.constant 0 : i32
        %dma_wait3A_90 = tpu.memref_slice %arg9[%add3A_58, %dma_wait3A_89] : memref<40x128xi32, #tpu.memory_space<vmem>> -> memref<1x128xi32, #tpu.memory_space<vmem>>
        %dma_wait3A_91 = tpu.memref_squeeze %dma_wait3A_90 : memref<1x128xi32, #tpu.memory_space<vmem>> -> memref<128xi32, #tpu.memory_space<vmem>>
        %dma_wait3A_92 = arith.constant 0 : i32
        %dma_wait3A_93 = arith.constant 0 : i32
        %dma_wait3A_94 = tpu.memref_slice %arg7[%dma_wait3A_92, %dma_wait3A_93] : memref<10112x128xf32, #tpu.memory_space<vmem_shared>> -> memref<10112x128xf32, #tpu.memory_space<vmem_shared>>
        tpu.wait_indirect_dma semaphore(%run_scoped3A : memref<!tpu.dma_semaphore, #tpu.memory_space<semaphore_mem>>) src(%arg10 : memref<128x128xf32, #tpu.memory_space<vmem>>) dst(%dma_wait3A_94 : memref<10112x128xf32, #tpu.memory_space<vmem_shared>>)
        tpu.yield
      }) : () -> ()
      %add3A_64 = arith.constant 2 : i32
      %add3A_65 = arith.addi %add3A_58, %add3A_64 : i32
      %lt3A = arith.constant 40 : i32
      %lt3A_66 = arith.cmpi slt, %add3A_65, %lt3A : i32
      %convert_element_type3A = arith.extui %lt3A_66 : i1 to i32
      %cond3A = arith.constant 0 : i32
      %cond3A_67 = arith.cmpi ne, %convert_element_type3A, %cond3A : i32
      scf.if %cond3A_67 {
        %add3A_83 = arith.constant 2 : i32
        %add3A_84 = arith.addi %add3A_58, %add3A_83 : i32
        %dma_start3A_85 = arith.constant 0 : i32
        %dma_start3A_86 = tpu.memref_slice %arg8[%add3A_84, %dma_start3A_85] : memref<40x128xi32, #tpu.memory_space<vmem>> -> memref<1x128xi32, #tpu.memory_space<vmem>>
        %dma_start3A_87 = tpu.memref_squeeze %dma_start3A_86 : memref<1x128xi32, #tpu.memory_space<vmem>> -> memref<128xi32, #tpu.memory_space<vmem>>
        %dma_start3A_88 = arith.constant 0 : i32
        %dma_start3A_89 = arith.constant 0 : i32
        %dma_start3A_90 = tpu.memref_slice %arg2[%dma_start3A_88, %dma_start3A_89] : memref<10000x128xf32, #tpu.memory_space<hbm>> -> memref<10000x128xf32, #tpu.memory_space<hbm>>
        tpu.enqueue_indirect_dma source(%dma_start3A_90 : memref<10000x128xf32, #tpu.memory_space<hbm>>) target(%arg10 : memref<128x128xf32, #tpu.memory_space<vmem>>) offsets(%dma_start3A_87 : memref<128xi32, #tpu.memory_space<vmem>>) semaphore(%arg12 : memref<!tpu.dma_semaphore, #tpu.memory_space<semaphore_mem>>)
      } else {
      }
      %add3A_68 = arith.constant 1 : i32
      %add3A_69 = arith.addi %mul3A_56, %add3A_68 : i32
      %dma_wait3A_70 = arith.constant 0 : i32
      %dma_wait3A_71 = tpu.memref_slice %arg8[%add3A_69, %dma_wait3A_70] : memref<40x128xi32, #tpu.memory_space<vmem>> -> memref<1x128xi32, #tpu.memory_space<vmem>>
      %dma_wait3A_72 = tpu.memref_squeeze %dma_wait3A_71 : memref<1x128xi32, #tpu.memory_space<vmem>> -> memref<128xi32, #tpu.memory_space<vmem>>
      %dma_wait3A_73 = arith.constant 0 : i32
      %dma_wait3A_74 = arith.constant 0 : i32
      %dma_wait3A_75 = tpu.memref_slice %arg2[%dma_wait3A_73, %dma_wait3A_74] : memref<10000x128xf32, #tpu.memory_space<hbm>> -> memref<10000x128xf32, #tpu.memory_space<hbm>>
      tpu.wait_indirect_dma semaphore(%arg13 : memref<!tpu.dma_semaphore, #tpu.memory_space<semaphore_mem>>) src(%dma_wait3A_75 : memref<10000x128xf32, #tpu.memory_space<hbm>>) dst(%arg11 : memref<128x128xf32, #tpu.memory_space<vmem>>)
      "tpu.region"() ({
        %run_scoped3A = tpu.sem_alloc : memref<!tpu.dma_semaphore, #tpu.memory_space<semaphore_mem>>
        %dma_start3A_83 = arith.constant 0 : i32
        %dma_start3A_84 = tpu.memref_slice %arg9[%add3A_69, %dma_start3A_83] : memref<40x128xi32, #tpu.memory_space<vmem>> -> memref<1x128xi32, #tpu.memory_space<vmem>>
        %dma_start3A_85 = tpu.memref_squeeze %dma_start3A_84 : memref<1x128xi32, #tpu.memory_space<vmem>> -> memref<128xi32, #tpu.memory_space<vmem>>
        %dma_start3A_86 = arith.constant 0 : i32
        %dma_start3A_87 = arith.constant 0 : i32
        %dma_start3A_88 = tpu.memref_slice %arg7[%dma_start3A_86, %dma_start3A_87] : memref<10112x128xf32, #tpu.memory_space<vmem_shared>> -> memref<10112x128xf32, #tpu.memory_space<vmem_shared>>
        tpu.enqueue_indirect_dma source(%arg11 : memref<128x128xf32, #tpu.memory_space<vmem>>) target(%dma_start3A_88 : memref<10112x128xf32, #tpu.memory_space<vmem_shared>>) offsets(%dma_start3A_85 : memref<128xi32, #tpu.memory_space<vmem>>) semaphore(%run_scoped3A : memref<!tpu.dma_semaphore, #tpu.memory_space<semaphore_mem>>) {add = true}
        %dma_wait3A_89 = arith.constant 0 : i32
        %dma_wait3A_90 = tpu.memref_slice %arg9[%add3A_69, %dma_wait3A_89] : memref<40x128xi32, #tpu.memory_space<vmem>> -> memref<1x128xi32, #tpu.memory_space<vmem>>
        %dma_wait3A_91 = tpu.memref_squeeze %dma_wait3A_90 : memref<1x128xi32, #tpu.memory_space<vmem>> -> memref<128xi32, #tpu.memory_space<vmem>>
        %dma_wait3A_92 = arith.constant 0 : i32
        %dma_wait3A_93 = arith.constant 0 : i32
        %dma_wait3A_94 = tpu.memref_slice %arg7[%dma_wait3A_92, %dma_wait3A_93] : memref<10112x128xf32, #tpu.memory_space<vmem_shared>> -> memref<10112x128xf32, #tpu.memory_space<vmem_shared>>
        tpu.wait_indirect_dma semaphore(%run_scoped3A : memref<!tpu.dma_semaphore, #tpu.memory_space<semaphore_mem>>) src(%arg11 : memref<128x128xf32, #tpu.memory_space<vmem>>) dst(%dma_wait3A_94 : memref<10112x128xf32, #tpu.memory_space<vmem_shared>>)
        tpu.yield
      }) : () -> ()
      %add3A_76 = arith.constant 2 : i32
      %add3A_77 = arith.addi %add3A_69, %add3A_76 : i32
      %lt3A_78 = arith.constant 40 : i32
      %lt3A_79 = arith.cmpi slt, %add3A_77, %lt3A_78 : i32
      %convert_element_type3A_80 = arith.extui %lt3A_79 : i1 to i32
      %cond3A_81 = arith.constant 0 : i32
      %cond3A_82 = arith.cmpi ne, %convert_element_type3A_80, %cond3A_81 : i32
      scf.if %cond3A_82 {
        %add3A_83 = arith.constant 2 : i32
        %add3A_84 = arith.addi %add3A_69, %add3A_83 : i32
        %dma_start3A_85 = arith.constant 0 : i32
        %dma_start3A_86 = tpu.memref_slice %arg8[%add3A_84, %dma_start3A_85] : memref<40x128xi32, #tpu.memory_space<vmem>> -> memref<1x128xi32, #tpu.memory_space<vmem>>
        %dma_start3A_87 = tpu.memref_squeeze %dma_start3A_86 : memref<1x128xi32, #tpu.memory_space<vmem>> -> memref<128xi32, #tpu.memory_space<vmem>>
        %dma_start3A_88 = arith.constant 0 : i32
        %dma_start3A_89 = arith.constant 0 : i32
        %dma_start3A_90 = tpu.memref_slice %arg2[%dma_start3A_88, %dma_start3A_89] : memref<10000x128xf32, #tpu.memory_space<hbm>> -> memref<10000x128xf32, #tpu.memory_space<hbm>>
        tpu.enqueue_indirect_dma source(%dma_start3A_90 : memref<10000x128xf32, #tpu.memory_space<hbm>>) target(%arg11 : memref<128x128xf32, #tpu.memory_space<vmem>>) offsets(%dma_start3A_87 : memref<128xi32, #tpu.memory_space<vmem>>) semaphore(%arg13 : memref<!tpu.dma_semaphore, #tpu.memory_space<semaphore_mem>>)
      } else {
      }
    }
    %scan3A_48 = arith.constant 20 : i32
    %barrier3A_49 = arith.constant 0 : index
    tpu.barrier barrier_id(%barrier3A_49)
    %mul3A_50 = arith.constant 632 : i32
    %mul3A_51 = arith.muli %arg1, %mul3A_50 : i32
    %mul3A_52 = arith.constant 632 : i32
    %mul3A_53 = arith.muli %arg1, %mul3A_52 : i32
    "tpu.region"() ({
      %run_scoped3A = tpu.sem_alloc : memref<!tpu.dma_semaphore, #tpu.memory_space<semaphore_mem>>
      %dma_start3A_54 = arith.constant 0 : i32
      %dma_start3A_55 = tpu.memref_slice %arg6[%arg0, %mul3A_53, %dma_start3A_54] : memref<2x10112x128xf32, #tpu.memory_space<hbm>> -> memref<1x632x128xf32, #tpu.memory_space<hbm>>
      %dma_start3A_56 = tpu.memref_squeeze %dma_start3A_55 : memref<1x632x128xf32, #tpu.memory_space<hbm>> -> memref<632x128xf32, #tpu.memory_space<hbm>>
      %dma_start3A_57 = arith.constant 0 : i32
      %dma_start3A_58 = tpu.memref_slice %arg7[%mul3A_51, %dma_start3A_57] : memref<10112x128xf32, #tpu.memory_space<vmem_shared>> -> memref<632x128xf32, #tpu.memory_space<vmem_shared>>
      tpu.enqueue_dma source(%dma_start3A_58 : memref<632x128xf32, #tpu.memory_space<vmem_shared>>) target(%dma_start3A_56 : memref<632x128xf32, #tpu.memory_space<hbm>>) target_semaphore(%run_scoped3A : memref<!tpu.dma_semaphore, #tpu.memory_space<semaphore_mem>>)
      %dma_wait3A = arith.constant 0 : i32
      %dma_wait3A_59 = tpu.memref_slice %arg6[%arg0, %mul3A_53, %dma_wait3A] : memref<2x10112x128xf32, #tpu.memory_space<hbm>> -> memref<1x632x128xf32, #tpu.memory_space<hbm>>
      %dma_wait3A_60 = tpu.memref_squeeze %dma_wait3A_59 : memref<1x632x128xf32, #tpu.memory_space<hbm>> -> memref<632x128xf32, #tpu.memory_space<hbm>>
      %dma_wait3A_61 = arith.constant 0 : i32
      %dma_wait3A_62 = tpu.memref_slice %arg7[%mul3A_51, %dma_wait3A_61] : memref<10112x128xf32, #tpu.memory_space<vmem_shared>> -> memref<632x128xf32, #tpu.memory_space<vmem_shared>>
      tpu.wait_dma2 semaphore(%run_scoped3A : memref<!tpu.dma_semaphore, #tpu.memory_space<semaphore_mem>>) src(%dma_wait3A_62 : memref<632x128xf32, #tpu.memory_space<vmem_shared>>) dst(%dma_wait3A_60 : memref<632x128xf32, #tpu.memory_space<hbm>>)
      tpu.yield
    }) : () -> ()
    return
  }
}

#map = affine_map<(d0, d1) -> (0, 0)>
#map1 = affine_map<(d0, d1) -> (0, 0, 0)>
module attributes {stable_mosaic.version = 14 : i64} {
  func.func @sc_agg(%arg0: i32, %arg1: i32, %arg2: memref<10000x128xf32, #tpu.memory_space<hbm>>, %arg3: memref<2560x128xi32, #tpu.memory_space<hbm>>, %arg4: memref<2560x128xi32, #tpu.memory_space<hbm>>, %arg5: memref<10112x128xf32, #tpu.memory_space<hbm>>, %arg6: memref<2x10112x128xf32, #tpu.memory_space<hbm>>, %arg7: memref<10112x128xf32, #tpu.memory_space<vmem_shared>>, %arg8: memref<40x128xi32, #tpu.memory_space<vmem>>, %arg9: memref<40x128xi32, #tpu.memory_space<vmem>>, %arg10: memref<128x128xf32, #tpu.memory_space<vmem>>, %arg11: memref<128x128xf32, #tpu.memory_space<vmem>>, %arg12: memref<!tpu.dma_semaphore, #tpu.memory_space<semaphore_mem>>, %arg13: memref<!tpu.dma_semaphore, #tpu.memory_space<semaphore_mem>>) attributes {dimension_semantics = [#tpu.dimension_semantics<core_parallel>, #tpu.dimension_semantics<subcore_parallel>], iteration_bounds = array<i64: 2, 16>, scalar_prefetch = 0 : i64, scratch_operands = 7 : i64, tpu.core_type = #tpu.core_type<sc_vector_subcore>, window_params = [{transform_indices = #map}, {transform_indices = #map}, {transform_indices = #map}, {transform_indices = #map}, {transform_indices = #map1}]} {
    %mul3A = arith.constant 632 : i32
    %mul3A_0 = arith.muli %arg1, %mul3A : i32
    %mul3A_1 = arith.constant 632 : i32
    %mul3A_2 = arith.muli %arg1, %mul3A_1 : i32
    "tpu.region"() ({
      %run_scoped3A = tpu.sem_alloc : memref<!tpu.dma_semaphore, #tpu.memory_space<semaphore_mem>>
      %dma_start3A_54 = arith.constant 0 : i32
      %dma_start3A_55 = tpu.memref_slice %arg7[%mul3A_2, %dma_start3A_54] : memref<10112x128xf32, #tpu.memory_space<vmem_shared>> -> memref<632x128xf32, #tpu.memory_space<vmem_shared>>
      %dma_start3A_56 = arith.constant 0 : i32
      %dma_start3A_57 = tpu.memref_slice %arg5[%mul3A_0, %dma_start3A_56] : memref<10112x128xf32, #tpu.memory_space<hbm>> -> memref<632x128xf32, #tpu.memory_space<hbm>>
      tpu.enqueue_dma source(%dma_start3A_57 : memref<632x128xf32, #tpu.memory_space<hbm>>) target(%dma_start3A_55 : memref<632x128xf32, #tpu.memory_space<vmem_shared>>) target_semaphore(%run_scoped3A : memref<!tpu.dma_semaphore, #tpu.memory_space<semaphore_mem>>)
      %dma_wait3A = arith.constant 0 : i32
      %dma_wait3A_58 = tpu.memref_slice %arg7[%mul3A_2, %dma_wait3A] : memref<10112x128xf32, #tpu.memory_space<vmem_shared>> -> memref<632x128xf32, #tpu.memory_space<vmem_shared>>
      %dma_wait3A_59 = arith.constant 0 : i32
      %dma_wait3A_60 = tpu.memref_slice %arg5[%mul3A_0, %dma_wait3A_59] : memref<10112x128xf32, #tpu.memory_space<hbm>> -> memref<632x128xf32, #tpu.memory_space<hbm>>
      tpu.wait_dma2 semaphore(%run_scoped3A : memref<!tpu.dma_semaphore, #tpu.memory_space<semaphore_mem>>) src(%dma_wait3A_60 : memref<632x128xf32, #tpu.memory_space<hbm>>) dst(%dma_wait3A_58 : memref<632x128xf32, #tpu.memory_space<vmem_shared>>)
      tpu.yield
    }) : () -> ()
    %barrier3A = arith.constant 0 : index
    tpu.barrier barrier_id(%barrier3A)
    %mul3A_3 = arith.constant 16 : i32
    %mul3A_4 = arith.muli %arg0, %mul3A_3 : i32
    %add3A = arith.addi %mul3A_4, %arg1 : i32
    %mul3A_5 = arith.constant 80 : i32
    %mul3A_6 = arith.muli %add3A, %mul3A_5 : i32
    %add3A_7 = arith.constant 0 : i32
    %add3A_8 = arith.addi %mul3A_6, %add3A_7 : i32
    "tpu.region"() ({
      %run_scoped3A = tpu.sem_alloc : memref<!tpu.dma_semaphore, #tpu.memory_space<semaphore_mem>>
      %dma_start3A_54 = arith.constant 0 : i32
      %dma_start3A_55 = tpu.memref_slice %arg3[%add3A_8, %dma_start3A_54] : memref<2560x128xi32, #tpu.memory_space<hbm>> -> memref<40x128xi32, #tpu.memory_space<hbm>>
      %dma_start3A_56 = arith.constant 0 : i32
      %dma_start3A_57 = tpu.memref_slice %arg3[%add3A_8, %dma_start3A_56] : memref<2560x128xi32, #tpu.memory_space<hbm>> -> memref<40x128xi32, #tpu.memory_space<hbm>>
      tpu.enqueue_dma source(%dma_start3A_57 : memref<40x128xi32, #tpu.memory_space<hbm>>) target(%arg8 : memref<40x128xi32, #tpu.memory_space<vmem>>) target_semaphore(%run_scoped3A : memref<!tpu.dma_semaphore, #tpu.memory_space<semaphore_mem>>)
      %dma_wait3A = arith.constant 0 : i32
      %dma_wait3A_58 = tpu.memref_slice %arg3[%add3A_8, %dma_wait3A] : memref<2560x128xi32, #tpu.memory_space<hbm>> -> memref<40x128xi32, #tpu.memory_space<hbm>>
      %dma_wait3A_59 = arith.constant 0 : i32
      %dma_wait3A_60 = tpu.memref_slice %arg3[%add3A_8, %dma_wait3A_59] : memref<2560x128xi32, #tpu.memory_space<hbm>> -> memref<40x128xi32, #tpu.memory_space<hbm>>
      tpu.wait_dma2 semaphore(%run_scoped3A : memref<!tpu.dma_semaphore, #tpu.memory_space<semaphore_mem>>) src(%dma_wait3A_60 : memref<40x128xi32, #tpu.memory_space<hbm>>) dst(%arg8 : memref<40x128xi32, #tpu.memory_space<vmem>>)
      tpu.yield
    }) : () -> ()
    "tpu.region"() ({
      %run_scoped3A = tpu.sem_alloc : memref<!tpu.dma_semaphore, #tpu.memory_space<semaphore_mem>>
      %dma_start3A_54 = arith.constant 0 : i32
      %dma_start3A_55 = tpu.memref_slice %arg4[%add3A_8, %dma_start3A_54] : memref<2560x128xi32, #tpu.memory_space<hbm>> -> memref<40x128xi32, #tpu.memory_space<hbm>>
      %dma_start3A_56 = arith.constant 0 : i32
      %dma_start3A_57 = tpu.memref_slice %arg4[%add3A_8, %dma_start3A_56] : memref<2560x128xi32, #tpu.memory_space<hbm>> -> memref<40x128xi32, #tpu.memory_space<hbm>>
      tpu.enqueue_dma source(%dma_start3A_57 : memref<40x128xi32, #tpu.memory_space<hbm>>) target(%arg9 : memref<40x128xi32, #tpu.memory_space<vmem>>) target_semaphore(%run_scoped3A : memref<!tpu.dma_semaphore, #tpu.memory_space<semaphore_mem>>)
      %dma_wait3A = arith.constant 0 : i32
      %dma_wait3A_58 = tpu.memref_slice %arg4[%add3A_8, %dma_wait3A] : memref<2560x128xi32, #tpu.memory_space<hbm>> -> memref<40x128xi32, #tpu.memory_space<hbm>>
      %dma_wait3A_59 = arith.constant 0 : i32
      %dma_wait3A_60 = tpu.memref_slice %arg4[%add3A_8, %dma_wait3A_59] : memref<2560x128xi32, #tpu.memory_space<hbm>> -> memref<40x128xi32, #tpu.memory_space<hbm>>
      tpu.wait_dma2 semaphore(%run_scoped3A : memref<!tpu.dma_semaphore, #tpu.memory_space<semaphore_mem>>) src(%dma_wait3A_60 : memref<40x128xi32, #tpu.memory_space<hbm>>) dst(%arg9 : memref<40x128xi32, #tpu.memory_space<vmem>>)
      tpu.yield
    }) : () -> ()
    %dma_start3A = arith.constant 0 : i32
    %dma_start3A_9 = arith.constant 0 : i32
    %dma_start3A_10 = tpu.memref_slice %arg8[%dma_start3A, %dma_start3A_9] : memref<40x128xi32, #tpu.memory_space<vmem>> -> memref<1x128xi32, #tpu.memory_space<vmem>>
    %dma_start3A_11 = tpu.memref_squeeze %dma_start3A_10 : memref<1x128xi32, #tpu.memory_space<vmem>> -> memref<128xi32, #tpu.memory_space<vmem>>
    %dma_start3A_12 = arith.constant 0 : i32
    %dma_start3A_13 = arith.constant 0 : i32
    %dma_start3A_14 = tpu.memref_slice %arg2[%dma_start3A_12, %dma_start3A_13] : memref<10000x128xf32, #tpu.memory_space<hbm>> -> memref<10000x128xf32, #tpu.memory_space<hbm>>
    tpu.enqueue_indirect_dma source(%dma_start3A_14 : memref<10000x128xf32, #tpu.memory_space<hbm>>) target(%arg10 : memref<128x128xf32, #tpu.memory_space<vmem>>) offsets(%dma_start3A_11 : memref<128xi32, #tpu.memory_space<vmem>>) semaphore(%arg12 : memref<!tpu.dma_semaphore, #tpu.memory_space<semaphore_mem>>)
    %dma_start3A_15 = arith.constant 1 : i32
    %dma_start3A_16 = arith.constant 0 : i32
    %dma_start3A_17 = tpu.memref_slice %arg8[%dma_start3A_15, %dma_start3A_16] : memref<40x128xi32, #tpu.memory_space<vmem>> -> memref<1x128xi32, #tpu.memory_space<vmem>>
    %dma_start3A_18 = tpu.memref_squeeze %dma_start3A_17 : memref<1x128xi32, #tpu.memory_space<vmem>> -> memref<128xi32, #tpu.memory_space<vmem>>
    %dma_start3A_19 = arith.constant 0 : i32
    %dma_start3A_20 = arith.constant 0 : i32
    %dma_start3A_21 = tpu.memref_slice %arg2[%dma_start3A_19, %dma_start3A_20] : memref<10000x128xf32, #tpu.memory_space<hbm>> -> memref<10000x128xf32, #tpu.memory_space<hbm>>
    tpu.enqueue_indirect_dma source(%dma_start3A_21 : memref<10000x128xf32, #tpu.memory_space<hbm>>) target(%arg11 : memref<128x128xf32, #tpu.memory_space<vmem>>) offsets(%dma_start3A_18 : memref<128xi32, #tpu.memory_space<vmem>>) semaphore(%arg13 : memref<!tpu.dma_semaphore, #tpu.memory_space<semaphore_mem>>)
    %scan3A = arith.constant 0 : i32
    %scan3A_22 = arith.constant 0 : i32
    %scan3A_23 = arith.constant 20 : i32
    %scan3A_24 = arith.addi %scan3A_22, %scan3A_23 : i32
    %scan3A_25 = arith.constant 1 : i32
    scf.for %scan3A_54 = %scan3A_22 to %scan3A_24 step %scan3A_25  : i32 {
      %mul3A_55 = arith.constant 2 : i32
      %mul3A_56 = arith.muli %mul3A_55, %scan3A_54 : i32
      %add3A_57 = arith.constant 0 : i32
      %add3A_58 = arith.addi %mul3A_56, %add3A_57 : i32
      %dma_wait3A = arith.constant 0 : i32
      %dma_wait3A_59 = tpu.memref_slice %arg8[%add3A_58, %dma_wait3A] : memref<40x128xi32, #tpu.memory_space<vmem>> -> memref<1x128xi32, #tpu.memory_space<vmem>>
      %dma_wait3A_60 = tpu.memref_squeeze %dma_wait3A_59 : memref<1x128xi32, #tpu.memory_space<vmem>> -> memref<128xi32, #tpu.memory_space<vmem>>
      %dma_wait3A_61 = arith.constant 0 : i32
      %dma_wait3A_62 = arith.constant 0 : i32
      %dma_wait3A_63 = tpu.memref_slice %arg2[%dma_wait3A_61, %dma_wait3A_62] : memref<10000x128xf32, #tpu.memory_space<hbm>> -> memref<10000x128xf32, #tpu.memory_space<hbm>>
      tpu.wait_indirect_dma semaphore(%arg12 : memref<!tpu.dma_semaphore, #tpu.memory_space<semaphore_mem>>) src(%dma_wait3A_63 : memref<10000x128xf32, #tpu.memory_space<hbm>>) dst(%arg10 : memref<128x128xf32, #tpu.memory_space<vmem>>)
      "tpu.region"() ({
        %run_scoped3A = tpu.sem_alloc : memref<!tpu.dma_semaphore, #tpu.memory_space<semaphore_mem>>
        %dma_start3A_83 = arith.constant 0 : i32
        %dma_start3A_84 = tpu.memref_slice %arg9[%add3A_58, %dma_start3A_83] : memref<40x128xi32, #tpu.memory_space<vmem>> -> memref<1x128xi32, #tpu.memory_space<vmem>>
        %dma_start3A_85 = tpu.memref_squeeze %dma_start3A_84 : memref<1x128xi32, #tpu.memory_space<vmem>> -> memref<128xi32, #tpu.memory_space<vmem>>
        %dma_start3A_86 = arith.constant 0 : i32
        %dma_start3A_87 = arith.constant 0 : i32
        %dma_start3A_88 = tpu.memref_slice %arg7[%dma_start3A_86, %dma_start3A_87] : memref<10112x128xf32, #tpu.memory_space<vmem_shared>> -> memref<10112x128xf32, #tpu.memory_space<vmem_shared>>
        tpu.enqueue_indirect_dma source(%arg10 : memref<128x128xf32, #tpu.memory_space<vmem>>) target(%dma_start3A_88 : memref<10112x128xf32, #tpu.memory_space<vmem_shared>>) offsets(%dma_start3A_85 : memref<128xi32, #tpu.memory_space<vmem>>) semaphore(%run_scoped3A : memref<!tpu.dma_semaphore, #tpu.memory_space<semaphore_mem>>) {add = true}
        %dma_wait3A_89 = arith.constant 0 : i32
        %dma_wait3A_90 = tpu.memref_slice %arg9[%add3A_58, %dma_wait3A_89] : memref<40x128xi32, #tpu.memory_space<vmem>> -> memref<1x128xi32, #tpu.memory_space<vmem>>
        %dma_wait3A_91 = tpu.memref_squeeze %dma_wait3A_90 : memref<1x128xi32, #tpu.memory_space<vmem>> -> memref<128xi32, #tpu.memory_space<vmem>>
        %dma_wait3A_92 = arith.constant 0 : i32
        %dma_wait3A_93 = arith.constant 0 : i32
        %dma_wait3A_94 = tpu.memref_slice %arg7[%dma_wait3A_92, %dma_wait3A_93] : memref<10112x128xf32, #tpu.memory_space<vmem_shared>> -> memref<10112x128xf32, #tpu.memory_space<vmem_shared>>
        tpu.wait_indirect_dma semaphore(%run_scoped3A : memref<!tpu.dma_semaphore, #tpu.memory_space<semaphore_mem>>) src(%arg10 : memref<128x128xf32, #tpu.memory_space<vmem>>) dst(%dma_wait3A_94 : memref<10112x128xf32, #tpu.memory_space<vmem_shared>>)
        tpu.yield
      }) : () -> ()
      %add3A_64 = arith.constant 2 : i32
      %add3A_65 = arith.addi %add3A_58, %add3A_64 : i32
      %lt3A = arith.constant 40 : i32
      %lt3A_66 = arith.cmpi slt, %add3A_65, %lt3A : i32
      %convert_element_type3A = arith.extui %lt3A_66 : i1 to i32
      %cond3A = arith.constant 0 : i32
      %cond3A_67 = arith.cmpi ne, %convert_element_type3A, %cond3A : i32
      scf.if %cond3A_67 {
        %add3A_83 = arith.constant 2 : i32
        %add3A_84 = arith.addi %add3A_58, %add3A_83 : i32
        %dma_start3A_85 = arith.constant 0 : i32
        %dma_start3A_86 = tpu.memref_slice %arg8[%add3A_84, %dma_start3A_85] : memref<40x128xi32, #tpu.memory_space<vmem>> -> memref<1x128xi32, #tpu.memory_space<vmem>>
        %dma_start3A_87 = tpu.memref_squeeze %dma_start3A_86 : memref<1x128xi32, #tpu.memory_space<vmem>> -> memref<128xi32, #tpu.memory_space<vmem>>
        %dma_start3A_88 = arith.constant 0 : i32
        %dma_start3A_89 = arith.constant 0 : i32
        %dma_start3A_90 = tpu.memref_slice %arg2[%dma_start3A_88, %dma_start3A_89] : memref<10000x128xf32, #tpu.memory_space<hbm>> -> memref<10000x128xf32, #tpu.memory_space<hbm>>
        tpu.enqueue_indirect_dma source(%dma_start3A_90 : memref<10000x128xf32, #tpu.memory_space<hbm>>) target(%arg10 : memref<128x128xf32, #tpu.memory_space<vmem>>) offsets(%dma_start3A_87 : memref<128xi32, #tpu.memory_space<vmem>>) semaphore(%arg12 : memref<!tpu.dma_semaphore, #tpu.memory_space<semaphore_mem>>)
      } else {
      }
      %add3A_68 = arith.constant 1 : i32
      %add3A_69 = arith.addi %mul3A_56, %add3A_68 : i32
      %dma_wait3A_70 = arith.constant 0 : i32
      %dma_wait3A_71 = tpu.memref_slice %arg8[%add3A_69, %dma_wait3A_70] : memref<40x128xi32, #tpu.memory_space<vmem>> -> memref<1x128xi32, #tpu.memory_space<vmem>>
      %dma_wait3A_72 = tpu.memref_squeeze %dma_wait3A_71 : memref<1x128xi32, #tpu.memory_space<vmem>> -> memref<128xi32, #tpu.memory_space<vmem>>
      %dma_wait3A_73 = arith.constant 0 : i32
      %dma_wait3A_74 = arith.constant 0 : i32
      %dma_wait3A_75 = tpu.memref_slice %arg2[%dma_wait3A_73, %dma_wait3A_74] : memref<10000x128xf32, #tpu.memory_space<hbm>> -> memref<10000x128xf32, #tpu.memory_space<hbm>>
      tpu.wait_indirect_dma semaphore(%arg13 : memref<!tpu.dma_semaphore, #tpu.memory_space<semaphore_mem>>) src(%dma_wait3A_75 : memref<10000x128xf32, #tpu.memory_space<hbm>>) dst(%arg11 : memref<128x128xf32, #tpu.memory_space<vmem>>)
      "tpu.region"() ({
        %run_scoped3A = tpu.sem_alloc : memref<!tpu.dma_semaphore, #tpu.memory_space<semaphore_mem>>
        %dma_start3A_83 = arith.constant 0 : i32
        %dma_start3A_84 = tpu.memref_slice %arg9[%add3A_69, %dma_start3A_83] : memref<40x128xi32, #tpu.memory_space<vmem>> -> memref<1x128xi32, #tpu.memory_space<vmem>>
        %dma_start3A_85 = tpu.memref_squeeze %dma_start3A_84 : memref<1x128xi32, #tpu.memory_space<vmem>> -> memref<128xi32, #tpu.memory_space<vmem>>
        %dma_start3A_86 = arith.constant 0 : i32
        %dma_start3A_87 = arith.constant 0 : i32
        %dma_start3A_88 = tpu.memref_slice %arg7[%dma_start3A_86, %dma_start3A_87] : memref<10112x128xf32, #tpu.memory_space<vmem_shared>> -> memref<10112x128xf32, #tpu.memory_space<vmem_shared>>
        tpu.enqueue_indirect_dma source(%arg11 : memref<128x128xf32, #tpu.memory_space<vmem>>) target(%dma_start3A_88 : memref<10112x128xf32, #tpu.memory_space<vmem_shared>>) offsets(%dma_start3A_85 : memref<128xi32, #tpu.memory_space<vmem>>) semaphore(%run_scoped3A : memref<!tpu.dma_semaphore, #tpu.memory_space<semaphore_mem>>) {add = true}
        %dma_wait3A_89 = arith.constant 0 : i32
        %dma_wait3A_90 = tpu.memref_slice %arg9[%add3A_69, %dma_wait3A_89] : memref<40x128xi32, #tpu.memory_space<vmem>> -> memref<1x128xi32, #tpu.memory_space<vmem>>
        %dma_wait3A_91 = tpu.memref_squeeze %dma_wait3A_90 : memref<1x128xi32, #tpu.memory_space<vmem>> -> memref<128xi32, #tpu.memory_space<vmem>>
        %dma_wait3A_92 = arith.constant 0 : i32
        %dma_wait3A_93 = arith.constant 0 : i32
        %dma_wait3A_94 = tpu.memref_slice %arg7[%dma_wait3A_92, %dma_wait3A_93] : memref<10112x128xf32, #tpu.memory_space<vmem_shared>> -> memref<10112x128xf32, #tpu.memory_space<vmem_shared>>
        tpu.wait_indirect_dma semaphore(%run_scoped3A : memref<!tpu.dma_semaphore, #tpu.memory_space<semaphore_mem>>) src(%arg11 : memref<128x128xf32, #tpu.memory_space<vmem>>) dst(%dma_wait3A_94 : memref<10112x128xf32, #tpu.memory_space<vmem_shared>>)
        tpu.yield
      }) : () -> ()
      %add3A_76 = arith.constant 2 : i32
      %add3A_77 = arith.addi %add3A_69, %add3A_76 : i32
      %lt3A_78 = arith.constant 40 : i32
      %lt3A_79 = arith.cmpi slt, %add3A_77, %lt3A_78 : i32
      %convert_element_type3A_80 = arith.extui %lt3A_79 : i1 to i32
      %cond3A_81 = arith.constant 0 : i32
      %cond3A_82 = arith.cmpi ne, %convert_element_type3A_80, %cond3A_81 : i32
      scf.if %cond3A_82 {
        %add3A_83 = arith.constant 2 : i32
        %add3A_84 = arith.addi %add3A_69, %add3A_83 : i32
        %dma_start3A_85 = arith.constant 0 : i32
        %dma_start3A_86 = tpu.memref_slice %arg8[%add3A_84, %dma_start3A_85] : memref<40x128xi32, #tpu.memory_space<vmem>> -> memref<1x128xi32, #tpu.memory_space<vmem>>
        %dma_start3A_87 = tpu.memref_squeeze %dma_start3A_86 : memref<1x128xi32, #tpu.memory_space<vmem>> -> memref<128xi32, #tpu.memory_space<vmem>>
        %dma_start3A_88 = arith.constant 0 : i32
        %dma_start3A_89 = arith.constant 0 : i32
        %dma_start3A_90 = tpu.memref_slice %arg2[%dma_start3A_88, %dma_start3A_89] : memref<10000x128xf32, #tpu.memory_space<hbm>> -> memref<10000x128xf32, #tpu.memory_space<hbm>>
        tpu.enqueue_indirect_dma source(%dma_start3A_90 : memref<10000x128xf32, #tpu.memory_space<hbm>>) target(%arg11 : memref<128x128xf32, #tpu.memory_space<vmem>>) offsets(%dma_start3A_87 : memref<128xi32, #tpu.memory_space<vmem>>) semaphore(%arg13 : memref<!tpu.dma_semaphore, #tpu.memory_space<semaphore_mem>>)
      } else {
      }
    }
    %scan3A_26 = arith.constant 20 : i32
    %add3A_27 = arith.constant 40 : i32
    %add3A_28 = arith.addi %mul3A_6, %add3A_27 : i32
    "tpu.region"() ({
      %run_scoped3A = tpu.sem_alloc : memref<!tpu.dma_semaphore, #tpu.memory_space<semaphore_mem>>
      %dma_start3A_54 = arith.constant 0 : i32
      %dma_start3A_55 = tpu.memref_slice %arg3[%add3A_28, %dma_start3A_54] : memref<2560x128xi32, #tpu.memory_space<hbm>> -> memref<40x128xi32, #tpu.memory_space<hbm>>
      %dma_start3A_56 = arith.constant 0 : i32
      %dma_start3A_57 = tpu.memref_slice %arg3[%add3A_28, %dma_start3A_56] : memref<2560x128xi32, #tpu.memory_space<hbm>> -> memref<40x128xi32, #tpu.memory_space<hbm>>
      tpu.enqueue_dma source(%dma_start3A_57 : memref<40x128xi32, #tpu.memory_space<hbm>>) target(%arg8 : memref<40x128xi32, #tpu.memory_space<vmem>>) target_semaphore(%run_scoped3A : memref<!tpu.dma_semaphore, #tpu.memory_space<semaphore_mem>>)
      %dma_wait3A = arith.constant 0 : i32
      %dma_wait3A_58 = tpu.memref_slice %arg3[%add3A_28, %dma_wait3A] : memref<2560x128xi32, #tpu.memory_space<hbm>> -> memref<40x128xi32, #tpu.memory_space<hbm>>
      %dma_wait3A_59 = arith.constant 0 : i32
      %dma_wait3A_60 = tpu.memref_slice %arg3[%add3A_28, %dma_wait3A_59] : memref<2560x128xi32, #tpu.memory_space<hbm>> -> memref<40x128xi32, #tpu.memory_space<hbm>>
      tpu.wait_dma2 semaphore(%run_scoped3A : memref<!tpu.dma_semaphore, #tpu.memory_space<semaphore_mem>>) src(%dma_wait3A_60 : memref<40x128xi32, #tpu.memory_space<hbm>>) dst(%arg8 : memref<40x128xi32, #tpu.memory_space<vmem>>)
      tpu.yield
    }) : () -> ()
    "tpu.region"() ({
      %run_scoped3A = tpu.sem_alloc : memref<!tpu.dma_semaphore, #tpu.memory_space<semaphore_mem>>
      %dma_start3A_54 = arith.constant 0 : i32
      %dma_start3A_55 = tpu.memref_slice %arg4[%add3A_28, %dma_start3A_54] : memref<2560x128xi32, #tpu.memory_space<hbm>> -> memref<40x128xi32, #tpu.memory_space<hbm>>
      %dma_start3A_56 = arith.constant 0 : i32
      %dma_start3A_57 = tpu.memref_slice %arg4[%add3A_28, %dma_start3A_56] : memref<2560x128xi32, #tpu.memory_space<hbm>> -> memref<40x128xi32, #tpu.memory_space<hbm>>
      tpu.enqueue_dma source(%dma_start3A_57 : memref<40x128xi32, #tpu.memory_space<hbm>>) target(%arg9 : memref<40x128xi32, #tpu.memory_space<vmem>>) target_semaphore(%run_scoped3A : memref<!tpu.dma_semaphore, #tpu.memory_space<semaphore_mem>>)
      %dma_wait3A = arith.constant 0 : i32
      %dma_wait3A_58 = tpu.memref_slice %arg4[%add3A_28, %dma_wait3A] : memref<2560x128xi32, #tpu.memory_space<hbm>> -> memref<40x128xi32, #tpu.memory_space<hbm>>
      %dma_wait3A_59 = arith.constant 0 : i32
      %dma_wait3A_60 = tpu.memref_slice %arg4[%add3A_28, %dma_wait3A_59] : memref<2560x128xi32, #tpu.memory_space<hbm>> -> memref<40x128xi32, #tpu.memory_space<hbm>>
      tpu.wait_dma2 semaphore(%run_scoped3A : memref<!tpu.dma_semaphore, #tpu.memory_space<semaphore_mem>>) src(%dma_wait3A_60 : memref<40x128xi32, #tpu.memory_space<hbm>>) dst(%arg9 : memref<40x128xi32, #tpu.memory_space<vmem>>)
      tpu.yield
    }) : () -> ()
    %dma_start3A_29 = arith.constant 0 : i32
    %dma_start3A_30 = arith.constant 0 : i32
    %dma_start3A_31 = tpu.memref_slice %arg8[%dma_start3A_29, %dma_start3A_30] : memref<40x128xi32, #tpu.memory_space<vmem>> -> memref<1x128xi32, #tpu.memory_space<vmem>>
    %dma_start3A_32 = tpu.memref_squeeze %dma_start3A_31 : memref<1x128xi32, #tpu.memory_space<vmem>> -> memref<128xi32, #tpu.memory_space<vmem>>
    %dma_start3A_33 = arith.constant 0 : i32
    %dma_start3A_34 = arith.constant 0 : i32
    %dma_start3A_35 = tpu.memref_slice %arg2[%dma_start3A_33, %dma_start3A_34] : memref<10000x128xf32, #tpu.memory_space<hbm>> -> memref<10000x128xf32, #tpu.memory_space<hbm>>
    tpu.enqueue_indirect_dma source(%dma_start3A_35 : memref<10000x128xf32, #tpu.memory_space<hbm>>) target(%arg10 : memref<128x128xf32, #tpu.memory_space<vmem>>) offsets(%dma_start3A_32 : memref<128xi32, #tpu.memory_space<vmem>>) semaphore(%arg12 : memref<!tpu.dma_semaphore, #tpu.memory_space<semaphore_mem>>)
    %dma_start3A_36 = arith.constant 1 : i32
    %dma_start3A_37 = arith.constant 0 : i32
    %dma_start3A_38 = tpu.memref_slice %arg8[%dma_start3A_36, %dma_start3A_37] : memref<40x128xi32, #tpu.memory_space<vmem>> -> memref<1x128xi32, #tpu.memory_space<vmem>>
    %dma_start3A_39 = tpu.memref_squeeze %dma_start3A_38 : memref<1x128xi32, #tpu.memory_space<vmem>> -> memref<128xi32, #tpu.memory_space<vmem>>
    %dma_start3A_40 = arith.constant 0 : i32
    %dma_start3A_41 = arith.constant 0 : i32
    %dma_start3A_42 = tpu.memref_slice %arg2[%dma_start3A_40, %dma_start3A_41] : memref<10000x128xf32, #tpu.memory_space<hbm>> -> memref<10000x128xf32, #tpu.memory_space<hbm>>
    tpu.enqueue_indirect_dma source(%dma_start3A_42 : memref<10000x128xf32, #tpu.memory_space<hbm>>) target(%arg11 : memref<128x128xf32, #tpu.memory_space<vmem>>) offsets(%dma_start3A_39 : memref<128xi32, #tpu.memory_space<vmem>>) semaphore(%arg13 : memref<!tpu.dma_semaphore, #tpu.memory_space<semaphore_mem>>)
    %scan3A_43 = arith.constant 0 : i32
    %scan3A_44 = arith.constant 0 : i32
    %scan3A_45 = arith.constant 20 : i32
    %scan3A_46 = arith.addi %scan3A_44, %scan3A_45 : i32
    %scan3A_47 = arith.constant 1 : i32
    scf.for %scan3A_54 = %scan3A_44 to %scan3A_46 step %scan3A_47  : i32 {
      %mul3A_55 = arith.constant 2 : i32
      %mul3A_56 = arith.muli %mul3A_55, %scan3A_54 : i32
      %add3A_57 = arith.constant 0 : i32
      %add3A_58 = arith.addi %mul3A_56, %add3A_57 : i32
      %dma_wait3A = arith.constant 0 : i32
      %dma_wait3A_59 = tpu.memref_slice %arg8[%add3A_58, %dma_wait3A] : memref<40x128xi32, #tpu.memory_space<vmem>> -> memref<1x128xi32, #tpu.memory_space<vmem>>
      %dma_wait3A_60 = tpu.memref_squeeze %dma_wait3A_59 : memref<1x128xi32, #tpu.memory_space<vmem>> -> memref<128xi32, #tpu.memory_space<vmem>>
      %dma_wait3A_61 = arith.constant 0 : i32
      %dma_wait3A_62 = arith.constant 0 : i32
      %dma_wait3A_63 = tpu.memref_slice %arg2[%dma_wait3A_61, %dma_wait3A_62] : memref<10000x128xf32, #tpu.memory_space<hbm>> -> memref<10000x128xf32, #tpu.memory_space<hbm>>
      tpu.wait_indirect_dma semaphore(%arg12 : memref<!tpu.dma_semaphore, #tpu.memory_space<semaphore_mem>>) src(%dma_wait3A_63 : memref<10000x128xf32, #tpu.memory_space<hbm>>) dst(%arg10 : memref<128x128xf32, #tpu.memory_space<vmem>>)
      "tpu.region"() ({
        %run_scoped3A = tpu.sem_alloc : memref<!tpu.dma_semaphore, #tpu.memory_space<semaphore_mem>>
        %dma_start3A_83 = arith.constant 0 : i32
        %dma_start3A_84 = tpu.memref_slice %arg9[%add3A_58, %dma_start3A_83] : memref<40x128xi32, #tpu.memory_space<vmem>> -> memref<1x128xi32, #tpu.memory_space<vmem>>
        %dma_start3A_85 = tpu.memref_squeeze %dma_start3A_84 : memref<1x128xi32, #tpu.memory_space<vmem>> -> memref<128xi32, #tpu.memory_space<vmem>>
        %dma_start3A_86 = arith.constant 0 : i32
        %dma_start3A_87 = arith.constant 0 : i32
        %dma_start3A_88 = tpu.memref_slice %arg7[%dma_start3A_86, %dma_start3A_87] : memref<10112x128xf32, #tpu.memory_space<vmem_shared>> -> memref<10112x128xf32, #tpu.memory_space<vmem_shared>>
        tpu.enqueue_indirect_dma source(%arg10 : memref<128x128xf32, #tpu.memory_space<vmem>>) target(%dma_start3A_88 : memref<10112x128xf32, #tpu.memory_space<vmem_shared>>) offsets(%dma_start3A_85 : memref<128xi32, #tpu.memory_space<vmem>>) semaphore(%run_scoped3A : memref<!tpu.dma_semaphore, #tpu.memory_space<semaphore_mem>>) {add = true}
        %dma_wait3A_89 = arith.constant 0 : i32
        %dma_wait3A_90 = tpu.memref_slice %arg9[%add3A_58, %dma_wait3A_89] : memref<40x128xi32, #tpu.memory_space<vmem>> -> memref<1x128xi32, #tpu.memory_space<vmem>>
        %dma_wait3A_91 = tpu.memref_squeeze %dma_wait3A_90 : memref<1x128xi32, #tpu.memory_space<vmem>> -> memref<128xi32, #tpu.memory_space<vmem>>
        %dma_wait3A_92 = arith.constant 0 : i32
        %dma_wait3A_93 = arith.constant 0 : i32
        %dma_wait3A_94 = tpu.memref_slice %arg7[%dma_wait3A_92, %dma_wait3A_93] : memref<10112x128xf32, #tpu.memory_space<vmem_shared>> -> memref<10112x128xf32, #tpu.memory_space<vmem_shared>>
        tpu.wait_indirect_dma semaphore(%run_scoped3A : memref<!tpu.dma_semaphore, #tpu.memory_space<semaphore_mem>>) src(%arg10 : memref<128x128xf32, #tpu.memory_space<vmem>>) dst(%dma_wait3A_94 : memref<10112x128xf32, #tpu.memory_space<vmem_shared>>)
        tpu.yield
      }) : () -> ()
      %add3A_64 = arith.constant 2 : i32
      %add3A_65 = arith.addi %add3A_58, %add3A_64 : i32
      %lt3A = arith.constant 40 : i32
      %lt3A_66 = arith.cmpi slt, %add3A_65, %lt3A : i32
      %convert_element_type3A = arith.extui %lt3A_66 : i1 to i32
      %cond3A = arith.constant 0 : i32
      %cond3A_67 = arith.cmpi ne, %convert_element_type3A, %cond3A : i32
      scf.if %cond3A_67 {
        %add3A_83 = arith.constant 2 : i32
        %add3A_84 = arith.addi %add3A_58, %add3A_83 : i32
        %dma_start3A_85 = arith.constant 0 : i32
        %dma_start3A_86 = tpu.memref_slice %arg8[%add3A_84, %dma_start3A_85] : memref<40x128xi32, #tpu.memory_space<vmem>> -> memref<1x128xi32, #tpu.memory_space<vmem>>
        %dma_start3A_87 = tpu.memref_squeeze %dma_start3A_86 : memref<1x128xi32, #tpu.memory_space<vmem>> -> memref<128xi32, #tpu.memory_space<vmem>>
        %dma_start3A_88 = arith.constant 0 : i32
        %dma_start3A_89 = arith.constant 0 : i32
        %dma_start3A_90 = tpu.memref_slice %arg2[%dma_start3A_88, %dma_start3A_89] : memref<10000x128xf32, #tpu.memory_space<hbm>> -> memref<10000x128xf32, #tpu.memory_space<hbm>>
        tpu.enqueue_indirect_dma source(%dma_start3A_90 : memref<10000x128xf32, #tpu.memory_space<hbm>>) target(%arg10 : memref<128x128xf32, #tpu.memory_space<vmem>>) offsets(%dma_start3A_87 : memref<128xi32, #tpu.memory_space<vmem>>) semaphore(%arg12 : memref<!tpu.dma_semaphore, #tpu.memory_space<semaphore_mem>>)
      } else {
      }
      %add3A_68 = arith.constant 1 : i32
      %add3A_69 = arith.addi %mul3A_56, %add3A_68 : i32
      %dma_wait3A_70 = arith.constant 0 : i32
      %dma_wait3A_71 = tpu.memref_slice %arg8[%add3A_69, %dma_wait3A_70] : memref<40x128xi32, #tpu.memory_space<vmem>> -> memref<1x128xi32, #tpu.memory_space<vmem>>
      %dma_wait3A_72 = tpu.memref_squeeze %dma_wait3A_71 : memref<1x128xi32, #tpu.memory_space<vmem>> -> memref<128xi32, #tpu.memory_space<vmem>>
      %dma_wait3A_73 = arith.constant 0 : i32
      %dma_wait3A_74 = arith.constant 0 : i32
      %dma_wait3A_75 = tpu.memref_slice %arg2[%dma_wait3A_73, %dma_wait3A_74] : memref<10000x128xf32, #tpu.memory_space<hbm>> -> memref<10000x128xf32, #tpu.memory_space<hbm>>
      tpu.wait_indirect_dma semaphore(%arg13 : memref<!tpu.dma_semaphore, #tpu.memory_space<semaphore_mem>>) src(%dma_wait3A_75 : memref<10000x128xf32, #tpu.memory_space<hbm>>) dst(%arg11 : memref<128x128xf32, #tpu.memory_space<vmem>>)
      "tpu.region"() ({
        %run_scoped3A = tpu.sem_alloc : memref<!tpu.dma_semaphore, #tpu.memory_space<semaphore_mem>>
        %dma_start3A_83 = arith.constant 0 : i32
        %dma_start3A_84 = tpu.memref_slice %arg9[%add3A_69, %dma_start3A_83] : memref<40x128xi32, #tpu.memory_space<vmem>> -> memref<1x128xi32, #tpu.memory_space<vmem>>
        %dma_start3A_85 = tpu.memref_squeeze %dma_start3A_84 : memref<1x128xi32, #tpu.memory_space<vmem>> -> memref<128xi32, #tpu.memory_space<vmem>>
        %dma_start3A_86 = arith.constant 0 : i32
        %dma_start3A_87 = arith.constant 0 : i32
        %dma_start3A_88 = tpu.memref_slice %arg7[%dma_start3A_86, %dma_start3A_87] : memref<10112x128xf32, #tpu.memory_space<vmem_shared>> -> memref<10112x128xf32, #tpu.memory_space<vmem_shared>>
        tpu.enqueue_indirect_dma source(%arg11 : memref<128x128xf32, #tpu.memory_space<vmem>>) target(%dma_start3A_88 : memref<10112x128xf32, #tpu.memory_space<vmem_shared>>) offsets(%dma_start3A_85 : memref<128xi32, #tpu.memory_space<vmem>>) semaphore(%run_scoped3A : memref<!tpu.dma_semaphore, #tpu.memory_space<semaphore_mem>>) {add = true}
        %dma_wait3A_89 = arith.constant 0 : i32
        %dma_wait3A_90 = tpu.memref_slice %arg9[%add3A_69, %dma_wait3A_89] : memref<40x128xi32, #tpu.memory_space<vmem>> -> memref<1x128xi32, #tpu.memory_space<vmem>>
        %dma_wait3A_91 = tpu.memref_squeeze %dma_wait3A_90 : memref<1x128xi32, #tpu.memory_space<vmem>> -> memref<128xi32, #tpu.memory_space<vmem>>
        %dma_wait3A_92 = arith.constant 0 : i32
        %dma_wait3A_93 = arith.constant 0 : i32
        %dma_wait3A_94 = tpu.memref_slice %arg7[%dma_wait3A_92, %dma_wait3A_93] : memref<10112x128xf32, #tpu.memory_space<vmem_shared>> -> memref<10112x128xf32, #tpu.memory_space<vmem_shared>>
        tpu.wait_indirect_dma semaphore(%run_scoped3A : memref<!tpu.dma_semaphore, #tpu.memory_space<semaphore_mem>>) src(%arg11 : memref<128x128xf32, #tpu.memory_space<vmem>>) dst(%dma_wait3A_94 : memref<10112x128xf32, #tpu.memory_space<vmem_shared>>)
        tpu.yield
      }) : () -> ()
      %add3A_76 = arith.constant 2 : i32
      %add3A_77 = arith.addi %add3A_69, %add3A_76 : i32
      %lt3A_78 = arith.constant 40 : i32
      %lt3A_79 = arith.cmpi slt, %add3A_77, %lt3A_78 : i32
      %convert_element_type3A_80 = arith.extui %lt3A_79 : i1 to i32
      %cond3A_81 = arith.constant 0 : i32
      %cond3A_82 = arith.cmpi ne, %convert_element_type3A_80, %cond3A_81 : i32
      scf.if %cond3A_82 {
        %add3A_83 = arith.constant 2 : i32
        %add3A_84 = arith.addi %add3A_69, %add3A_83 : i32
        %dma_start3A_85 = arith.constant 0 : i32
        %dma_start3A_86 = tpu.memref_slice %arg8[%add3A_84, %dma_start3A_85] : memref<40x128xi32, #tpu.memory_space<vmem>> -> memref<1x128xi32, #tpu.memory_space<vmem>>
        %dma_start3A_87 = tpu.memref_squeeze %dma_start3A_86 : memref<1x128xi32, #tpu.memory_space<vmem>> -> memref<128xi32, #tpu.memory_space<vmem>>
        %dma_start3A_88 = arith.constant 0 : i32
        %dma_start3A_89 = arith.constant 0 : i32
        %dma_start3A_90 = tpu.memref_slice %arg2[%dma_start3A_88, %dma_start3A_89] : memref<10000x128xf32, #tpu.memory_space<hbm>> -> memref<10000x128xf32, #tpu.memory_space<hbm>>
        tpu.enqueue_indirect_dma source(%dma_start3A_90 : memref<10000x128xf32, #tpu.memory_space<hbm>>) target(%arg11 : memref<128x128xf32, #tpu.memory_space<vmem>>) offsets(%dma_start3A_87 : memref<128xi32, #tpu.memory_space<vmem>>) semaphore(%arg13 : memref<!tpu.dma_semaphore, #tpu.memory_space<semaphore_mem>>)
      } else {
      }
    }
    %scan3A_48 = arith.constant 20 : i32
    %barrier3A_49 = arith.constant 0 : index
    tpu.barrier barrier_id(%barrier3A_49)
    %mul3A_50 = arith.constant 632 : i32
    %mul3A_51 = arith.muli %arg1, %mul3A_50 : i32
    %mul3A_52 = arith.constant 632 : i32
    %mul3A_53 = arith.muli %arg1, %mul3A_52 : i32
    "tpu.region"() ({
      %run_scoped3A = tpu.sem_alloc : memref<!tpu.dma_semaphore, #tpu.memory_space<semaphore_mem>>
      %dma_start3A_54 = arith.constant 0 : i32
      %dma_start3A_55 = tpu.memref_slice %arg6[%arg0, %mul3A_53, %dma_start3A_54] : memref<2x10112x128xf32, #tpu.memory_space<hbm>> -> memref<1x632x128xf32, #tpu.memory_space<hbm>>
      %dma_start3A_56 = tpu.memref_squeeze %dma_start3A_55 : memref<1x632x128xf32, #tpu.memory_space<hbm>> -> memref<632x128xf32, #tpu.memory_space<hbm>>
      %dma_start3A_57 = arith.constant 0 : i32
      %dma_start3A_58 = tpu.memref_slice %arg7[%mul3A_51, %dma_start3A_57] : memref<10112x128xf32, #tpu.memory_space<vmem_shared>> -> memref<632x128xf32, #tpu.memory_space<vmem_shared>>
      tpu.enqueue_dma source(%dma_start3A_58 : memref<632x128xf32, #tpu.memory_space<vmem_shared>>) target(%dma_start3A_56 : memref<632x128xf32, #tpu.memory_space<hbm>>) target_semaphore(%run_scoped3A : memref<!tpu.dma_semaphore, #tpu.memory_space<semaphore_mem>>)
      %dma_wait3A = arith.constant 0 : i32
      %dma_wait3A_59 = tpu.memref_slice %arg6[%arg0, %mul3A_53, %dma_wait3A] : memref<2x10112x128xf32, #tpu.memory_space<hbm>> -> memref<1x632x128xf32, #tpu.memory_space<hbm>>
      %dma_wait3A_60 = tpu.memref_squeeze %dma_wait3A_59 : memref<1x632x128xf32, #tpu.memory_space<hbm>> -> memref<632x128xf32, #tpu.memory_space<hbm>>
      %dma_wait3A_61 = arith.constant 0 : i32
      %dma_wait3A_62 = tpu.memref_slice %arg7[%mul3A_51, %dma_wait3A_61] : memref<10112x128xf32, #tpu.memory_space<vmem_shared>> -> memref<632x128xf32, #tpu.memory_space<vmem_shared>>
      tpu.wait_dma2 semaphore(%run_scoped3A : memref<!tpu.dma_semaphore, #tpu.memory_space<semaphore_mem>>) src(%dma_wait3A_62 : memref<632x128xf32, #tpu.memory_space<vmem_shared>>) dst(%dma_wait3A_60 : memref<632x128xf32, #tpu.memory_space<hbm>>)
      tpu.yield
    }) : () -> ()
    return
  }
}

module attributes {stable_mosaic.version = 14 : i64} {
  func.func @body(%arg0: i32, %arg1: memref<1000x128xf32, #tpu.memory_space<vmem>>, %arg2: memref<1000x128xf32, #tpu.memory_space<vmem>>, %arg3: memref<1000x128xf32, #tpu.memory_space<vmem>>, %arg4: memref<128x128xf32, #tpu.memory_space<vmem>>, %arg5: memref<128x128xf32, #tpu.memory_space<vmem>>, %arg6: memref<1x128xf32, #tpu.memory_space<vmem>>, %arg7: memref<1000x128xf32, #tpu.memory_space<vmem>>) attributes {dimension_semantics = [#tpu.dimension_semantics<arbitrary>], iteration_bounds = array<i64: 10>, scalar_prefetch = 0 : i64, scratch_operands = 0 : i64, tpu.core_type = #tpu.core_type<tc>, window_params = [{transform_indices = @transform_0, window_bounds = array<i64: 1000, 128>}, {transform_indices = @transform_1, window_bounds = array<i64: 1000, 128>}, {transform_indices = @transform_2, window_bounds = array<i64: 1000, 128>}, {pipeline_mode = #tpu.pipeline_mode<synchronous>, transform_indices = @transform_3, window_bounds = array<i64: 128, 128>}, {pipeline_mode = #tpu.pipeline_mode<synchronous>, transform_indices = @transform_4, window_bounds = array<i64: 128, 128>}, {pipeline_mode = #tpu.pipeline_mode<synchronous>, transform_indices = @transform_5, window_bounds = array<i64: 1, 128>}, {transform_indices = @transform_6, window_bounds = array<i64: 1000, 128>}]} {
    %get3A = arith.constant 0 : index
    %get3A_0 = arith.constant 0 : index
    %get3A_1 = vector.load %arg1[%get3A, %get3A_0] : memref<1000x128xf32, #tpu.memory_space<vmem>>, vector<1000x128xf32>
    %get3A_2 = arith.constant 0 : index
    %get3A_3 = arith.constant 0 : index
    %get3A_4 = vector.load %arg2[%get3A_2, %get3A_3] : memref<1000x128xf32, #tpu.memory_space<vmem>>, vector<1000x128xf32>
    %add3A = arith.addf %get3A_1, %get3A_4 : vector<1000x128xf32>
    %get3A_5 = arith.constant 0 : index
    %get3A_6 = arith.constant 0 : index
    %get3A_7 = vector.load %arg4[%get3A_5, %get3A_6] : memref<128x128xf32, #tpu.memory_space<vmem>>, vector<128x128xf32>
    %dot_general3A = arith.constant dense<0.000000e+00> : vector<1000x128xf32>
    %dot_general3A_8 = tpu.matmul %add3A, %get3A_7, %dot_general3A {dimension_numbers = #tpu.dot_dimension_numbers<[1], [0], [0], [1], [0, 0, 1, 1], [], []>, transpose_lhs_hint = false} : vector<1000x128xf32>, vector<128x128xf32>, vector<1000x128xf32> -> vector<1000x128xf32>
    %get3A_9 = arith.constant 0 : index
    %get3A_10 = arith.constant 0 : index
    %get3A_11 = vector.load %arg3[%get3A_9, %get3A_10] : memref<1000x128xf32, #tpu.memory_space<vmem>>, vector<1000x128xf32>
    %get3A_12 = arith.constant 0 : index
    %get3A_13 = arith.constant 0 : index
    %get3A_14 = vector.load %arg5[%get3A_12, %get3A_13] : memref<128x128xf32, #tpu.memory_space<vmem>>, vector<128x128xf32>
    %dot_general3A_15 = arith.constant dense<0.000000e+00> : vector<1000x128xf32>
    %dot_general3A_16 = tpu.matmul %get3A_11, %get3A_14, %dot_general3A_15 {dimension_numbers = #tpu.dot_dimension_numbers<[1], [0], [0], [1], [0, 0, 1, 1], [], []>, transpose_lhs_hint = false} : vector<1000x128xf32>, vector<128x128xf32>, vector<1000x128xf32> -> vector<1000x128xf32>
    %add3A_17 = arith.addf %dot_general3A_8, %dot_general3A_16 : vector<1000x128xf32>
    %get3A_18 = arith.constant 0 : index
    %get3A_19 = arith.constant 0 : index
    %get3A_20 = vector.load %arg6[%get3A_18, %get3A_19] : memref<1x128xf32, #tpu.memory_space<vmem>>, vector<1x128xf32>
    %add3A_21 = vector.broadcast %get3A_20 : vector<1x128xf32> to vector<1000x128xf32>
    %add3A_22 = arith.addf %add3A_17, %add3A_21 : vector<1000x128xf32>
    %max3A = arith.constant 0.000000e+00 : f32
    %max3A_23 = vector.broadcast %max3A : f32 to vector<1000x128xf32>
    %max3A_24 = arith.maximumf %add3A_22, %max3A_23 : vector<1000x128xf32>
    %swap3A = arith.constant 0 : index
    %swap3A_25 = arith.constant 0 : index
    %swap3A_26 = vector.load %arg7[%swap3A, %swap3A_25] : memref<1000x128xf32, #tpu.memory_space<vmem>>, vector<1000x128xf32>
    tpu.vector_store %arg7[%swap3A, %swap3A_25], %max3A_24 {strides = array<i32>} : memref<1000x128xf32, #tpu.memory_space<vmem>>, vector<1000x128xf32>,
    return
  }
  func.func @transform_0(%arg0: i32) -> (i32, i32) {
    %c0_i32 = arith.constant 0 : i32
    %c0_i32_0 = arith.constant 0 : i32
    return %arg0, %c0_i32 : i32, i32
  }
  func.func @transform_1(%arg0: i32) -> (i32, i32) {
    %c0_i32 = arith.constant 0 : i32
    %c0_i32_0 = arith.constant 0 : i32
    return %arg0, %c0_i32 : i32, i32
  }
  func.func @transform_2(%arg0: i32) -> (i32, i32) {
    %c0_i32 = arith.constant 0 : i32
    %c0_i32_0 = arith.constant 0 : i32
    return %arg0, %c0_i32 : i32, i32
  }
  func.func @transform_3(%arg0: i32) -> (i32, i32) {
    %c0_i32 = arith.constant 0 : i32
    %c0_i32_0 = arith.constant 0 : i32
    %c0_i32_1 = arith.constant 0 : i32
    return %c0_i32, %c0_i32_0 : i32, i32
  }
  func.func @transform_4(%arg0: i32) -> (i32, i32) {
    %c0_i32 = arith.constant 0 : i32
    %c0_i32_0 = arith.constant 0 : i32
    %c0_i32_1 = arith.constant 0 : i32
    return %c0_i32, %c0_i32_0 : i32, i32
  }
  func.func @transform_5(%arg0: i32) -> (i32, i32) {
    %c0_i32 = arith.constant 0 : i32
    %c0_i32_0 = arith.constant 0 : i32
    %c0_i32_1 = arith.constant 0 : i32
    return %c0_i32, %c0_i32_0 : i32, i32
  }
  func.func @transform_6(%arg0: i32) -> (i32, i32) {
    %c0_i32 = arith.constant 0 : i32
    %c0_i32_0 = arith.constant 0 : i32
    return %arg0, %c0_i32 : i32, i32
  }
}

module attributes {stable_mosaic.version = 14 : i64} {
  func.func @body(%arg0: i32, %arg1: memref<1000x128xf32, #tpu.memory_space<vmem>>, %arg2: memref<1000x128xf32, #tpu.memory_space<vmem>>, %arg3: memref<1000x128xf32, #tpu.memory_space<vmem>>, %arg4: memref<128x128xf32, #tpu.memory_space<vmem>>, %arg5: memref<128x128xf32, #tpu.memory_space<vmem>>, %arg6: memref<1x128xf32, #tpu.memory_space<vmem>>, %arg7: memref<1000x128xf32, #tpu.memory_space<vmem>>) attributes {dimension_semantics = [#tpu.dimension_semantics<arbitrary>], iteration_bounds = array<i64: 10>, scalar_prefetch = 0 : i64, scratch_operands = 0 : i64, tpu.core_type = #tpu.core_type<tc>, window_params = [{transform_indices = @transform_0, window_bounds = array<i64: 1000, 128>}, {transform_indices = @transform_1, window_bounds = array<i64: 1000, 128>}, {transform_indices = @transform_2, window_bounds = array<i64: 1000, 128>}, {pipeline_mode = #tpu.pipeline_mode<synchronous>, transform_indices = @transform_3, window_bounds = array<i64: 128, 128>}, {pipeline_mode = #tpu.pipeline_mode<synchronous>, transform_indices = @transform_4, window_bounds = array<i64: 128, 128>}, {pipeline_mode = #tpu.pipeline_mode<synchronous>, transform_indices = @transform_5, window_bounds = array<i64: 1, 128>}, {transform_indices = @transform_6, window_bounds = array<i64: 1000, 128>}]} {
    %get3A = arith.constant 0 : index
    %get3A_0 = arith.constant 0 : index
    %get3A_1 = vector.load %arg1[%get3A, %get3A_0] : memref<1000x128xf32, #tpu.memory_space<vmem>>, vector<1000x128xf32>
    %get3A_2 = arith.constant 0 : index
    %get3A_3 = arith.constant 0 : index
    %get3A_4 = vector.load %arg2[%get3A_2, %get3A_3] : memref<1000x128xf32, #tpu.memory_space<vmem>>, vector<1000x128xf32>
    %add3A = arith.addf %get3A_1, %get3A_4 : vector<1000x128xf32>
    %get3A_5 = arith.constant 0 : index
    %get3A_6 = arith.constant 0 : index
    %get3A_7 = vector.load %arg4[%get3A_5, %get3A_6] : memref<128x128xf32, #tpu.memory_space<vmem>>, vector<128x128xf32>
    %dot_general3A = arith.constant dense<0.000000e+00> : vector<1000x128xf32>
    %dot_general3A_8 = tpu.matmul %add3A, %get3A_7, %dot_general3A {dimension_numbers = #tpu.dot_dimension_numbers<[1], [0], [0], [1], [0, 0, 1, 1], [], []>, transpose_lhs_hint = false} : vector<1000x128xf32>, vector<128x128xf32>, vector<1000x128xf32> -> vector<1000x128xf32>
    %get3A_9 = arith.constant 0 : index
    %get3A_10 = arith.constant 0 : index
    %get3A_11 = vector.load %arg3[%get3A_9, %get3A_10] : memref<1000x128xf32, #tpu.memory_space<vmem>>, vector<1000x128xf32>
    %get3A_12 = arith.constant 0 : index
    %get3A_13 = arith.constant 0 : index
    %get3A_14 = vector.load %arg5[%get3A_12, %get3A_13] : memref<128x128xf32, #tpu.memory_space<vmem>>, vector<128x128xf32>
    %dot_general3A_15 = arith.constant dense<0.000000e+00> : vector<1000x128xf32>
    %dot_general3A_16 = tpu.matmul %get3A_11, %get3A_14, %dot_general3A_15 {dimension_numbers = #tpu.dot_dimension_numbers<[1], [0], [0], [1], [0, 0, 1, 1], [], []>, transpose_lhs_hint = false} : vector<1000x128xf32>, vector<128x128xf32>, vector<1000x128xf32> -> vector<1000x128xf32>
    %add3A_17 = arith.addf %dot_general3A_8, %dot_general3A_16 : vector<1000x128xf32>
    %get3A_18 = arith.constant 0 : index
    %get3A_19 = arith.constant 0 : index
    %get3A_20 = vector.load %arg6[%get3A_18, %get3A_19] : memref<1x128xf32, #tpu.memory_space<vmem>>, vector<1x128xf32>
    %add3A_21 = vector.broadcast %get3A_20 : vector<1x128xf32> to vector<1000x128xf32>
    %add3A_22 = arith.addf %add3A_17, %add3A_21 : vector<1000x128xf32>
    %max3A = arith.constant 0.000000e+00 : f32
    %max3A_23 = vector.broadcast %max3A : f32 to vector<1000x128xf32>
    %max3A_24 = arith.maximumf %add3A_22, %max3A_23 : vector<1000x128xf32>
    %get3A_25 = arith.constant 0 : index
    %get3A_26 = arith.constant 0 : index
    %get3A_27 = vector.load %arg3[%get3A_25, %get3A_26] : memref<1000x128xf32, #tpu.memory_space<vmem>>, vector<1000x128xf32>
    %add3A_28 = arith.addf %max3A_24, %get3A_27 : vector<1000x128xf32>
    %swap3A = arith.constant 0 : index
    %swap3A_29 = arith.constant 0 : index
    %swap3A_30 = vector.load %arg7[%swap3A, %swap3A_29] : memref<1000x128xf32, #tpu.memory_space<vmem>>, vector<1000x128xf32>
    tpu.vector_store %arg7[%swap3A, %swap3A_29], %add3A_28 {strides = array<i32>} : memref<1000x128xf32, #tpu.memory_space<vmem>>, vector<1000x128xf32>,
    return
  }
  func.func @transform_0(%arg0: i32) -> (i32, i32) {
    %c0_i32 = arith.constant 0 : i32
    %c0_i32_0 = arith.constant 0 : i32
    return %arg0, %c0_i32 : i32, i32
  }
  func.func @transform_1(%arg0: i32) -> (i32, i32) {
    %c0_i32 = arith.constant 0 : i32
    %c0_i32_0 = arith.constant 0 : i32
    return %arg0, %c0_i32 : i32, i32
  }
  func.func @transform_2(%arg0: i32) -> (i32, i32) {
    %c0_i32 = arith.constant 0 : i32
    %c0_i32_0 = arith.constant 0 : i32
    return %arg0, %c0_i32 : i32, i32
  }
  func.func @transform_3(%arg0: i32) -> (i32, i32) {
    %c0_i32 = arith.constant 0 : i32
    %c0_i32_0 = arith.constant 0 : i32
    %c0_i32_1 = arith.constant 0 : i32
    return %c0_i32, %c0_i32_0 : i32, i32
  }
  func.func @transform_4(%arg0: i32) -> (i32, i32) {
    %c0_i32 = arith.constant 0 : i32
    %c0_i32_0 = arith.constant 0 : i32
    %c0_i32_1 = arith.constant 0 : i32
    return %c0_i32, %c0_i32_0 : i32, i32
  }
  func.func @transform_5(%arg0: i32) -> (i32, i32) {
    %c0_i32 = arith.constant 0 : i32
    %c0_i32_0 = arith.constant 0 : i32
    %c0_i32_1 = arith.constant 0 : i32
    return %c0_i32, %c0_i32_0 : i32, i32
  }
  func.func @transform_6(%arg0: i32) -> (i32, i32) {
    %c0_i32 = arith.constant 0 : i32
    %c0_i32_0 = arith.constant 0 : i32
    return %arg0, %c0_i32 : i32, i32
  }
}

module attributes {stable_mosaic.version = 14 : i64} {
  func.func @body(%arg0: i32, %arg1: memref<1000x128xf32, #tpu.memory_space<vmem>>, %arg2: memref<1000x128xf32, #tpu.memory_space<vmem>>, %arg3: memref<1000x128xf32, #tpu.memory_space<vmem>>, %arg4: memref<128x128xf32, #tpu.memory_space<vmem>>, %arg5: memref<128x128xf32, #tpu.memory_space<vmem>>, %arg6: memref<1x128xf32, #tpu.memory_space<vmem>>, %arg7: memref<1000x128xf32, #tpu.memory_space<vmem>>) attributes {dimension_semantics = [#tpu.dimension_semantics<arbitrary>], iteration_bounds = array<i64: 10>, scalar_prefetch = 0 : i64, scratch_operands = 0 : i64, tpu.core_type = #tpu.core_type<tc>, window_params = [{transform_indices = @transform_0, window_bounds = array<i64: 1000, 128>}, {transform_indices = @transform_1, window_bounds = array<i64: 1000, 128>}, {transform_indices = @transform_2, window_bounds = array<i64: 1000, 128>}, {pipeline_mode = #tpu.pipeline_mode<synchronous>, transform_indices = @transform_3, window_bounds = array<i64: 128, 128>}, {pipeline_mode = #tpu.pipeline_mode<synchronous>, transform_indices = @transform_4, window_bounds = array<i64: 128, 128>}, {pipeline_mode = #tpu.pipeline_mode<synchronous>, transform_indices = @transform_5, window_bounds = array<i64: 1, 128>}, {transform_indices = @transform_6, window_bounds = array<i64: 1000, 128>}]} {
    %get3A = arith.constant 0 : index
    %get3A_0 = arith.constant 0 : index
    %get3A_1 = vector.load %arg1[%get3A, %get3A_0] : memref<1000x128xf32, #tpu.memory_space<vmem>>, vector<1000x128xf32>
    %get3A_2 = arith.constant 0 : index
    %get3A_3 = arith.constant 0 : index
    %get3A_4 = vector.load %arg2[%get3A_2, %get3A_3] : memref<1000x128xf32, #tpu.memory_space<vmem>>, vector<1000x128xf32>
    %add3A = arith.addf %get3A_1, %get3A_4 : vector<1000x128xf32>
    %get3A_5 = arith.constant 0 : index
    %get3A_6 = arith.constant 0 : index
    %get3A_7 = vector.load %arg4[%get3A_5, %get3A_6] : memref<128x128xf32, #tpu.memory_space<vmem>>, vector<128x128xf32>
    %dot_general3A = arith.constant dense<0.000000e+00> : vector<1000x128xf32>
    %dot_general3A_8 = tpu.matmul %add3A, %get3A_7, %dot_general3A {dimension_numbers = #tpu.dot_dimension_numbers<[1], [0], [0], [1], [0, 0, 1, 1], [], []>, transpose_lhs_hint = false} : vector<1000x128xf32>, vector<128x128xf32>, vector<1000x128xf32> -> vector<1000x128xf32>
    %get3A_9 = arith.constant 0 : index
    %get3A_10 = arith.constant 0 : index
    %get3A_11 = vector.load %arg3[%get3A_9, %get3A_10] : memref<1000x128xf32, #tpu.memory_space<vmem>>, vector<1000x128xf32>
    %get3A_12 = arith.constant 0 : index
    %get3A_13 = arith.constant 0 : index
    %get3A_14 = vector.load %arg5[%get3A_12, %get3A_13] : memref<128x128xf32, #tpu.memory_space<vmem>>, vector<128x128xf32>
    %dot_general3A_15 = arith.constant dense<0.000000e+00> : vector<1000x128xf32>
    %dot_general3A_16 = tpu.matmul %get3A_11, %get3A_14, %dot_general3A_15 {dimension_numbers = #tpu.dot_dimension_numbers<[1], [0], [0], [1], [0, 0, 1, 1], [], []>, transpose_lhs_hint = false} : vector<1000x128xf32>, vector<128x128xf32>, vector<1000x128xf32> -> vector<1000x128xf32>
    %add3A_17 = arith.addf %dot_general3A_8, %dot_general3A_16 : vector<1000x128xf32>
    %get3A_18 = arith.constant 0 : index
    %get3A_19 = arith.constant 0 : index
    %get3A_20 = vector.load %arg6[%get3A_18, %get3A_19] : memref<1x128xf32, #tpu.memory_space<vmem>>, vector<1x128xf32>
    %add3A_21 = vector.broadcast %get3A_20 : vector<1x128xf32> to vector<1000x128xf32>
    %add3A_22 = arith.addf %add3A_17, %add3A_21 : vector<1000x128xf32>
    %get3A_23 = arith.constant 0 : index
    %get3A_24 = arith.constant 0 : index
    %get3A_25 = vector.load %arg3[%get3A_23, %get3A_24] : memref<1000x128xf32, #tpu.memory_space<vmem>>, vector<1000x128xf32>
    %add3A_26 = arith.addf %add3A_22, %get3A_25 : vector<1000x128xf32>
    %swap3A = arith.constant 0 : index
    %swap3A_27 = arith.constant 0 : index
    %swap3A_28 = vector.load %arg7[%swap3A, %swap3A_27] : memref<1000x128xf32, #tpu.memory_space<vmem>>, vector<1000x128xf32>
    tpu.vector_store %arg7[%swap3A, %swap3A_27], %add3A_26 {strides = array<i32>} : memref<1000x128xf32, #tpu.memory_space<vmem>>, vector<1000x128xf32>,
    return
  }
  func.func @transform_0(%arg0: i32) -> (i32, i32) {
    %c0_i32 = arith.constant 0 : i32
    %c0_i32_0 = arith.constant 0 : i32
    return %arg0, %c0_i32 : i32, i32
  }
  func.func @transform_1(%arg0: i32) -> (i32, i32) {
    %c0_i32 = arith.constant 0 : i32
    %c0_i32_0 = arith.constant 0 : i32
    return %arg0, %c0_i32 : i32, i32
  }
  func.func @transform_2(%arg0: i32) -> (i32, i32) {
    %c0_i32 = arith.constant 0 : i32
    %c0_i32_0 = arith.constant 0 : i32
    return %arg0, %c0_i32 : i32, i32
  }
  func.func @transform_3(%arg0: i32) -> (i32, i32) {
    %c0_i32 = arith.constant 0 : i32
    %c0_i32_0 = arith.constant 0 : i32
    %c0_i32_1 = arith.constant 0 : i32
    return %c0_i32, %c0_i32_0 : i32, i32
  }
  func.func @transform_4(%arg0: i32) -> (i32, i32) {
    %c0_i32 = arith.constant 0 : i32
    %c0_i32_0 = arith.constant 0 : i32
    %c0_i32_1 = arith.constant 0 : i32
    return %c0_i32, %c0_i32_0 : i32, i32
  }
  func.func @transform_5(%arg0: i32) -> (i32, i32) {
    %c0_i32 = arith.constant 0 : i32
    %c0_i32_0 = arith.constant 0 : i32
    %c0_i32_1 = arith.constant 0 : i32
    return %c0_i32, %c0_i32_0 : i32, i32
  }
  func.func @transform_6(%arg0: i32) -> (i32, i32) {
    %c0_i32 = arith.constant 0 : i32
    %c0_i32_0 = arith.constant 0 : i32
    return %arg0, %c0_i32 : i32, i32
  }
}

</mosaic_0001>

<sc_bundles>
// kernel: kernel.12.cloned.1.call-start
scs
__scs_entry_jumppad:
0x0: {  	(pc) =	sbr.rel $0x88, $3  }
0x1: {  	(tag) =	ssettag $0x0;
	lr =	simm.s32 $0x1  }
0x2: {  	[smem:$0x3F9C] =	sst lr;
	_ =	strace $0xD0000000  }
0x3: {  	_ = 	snop  }
0x4: {  	_ = 	snop  }
0x5: {  	_ = 	snop  }
0x6: {  	_ = 	snop  }
0x7: {  	_ = 	snop  }
__scs_overlays_trampoline_lowered:
0x8: {  	[smem:$0x3FAB] =	sst s0  }
0x9: {  	[smem:$0x3FAC] =	sst s1  }
0xa: {  	[smem:$0x3FAD] =	sst s2  }
0xb: {  	[smem:$0x3FAE] =	sst s3  }
0xc: {  	[smem:$0x3FAF] =	sst s4  }
0xd: {  	[smem:$0x3FB0] =	sst s5  }
0xe: {  	[smem:$0x3FB1] =	sst s6  }
0xf: {  	[smem:$0x3FB2] =	sst s7  }
0x10: {  	[smem:$0x3FB3] =	sst s8  }
0x11: {  	[smem:$0x3FB4] =	sst s9;
	s0 =	simm.s32 @!p0 $0x0  }
0x12: {  	s1 =	sld [smem:$0x3F9A];
	s0 =	simm.s32 @p0 $0x1  }
0x13: {  	[smem:$0x3FB5] =	sst s0;
	s0 =	simm.s32 @!p1 $0x0  }
0x14: {  	s2 =	sld [smem:$0x3F99];
	s0 =	simm.s32 @p1 $0x1  }
0x15: {  	[smem:$0x3FB6] =	sst s0;
	s0 =	simm.s32 @!p2 $0x0  }
0x16: {  	s3 =	sld [smem:$0x3FDB];
	s0 =	simm.s32 @p2 $0x1  }
0x17: {  	s4 =	simm.s32 $0x1BF5;
	[smem:$0x3FB8] =	sst s0  }
0x18: {  	s0 =	sld [smem:$0x3F9B];
	_ =	swait.ge [sflag:s4], $0x0  }
0x19: {  	s7 =	sld [smem:$0x3F9C]  }
0x1a: {  	s8 =	sadd.s32 $0xFFFFE003, lr  }
0x1b: {  	s9 =	sadd.s32 $0xFFFFFEF7, lr;
	s5 =	simm.s32 $0xFFFFFFFF;
	p2 =	slt.u32 s8, $0xFFFFF086  }
0x1c: {  	p1 =	slt.u32 s9, $0xF7A;
	s5 =	simm.s32 @!p2 $0x0  }
0x1d: {  	s5 =	simm.s32 @p1 $0x1;
	p0 =	seq.s32 s7, s2  }
0x1e: {  	s7 =	smul.u32 @!p0 $0xF7A, s2;
	p2 =	seq.s32 @!p0 s5, $0x0  }
0x1f: {  	s9 =	smul.u32 $0xF7A, s1;
	s8 =	simm.s32 @!p0 $0x1BF5;
	p2 =	por !p2, p0  }
0x20: {  	[sflag:s8] =	ssyncset.s32 @!p0 $0xFFFFF086;
	s6 =	sadd.s32 @!p0 s3, s7;
	s7 =	simm.s32 @!p0 $0x108  }
0x21: {  	s3 =	sadd.s32 s3, s9;
	s6 =	sadd.s32 @!p0 $0x88, s6;
	s7 =	simm.s32 @p2 $0x1082  }
0x22: {  	[simem:s7], [sflag:s8] =	dma.local @!p0 [hbm:s6], $0xF7A  }
0x23: {  	s9 =	sor.u32 $0xD0000000, s2;
	s6 =	simm.s32 $0x108;
	_ =	swait.ge @!p0 [sflag:s8], $0x0  }
0x24: {  	s3 =	sadd.s32 $0x88, s3;
	s6 =	simm.s32 @!p1 $0x1082;
	[sflag:s4] =	ssyncset.s32 $0xFFFFF086  }
0x25: {  	[simem:s6], [sflag:s4] =	dma.local [hbm:s3], $0xF7A  }
0x26: {  	[smem:$0x3F9C] =	sst s1;
	(tag) =	ssettag s2;
	_ =	strace s9  }
0x27: {  	s1 =	sld [smem:$0x3FAC]  }
0x28: {  	s2 =	sld [smem:$0x3FAD]  }
0x29: {  	s4 =	sld [smem:$0x3FAF]  }
0x2a: {  	p0 =	seq.s32 s5, $0x0;
	s5 =	sld [smem:$0x3FB0]  }
0x2b: {  	s6 =	sld [smem:$0x3FB1]  }
0x2c: {  	s7 =	sld [smem:$0x3FB2]  }
0x2d: {  	s3 =	simm.s32 $0x108;
	s8 =	sld [smem:$0x3FB3]  }
0x2e: {  	s3 =	simm.s32 @!p0 $0x1082;
	s9 =	sld [smem:$0x3FB4]  }
0x2f: {  	lr =	sadd.s32 s0, s3;
	s0 =	sld [smem:$0x3FAB]  }
0x30: {  	s3 =	sld [smem:$0x3FAE]  }
0x31: {  	[smem:$0x3FB7] =	sst s10  }
0x32: {  	s10 =	sld [smem:$0x3FB5];
	_ =	sdelay $0x3  }
0x33: {  	p0 =	seq.s32 s10, $0x1;
	s10 =	sld [smem:$0x3FB7];
	_ =	sdelay $0x3  }
0x34: {  	[smem:$0x3FB7] =	sst s10  }
0x35: {  	s10 =	sld [smem:$0x3FB6];
	_ =	sdelay $0x3  }
0x36: {  	p1 =	seq.s32 s10, $0x1;
	s10 =	sld [smem:$0x3FB7];
	_ =	sdelay $0x3  }
0x37: {  	[smem:$0x3FB7] =	sst s10  }
0x38: {  	s10 =	sld [smem:$0x3FB8]  }
0x39: {  	_ = 	snop;
	(pc) =	sbr.ind lr, $3  }
0x3a: {  	_ = 	snop  }
0x3b: {  	_ = 	snop  }
0x3c: {  	p2 =	seq.s32 s10, $0x1;
	s10 =	sld [smem:$0x3FB7]  }
0x3d: {  	_ =	shalt  }
0x3e: {  	_ =	shalt  }
0x3f: {  	_ =	shalt  }
0x40: {  	_ =	shalt  }
0x41: {  	_ =	shalt  }
0x42: {  	_ =	shalt  }
0x43: {  	_ =	shalt  }
0x44: {  	_ =	shalt  }
0x45: {  	_ =	shalt  }
0x46: {  	_ =	shalt  }
0x47: {  	_ =	shalt  }
0x48: {  	_ =	shalt  }
0x49: {  	_ =	shalt  }
0x4a: {  	_ =	shalt  }
0x4b: {  	_ =	shalt  }
0x4c: {  	_ =	shalt  }
0x4d: {  	_ =	shalt  }
0x4e: {  	_ =	shalt  }
0x4f: {  	_ =	shalt  }
0x50: {  	_ =	shalt  }
0x51: {  	_ =	shalt  }
0x52: {  	_ =	shalt  }
0x53: {  	_ =	shalt  }
0x54: {  	_ =	shalt  }
0x55: {  	_ =	shalt  }
0x56: {  	_ =	shalt  }
0x57: {  	_ =	shalt  }
0x58: {  	_ =	shalt  }
0x59: {  	_ =	shalt  }
0x5a: {  	_ =	shalt  }
0x5b: {  	_ =	shalt  }
0x5c: {  	_ =	shalt  }
0x5d: {  	_ =	shalt  }
0x5e: {  	_ =	shalt  }
0x5f: {  	_ =	shalt  }
0x60: {  	_ =	shalt  }
0x61: {  	_ =	shalt  }
0x62: {  	_ =	shalt  }
0x63: {  	_ =	shalt  }
0x64: {  	_ =	shalt  }
0x65: {  	_ =	shalt  }
0x66: {  	_ =	shalt  }
0x67: {  	_ =	shalt  }
0x68: {  	_ =	shalt  }
0x69: {  	_ =	shalt  }
0x6a: {  	_ =	shalt  }
0x6b: {  	_ =	shalt  }
0x6c: {  	_ =	shalt  }
0x6d: {  	_ =	shalt  }
0x6e: {  	_ =	shalt  }
0x6f: {  	_ =	shalt  }
0x70: {  	_ =	shalt  }
0x71: {  	_ =	shalt  }
0x72: {  	_ =	shalt  }
0x73: {  	_ =	shalt  }
0x74: {  	_ =	shalt  }
0x75: {  	_ =	shalt  }
0x76: {  	_ =	shalt  }
0x77: {  	_ =	shalt  }
0x78: {  	_ =	shalt  }
0x79: {  	_ =	shalt  }
0x7a: {  	_ =	shalt  }
0x7b: {  	_ =	shalt  }
0x7c: {  	_ =	shalt  }
0x7d: {  	_ =	shalt  }
0x7e: {  	_ =	shalt  }
0x7f: {  	_ =	shalt  }
0x80: {  	_ =	shalt  }
0x81: {  	_ =	shalt  }
0x82: {  	_ =	shalt  }
0x83: {  	_ =	shalt  }
0x84: {  	_ =	shalt  }
0x85: {  	_ =	shalt  }
0x86: {  	_ =	shalt  }
0x87: {  	_ =	shalt  }
.Lfunc_end0:
.L_simem_size_0:
called_computation_lowered:
.L_overlay_start_0:
0x88: {  	s2 =	sld [smem:$0x3FD9]  }
0x89: {  	s3 =	sld [smem:$0x3FFE];
	_ =	sdelay $0x1  }
0x8a: {  	s1 =	srdreg.scid  }
0x8b: {  	s0 =	sand.u32 $0x1, s1  }
0x8c: {  	s17 =	sshll.u32 s0, $0xA;
	s2 =	sadd.s32 s3, s2  }
0x8d: {  	s2 =	sadd.s32 s2, s17  }
0x8e: {  	[smem:$0x3FC3] =	sst s2  }
0x8f: {  	_ = 	snop  }
0x90: {  	s2 =	sld [smem:$0x3FC9];
	(tm) =	ssettm $0x1  }
0x91: {  	s18 =	sld [smem:$0x3FFB];
	_ =	sdelay $0x3  }
0x92: {  	_ =	strace s18  }
0x93: {  	s3 =	sld [smem:$0x3FFC];
	_ =	sdelay $0x3  }
0x94: {  	_ =	strace s3  }
0x95: {  	s3 =	sld [smem:$0x3FFD];
	_ =	sdelay $0x3  }
0x96: {  	_ =	strace s3  }
0x97: {  	_ =	strace $0x8FFFFFFF  }
0x98: {  	s19 =	sld [smem:$0x3FDB];
	_ =	sdelay $0x1  }
0x99: {  	s4 =	simm.s32 $_scs_section_size  }
0x9a: {  	s5 =	simm.s32 $_size__tile_overlayer_lowered;
	s6 =	simm.s32 $_tile_overlayer_lowered  }
0x9b: {  	s22 =	simm.s32 $0x1BFF;
	s21 =	sshll.u32 s6, $0x1;
	s3 =	sadd.s32 s4, s19  }
0x9c: {  	s7 =	simm.s32 $0x0;
	s20 =	sshll.u32 s5, $0x1;
	s5 =	sadd.s32 s21, s3  }
0x9d: {  	[timem:s7], [sflag:s22] =	dma.local [hbm:s5], s20  }
0x9e: {  	_ =	swait.ge [sflag:s22], s20  }
0x9f: {  	s4 =	ssub.s32 $0x0, s20;
	[sflag:s22] =	ssyncset.done $0x0  }
0xa0: {  	[sflag:s22] =	ssyncadd.s32 s4;
	_ =	sdelay $0x1  }
0xa1: {  	s23 =	simm.s32 $0x1B8B  }
0xa2: {  	_ =	swait.ge [sflag:s23], $0x1  }
0xa3: {  	[sflag:s23] =	ssyncset.done $0x0  }
0xa4: {  	s25 =	simm.s32 $0x1B8E;
	s24 =	sld [smem:$0x3FFE];
	[sflag:s23] =	ssyncadd.s32 $0xFFFFFFFF  }
0xa5: {  	s26 =	simm.s32 $execute0_lowered;
	[smem:$0x3FD2] =	sst s25  }
0xa6: {  	s5 =	sshll.u32 s26, $0x1;
	_ =	strace $0x80000046;
	[dreg:$0x1] =	wrdreg $0xFFFFFFFF  }
0xa7: {  	s28 =	simm.s32 $_size_execute0_lowered;
	s3 =	sadd.s32 s3, s5;
	[dreg:$0x0] =	wrdreg $0x0  }
0xa8: {  	s5 =	sshll.u32 s28, $0x1;
	[dreg:$0x2] =	wrdreg s3  }
0xa9: {  	[dreg:$0x3] =	wrdreg s5  }
0xaa: {  	[dreg:$0x4] =	wrdreg $0xC0  }
0xab: {  	_ =	task [dreg:s7], $0x5FFFF  }
0xac: {  	[dreg:$0x1] =	wrdreg $0xFFFFFFFF  }
0xad: {  	[dreg:$0x0] =	wrdreg $0x60  }
0xae: {  	[dreg:$0x2] =	wrdreg s2  }
0xaf: {  	[dreg:$0x3] =	wrdreg s24  }
0xb0: {  	[dreg:$0x4] =	wrdreg $0x0  }
0xb1: {  	[dreg:$0x5] =	wrdreg $0x9  }
0xb2: {  	_ =	task.clear_ibuf [dreg:s7], $0x6FFFF;
	_ =	strace $0x90000046  }
0xb3: {  	s29 =	simm.s32 $0x9;
	_ =	strace $0x80000048  }
0xb4: {  	_ =	swait.ge [sflag:s29], $0x1  }
0xb5: {  	[sflag:s29] =	ssyncadd.s32 $0xFFFFFFFF  }
0xb6: {  	_ =	strace $0x90000048  }
0xb7: {  	_ =	sfence  }
0xb8: {  	s30 =	sld [smem:$0x0];
	_ =	sdelay $0x2  }
0xb9: {  	s31 =	sshll.u32 s1, $0xD;
	s1 =	sshrl.u32 s1, $0x2  }
0xba: {  	s3 =	sand.u32 $0x4000, s31;
	s1 =	sadd.s32 s1, s30  }
0xbb: {  	s0 =	sor.u32 s3, s0;
	s1 =	sshll.u32 s1, $0x11  }
0xbc: {  	s0 =	sor.u32 s1, s0  }
0xbd: {  	s0 =	sadd.s32 $0x8F2B, s0  }
0xbe: {  	[sflag:s0] =	ssyncadd.remote.s32 $0x1  }
0xbf: {  	_ =	sfence.sel $0xFFFF  }
0xc0: {  	[dreg:$0x0] =	wrdreg $0xFFFFFFFF;
	(pc) =	sbr.abs _section_cstart, $3  }
0xc1: {  	[dreg:$0x1] =	wrdreg $0xFFFFFFFF  }
0xc2: {  	_ =	task.clear_ibuf [dreg:s7], $0x2FFFF;
	_ =	strace $0x9FFFFFFF  }
0xc3: {  	(tm) =	ssettm $0x7FFFFFFF  }
tec
execute0_lowered:
.L_overlay_start_1:
0x0: {  	(tag) =	ssettag $0x1  }
0x1: {  	s2 =	rddreg [dreg:$0x0]  }
0x2: {  	s5 =	rddreg [dreg:$0x1]  }
0x3: {  	s3 =	rddreg [dreg:$0x2]  }
0x4: {  	s0 =	rddreg [dreg:$0x3];
	s1 =	stileid.u32  }
0x5: {  	s6 =	srdreg.scid;
	s4 =	simm.s32 $0x0;
	s16 =	simm.s32 $0x15000  }
0x6: {  	s17 =	simm.s32 $0x80;
	s18 =	simm.s32 $0x16400;
	s19 =	simm.s32 $0x13C80  }
0x7: {  	s20 =	simm.s32 $0x1A400;
	s21 =	simm.s32 $0x1;
	s22 =	simm.s32 $0x2  }
0x8: {  	s23 =	simm.s32 $0x16300;
	s7 =	smul.u32 $0x13C00, s1;
	s6 =	sand.u32 $0x1, s6  }
0x9: {  	[smem:$0x7FF] =	sst s4;
	s9 =	sadd.s32 $0xEC00, s5;
	s24 =	smul.u32 $0x4F000, s1  }
0xa: {  	s11 =	sadd.s32 $0x4C00, s5;
	s30 =	sshll.u32 s1, $0x6;
	s8 =	smul.u32 $0x13C000, s6  }
0xb: {  	_ =	strace $0x80000047;
	s12 =	sshll.u32 s6, $0x4;
	s25 =	ssub.s32 $0x2, s6  }
0xc: {  	s6 =	sor.u32 $0x1C03, s30;
	s10 =	sshrl.u32 s7, $0x3;
	s26 =	sor.u32 s1, s12  }
0xd: {  	s28 =	sshrl.u32 s25, $0x1;
	s10 =	sadd.s32 s10, s5;
	s7 =	sadd.s32 s7, s8  }
0xe: {  	s8 =	sshrl.u32 s24, $0x2;
	s12 =	smul.u32 $0x2800, s26;
	s14 =	ssub.s32 s25, s28  }
0xf: {  	s29 =	smul.u32 $0x500, s26;
	s24 =	simm.s32 $0x16380;
	s7 =	sshrl.u32 s7, $0x3  }
0x10: {  	s25 =	simm.s32 $0x0;
	s15 =	sadd.s32 s8, s3;
	s13 =	sadd.s32 s7, s5  }
0x11: {  	s5 =	sadd.s32 $0x18C00, s10;
	s31 =	sshrl.u32 s12, $0x3;
	s7 =	sadd.s32 s9, s29  }
0x12: {  	s8 =	sadd.s32 s11, s29;
	s12 =	smax.u32 s14, $0x1;
	s10 =	sadd.s32 $0x280, s31  }
0x13: {  	s14 =	simm.s32 $0x3;
	s9 =	sadd.s32 s9, s10;
	s10 =	sadd.s32 s11, s10  }
0x14: {  	s11 =	sadd.s32 $0x40400, s13;
	s13 =	sshrl.u32 s15, $0x3;
	s15 =	simm.s32 $0x13C00  }
.LBB2_1:
0x15: {  	[spmem:s13], [sflag:s6] =	dma.local [hbm:s5], $0x2780  }
0x16: {  	_ =	swait.ge [sflag:s14], $0x2780  }
0x17: {  	[sflag:s14] =	ssyncset.done $0x0  }
0x18: {  	[sflag:s14] =	ssyncadd.s32 $0xFFFFD880  }
0x19: {  	[bflag:$0x0] =	sbarrier.arrive $0xFFFF  }
0x1a: {  	[tilespmem:s15], [sflag:$0x3] =	stream.linear.gather [hbm4b:s7+s4], $0x1400, $0x38;
	[tilespmem:$0x1E400] =	vst v63  }
0x1b: {  	_ =	swait.ge [sflag:s14], $0x1400  }
0x1c: {  	[sflag:s14] =	ssyncset.done $0x0  }
0x1d: {  	[sflag:s14] =	ssyncadd.s32 $0xFFFFEC00  }
0x1e: {  	[tilespmem:s16], [sflag:$0x3] =	stream.linear.gather [hbm4b:s8+s4], $0x1400, $0x38;
	[tilespmem:$0x1E400] =	vst v63  }
0x1f: {  	_ =	swait.ge [sflag:s14], $0x1400  }
0x20: {  	[sflag:s14] =	ssyncset.done $0x0  }
0x21: {  	[sflag:s14] =	ssyncadd.s32 $0xFFFFEC00  }
0x22: {  	[tilespmem:s18], [sflag:$0x1] =	stream.indirect.gather [hbm4b:s2+s17], $0x80, s15, s17, $0xb8;
	[tilespmem:$0x1E400] =	vst v63  }
0x23: {  	_ = 	snop  }
0x24: {  	[tilespmem:s20], [sflag:$0x2] =	stream.indirect.gather [hbm4b:s2+s17], $0x80, s19, s17, $0xb8;
	[tilespmem:$0x1E400] =	vst v63  }
0x25: {  	_ =	swait.ge [sflag:s21], $0x4000  }
0x26: {  	[sflag:s21] =	ssyncset.done $0x0  }
0x27: {  	s26 =	simm.s32 $0x15000;
	[sflag:s21] =	ssyncadd.s32 $0xFFFFC000  }
0x28: {  	[spmem:s3] =	stream.indirect.scatter.add.f32 [tilespmem:s18], [sflag:$0x3], $0x80, s26, s17, $0xb8;
	[tilespmem:$0x1E400] =	vst v63  }
0x29: {  	_ =	swait.ge [sflag:s14], $0x4000  }
0x2a: {  	[sflag:s14] =	ssyncset.done $0x0  }
0x2b: {  	s30 =	simm.s32 $0x13D00;
	[sflag:s14] =	ssyncadd.s32 $0xFFFFC000  }
0x2c: {  	[tilespmem:s18], [sflag:$0x1] =	stream.indirect.gather [hbm4b:s2+s17], $0x80, s30, s17, $0xb8;
	[tilespmem:$0x1E400] =	vst v63  }
0x2d: {  	_ =	swait.ge [sflag:s22], $0x4000  }
0x2e: {  	[sflag:s22] =	ssyncset.done $0x0  }
0x2f: {  	s31 =	simm.s32 $0x15080;
	[sflag:s22] =	ssyncadd.s32 $0xFFFFC000  }
0x30: {  	[spmem:s3] =	stream.indirect.scatter.add.f32 [tilespmem:s20], [sflag:$0x3], $0x80, s31, s17, $0xb8;
	[tilespmem:$0x1E400] =	vst v63  }
0x31: {  	_ =	swait.ge [sflag:s14], $0x4000  }
0x32: {  	[sflag:s14] =	ssyncset.done $0x0  }
0x33: {  	s28 =	simm.s32 $0x13D80;
	s26 =	simm.s32 $0x400;
	[sflag:s14] =	ssyncadd.s32 $0xFFFFC000  }
.LBB2_2:
0x34: {  	[tilespmem:s20], [sflag:$0x2] =	stream.indirect.gather [hbm4b:s2+s17], $0x80, s28, s17, $0xb8;
	[tilespmem:$0x1E400] =	vst v63  }
0x35: {  	s28 =	smov.u32 s26  }
0x36: {  	p0 =	sne.s32 s26, $0x4800;
	s26 =	sadd.s32 $0x400, s26;
	_ =	swait.ge [sflag:s21], $0x4000  }
0x37: {  	s28 =	sshra.s32 s28, $0x2;
	[sflag:s21] =	ssyncset.done $0x0  }
0x38: {  	s29 =	sadd.s32 $0x15000, s28;
	[sflag:s21] =	ssyncadd.s32 $0xFFFFC000  }
0x39: {  	[spmem:s3] =	stream.indirect.scatter.add.f32 [tilespmem:s18], [sflag:$0x3], $0x80, s29, s17, $0xb8;
	[tilespmem:$0x1E400] =	vst v63  }
0x3a: {  	_ =	swait.ge [sflag:s14], $0x4000  }
0x3b: {  	[sflag:s14] =	ssyncset.done $0x0  }
0x3c: {  	s29 =	sadd.s32 $0x13D00, s28;
	[sflag:s14] =	ssyncadd.s32 $0xFFFFC000  }
0x3d: {  	[tilespmem:s18], [sflag:$0x1] =	stream.indirect.gather [hbm4b:s2+s17], $0x80, s29, s17, $0xb8;
	[tilespmem:$0x1E400] =	vst v63  }
0x3e: {  	_ =	swait.ge [sflag:s22], $0x4000  }
0x3f: {  	[sflag:s22] =	ssyncset.done $0x0  }
.Ltmp0:
0x40: {  	s29 =	sadd.s32 $0x15080, s28;
	[sflag:s22] =	ssyncadd.s32 $0xFFFFC000;
	(pc) =	sbr.rel @p0 .LBB2_2-.Ltmp0, $4  }
0x41: {  	[spmem:s3] =	stream.indirect.scatter.add.f32 [tilespmem:s20], [sflag:$0x3], $0x80, s29, s17, $0xb8;
	[tilespmem:$0x1E400] =	vst v63  }
0x42: {  	_ =	swait.ge [sflag:s14], $0x4000  }
0x43: {  	[sflag:s14] =	ssyncset.done $0x0  }
0x44: {  	s28 =	sadd.s32 $0x13D80, s28;
	[sflag:s14] =	ssyncadd.s32 $0xFFFFC000  }
0x45: {  	[tilespmem:s20], [sflag:$0x2] =	stream.indirect.gather [hbm4b:s2+s17], $0x80, s28, s17, $0xb8;
	[tilespmem:$0x1E400] =	vst v63  }
0x46: {  	_ =	swait.ge [sflag:s21], $0x4000  }
0x47: {  	[sflag:s21] =	ssyncset.done $0x0  }
0x48: {  	[sflag:s21] =	ssyncadd.s32 $0xFFFFC000  }
0x49: {  	[spmem:s3] =	stream.indirect.scatter.add.f32 [tilespmem:s18], [sflag:$0x3], $0x80, s23, s17, $0xb8;
	[tilespmem:$0x1E400] =	vst v63  }
0x4a: {  	_ =	swait.ge [sflag:s14], $0x4000  }
0x4b: {  	[sflag:s14] =	ssyncset.done $0x0  }
0x4c: {  	[sflag:s14] =	ssyncadd.s32 $0xFFFFC000  }
0x4d: {  	_ =	swait.ge [sflag:s22], $0x4000  }
0x4e: {  	[sflag:s22] =	ssyncset.done $0x0  }
0x4f: {  	[sflag:s22] =	ssyncadd.s32 $0xFFFFC000  }
0x50: {  	[spmem:s3] =	stream.indirect.scatter.add.f32 [tilespmem:s20], [sflag:$0x3], $0x80, s24, s17, $0xb8;
	[tilespmem:$0x1E400] =	vst v63  }
0x51: {  	_ =	swait.ge [sflag:s14], $0x4000  }
0x52: {  	[sflag:s14] =	ssyncset.done $0x0  }
0x53: {  	s26 =	simm.s32 $0x0;
	[sflag:s14] =	ssyncadd.s32 $0xFFFFC000  }
0x54: {  	[tilespmem:s15], [sflag:$0x3] =	stream.linear.gather [hbm4b:s9+s26], $0x1400, $0x38;
	[tilespmem:$0x1E400] =	vst v63  }
0x55: {  	_ =	swait.ge [sflag:s14], $0x1400  }
0x56: {  	[sflag:s14] =	ssyncset.done $0x0  }
0x57: {  	[sflag:s14] =	ssyncadd.s32 $0xFFFFEC00  }
0x58: {  	[tilespmem:s16], [sflag:$0x3] =	stream.linear.gather [hbm4b:s10+s26], $0x1400, $0x38;
	[tilespmem:$0x1E400] =	vst v63  }
0x59: {  	_ =	swait.ge [sflag:s14], $0x1400  }
0x5a: {  	[sflag:s14] =	ssyncset.done $0x0  }
0x5b: {  	[sflag:s14] =	ssyncadd.s32 $0xFFFFEC00  }
0x5c: {  	[tilespmem:s18], [sflag:$0x1] =	stream.indirect.gather [hbm4b:s2+s17], $0x80, s15, s17, $0xb8;
	[tilespmem:$0x1E400] =	vst v63  }
0x5d: {  	_ = 	snop  }
0x5e: {  	[tilespmem:s20], [sflag:$0x2] =	stream.indirect.gather [hbm4b:s2+s17], $0x80, s19, s17, $0xb8;
	[tilespmem:$0x1E400] =	vst v63  }
0x5f: {  	_ =	swait.ge [sflag:s21], $0x4000  }
0x60: {  	[sflag:s21] =	ssyncset.done $0x0  }
0x61: {  	s29 =	simm.s32 $0x15000;
	[sflag:s21] =	ssyncadd.s32 $0xFFFFC000  }
0x62: {  	[spmem:s3] =	stream.indirect.scatter.add.f32 [tilespmem:s18], [sflag:$0x3], $0x80, s29, s17, $0xb8;
	[tilespmem:$0x1E400] =	vst v63  }
0x63: {  	_ =	swait.ge [sflag:s14], $0x4000  }
0x64: {  	[sflag:s14] =	ssyncset.done $0x0  }
0x65: {  	s30 =	simm.s32 $0x13D00;
	[sflag:s14] =	ssyncadd.s32 $0xFFFFC000  }
0x66: {  	[tilespmem:s18], [sflag:$0x1] =	stream.indirect.gather [hbm4b:s2+s17], $0x80, s30, s17, $0xb8;
	[tilespmem:$0x1E400] =	vst v63  }
0x67: {  	_ =	swait.ge [sflag:s22], $0x4000  }
0x68: {  	[sflag:s22] =	ssyncset.done $0x0  }
0x69: {  	s31 =	simm.s32 $0x15080;
	[sflag:s22] =	ssyncadd.s32 $0xFFFFC000  }
0x6a: {  	[spmem:s3] =	stream.indirect.scatter.add.f32 [tilespmem:s20], [sflag:$0x3], $0x80, s31, s17, $0xb8;
	[tilespmem:$0x1E400] =	vst v63  }
0x6b: {  	_ =	swait.ge [sflag:s14], $0x4000  }
0x6c: {  	[sflag:s14] =	ssyncset.done $0x0  }
0x6d: {  	s28 =	simm.s32 $0x13D80;
	s26 =	simm.s32 $0x400;
	[sflag:s14] =	ssyncadd.s32 $0xFFFFC000  }
.LBB2_4:
0x6e: {  	[tilespmem:s20], [sflag:$0x2] =	stream.indirect.gather [hbm4b:s2+s17], $0x80, s28, s17, $0xb8;
	[tilespmem:$0x1E400] =	vst v63  }
0x6f: {  	s28 =	smov.u32 s26  }
0x70: {  	p0 =	sne.s32 s26, $0x4800;
	s26 =	sadd.s32 $0x400, s26;
	_ =	swait.ge [sflag:s21], $0x4000  }
0x71: {  	s28 =	sshra.s32 s28, $0x2;
	[sflag:s21] =	ssyncset.done $0x0  }
0x72: {  	s29 =	sadd.s32 $0x15000, s28;
	[sflag:s21] =	ssyncadd.s32 $0xFFFFC000  }
0x73: {  	[spmem:s3] =	stream.indirect.scatter.add.f32 [tilespmem:s18], [sflag:$0x3], $0x80, s29, s17, $0xb8;
	[tilespmem:$0x1E400] =	vst v63  }
0x74: {  	_ =	swait.ge [sflag:s14], $0x4000  }
0x75: {  	[sflag:s14] =	ssyncset.done $0x0  }
0x76: {  	s29 =	sadd.s32 $0x13D00, s28;
	[sflag:s14] =	ssyncadd.s32 $0xFFFFC000  }
0x77: {  	[tilespmem:s18], [sflag:$0x1] =	stream.indirect.gather [hbm4b:s2+s17], $0x80, s29, s17, $0xb8;
	[tilespmem:$0x1E400] =	vst v63  }
0x78: {  	_ =	swait.ge [sflag:s22], $0x4000  }
0x79: {  	[sflag:s22] =	ssyncset.done $0x0  }
.Ltmp1:
0x7a: {  	s29 =	sadd.s32 $0x15080, s28;
	[sflag:s22] =	ssyncadd.s32 $0xFFFFC000;
	(pc) =	sbr.rel @p0 .LBB2_4-.Ltmp1, $4  }
0x7b: {  	[spmem:s3] =	stream.indirect.scatter.add.f32 [tilespmem:s20], [sflag:$0x3], $0x80, s29, s17, $0xb8;
	[tilespmem:$0x1E400] =	vst v63  }
0x7c: {  	_ =	swait.ge [sflag:s14], $0x4000  }
0x7d: {  	[sflag:s14] =	ssyncset.done $0x0  }
0x7e: {  	s28 =	sadd.s32 $0x13D80, s28;
	[sflag:s14] =	ssyncadd.s32 $0xFFFFC000  }
0x7f: {  	[tilespmem:s20], [sflag:$0x2] =	stream.indirect.gather [hbm4b:s2+s17], $0x80, s28, s17, $0xb8;
	[tilespmem:$0x1E400] =	vst v63  }
0x80: {  	_ =	swait.ge [sflag:s21], $0x4000  }
0x81: {  	[sflag:s21] =	ssyncset.done $0x0  }
0x82: {  	[sflag:s21] =	ssyncadd.s32 $0xFFFFC000  }
0x83: {  	[spmem:s3] =	stream.indirect.scatter.add.f32 [tilespmem:s18], [sflag:$0x3], $0x80, s23, s17, $0xb8;
	[tilespmem:$0x1E400] =	vst v63  }
0x84: {  	_ =	swait.ge [sflag:s14], $0x4000  }
0x85: {  	[sflag:s14] =	ssyncset.done $0x0  }
0x86: {  	[sflag:s14] =	ssyncadd.s32 $0xFFFFC000  }
0x87: {  	_ =	swait.ge [sflag:s22], $0x4000  }
0x88: {  	[sflag:s22] =	ssyncset.done $0x0  }
0x89: {  	[sflag:s22] =	ssyncadd.s32 $0xFFFFC000  }
0x8a: {  	[spmem:s3] =	stream.indirect.scatter.add.f32 [tilespmem:s20], [sflag:$0x3], $0x80, s24, s17, $0xb8;
	[tilespmem:$0x1E400] =	vst v63  }
0x8b: {  	_ =	swait.ge [sflag:s14], $0x4000  }
0x8c: {  	s25 =	sadd.s32 $0x1, s25;
	[sflag:s14] =	ssyncset.done $0x0  }
0x8d: {  	p0 =	sne.s32 s25, s12;
	[sflag:s14] =	ssyncadd.s32 $0xFFFFC000  }
.Ltmp2:
0x8e: {  	[bflag:$0x0] =	sbarrier.arrive $0xFFFF;
	(pc) =	sbr.rel @p0 .LBB2_1-.Ltmp2, $4  }
0x8f: {  	[hbm:s11], [sflag:s6] =	dma.local [spmem:s13], $0x2780  }
0x90: {  	_ =	swait.ge [sflag:s14], $0x2780  }
0x91: {  	[sflag:s14] =	ssyncset.done $0x0  }
0x92: {  	[sflag:s14] =	ssyncadd.s32 $0xFFFFD880  }
0x93: {  	_ =	sfence.sel $0x180000  }
0x94: {  	[bflag:$0x0] =	sbarrier.arrive $0xFFFF  }
0x95: {  	p0 =	sne.s32 s1, $0x0;
	_ =	strace $0x90000047  }
0x96: {  	s0 =	sadd.s32 @!p0 $0x100000, s0;
	[bflag:$0x2] =	sbarrier.arrive $0xFFFF  }
0x97: {  	[sflag:s0] =	ssyncadd.tile.s32 @!p0 $0x1;
	_ =	shalt  }
.Lfunc_end2:
_tile_overlayer_lowered:
.L_overlay_start_2:
0x98: {  	(tag) =	ssettag $0x2  }
0x99: {  	s0 =	rddreg [dreg:$0x0];
	s2 =	stileid.u32  }
0x9a: {  	s1 =	rddreg [dreg:$0x1];
	p0 =	sne.s32 s2, $0x0  }
0x9b: {  	s3 =	rddreg [dreg:$0x2];
	[bflag:$0x3] =	sbarrier.arrive $0xFFFF;
	s2 =	simm.s32 @!p0 $0x1C03  }
0x9c: {  	[timem:s3], [sflag:s2] =	dma.local @!p0 [hbm:s0], s1  }
0x9d: {  	s0 =	simm.s32 @!p0 $0x3  }
0x9e: {  	_ =	swait.ge @!p0 [sflag:s0], s1  }
0x9f: {  	s1 =	ssub.s32 @!p0 $0x0, s1;
	[sflag:s0] =	ssyncset.done @!p0 $0x0  }
0xa0: {  	[sflag:s0] =	ssyncadd.s32 @!p0 s1  }
0xa1: {  	[bflag:$0x3] =	sbarrier.arrive $0xFFFF  }
0xa2: {  	_ =	shalt  }

// kernel: kernel.15.cloned.1.call-start
scs
__scs_entry_jumppad:
0x0: {  	(pc) =	sbr.rel $0x88, $3  }
0x1: {  	(tag) =	ssettag $0x0;
	lr =	simm.s32 $0x1  }
0x2: {  	[smem:$0x3F9C] =	sst lr;
	_ =	strace $0xD0000000  }
0x3: {  	_ = 	snop  }
0x4: {  	_ = 	snop  }
0x5: {  	_ = 	snop  }
0x6: {  	_ = 	snop  }
0x7: {  	_ = 	snop  }
__scs_overlays_trampoline_lowered:
0x8: {  	[smem:$0x3FAB] =	sst s0  }
0x9: {  	[smem:$0x3FAC] =	sst s1  }
0xa: {  	[smem:$0x3FAD] =	sst s2  }
0xb: {  	[smem:$0x3FAE] =	sst s3  }
0xc: {  	[smem:$0x3FAF] =	sst s4  }
0xd: {  	[smem:$0x3FB0] =	sst s5  }
0xe: {  	[smem:$0x3FB1] =	sst s6  }
0xf: {  	[smem:$0x3FB2] =	sst s7  }
0x10: {  	[smem:$0x3FB3] =	sst s8  }
0x11: {  	[smem:$0x3FB4] =	sst s9;
	s0 =	simm.s32 @!p0 $0x0  }
0x12: {  	s1 =	sld [smem:$0x3F9A];
	s0 =	simm.s32 @p0 $0x1  }
0x13: {  	[smem:$0x3FB5] =	sst s0;
	s0 =	simm.s32 @!p1 $0x0  }
0x14: {  	s2 =	sld [smem:$0x3F99];
	s0 =	simm.s32 @p1 $0x1  }
0x15: {  	[smem:$0x3FB6] =	sst s0;
	s0 =	simm.s32 @!p2 $0x0  }
0x16: {  	s3 =	sld [smem:$0x3FDB];
	s0 =	simm.s32 @p2 $0x1  }
0x17: {  	s4 =	simm.s32 $0x1BF5;
	[smem:$0x3FB8] =	sst s0  }
0x18: {  	s0 =	sld [smem:$0x3F9B];
	_ =	swait.ge [sflag:s4], $0x0  }
0x19: {  	s7 =	sld [smem:$0x3F9C]  }
0x1a: {  	s8 =	sadd.s32 $0xFFFFE003, lr  }
0x1b: {  	s9 =	sadd.s32 $0xFFFFFEF7, lr;
	s5 =	simm.s32 $0xFFFFFFFF;
	p2 =	slt.u32 s8, $0xFFFFF086  }
0x1c: {  	p1 =	slt.u32 s9, $0xF7A;
	s5 =	simm.s32 @!p2 $0x0  }
0x1d: {  	s5 =	simm.s32 @p1 $0x1;
	p0 =	seq.s32 s7, s2  }
0x1e: {  	s7 =	smul.u32 @!p0 $0xF7A, s2;
	p2 =	seq.s32 @!p0 s5, $0x0  }
0x1f: {  	s9 =	smul.u32 $0xF7A, s1;
	s8 =	simm.s32 @!p0 $0x1BF5;
	p2 =	por !p2, p0  }
0x20: {  	[sflag:s8] =	ssyncset.s32 @!p0 $0xFFFFF086;
	s6 =	sadd.s32 @!p0 s3, s7;
	s7 =	simm.s32 @!p0 $0x108  }
0x21: {  	s3 =	sadd.s32 s3, s9;
	s6 =	sadd.s32 @!p0 $0x88, s6;
	s7 =	simm.s32 @p2 $0x1082  }
0x22: {  	[simem:s7], [sflag:s8] =	dma.local @!p0 [hbm:s6], $0xF7A  }
0x23: {  	s9 =	sor.u32 $0xD0000000, s2;
	s6 =	simm.s32 $0x108;
	_ =	swait.ge @!p0 [sflag:s8], $0x0  }
0x24: {  	s3 =	sadd.s32 $0x88, s3;
	s6 =	simm.s32 @!p1 $0x1082;
	[sflag:s4] =	ssyncset.s32 $0xFFFFF086  }
0x25: {  	[simem:s6], [sflag:s4] =	dma.local [hbm:s3], $0xF7A  }
0x26: {  	[smem:$0x3F9C] =	sst s1;
	(tag) =	ssettag s2;
	_ =	strace s9  }
0x27: {  	s1 =	sld [smem:$0x3FAC]  }
0x28: {  	s2 =	sld [smem:$0x3FAD]  }
0x29: {  	s4 =	sld [smem:$0x3FAF]  }
0x2a: {  	p0 =	seq.s32 s5, $0x0;
	s5 =	sld [smem:$0x3FB0]  }
0x2b: {  	s6 =	sld [smem:$0x3FB1]  }
0x2c: {  	s7 =	sld [smem:$0x3FB2]  }
0x2d: {  	s3 =	simm.s32 $0x108;
	s8 =	sld [smem:$0x3FB3]  }
0x2e: {  	s3 =	simm.s32 @!p0 $0x1082;
	s9 =	sld [smem:$0x3FB4]  }
0x2f: {  	lr =	sadd.s32 s0, s3;
	s0 =	sld [smem:$0x3FAB]  }
0x30: {  	s3 =	sld [smem:$0x3FAE]  }
0x31: {  	[smem:$0x3FB7] =	sst s10  }
0x32: {  	s10 =	sld [smem:$0x3FB5];
	_ =	sdelay $0x3  }
0x33: {  	p0 =	seq.s32 s10, $0x1;
	s10 =	sld [smem:$0x3FB7];
	_ =	sdelay $0x3  }
0x34: {  	[smem:$0x3FB7] =	sst s10  }
0x35: {  	s10 =	sld [smem:$0x3FB6];
	_ =	sdelay $0x3  }
0x36: {  	p1 =	seq.s32 s10, $0x1;
	s10 =	sld [smem:$0x3FB7];
	_ =	sdelay $0x3  }
0x37: {  	[smem:$0x3FB7] =	sst s10  }
0x38: {  	s10 =	sld [smem:$0x3FB8]  }
0x39: {  	_ = 	snop;
	(pc) =	sbr.ind lr, $3  }
0x3a: {  	_ = 	snop  }
0x3b: {  	_ = 	snop  }
0x3c: {  	p2 =	seq.s32 s10, $0x1;
	s10 =	sld [smem:$0x3FB7]  }
0x3d: {  	_ =	shalt  }
0x3e: {  	_ =	shalt  }
0x3f: {  	_ =	shalt  }
0x40: {  	_ =	shalt  }
0x41: {  	_ =	shalt  }
0x42: {  	_ =	shalt  }
0x43: {  	_ =	shalt  }
0x44: {  	_ =	shalt  }
0x45: {  	_ =	shalt  }
0x46: {  	_ =	shalt  }
0x47: {  	_ =	shalt  }
0x48: {  	_ =	shalt  }
0x49: {  	_ =	shalt  }
0x4a: {  	_ =	shalt  }
0x4b: {  	_ =	shalt  }
0x4c: {  	_ =	shalt  }
0x4d: {  	_ =	shalt  }
0x4e: {  	_ =	shalt  }
0x4f: {  	_ =	shalt  }
0x50: {  	_ =	shalt  }
0x51: {  	_ =	shalt  }
0x52: {  	_ =	shalt  }
0x53: {  	_ =	shalt  }
0x54: {  	_ =	shalt  }
0x55: {  	_ =	shalt  }
0x56: {  	_ =	shalt  }
0x57: {  	_ =	shalt  }
0x58: {  	_ =	shalt  }
0x59: {  	_ =	shalt  }
0x5a: {  	_ =	shalt  }
0x5b: {  	_ =	shalt  }
0x5c: {  	_ =	shalt  }
0x5d: {  	_ =	shalt  }
0x5e: {  	_ =	shalt  }
0x5f: {  	_ =	shalt  }
0x60: {  	_ =	shalt  }
0x61: {  	_ =	shalt  }
0x62: {  	_ =	shalt  }
0x63: {  	_ =	shalt  }
0x64: {  	_ =	shalt  }
0x65: {  	_ =	shalt  }
0x66: {  	_ =	shalt  }
0x67: {  	_ =	shalt  }
0x68: {  	_ =	shalt  }
0x69: {  	_ =	shalt  }
0x6a: {  	_ =	shalt  }
0x6b: {  	_ =	shalt  }
0x6c: {  	_ =	shalt  }
0x6d: {  	_ =	shalt  }
0x6e: {  	_ =	shalt  }
0x6f: {  	_ =	shalt  }
0x70: {  	_ =	shalt  }
0x71: {  	_ =	shalt  }
0x72: {  	_ =	shalt  }
0x73: {  	_ =	shalt  }
0x74: {  	_ =	shalt  }
0x75: {  	_ =	shalt  }
0x76: {  	_ =	shalt  }
0x77: {  	_ =	shalt  }
0x78: {  	_ =	shalt  }
0x79: {  	_ =	shalt  }
0x7a: {  	_ =	shalt  }
0x7b: {  	_ =	shalt  }
0x7c: {  	_ =	shalt  }
0x7d: {  	_ =	shalt  }
0x7e: {  	_ =	shalt  }
0x7f: {  	_ =	shalt  }
0x80: {  	_ =	shalt  }
0x81: {  	_ =	shalt  }
0x82: {  	_ =	shalt  }
0x83: {  	_ =	shalt  }
0x84: {  	_ =	shalt  }
0x85: {  	_ =	shalt  }
0x86: {  	_ =	shalt  }
0x87: {  	_ =	shalt  }
.Lfunc_end0:
.L_simem_size_0:
called_computation.1_lowered:
.L_overlay_start_0:
0x88: {  	s2 =	sld [smem:$0x3FD9]  }
0x89: {  	s3 =	sld [smem:$0x3FFE];
	_ =	sdelay $0x1  }
0x8a: {  	s1 =	srdreg.scid  }
0x8b: {  	s0 =	sand.u32 $0x1, s1  }
0x8c: {  	s17 =	sshll.u32 s0, $0xA;
	s2 =	sadd.s32 s3, s2  }
0x8d: {  	s2 =	sadd.s32 s2, s17  }
0x8e: {  	[smem:$0x3FC3] =	sst s2  }
0x8f: {  	_ = 	snop  }
0x90: {  	s2 =	sld [smem:$0x3FD0];
	(tm) =	ssettm $0x1  }
0x91: {  	s18 =	sld [smem:$0x3FFB];
	_ =	sdelay $0x3  }
0x92: {  	_ =	strace s18  }
0x93: {  	s3 =	sld [smem:$0x3FFC];
	_ =	sdelay $0x3  }
0x94: {  	_ =	strace s3  }
0x95: {  	s3 =	sld [smem:$0x3FFD];
	_ =	sdelay $0x3  }
0x96: {  	_ =	strace s3  }
0x97: {  	_ =	strace $0x8FFFFFFF  }
0x98: {  	s19 =	sld [smem:$0x3FDB];
	_ =	sdelay $0x1  }
0x99: {  	s4 =	simm.s32 $_scs_section_size  }
0x9a: {  	s5 =	simm.s32 $_size__tile_overlayer_lowered;
	s6 =	simm.s32 $_tile_overlayer_lowered  }
0x9b: {  	s22 =	simm.s32 $0x1BFF;
	s21 =	sshll.u32 s6, $0x1;
	s3 =	sadd.s32 s4, s19  }
0x9c: {  	s7 =	simm.s32 $0x0;
	s20 =	sshll.u32 s5, $0x1;
	s5 =	sadd.s32 s21, s3  }
0x9d: {  	[timem:s7], [sflag:s22] =	dma.local [hbm:s5], s20  }
0x9e: {  	_ =	swait.ge [sflag:s22], s20  }
0x9f: {  	s4 =	ssub.s32 $0x0, s20;
	[sflag:s22] =	ssyncset.done $0x0  }
0xa0: {  	[sflag:s22] =	ssyncadd.s32 s4;
	_ =	sdelay $0x1  }
0xa1: {  	s23 =	simm.s32 $0x1B8B  }
0xa2: {  	_ =	swait.ge [sflag:s23], $0x1  }
0xa3: {  	[sflag:s23] =	ssyncset.done $0x0  }
0xa4: {  	s25 =	simm.s32 $0x1B8E;
	s24 =	sld [smem:$0x3FFE];
	[sflag:s23] =	ssyncadd.s32 $0xFFFFFFFF  }
0xa5: {  	s26 =	simm.s32 $execute0_lowered;
	[smem:$0x3FD2] =	sst s25  }
0xa6: {  	s5 =	sshll.u32 s26, $0x1;
	_ =	strace $0x80000049;
	[dreg:$0x1] =	wrdreg $0xFFFFFFFF  }
0xa7: {  	s28 =	simm.s32 $_size_execute0_lowered;
	s3 =	sadd.s32 s3, s5;
	[dreg:$0x0] =	wrdreg $0x0  }
0xa8: {  	s5 =	sshll.u32 s28, $0x1;
	[dreg:$0x2] =	wrdreg s3  }
0xa9: {  	[dreg:$0x3] =	wrdreg s5  }
0xaa: {  	[dreg:$0x4] =	wrdreg $0xC0  }
0xab: {  	_ =	task [dreg:s7], $0x5FFFF  }
0xac: {  	[dreg:$0x1] =	wrdreg $0xFFFFFFFF  }
0xad: {  	[dreg:$0x0] =	wrdreg $0x60  }
0xae: {  	[dreg:$0x2] =	wrdreg s2  }
0xaf: {  	[dreg:$0x3] =	wrdreg s24  }
0xb0: {  	[dreg:$0x4] =	wrdreg $0x0  }
0xb1: {  	[dreg:$0x5] =	wrdreg $0x9  }
0xb2: {  	_ =	task.clear_ibuf [dreg:s7], $0x6FFFF;
	_ =	strace $0x90000049  }
0xb3: {  	s29 =	simm.s32 $0x9;
	_ =	strace $0x8000004B  }
0xb4: {  	_ =	swait.ge [sflag:s29], $0x1  }
0xb5: {  	[sflag:s29] =	ssyncadd.s32 $0xFFFFFFFF  }
0xb6: {  	_ =	strace $0x9000004B  }
0xb7: {  	_ =	sfence  }
0xb8: {  	s30 =	sld [smem:$0x0];
	_ =	sdelay $0x2  }
0xb9: {  	s31 =	sshll.u32 s1, $0xD;
	s1 =	sshrl.u32 s1, $0x2  }
0xba: {  	s3 =	sand.u32 $0x4000, s31;
	s1 =	sadd.s32 s1, s30  }
0xbb: {  	s0 =	sor.u32 s3, s0;
	s1 =	sshll.u32 s1, $0x11  }
0xbc: {  	s0 =	sor.u32 s1, s0  }
0xbd: {  	s0 =	sadd.s32 $0x8F2B, s0  }
0xbe: {  	[sflag:s0] =	ssyncadd.remote.s32 $0x1  }
0xbf: {  	_ =	sfence.sel $0xFFFF  }
0xc0: {  	[dreg:$0x0] =	wrdreg $0xFFFFFFFF;
	(pc) =	sbr.abs _section_cstart, $3  }
0xc1: {  	[dreg:$0x1] =	wrdreg $0xFFFFFFFF  }
0xc2: {  	_ =	task.clear_ibuf [dreg:s7], $0x2FFFF;
	_ =	strace $0x9FFFFFFF  }
0xc3: {  	(tm) =	ssettm $0x7FFFFFFF  }
tec
execute0_lowered:
.L_overlay_start_1:
0x0: {  	(tag) =	ssettag $0x1  }
0x1: {  	s2 =	rddreg [dreg:$0x0]  }
0x2: {  	s5 =	rddreg [dreg:$0x1]  }
0x3: {  	s3 =	rddreg [dreg:$0x2]  }
0x4: {  	s0 =	rddreg [dreg:$0x3];
	s1 =	stileid.u32  }
0x5: {  	s6 =	srdreg.scid;
	s4 =	simm.s32 $0x0;
	s16 =	simm.s32 $0x15000  }
0x6: {  	s17 =	simm.s32 $0x80;
	s18 =	simm.s32 $0x16400;
	s19 =	simm.s32 $0x13C80  }
0x7: {  	s20 =	simm.s32 $0x1A400;
	s21 =	simm.s32 $0x1;
	s22 =	simm.s32 $0x2  }
0x8: {  	s23 =	simm.s32 $0x16300;
	s7 =	smul.u32 $0x13C00, s1;
	s6 =	sand.u32 $0x1, s6  }
0x9: {  	[smem:$0x7FF] =	sst s4;
	s9 =	sadd.s32 $0xEC00, s5;
	s24 =	smul.u32 $0x4F000, s1  }
0xa: {  	s11 =	sadd.s32 $0x4C00, s5;
	s30 =	sshll.u32 s1, $0x6;
	s8 =	smul.u32 $0x13C000, s6  }
0xb: {  	_ =	strace $0x8000004A;
	s12 =	sshll.u32 s6, $0x4;
	s25 =	ssub.s32 $0x2, s6  }
0xc: {  	s6 =	sor.u32 $0x1C03, s30;
	s10 =	sshrl.u32 s7, $0x3;
	s26 =	sor.u32 s1, s12  }
0xd: {  	s28 =	sshrl.u32 s25, $0x1;
	s10 =	sadd.s32 s10, s5;
	s7 =	sadd.s32 s7, s8  }
0xe: {  	s8 =	sshrl.u32 s24, $0x2;
	s12 =	smul.u32 $0x2800, s26;
	s14 =	ssub.s32 s25, s28  }
0xf: {  	s29 =	smul.u32 $0x500, s26;
	s24 =	simm.s32 $0x16380;
	s7 =	sshrl.u32 s7, $0x3  }
0x10: {  	s25 =	simm.s32 $0x0;
	s15 =	sadd.s32 s8, s3;
	s13 =	sadd.s32 s7, s5  }
0x11: {  	s5 =	sadd.s32 $0x18C00, s10;
	s31 =	sshrl.u32 s12, $0x3;
	s7 =	sadd.s32 s9, s29  }
0x12: {  	s8 =	sadd.s32 s11, s29;
	s12 =	smax.u32 s14, $0x1;
	s10 =	sadd.s32 $0x280, s31  }
0x13: {  	s14 =	simm.s32 $0x3;
	s9 =	sadd.s32 s9, s10;
	s10 =	sadd.s32 s11, s10  }
0x14: {  	s11 =	sadd.s32 $0x40400, s13;
	s13 =	sshrl.u32 s15, $0x3;
	s15 =	simm.s32 $0x13C00  }
.LBB2_1:
0x15: {  	[spmem:s13], [sflag:s6] =	dma.local [hbm:s5], $0x2780  }
0x16: {  	_ =	swait.ge [sflag:s14], $0x2780  }
0x17: {  	[sflag:s14] =	ssyncset.done $0x0  }
0x18: {  	[sflag:s14] =	ssyncadd.s32 $0xFFFFD880  }
0x19: {  	[bflag:$0x0] =	sbarrier.arrive $0xFFFF  }
0x1a: {  	[tilespmem:s15], [sflag:$0x3] =	stream.linear.gather [hbm4b:s7+s4], $0x1400, $0x38;
	[tilespmem:$0x1E400] =	vst v63  }
0x1b: {  	_ =	swait.ge [sflag:s14], $0x1400  }
0x1c: {  	[sflag:s14] =	ssyncset.done $0x0  }
0x1d: {  	[sflag:s14] =	ssyncadd.s32 $0xFFFFEC00  }
0x1e: {  	[tilespmem:s16], [sflag:$0x3] =	stream.linear.gather [hbm4b:s8+s4], $0x1400, $0x38;
	[tilespmem:$0x1E400] =	vst v63  }
0x1f: {  	_ =	swait.ge [sflag:s14], $0x1400  }
0x20: {  	[sflag:s14] =	ssyncset.done $0x0  }
0x21: {  	[sflag:s14] =	ssyncadd.s32 $0xFFFFEC00  }
0x22: {  	[tilespmem:s18], [sflag:$0x1] =	stream.indirect.gather [hbm4b:s2+s17], $0x80, s15, s17, $0xb8;
	[tilespmem:$0x1E400] =	vst v63  }
0x23: {  	_ = 	snop  }
0x24: {  	[tilespmem:s20], [sflag:$0x2] =	stream.indirect.gather [hbm4b:s2+s17], $0x80, s19, s17, $0xb8;
	[tilespmem:$0x1E400] =	vst v63  }
0x25: {  	_ =	swait.ge [sflag:s21], $0x4000  }
0x26: {  	[sflag:s21] =	ssyncset.done $0x0  }
0x27: {  	s26 =	simm.s32 $0x15000;
	[sflag:s21] =	ssyncadd.s32 $0xFFFFC000  }
0x28: {  	[spmem:s3] =	stream.indirect.scatter.add.f32 [tilespmem:s18], [sflag:$0x3], $0x80, s26, s17, $0xb8;
	[tilespmem:$0x1E400] =	vst v63  }
0x29: {  	_ =	swait.ge [sflag:s14], $0x4000  }
0x2a: {  	[sflag:s14] =	ssyncset.done $0x0  }
0x2b: {  	s30 =	simm.s32 $0x13D00;
	[sflag:s14] =	ssyncadd.s32 $0xFFFFC000  }
0x2c: {  	[tilespmem:s18], [sflag:$0x1] =	stream.indirect.gather [hbm4b:s2+s17], $0x80, s30, s17, $0xb8;
	[tilespmem:$0x1E400] =	vst v63  }
0x2d: {  	_ =	swait.ge [sflag:s22], $0x4000  }
0x2e: {  	[sflag:s22] =	ssyncset.done $0x0  }
0x2f: {  	s31 =	simm.s32 $0x15080;
	[sflag:s22] =	ssyncadd.s32 $0xFFFFC000  }
0x30: {  	[spmem:s3] =	stream.indirect.scatter.add.f32 [tilespmem:s20], [sflag:$0x3], $0x80, s31, s17, $0xb8;
	[tilespmem:$0x1E400] =	vst v63  }
0x31: {  	_ =	swait.ge [sflag:s14], $0x4000  }
0x32: {  	[sflag:s14] =	ssyncset.done $0x0  }
0x33: {  	s28 =	simm.s32 $0x13D80;
	s26 =	simm.s32 $0x400;
	[sflag:s14] =	ssyncadd.s32 $0xFFFFC000  }
.LBB2_2:
0x34: {  	[tilespmem:s20], [sflag:$0x2] =	stream.indirect.gather [hbm4b:s2+s17], $0x80, s28, s17, $0xb8;
	[tilespmem:$0x1E400] =	vst v63  }
0x35: {  	s28 =	smov.u32 s26  }
0x36: {  	p0 =	sne.s32 s26, $0x4800;
	s26 =	sadd.s32 $0x400, s26;
	_ =	swait.ge [sflag:s21], $0x4000  }
0x37: {  	s28 =	sshra.s32 s28, $0x2;
	[sflag:s21] =	ssyncset.done $0x0  }
0x38: {  	s29 =	sadd.s32 $0x15000, s28;
	[sflag:s21] =	ssyncadd.s32 $0xFFFFC000  }
0x39: {  	[spmem:s3] =	stream.indirect.scatter.add.f32 [tilespmem:s18], [sflag:$0x3], $0x80, s29, s17, $0xb8;
	[tilespmem:$0x1E400] =	vst v63  }
0x3a: {  	_ =	swait.ge [sflag:s14], $0x4000  }
0x3b: {  	[sflag:s14] =	ssyncset.done $0x0  }
0x3c: {  	s29 =	sadd.s32 $0x13D00, s28;
	[sflag:s14] =	ssyncadd.s32 $0xFFFFC000  }
0x3d: {  	[tilespmem:s18], [sflag:$0x1] =	stream.indirect.gather [hbm4b:s2+s17], $0x80, s29, s17, $0xb8;
	[tilespmem:$0x1E400] =	vst v63  }
0x3e: {  	_ =	swait.ge [sflag:s22], $0x4000  }
0x3f: {  	[sflag:s22] =	ssyncset.done $0x0  }
.Ltmp0:
0x40: {  	s29 =	sadd.s32 $0x15080, s28;
	[sflag:s22] =	ssyncadd.s32 $0xFFFFC000;
	(pc) =	sbr.rel @p0 .LBB2_2-.Ltmp0, $4  }
0x41: {  	[spmem:s3] =	stream.indirect.scatter.add.f32 [tilespmem:s20], [sflag:$0x3], $0x80, s29, s17, $0xb8;
	[tilespmem:$0x1E400] =	vst v63  }
0x42: {  	_ =	swait.ge [sflag:s14], $0x4000  }
0x43: {  	[sflag:s14] =	ssyncset.done $0x0  }
0x44: {  	s28 =	sadd.s32 $0x13D80, s28;
	[sflag:s14] =	ssyncadd.s32 $0xFFFFC000  }
0x45: {  	[tilespmem:s20], [sflag:$0x2] =	stream.indirect.gather [hbm4b:s2+s17], $0x80, s28, s17, $0xb8;
	[tilespmem:$0x1E400] =	vst v63  }
0x46: {  	_ =	swait.ge [sflag:s21], $0x4000  }
0x47: {  	[sflag:s21] =	ssyncset.done $0x0  }
0x48: {  	[sflag:s21] =	ssyncadd.s32 $0xFFFFC000  }
0x49: {  	[spmem:s3] =	stream.indirect.scatter.add.f32 [tilespmem:s18], [sflag:$0x3], $0x80, s23, s17, $0xb8;
	[tilespmem:$0x1E400] =	vst v63  }
0x4a: {  	_ =	swait.ge [sflag:s14], $0x4000  }
0x4b: {  	[sflag:s14] =	ssyncset.done $0x0  }
0x4c: {  	[sflag:s14] =	ssyncadd.s32 $0xFFFFC000  }
0x4d: {  	_ =	swait.ge [sflag:s22], $0x4000  }
0x4e: {  	[sflag:s22] =	ssyncset.done $0x0  }
0x4f: {  	[sflag:s22] =	ssyncadd.s32 $0xFFFFC000  }
0x50: {  	[spmem:s3] =	stream.indirect.scatter.add.f32 [tilespmem:s20], [sflag:$0x3], $0x80, s24, s17, $0xb8;
	[tilespmem:$0x1E400] =	vst v63  }
0x51: {  	_ =	swait.ge [sflag:s14], $0x4000  }
0x52: {  	[sflag:s14] =	ssyncset.done $0x0  }
0x53: {  	s26 =	simm.s32 $0x0;
	[sflag:s14] =	ssyncadd.s32 $0xFFFFC000  }
0x54: {  	[tilespmem:s15], [sflag:$0x3] =	stream.linear.gather [hbm4b:s9+s26], $0x1400, $0x38;
	[tilespmem:$0x1E400] =	vst v63  }
0x55: {  	_ =	swait.ge [sflag:s14], $0x1400  }
0x56: {  	[sflag:s14] =	ssyncset.done $0x0  }
0x57: {  	[sflag:s14] =	ssyncadd.s32 $0xFFFFEC00  }
0x58: {  	[tilespmem:s16], [sflag:$0x3] =	stream.linear.gather [hbm4b:s10+s26], $0x1400, $0x38;
	[tilespmem:$0x1E400] =	vst v63  }
0x59: {  	_ =	swait.ge [sflag:s14], $0x1400  }
0x5a: {  	[sflag:s14] =	ssyncset.done $0x0  }
0x5b: {  	[sflag:s14] =	ssyncadd.s32 $0xFFFFEC00  }
0x5c: {  	[tilespmem:s18], [sflag:$0x1] =	stream.indirect.gather [hbm4b:s2+s17], $0x80, s15, s17, $0xb8;
	[tilespmem:$0x1E400] =	vst v63  }
0x5d: {  	_ = 	snop  }
0x5e: {  	[tilespmem:s20], [sflag:$0x2] =	stream.indirect.gather [hbm4b:s2+s17], $0x80, s19, s17, $0xb8;
	[tilespmem:$0x1E400] =	vst v63  }
0x5f: {  	_ =	swait.ge [sflag:s21], $0x4000  }
0x60: {  	[sflag:s21] =	ssyncset.done $0x0  }
0x61: {  	s29 =	simm.s32 $0x15000;
	[sflag:s21] =	ssyncadd.s32 $0xFFFFC000  }
0x62: {  	[spmem:s3] =	stream.indirect.scatter.add.f32 [tilespmem:s18], [sflag:$0x3], $0x80, s29, s17, $0xb8;
	[tilespmem:$0x1E400] =	vst v63  }
0x63: {  	_ =	swait.ge [sflag:s14], $0x4000  }
0x64: {  	[sflag:s14] =	ssyncset.done $0x0  }
0x65: {  	s30 =	simm.s32 $0x13D00;
	[sflag:s14] =	ssyncadd.s32 $0xFFFFC000  }
0x66: {  	[tilespmem:s18], [sflag:$0x1] =	stream.indirect.gather [hbm4b:s2+s17], $0x80, s30, s17, $0xb8;
	[tilespmem:$0x1E400] =	vst v63  }
0x67: {  	_ =	swait.ge [sflag:s22], $0x4000  }
0x68: {  	[sflag:s22] =	ssyncset.done $0x0  }
0x69: {  	s31 =	simm.s32 $0x15080;
	[sflag:s22] =	ssyncadd.s32 $0xFFFFC000  }
0x6a: {  	[spmem:s3] =	stream.indirect.scatter.add.f32 [tilespmem:s20], [sflag:$0x3], $0x80, s31, s17, $0xb8;
	[tilespmem:$0x1E400] =	vst v63  }
0x6b: {  	_ =	swait.ge [sflag:s14], $0x4000  }
0x6c: {  	[sflag:s14] =	ssyncset.done $0x0  }
0x6d: {  	s28 =	simm.s32 $0x13D80;
	s26 =	simm.s32 $0x400;
	[sflag:s14] =	ssyncadd.s32 $0xFFFFC000  }
.LBB2_4:
0x6e: {  	[tilespmem:s20], [sflag:$0x2] =	stream.indirect.gather [hbm4b:s2+s17], $0x80, s28, s17, $0xb8;
	[tilespmem:$0x1E400] =	vst v63  }
0x6f: {  	s28 =	smov.u32 s26  }
0x70: {  	p0 =	sne.s32 s26, $0x4800;
	s26 =	sadd.s32 $0x400, s26;
	_ =	swait.ge [sflag:s21], $0x4000  }
0x71: {  	s28 =	sshra.s32 s28, $0x2;
	[sflag:s21] =	ssyncset.done $0x0  }
0x72: {  	s29 =	sadd.s32 $0x15000, s28;
	[sflag:s21] =	ssyncadd.s32 $0xFFFFC000  }
0x73: {  	[spmem:s3] =	stream.indirect.scatter.add.f32 [tilespmem:s18], [sflag:$0x3], $0x80, s29, s17, $0xb8;
	[tilespmem:$0x1E400] =	vst v63  }
0x74: {  	_ =	swait.ge [sflag:s14], $0x4000  }
0x75: {  	[sflag:s14] =	ssyncset.done $0x0  }
0x76: {  	s29 =	sadd.s32 $0x13D00, s28;
	[sflag:s14] =	ssyncadd.s32 $0xFFFFC000  }
0x77: {  	[tilespmem:s18], [sflag:$0x1] =	stream.indirect.gather [hbm4b:s2+s17], $0x80, s29, s17, $0xb8;
	[tilespmem:$0x1E400] =	vst v63  }
0x78: {  	_ =	swait.ge [sflag:s22], $0x4000  }
0x79: {  	[sflag:s22] =	ssyncset.done $0x0  }
.Ltmp1:
0x7a: {  	s29 =	sadd.s32 $0x15080, s28;
	[sflag:s22] =	ssyncadd.s32 $0xFFFFC000;
	(pc) =	sbr.rel @p0 .LBB2_4-.Ltmp1, $4  }
0x7b: {  	[spmem:s3] =	stream.indirect.scatter.add.f32 [tilespmem:s20], [sflag:$0x3], $0x80, s29, s17, $0xb8;
	[tilespmem:$0x1E400] =	vst v63  }
0x7c: {  	_ =	swait.ge [sflag:s14], $0x4000  }
0x7d: {  	[sflag:s14] =	ssyncset.done $0x0  }
0x7e: {  	s28 =	sadd.s32 $0x13D80, s28;
	[sflag:s14] =	ssyncadd.s32 $0xFFFFC000  }
0x7f: {  	[tilespmem:s20], [sflag:$0x2] =	stream.indirect.gather [hbm4b:s2+s17], $0x80, s28, s17, $0xb8;
	[tilespmem:$0x1E400] =	vst v63  }
0x80: {  	_ =	swait.ge [sflag:s21], $0x4000  }
0x81: {  	[sflag:s21] =	ssyncset.done $0x0  }
0x82: {  	[sflag:s21] =	ssyncadd.s32 $0xFFFFC000  }
0x83: {  	[spmem:s3] =	stream.indirect.scatter.add.f32 [tilespmem:s18], [sflag:$0x3], $0x80, s23, s17, $0xb8;
	[tilespmem:$0x1E400] =	vst v63  }
0x84: {  	_ =	swait.ge [sflag:s14], $0x4000  }
0x85: {  	[sflag:s14] =	ssyncset.done $0x0  }
0x86: {  	[sflag:s14] =	ssyncadd.s32 $0xFFFFC000  }
0x87: {  	_ =	swait.ge [sflag:s22], $0x4000  }
0x88: {  	[sflag:s22] =	ssyncset.done $0x0  }
0x89: {  	[sflag:s22] =	ssyncadd.s32 $0xFFFFC000  }
0x8a: {  	[spmem:s3] =	stream.indirect.scatter.add.f32 [tilespmem:s20], [sflag:$0x3], $0x80, s24, s17, $0xb8;
	[tilespmem:$0x1E400] =	vst v63  }
0x8b: {  	_ =	swait.ge [sflag:s14], $0x4000  }
0x8c: {  	s25 =	sadd.s32 $0x1, s25;
	[sflag:s14] =	ssyncset.done $0x0  }
0x8d: {  	p0 =	sne.s32 s25, s12;
	[sflag:s14] =	ssyncadd.s32 $0xFFFFC000  }
.Ltmp2:
0x8e: {  	[bflag:$0x0] =	sbarrier.arrive $0xFFFF;
	(pc) =	sbr.rel @p0 .LBB2_1-.Ltmp2, $4  }
0x8f: {  	[hbm:s11], [sflag:s6] =	dma.local [spmem:s13], $0x2780  }
0x90: {  	_ =	swait.ge [sflag:s14], $0x2780  }
0x91: {  	[sflag:s14] =	ssyncset.done $0x0  }
0x92: {  	[sflag:s14] =	ssyncadd.s32 $0xFFFFD880  }
0x93: {  	_ =	sfence.sel $0x180000  }
0x94: {  	[bflag:$0x0] =	sbarrier.arrive $0xFFFF  }
0x95: {  	p0 =	sne.s32 s1, $0x0;
	_ =	strace $0x9000004A  }
0x96: {  	s0 =	sadd.s32 @!p0 $0x100000, s0;
	[bflag:$0x2] =	sbarrier.arrive $0xFFFF  }
0x97: {  	[sflag:s0] =	ssyncadd.tile.s32 @!p0 $0x1;
	_ =	shalt  }
.Lfunc_end2:
_tile_overlayer_lowered:
.L_overlay_start_2:
0x98: {  	(tag) =	ssettag $0x2  }
0x99: {  	s0 =	rddreg [dreg:$0x0];
	s2 =	stileid.u32  }
0x9a: {  	s1 =	rddreg [dreg:$0x1];
	p0 =	sne.s32 s2, $0x0  }
0x9b: {  	s3 =	rddreg [dreg:$0x2];
	[bflag:$0x3] =	sbarrier.arrive $0xFFFF;
	s2 =	simm.s32 @!p0 $0x1C03  }
0x9c: {  	[timem:s3], [sflag:s2] =	dma.local @!p0 [hbm:s0], s1  }
0x9d: {  	s0 =	simm.s32 @!p0 $0x3  }
0x9e: {  	_ =	swait.ge @!p0 [sflag:s0], s1  }
0x9f: {  	s1 =	ssub.s32 @!p0 $0x0, s1;
	[sflag:s0] =	ssyncset.done @!p0 $0x0  }
0xa0: {  	[sflag:s0] =	ssyncadd.s32 @!p0 s1  }
0xa1: {  	[bflag:$0x3] =	sbarrier.arrive $0xFFFF  }
0xa2: {  	_ =	shalt  }

// kernel: kernel.18.cloned.1.call-start
scs
__scs_entry_jumppad:
0x0: {  	(pc) =	sbr.rel $0x88, $3  }
0x1: {  	(tag) =	ssettag $0x0;
	lr =	simm.s32 $0x1  }
0x2: {  	[smem:$0x3F9C] =	sst lr;
	_ =	strace $0xD0000000  }
0x3: {  	_ = 	snop  }
0x4: {  	_ = 	snop  }
0x5: {  	_ = 	snop  }
0x6: {  	_ = 	snop  }
0x7: {  	_ = 	snop  }
__scs_overlays_trampoline_lowered:
0x8: {  	[smem:$0x3FAB] =	sst s0  }
0x9: {  	[smem:$0x3FAC] =	sst s1  }
0xa: {  	[smem:$0x3FAD] =	sst s2  }
0xb: {  	[smem:$0x3FAE] =	sst s3  }
0xc: {  	[smem:$0x3FAF] =	sst s4  }
0xd: {  	[smem:$0x3FB0] =	sst s5  }
0xe: {  	[smem:$0x3FB1] =	sst s6  }
0xf: {  	[smem:$0x3FB2] =	sst s7  }
0x10: {  	[smem:$0x3FB3] =	sst s8  }
0x11: {  	[smem:$0x3FB4] =	sst s9;
	s0 =	simm.s32 @!p0 $0x0  }
0x12: {  	s1 =	sld [smem:$0x3F9A];
	s0 =	simm.s32 @p0 $0x1  }
0x13: {  	[smem:$0x3FB5] =	sst s0;
	s0 =	simm.s32 @!p1 $0x0  }
0x14: {  	s2 =	sld [smem:$0x3F99];
	s0 =	simm.s32 @p1 $0x1  }
0x15: {  	[smem:$0x3FB6] =	sst s0;
	s0 =	simm.s32 @!p2 $0x0  }
0x16: {  	s3 =	sld [smem:$0x3FDB];
	s0 =	simm.s32 @p2 $0x1  }
0x17: {  	s4 =	simm.s32 $0x1BF5;
	[smem:$0x3FB8] =	sst s0  }
0x18: {  	s0 =	sld [smem:$0x3F9B];
	_ =	swait.ge [sflag:s4], $0x0  }
0x19: {  	s7 =	sld [smem:$0x3F9C]  }
0x1a: {  	s8 =	sadd.s32 $0xFFFFE003, lr  }
0x1b: {  	s9 =	sadd.s32 $0xFFFFFEF7, lr;
	s5 =	simm.s32 $0xFFFFFFFF;
	p2 =	slt.u32 s8, $0xFFFFF086  }
0x1c: {  	p1 =	slt.u32 s9, $0xF7A;
	s5 =	simm.s32 @!p2 $0x0  }
0x1d: {  	s5 =	simm.s32 @p1 $0x1;
	p0 =	seq.s32 s7, s2  }
0x1e: {  	s7 =	smul.u32 @!p0 $0xF7A, s2;
	p2 =	seq.s32 @!p0 s5, $0x0  }
0x1f: {  	s9 =	smul.u32 $0xF7A, s1;
	s8 =	simm.s32 @!p0 $0x1BF5;
	p2 =	por !p2, p0  }
0x20: {  	[sflag:s8] =	ssyncset.s32 @!p0 $0xFFFFF086;
	s6 =	sadd.s32 @!p0 s3, s7;
	s7 =	simm.s32 @!p0 $0x108  }
0x21: {  	s3 =	sadd.s32 s3, s9;
	s6 =	sadd.s32 @!p0 $0x88, s6;
	s7 =	simm.s32 @p2 $0x1082  }
0x22: {  	[simem:s7], [sflag:s8] =	dma.local @!p0 [hbm:s6], $0xF7A  }
0x23: {  	s9 =	sor.u32 $0xD0000000, s2;
	s6 =	simm.s32 $0x108;
	_ =	swait.ge @!p0 [sflag:s8], $0x0  }
0x24: {  	s3 =	sadd.s32 $0x88, s3;
	s6 =	simm.s32 @!p1 $0x1082;
	[sflag:s4] =	ssyncset.s32 $0xFFFFF086  }
0x25: {  	[simem:s6], [sflag:s4] =	dma.local [hbm:s3], $0xF7A  }
0x26: {  	[smem:$0x3F9C] =	sst s1;
	(tag) =	ssettag s2;
	_ =	strace s9  }
0x27: {  	s1 =	sld [smem:$0x3FAC]  }
0x28: {  	s2 =	sld [smem:$0x3FAD]  }
0x29: {  	s4 =	sld [smem:$0x3FAF]  }
0x2a: {  	p0 =	seq.s32 s5, $0x0;
	s5 =	sld [smem:$0x3FB0]  }
0x2b: {  	s6 =	sld [smem:$0x3FB1]  }
0x2c: {  	s7 =	sld [smem:$0x3FB2]  }
0x2d: {  	s3 =	simm.s32 $0x108;
	s8 =	sld [smem:$0x3FB3]  }
0x2e: {  	s3 =	simm.s32 @!p0 $0x1082;
	s9 =	sld [smem:$0x3FB4]  }
0x2f: {  	lr =	sadd.s32 s0, s3;
	s0 =	sld [smem:$0x3FAB]  }
0x30: {  	s3 =	sld [smem:$0x3FAE]  }
0x31: {  	[smem:$0x3FB7] =	sst s10  }
0x32: {  	s10 =	sld [smem:$0x3FB5];
	_ =	sdelay $0x3  }
0x33: {  	p0 =	seq.s32 s10, $0x1;
	s10 =	sld [smem:$0x3FB7];
	_ =	sdelay $0x3  }
0x34: {  	[smem:$0x3FB7] =	sst s10  }
0x35: {  	s10 =	sld [smem:$0x3FB6];
	_ =	sdelay $0x3  }
0x36: {  	p1 =	seq.s32 s10, $0x1;
	s10 =	sld [smem:$0x3FB7];
	_ =	sdelay $0x3  }
0x37: {  	[smem:$0x3FB7] =	sst s10  }
0x38: {  	s10 =	sld [smem:$0x3FB8]  }
0x39: {  	_ = 	snop;
	(pc) =	sbr.ind lr, $3  }
0x3a: {  	_ = 	snop  }
0x3b: {  	_ = 	snop  }
0x3c: {  	p2 =	seq.s32 s10, $0x1;
	s10 =	sld [smem:$0x3FB7]  }
0x3d: {  	_ =	shalt  }
0x3e: {  	_ =	shalt  }
0x3f: {  	_ =	shalt  }
0x40: {  	_ =	shalt  }
0x41: {  	_ =	shalt  }
0x42: {  	_ =	shalt  }
0x43: {  	_ =	shalt  }
0x44: {  	_ =	shalt  }
0x45: {  	_ =	shalt  }
0x46: {  	_ =	shalt  }
0x47: {  	_ =	shalt  }
0x48: {  	_ =	shalt  }
0x49: {  	_ =	shalt  }
0x4a: {  	_ =	shalt  }
0x4b: {  	_ =	shalt  }
0x4c: {  	_ =	shalt  }
0x4d: {  	_ =	shalt  }
0x4e: {  	_ =	shalt  }
0x4f: {  	_ =	shalt  }
0x50: {  	_ =	shalt  }
0x51: {  	_ =	shalt  }
0x52: {  	_ =	shalt  }
0x53: {  	_ =	shalt  }
0x54: {  	_ =	shalt  }
0x55: {  	_ =	shalt  }
0x56: {  	_ =	shalt  }
0x57: {  	_ =	shalt  }
0x58: {  	_ =	shalt  }
0x59: {  	_ =	shalt  }
0x5a: {  	_ =	shalt  }
0x5b: {  	_ =	shalt  }
0x5c: {  	_ =	shalt  }
0x5d: {  	_ =	shalt  }
0x5e: {  	_ =	shalt  }
0x5f: {  	_ =	shalt  }
0x60: {  	_ =	shalt  }
0x61: {  	_ =	shalt  }
0x62: {  	_ =	shalt  }
0x63: {  	_ =	shalt  }
0x64: {  	_ =	shalt  }
0x65: {  	_ =	shalt  }
0x66: {  	_ =	shalt  }
0x67: {  	_ =	shalt  }
0x68: {  	_ =	shalt  }
0x69: {  	_ =	shalt  }
0x6a: {  	_ =	shalt  }
0x6b: {  	_ =	shalt  }
0x6c: {  	_ =	shalt  }
0x6d: {  	_ =	shalt  }
0x6e: {  	_ =	shalt  }
0x6f: {  	_ =	shalt  }
0x70: {  	_ =	shalt  }
0x71: {  	_ =	shalt  }
0x72: {  	_ =	shalt  }
0x73: {  	_ =	shalt  }
0x74: {  	_ =	shalt  }
0x75: {  	_ =	shalt  }
0x76: {  	_ =	shalt  }
0x77: {  	_ =	shalt  }
0x78: {  	_ =	shalt  }
0x79: {  	_ =	shalt  }
0x7a: {  	_ =	shalt  }
0x7b: {  	_ =	shalt  }
0x7c: {  	_ =	shalt  }
0x7d: {  	_ =	shalt  }
0x7e: {  	_ =	shalt  }
0x7f: {  	_ =	shalt  }
0x80: {  	_ =	shalt  }
0x81: {  	_ =	shalt  }
0x82: {  	_ =	shalt  }
0x83: {  	_ =	shalt  }
0x84: {  	_ =	shalt  }
0x85: {  	_ =	shalt  }
0x86: {  	_ =	shalt  }
0x87: {  	_ =	shalt  }
.Lfunc_end0:
.L_simem_size_0:
called_computation.2_lowered:
.L_overlay_start_0:
0x88: {  	s2 =	sld [smem:$0x3FD9]  }
0x89: {  	s3 =	sld [smem:$0x3FFE];
	_ =	sdelay $0x1  }
0x8a: {  	s1 =	srdreg.scid  }
0x8b: {  	s0 =	sand.u32 $0x1, s1  }
0x8c: {  	s17 =	sshll.u32 s0, $0xA;
	s2 =	sadd.s32 s3, s2  }
0x8d: {  	s2 =	sadd.s32 s2, s17  }
0x8e: {  	[smem:$0x3FC3] =	sst s2  }
0x8f: {  	_ = 	snop  }
0x90: {  	s2 =	sld [smem:$0x3FD0];
	(tm) =	ssettm $0x1  }
0x91: {  	s18 =	sld [smem:$0x3FFB];
	_ =	sdelay $0x3  }
0x92: {  	_ =	strace s18  }
0x93: {  	s3 =	sld [smem:$0x3FFC];
	_ =	sdelay $0x3  }
0x94: {  	_ =	strace s3  }
0x95: {  	s3 =	sld [smem:$0x3FFD];
	_ =	sdelay $0x3  }
0x96: {  	_ =	strace s3  }
0x97: {  	_ =	strace $0x8FFFFFFF  }
0x98: {  	s19 =	sld [smem:$0x3FDB];
	_ =	sdelay $0x1  }
0x99: {  	s4 =	simm.s32 $_scs_section_size  }
0x9a: {  	s5 =	simm.s32 $_size__tile_overlayer_lowered;
	s6 =	simm.s32 $_tile_overlayer_lowered  }
0x9b: {  	s22 =	simm.s32 $0x1BFF;
	s21 =	sshll.u32 s6, $0x1;
	s3 =	sadd.s32 s4, s19  }
0x9c: {  	s7 =	simm.s32 $0x0;
	s20 =	sshll.u32 s5, $0x1;
	s5 =	sadd.s32 s21, s3  }
0x9d: {  	[timem:s7], [sflag:s22] =	dma.local [hbm:s5], s20  }
0x9e: {  	_ =	swait.ge [sflag:s22], s20  }
0x9f: {  	s4 =	ssub.s32 $0x0, s20;
	[sflag:s22] =	ssyncset.done $0x0  }
0xa0: {  	[sflag:s22] =	ssyncadd.s32 s4;
	_ =	sdelay $0x1  }
0xa1: {  	s23 =	simm.s32 $0x1B8B  }
0xa2: {  	_ =	swait.ge [sflag:s23], $0x1  }
0xa3: {  	[sflag:s23] =	ssyncset.done $0x0  }
0xa4: {  	s25 =	simm.s32 $0x1B8E;
	s24 =	sld [smem:$0x3FFE];
	[sflag:s23] =	ssyncadd.s32 $0xFFFFFFFF  }
0xa5: {  	s26 =	simm.s32 $execute0_lowered;
	[smem:$0x3FD2] =	sst s25  }
0xa6: {  	s5 =	sshll.u32 s26, $0x1;
	_ =	strace $0x8000004C;
	[dreg:$0x1] =	wrdreg $0xFFFFFFFF  }
0xa7: {  	s28 =	simm.s32 $_size_execute0_lowered;
	s3 =	sadd.s32 s3, s5;
	[dreg:$0x0] =	wrdreg $0x0  }
0xa8: {  	s5 =	sshll.u32 s28, $0x1;
	[dreg:$0x2] =	wrdreg s3  }
0xa9: {  	[dreg:$0x3] =	wrdreg s5  }
0xaa: {  	[dreg:$0x4] =	wrdreg $0xC0  }
0xab: {  	_ =	task [dreg:s7], $0x5FFFF  }
0xac: {  	[dreg:$0x1] =	wrdreg $0xFFFFFFFF  }
0xad: {  	[dreg:$0x0] =	wrdreg $0x60  }
0xae: {  	[dreg:$0x2] =	wrdreg s2  }
0xaf: {  	[dreg:$0x3] =	wrdreg s24  }
0xb0: {  	[dreg:$0x4] =	wrdreg $0x0  }
0xb1: {  	[dreg:$0x5] =	wrdreg $0x9  }
0xb2: {  	_ =	task.clear_ibuf [dreg:s7], $0x6FFFF;
	_ =	strace $0x9000004C  }
0xb3: {  	s29 =	simm.s32 $0x9;
	_ =	strace $0x8000004E  }
0xb4: {  	_ =	swait.ge [sflag:s29], $0x1  }
0xb5: {  	[sflag:s29] =	ssyncadd.s32 $0xFFFFFFFF  }
0xb6: {  	_ =	strace $0x9000004E  }
0xb7: {  	_ =	sfence  }
0xb8: {  	s30 =	sld [smem:$0x0];
	_ =	sdelay $0x2  }
0xb9: {  	s31 =	sshll.u32 s1, $0xD;
	s1 =	sshrl.u32 s1, $0x2  }
0xba: {  	s3 =	sand.u32 $0x4000, s31;
	s1 =	sadd.s32 s1, s30  }
0xbb: {  	s0 =	sor.u32 s3, s0;
	s1 =	sshll.u32 s1, $0x11  }
0xbc: {  	s0 =	sor.u32 s1, s0  }
0xbd: {  	s0 =	sadd.s32 $0x8F2B, s0  }
0xbe: {  	[sflag:s0] =	ssyncadd.remote.s32 $0x1  }
0xbf: {  	_ =	sfence.sel $0xFFFF  }
0xc0: {  	[dreg:$0x0] =	wrdreg $0xFFFFFFFF;
	(pc) =	sbr.abs _section_cstart, $3  }
0xc1: {  	[dreg:$0x1] =	wrdreg $0xFFFFFFFF  }
0xc2: {  	_ =	task.clear_ibuf [dreg:s7], $0x2FFFF;
	_ =	strace $0x9FFFFFFF  }
0xc3: {  	(tm) =	ssettm $0x7FFFFFFF  }
tec
execute0_lowered:
.L_overlay_start_1:
0x0: {  	(tag) =	ssettag $0x1  }
0x1: {  	s2 =	rddreg [dreg:$0x0]  }
0x2: {  	s5 =	rddreg [dreg:$0x1]  }
0x3: {  	s3 =	rddreg [dreg:$0x2]  }
0x4: {  	s0 =	rddreg [dreg:$0x3];
	s1 =	stileid.u32  }
0x5: {  	s6 =	srdreg.scid;
	s4 =	simm.s32 $0x0;
	s16 =	simm.s32 $0x15000  }
0x6: {  	s17 =	simm.s32 $0x80;
	s18 =	simm.s32 $0x16400;
	s19 =	simm.s32 $0x13C80  }
0x7: {  	s20 =	simm.s32 $0x1A400;
	s21 =	simm.s32 $0x1;
	s22 =	simm.s32 $0x2  }
0x8: {  	s23 =	simm.s32 $0x16300;
	s7 =	smul.u32 $0x13C00, s1;
	s6 =	sand.u32 $0x1, s6  }
0x9: {  	[smem:$0x7FF] =	sst s4;
	s9 =	sadd.s32 $0xEC00, s5;
	s24 =	smul.u32 $0x4F000, s1  }
0xa: {  	s11 =	sadd.s32 $0x4C00, s5;
	s30 =	sshll.u32 s1, $0x6;
	s8 =	smul.u32 $0x13C000, s6  }
0xb: {  	_ =	strace $0x8000004D;
	s12 =	sshll.u32 s6, $0x4;
	s25 =	ssub.s32 $0x2, s6  }
0xc: {  	s6 =	sor.u32 $0x1C03, s30;
	s10 =	sshrl.u32 s7, $0x3;
	s26 =	sor.u32 s1, s12  }
0xd: {  	s28 =	sshrl.u32 s25, $0x1;
	s10 =	sadd.s32 s10, s5;
	s7 =	sadd.s32 s7, s8  }
0xe: {  	s8 =	sshrl.u32 s24, $0x2;
	s12 =	smul.u32 $0x2800, s26;
	s14 =	ssub.s32 s25, s28  }
0xf: {  	s29 =	smul.u32 $0x500, s26;
	s24 =	simm.s32 $0x16380;
	s7 =	sshrl.u32 s7, $0x3  }
0x10: {  	s25 =	simm.s32 $0x0;
	s15 =	sadd.s32 s8, s3;
	s13 =	sadd.s32 s7, s5  }
0x11: {  	s5 =	sadd.s32 $0x18C00, s10;
	s31 =	sshrl.u32 s12, $0x3;
	s7 =	sadd.s32 s9, s29  }
0x12: {  	s8 =	sadd.s32 s11, s29;
	s12 =	smax.u32 s14, $0x1;
	s10 =	sadd.s32 $0x280, s31  }
0x13: {  	s14 =	simm.s32 $0x3;
	s9 =	sadd.s32 s9, s10;
	s10 =	sadd.s32 s11, s10  }
0x14: {  	s11 =	sadd.s32 $0x40400, s13;
	s13 =	sshrl.u32 s15, $0x3;
	s15 =	simm.s32 $0x13C00  }
.LBB2_1:
0x15: {  	[spmem:s13], [sflag:s6] =	dma.local [hbm:s5], $0x2780  }
0x16: {  	_ =	swait.ge [sflag:s14], $0x2780  }
0x17: {  	[sflag:s14] =	ssyncset.done $0x0  }
0x18: {  	[sflag:s14] =	ssyncadd.s32 $0xFFFFD880  }
0x19: {  	[bflag:$0x0] =	sbarrier.arrive $0xFFFF  }
0x1a: {  	[tilespmem:s15], [sflag:$0x3] =	stream.linear.gather [hbm4b:s7+s4], $0x1400, $0x38;
	[tilespmem:$0x1E400] =	vst v63  }
0x1b: {  	_ =	swait.ge [sflag:s14], $0x1400  }
0x1c: {  	[sflag:s14] =	ssyncset.done $0x0  }
0x1d: {  	[sflag:s14] =	ssyncadd.s32 $0xFFFFEC00  }
0x1e: {  	[tilespmem:s16], [sflag:$0x3] =	stream.linear.gather [hbm4b:s8+s4], $0x1400, $0x38;
	[tilespmem:$0x1E400] =	vst v63  }
0x1f: {  	_ =	swait.ge [sflag:s14], $0x1400  }
0x20: {  	[sflag:s14] =	ssyncset.done $0x0  }
0x21: {  	[sflag:s14] =	ssyncadd.s32 $0xFFFFEC00  }
0x22: {  	[tilespmem:s18], [sflag:$0x1] =	stream.indirect.gather [hbm4b:s2+s17], $0x80, s15, s17, $0xb8;
	[tilespmem:$0x1E400] =	vst v63  }
0x23: {  	_ = 	snop  }
0x24: {  	[tilespmem:s20], [sflag:$0x2] =	stream.indirect.gather [hbm4b:s2+s17], $0x80, s19, s17, $0xb8;
	[tilespmem:$0x1E400] =	vst v63  }
0x25: {  	_ =	swait.ge [sflag:s21], $0x4000  }
0x26: {  	[sflag:s21] =	ssyncset.done $0x0  }
0x27: {  	s26 =	simm.s32 $0x15000;
	[sflag:s21] =	ssyncadd.s32 $0xFFFFC000  }
0x28: {  	[spmem:s3] =	stream.indirect.scatter.add.f32 [tilespmem:s18], [sflag:$0x3], $0x80, s26, s17, $0xb8;
	[tilespmem:$0x1E400] =	vst v63  }
0x29: {  	_ =	swait.ge [sflag:s14], $0x4000  }
0x2a: {  	[sflag:s14] =	ssyncset.done $0x0  }
0x2b: {  	s30 =	simm.s32 $0x13D00;
	[sflag:s14] =	ssyncadd.s32 $0xFFFFC000  }
0x2c: {  	[tilespmem:s18], [sflag:$0x1] =	stream.indirect.gather [hbm4b:s2+s17], $0x80, s30, s17, $0xb8;
	[tilespmem:$0x1E400] =	vst v63  }
0x2d: {  	_ =	swait.ge [sflag:s22], $0x4000  }
0x2e: {  	[sflag:s22] =	ssyncset.done $0x0  }
0x2f: {  	s31 =	simm.s32 $0x15080;
	[sflag:s22] =	ssyncadd.s32 $0xFFFFC000  }
0x30: {  	[spmem:s3] =	stream.indirect.scatter.add.f32 [tilespmem:s20], [sflag:$0x3], $0x80, s31, s17, $0xb8;
	[tilespmem:$0x1E400] =	vst v63  }
0x31: {  	_ =	swait.ge [sflag:s14], $0x4000  }
0x32: {  	[sflag:s14] =	ssyncset.done $0x0  }
0x33: {  	s28 =	simm.s32 $0x13D80;
	s26 =	simm.s32 $0x400;
	[sflag:s14] =	ssyncadd.s32 $0xFFFFC000  }
.LBB2_2:
0x34: {  	[tilespmem:s20], [sflag:$0x2] =	stream.indirect.gather [hbm4b:s2+s17], $0x80, s28, s17, $0xb8;
	[tilespmem:$0x1E400] =	vst v63  }
0x35: {  	s28 =	smov.u32 s26  }
0x36: {  	p0 =	sne.s32 s26, $0x4800;
	s26 =	sadd.s32 $0x400, s26;
	_ =	swait.ge [sflag:s21], $0x4000  }
0x37: {  	s28 =	sshra.s32 s28, $0x2;
	[sflag:s21] =	ssyncset.done $0x0  }
0x38: {  	s29 =	sadd.s32 $0x15000, s28;
	[sflag:s21] =	ssyncadd.s32 $0xFFFFC000  }
0x39: {  	[spmem:s3] =	stream.indirect.scatter.add.f32 [tilespmem:s18], [sflag:$0x3], $0x80, s29, s17, $0xb8;
	[tilespmem:$0x1E400] =	vst v63  }
0x3a: {  	_ =	swait.ge [sflag:s14], $0x4000  }
0x3b: {  	[sflag:s14] =	ssyncset.done $0x0  }
0x3c: {  	s29 =	sadd.s32 $0x13D00, s28;
	[sflag:s14] =	ssyncadd.s32 $0xFFFFC000  }
0x3d: {  	[tilespmem:s18], [sflag:$0x1] =	stream.indirect.gather [hbm4b:s2+s17], $0x80, s29, s17, $0xb8;
	[tilespmem:$0x1E400] =	vst v63  }
0x3e: {  	_ =	swait.ge [sflag:s22], $0x4000  }
0x3f: {  	[sflag:s22] =	ssyncset.done $0x0  }
.Ltmp0:
0x40: {  	s29 =	sadd.s32 $0x15080, s28;
	[sflag:s22] =	ssyncadd.s32 $0xFFFFC000;
	(pc) =	sbr.rel @p0 .LBB2_2-.Ltmp0, $4  }
0x41: {  	[spmem:s3] =	stream.indirect.scatter.add.f32 [tilespmem:s20], [sflag:$0x3], $0x80, s29, s17, $0xb8;
	[tilespmem:$0x1E400] =	vst v63  }
0x42: {  	_ =	swait.ge [sflag:s14], $0x4000  }
0x43: {  	[sflag:s14] =	ssyncset.done $0x0  }
0x44: {  	s28 =	sadd.s32 $0x13D80, s28;
	[sflag:s14] =	ssyncadd.s32 $0xFFFFC000  }
0x45: {  	[tilespmem:s20], [sflag:$0x2] =	stream.indirect.gather [hbm4b:s2+s17], $0x80, s28, s17, $0xb8;
	[tilespmem:$0x1E400] =	vst v63  }
0x46: {  	_ =	swait.ge [sflag:s21], $0x4000  }
0x47: {  	[sflag:s21] =	ssyncset.done $0x0  }
0x48: {  	[sflag:s21] =	ssyncadd.s32 $0xFFFFC000  }
0x49: {  	[spmem:s3] =	stream.indirect.scatter.add.f32 [tilespmem:s18], [sflag:$0x3], $0x80, s23, s17, $0xb8;
	[tilespmem:$0x1E400] =	vst v63  }
0x4a: {  	_ =	swait.ge [sflag:s14], $0x4000  }
0x4b: {  	[sflag:s14] =	ssyncset.done $0x0  }
0x4c: {  	[sflag:s14] =	ssyncadd.s32 $0xFFFFC000  }
0x4d: {  	_ =	swait.ge [sflag:s22], $0x4000  }
0x4e: {  	[sflag:s22] =	ssyncset.done $0x0  }
0x4f: {  	[sflag:s22] =	ssyncadd.s32 $0xFFFFC000  }
0x50: {  	[spmem:s3] =	stream.indirect.scatter.add.f32 [tilespmem:s20], [sflag:$0x3], $0x80, s24, s17, $0xb8;
	[tilespmem:$0x1E400] =	vst v63  }
0x51: {  	_ =	swait.ge [sflag:s14], $0x4000  }
0x52: {  	[sflag:s14] =	ssyncset.done $0x0  }
0x53: {  	s26 =	simm.s32 $0x0;
	[sflag:s14] =	ssyncadd.s32 $0xFFFFC000  }
0x54: {  	[tilespmem:s15], [sflag:$0x3] =	stream.linear.gather [hbm4b:s9+s26], $0x1400, $0x38;
	[tilespmem:$0x1E400] =	vst v63  }
0x55: {  	_ =	swait.ge [sflag:s14], $0x1400  }
0x56: {  	[sflag:s14] =	ssyncset.done $0x0  }
0x57: {  	[sflag:s14] =	ssyncadd.s32 $0xFFFFEC00  }
0x58: {  	[tilespmem:s16], [sflag:$0x3] =	stream.linear.gather [hbm4b:s10+s26], $0x1400, $0x38;
	[tilespmem:$0x1E400] =	vst v63  }
0x59: {  	_ =	swait.ge [sflag:s14], $0x1400  }
0x5a: {  	[sflag:s14] =	ssyncset.done $0x0  }
0x5b: {  	[sflag:s14] =	ssyncadd.s32 $0xFFFFEC00  }
0x5c: {  	[tilespmem:s18], [sflag:$0x1] =	stream.indirect.gather [hbm4b:s2+s17], $0x80, s15, s17, $0xb8;
	[tilespmem:$0x1E400] =	vst v63  }
0x5d: {  	_ = 	snop  }
0x5e: {  	[tilespmem:s20], [sflag:$0x2] =	stream.indirect.gather [hbm4b:s2+s17], $0x80, s19, s17, $0xb8;
	[tilespmem:$0x1E400] =	vst v63  }
0x5f: {  	_ =	swait.ge [sflag:s21], $0x4000  }
0x60: {  	[sflag:s21] =	ssyncset.done $0x0  }
0x61: {  	s29 =	simm.s32 $0x15000;
	[sflag:s21] =	ssyncadd.s32 $0xFFFFC000  }
0x62: {  	[spmem:s3] =	stream.indirect.scatter.add.f32 [tilespmem:s18], [sflag:$0x3], $0x80, s29, s17, $0xb8;
	[tilespmem:$0x1E400] =	vst v63  }
0x63: {  	_ =	swait.ge [sflag:s14], $0x4000  }
0x64: {  	[sflag:s14] =	ssyncset.done $0x0  }
0x65: {  	s30 =	simm.s32 $0x13D00;
	[sflag:s14] =	ssyncadd.s32 $0xFFFFC000  }
0x66: {  	[tilespmem:s18], [sflag:$0x1] =	stream.indirect.gather [hbm4b:s2+s17], $0x80, s30, s17, $0xb8;
	[tilespmem:$0x1E400] =	vst v63  }
0x67: {  	_ =	swait.ge [sflag:s22], $0x4000  }
0x68: {  	[sflag:s22] =	ssyncset.done $0x0  }
0x69: {  	s31 =	simm.s32 $0x15080;
	[sflag:s22] =	ssyncadd.s32 $0xFFFFC000  }
0x6a: {  	[spmem:s3] =	stream.indirect.scatter.add.f32 [tilespmem:s20], [sflag:$0x3], $0x80, s31, s17, $0xb8;
	[tilespmem:$0x1E400] =	vst v63  }
0x6b: {  	_ =	swait.ge [sflag:s14], $0x4000  }
0x6c: {  	[sflag:s14] =	ssyncset.done $0x0  }
0x6d: {  	s28 =	simm.s32 $0x13D80;
	s26 =	simm.s32 $0x400;
	[sflag:s14] =	ssyncadd.s32 $0xFFFFC000  }
.LBB2_4:
0x6e: {  	[tilespmem:s20], [sflag:$0x2] =	stream.indirect.gather [hbm4b:s2+s17], $0x80, s28, s17, $0xb8;
	[tilespmem:$0x1E400] =	vst v63  }
0x6f: {  	s28 =	smov.u32 s26  }
0x70: {  	p0 =	sne.s32 s26, $0x4800;
	s26 =	sadd.s32 $0x400, s26;
	_ =	swait.ge [sflag:s21], $0x4000  }
0x71: {  	s28 =	sshra.s32 s28, $0x2;
	[sflag:s21] =	ssyncset.done $0x0  }
0x72: {  	s29 =	sadd.s32 $0x15000, s28;
	[sflag:s21] =	ssyncadd.s32 $0xFFFFC000  }
0x73: {  	[spmem:s3] =	stream.indirect.scatter.add.f32 [tilespmem:s18], [sflag:$0x3], $0x80, s29, s17, $0xb8;
	[tilespmem:$0x1E400] =	vst v63  }
0x74: {  	_ =	swait.ge [sflag:s14], $0x4000  }
0x75: {  	[sflag:s14] =	ssyncset.done $0x0  }
0x76: {  	s29 =	sadd.s32 $0x13D00, s28;
	[sflag:s14] =	ssyncadd.s32 $0xFFFFC000  }
0x77: {  	[tilespmem:s18], [sflag:$0x1] =	stream.indirect.gather [hbm4b:s2+s17], $0x80, s29, s17, $0xb8;
	[tilespmem:$0x1E400] =	vst v63  }
0x78: {  	_ =	swait.ge [sflag:s22], $0x4000  }
0x79: {  	[sflag:s22] =	ssyncset.done $0x0  }
.Ltmp1:
0x7a: {  	s29 =	sadd.s32 $0x15080, s28;
	[sflag:s22] =	ssyncadd.s32 $0xFFFFC000;
	(pc) =	sbr.rel @p0 .LBB2_4-.Ltmp1, $4  }
0x7b: {  	[spmem:s3] =	stream.indirect.scatter.add.f32 [tilespmem:s20], [sflag:$0x3], $0x80, s29, s17, $0xb8;
	[tilespmem:$0x1E400] =	vst v63  }
0x7c: {  	_ =	swait.ge [sflag:s14], $0x4000  }
0x7d: {  	[sflag:s14] =	ssyncset.done $0x0  }
0x7e: {  	s28 =	sadd.s32 $0x13D80, s28;
	[sflag:s14] =	ssyncadd.s32 $0xFFFFC000  }
0x7f: {  	[tilespmem:s20], [sflag:$0x2] =	stream.indirect.gather [hbm4b:s2+s17], $0x80, s28, s17, $0xb8;
	[tilespmem:$0x1E400] =	vst v63  }
0x80: {  	_ =	swait.ge [sflag:s21], $0x4000  }
0x81: {  	[sflag:s21] =	ssyncset.done $0x0  }
0x82: {  	[sflag:s21] =	ssyncadd.s32 $0xFFFFC000  }
0x83: {  	[spmem:s3] =	stream.indirect.scatter.add.f32 [tilespmem:s18], [sflag:$0x3], $0x80, s23, s17, $0xb8;
	[tilespmem:$0x1E400] =	vst v63  }
0x84: {  	_ =	swait.ge [sflag:s14], $0x4000  }
0x85: {  	[sflag:s14] =	ssyncset.done $0x0  }
0x86: {  	[sflag:s14] =	ssyncadd.s32 $0xFFFFC000  }
0x87: {  	_ =	swait.ge [sflag:s22], $0x4000  }
0x88: {  	[sflag:s22] =	ssyncset.done $0x0  }
0x89: {  	[sflag:s22] =	ssyncadd.s32 $0xFFFFC000  }
0x8a: {  	[spmem:s3] =	stream.indirect.scatter.add.f32 [tilespmem:s20], [sflag:$0x3], $0x80, s24, s17, $0xb8;
	[tilespmem:$0x1E400] =	vst v63  }
0x8b: {  	_ =	swait.ge [sflag:s14], $0x4000  }
0x8c: {  	s25 =	sadd.s32 $0x1, s25;
	[sflag:s14] =	ssyncset.done $0x0  }
0x8d: {  	p0 =	sne.s32 s25, s12;
	[sflag:s14] =	ssyncadd.s32 $0xFFFFC000  }
.Ltmp2:
0x8e: {  	[bflag:$0x0] =	sbarrier.arrive $0xFFFF;
	(pc) =	sbr.rel @p0 .LBB2_1-.Ltmp2, $4  }
0x8f: {  	[hbm:s11], [sflag:s6] =	dma.local [spmem:s13], $0x2780  }
0x90: {  	_ =	swait.ge [sflag:s14], $0x2780  }
0x91: {  	[sflag:s14] =	ssyncset.done $0x0  }
0x92: {  	[sflag:s14] =	ssyncadd.s32 $0xFFFFD880  }
0x93: {  	_ =	sfence.sel $0x180000  }
0x94: {  	[bflag:$0x0] =	sbarrier.arrive $0xFFFF  }
0x95: {  	p0 =	sne.s32 s1, $0x0;
	_ =	strace $0x9000004D  }
0x96: {  	s0 =	sadd.s32 @!p0 $0x100000, s0;
	[bflag:$0x2] =	sbarrier.arrive $0xFFFF  }
0x97: {  	[sflag:s0] =	ssyncadd.tile.s32 @!p0 $0x1;
	_ =	shalt  }
.Lfunc_end2:
_tile_overlayer_lowered:
.L_overlay_start_2:
0x98: {  	(tag) =	ssettag $0x2  }
0x99: {  	s0 =	rddreg [dreg:$0x0];
	s2 =	stileid.u32  }
0x9a: {  	s1 =	rddreg [dreg:$0x1];
	p0 =	sne.s32 s2, $0x0  }
0x9b: {  	s3 =	rddreg [dreg:$0x2];
	[bflag:$0x3] =	sbarrier.arrive $0xFFFF;
	s2 =	simm.s32 @!p0 $0x1C03  }
0x9c: {  	[timem:s3], [sflag:s2] =	dma.local @!p0 [hbm:s0], s1  }
0x9d: {  	s0 =	simm.s32 @!p0 $0x3  }
0x9e: {  	_ =	swait.ge @!p0 [sflag:s0], s1  }
0x9f: {  	s1 =	ssub.s32 @!p0 $0x0, s1;
	[sflag:s0] =	ssyncset.done @!p0 $0x0  }
0xa0: {  	[sflag:s0] =	ssyncadd.s32 @!p0 s1  }
0xa1: {  	[bflag:$0x3] =	sbarrier.arrive $0xFFFF  }
0xa2: {  	_ =	shalt  }

// kernel: kernel.21.cloned.1.call-start
scs
__scs_entry_jumppad:
0x0: {  	(pc) =	sbr.rel $0x88, $3  }
0x1: {  	(tag) =	ssettag $0x0;
	lr =	simm.s32 $0x1  }
0x2: {  	[smem:$0x3F9C] =	sst lr;
	_ =	strace $0xD0000000  }
0x3: {  	_ = 	snop  }
0x4: {  	_ = 	snop  }
0x5: {  	_ = 	snop  }
0x6: {  	_ = 	snop  }
0x7: {  	_ = 	snop  }
__scs_overlays_trampoline_lowered:
0x8: {  	[smem:$0x3FAB] =	sst s0  }
0x9: {  	[smem:$0x3FAC] =	sst s1  }
0xa: {  	[smem:$0x3FAD] =	sst s2  }
0xb: {  	[smem:$0x3FAE] =	sst s3  }
0xc: {  	[smem:$0x3FAF] =	sst s4  }
0xd: {  	[smem:$0x3FB0] =	sst s5  }
0xe: {  	[smem:$0x3FB1] =	sst s6  }
0xf: {  	[smem:$0x3FB2] =	sst s7  }
0x10: {  	[smem:$0x3FB3] =	sst s8  }
0x11: {  	[smem:$0x3FB4] =	sst s9;
	s0 =	simm.s32 @!p0 $0x0  }
0x12: {  	s1 =	sld [smem:$0x3F9A];
	s0 =	simm.s32 @p0 $0x1  }
0x13: {  	[smem:$0x3FB5] =	sst s0;
	s0 =	simm.s32 @!p1 $0x0  }
0x14: {  	s2 =	sld [smem:$0x3F99];
	s0 =	simm.s32 @p1 $0x1  }
0x15: {  	[smem:$0x3FB6] =	sst s0;
	s0 =	simm.s32 @!p2 $0x0  }
0x16: {  	s3 =	sld [smem:$0x3FDB];
	s0 =	simm.s32 @p2 $0x1  }
0x17: {  	s4 =	simm.s32 $0x1BF5;
	[smem:$0x3FB8] =	sst s0  }
0x18: {  	s0 =	sld [smem:$0x3F9B];
	_ =	swait.ge [sflag:s4], $0x0  }
0x19: {  	s7 =	sld [smem:$0x3F9C]  }
0x1a: {  	s8 =	sadd.s32 $0xFFFFE003, lr  }
0x1b: {  	s9 =	sadd.s32 $0xFFFFFEF7, lr;
	s5 =	simm.s32 $0xFFFFFFFF;
	p2 =	slt.u32 s8, $0xFFFFF086  }
0x1c: {  	p1 =	slt.u32 s9, $0xF7A;
	s5 =	simm.s32 @!p2 $0x0  }
0x1d: {  	s5 =	simm.s32 @p1 $0x1;
	p0 =	seq.s32 s7, s2  }
0x1e: {  	s7 =	smul.u32 @!p0 $0xF7A, s2;
	p2 =	seq.s32 @!p0 s5, $0x0  }
0x1f: {  	s9 =	smul.u32 $0xF7A, s1;
	s8 =	simm.s32 @!p0 $0x1BF5;
	p2 =	por !p2, p0  }
0x20: {  	[sflag:s8] =	ssyncset.s32 @!p0 $0xFFFFF086;
	s6 =	sadd.s32 @!p0 s3, s7;
	s7 =	simm.s32 @!p0 $0x108  }
0x21: {  	s3 =	sadd.s32 s3, s9;
	s6 =	sadd.s32 @!p0 $0x88, s6;
	s7 =	simm.s32 @p2 $0x1082  }
0x22: {  	[simem:s7], [sflag:s8] =	dma.local @!p0 [hbm:s6], $0xF7A  }
0x23: {  	s9 =	sor.u32 $0xD0000000, s2;
	s6 =	simm.s32 $0x108;
	_ =	swait.ge @!p0 [sflag:s8], $0x0  }
0x24: {  	s3 =	sadd.s32 $0x88, s3;
	s6 =	simm.s32 @!p1 $0x1082;
	[sflag:s4] =	ssyncset.s32 $0xFFFFF086  }
0x25: {  	[simem:s6], [sflag:s4] =	dma.local [hbm:s3], $0xF7A  }
0x26: {  	[smem:$0x3F9C] =	sst s1;
	(tag) =	ssettag s2;
	_ =	strace s9  }
0x27: {  	s1 =	sld [smem:$0x3FAC]  }
0x28: {  	s2 =	sld [smem:$0x3FAD]  }
0x29: {  	s4 =	sld [smem:$0x3FAF]  }
0x2a: {  	p0 =	seq.s32 s5, $0x0;
	s5 =	sld [smem:$0x3FB0]  }
0x2b: {  	s6 =	sld [smem:$0x3FB1]  }
0x2c: {  	s7 =	sld [smem:$0x3FB2]  }
0x2d: {  	s3 =	simm.s32 $0x108;
	s8 =	sld [smem:$0x3FB3]  }
0x2e: {  	s3 =	simm.s32 @!p0 $0x1082;
	s9 =	sld [smem:$0x3FB4]  }
0x2f: {  	lr =	sadd.s32 s0, s3;
	s0 =	sld [smem:$0x3FAB]  }
0x30: {  	s3 =	sld [smem:$0x3FAE]  }
0x31: {  	[smem:$0x3FB7] =	sst s10  }
0x32: {  	s10 =	sld [smem:$0x3FB5];
	_ =	sdelay $0x3  }
0x33: {  	p0 =	seq.s32 s10, $0x1;
	s10 =	sld [smem:$0x3FB7];
	_ =	sdelay $0x3  }
0x34: {  	[smem:$0x3FB7] =	sst s10  }
0x35: {  	s10 =	sld [smem:$0x3FB6];
	_ =	sdelay $0x3  }
0x36: {  	p1 =	seq.s32 s10, $0x1;
	s10 =	sld [smem:$0x3FB7];
	_ =	sdelay $0x3  }
0x37: {  	[smem:$0x3FB7] =	sst s10  }
0x38: {  	s10 =	sld [smem:$0x3FB8]  }
0x39: {  	_ = 	snop;
	(pc) =	sbr.ind lr, $3  }
0x3a: {  	_ = 	snop  }
0x3b: {  	_ = 	snop  }
0x3c: {  	p2 =	seq.s32 s10, $0x1;
	s10 =	sld [smem:$0x3FB7]  }
0x3d: {  	_ =	shalt  }
0x3e: {  	_ =	shalt  }
0x3f: {  	_ =	shalt  }
0x40: {  	_ =	shalt  }
0x41: {  	_ =	shalt  }
0x42: {  	_ =	shalt  }
0x43: {  	_ =	shalt  }
0x44: {  	_ =	shalt  }
0x45: {  	_ =	shalt  }
0x46: {  	_ =	shalt  }
0x47: {  	_ =	shalt  }
0x48: {  	_ =	shalt  }
0x49: {  	_ =	shalt  }
0x4a: {  	_ =	shalt  }
0x4b: {  	_ =	shalt  }
0x4c: {  	_ =	shalt  }
0x4d: {  	_ =	shalt  }
0x4e: {  	_ =	shalt  }
0x4f: {  	_ =	shalt  }
0x50: {  	_ =	shalt  }
0x51: {  	_ =	shalt  }
0x52: {  	_ =	shalt  }
0x53: {  	_ =	shalt  }
0x54: {  	_ =	shalt  }
0x55: {  	_ =	shalt  }
0x56: {  	_ =	shalt  }
0x57: {  	_ =	shalt  }
0x58: {  	_ =	shalt  }
0x59: {  	_ =	shalt  }
0x5a: {  	_ =	shalt  }
0x5b: {  	_ =	shalt  }
0x5c: {  	_ =	shalt  }
0x5d: {  	_ =	shalt  }
0x5e: {  	_ =	shalt  }
0x5f: {  	_ =	shalt  }
0x60: {  	_ =	shalt  }
0x61: {  	_ =	shalt  }
0x62: {  	_ =	shalt  }
0x63: {  	_ =	shalt  }
0x64: {  	_ =	shalt  }
0x65: {  	_ =	shalt  }
0x66: {  	_ =	shalt  }
0x67: {  	_ =	shalt  }
0x68: {  	_ =	shalt  }
0x69: {  	_ =	shalt  }
0x6a: {  	_ =	shalt  }
0x6b: {  	_ =	shalt  }
0x6c: {  	_ =	shalt  }
0x6d: {  	_ =	shalt  }
0x6e: {  	_ =	shalt  }
0x6f: {  	_ =	shalt  }
0x70: {  	_ =	shalt  }
0x71: {  	_ =	shalt  }
0x72: {  	_ =	shalt  }
0x73: {  	_ =	shalt  }
0x74: {  	_ =	shalt  }
0x75: {  	_ =	shalt  }
0x76: {  	_ =	shalt  }
0x77: {  	_ =	shalt  }
0x78: {  	_ =	shalt  }
0x79: {  	_ =	shalt  }
0x7a: {  	_ =	shalt  }
0x7b: {  	_ =	shalt  }
0x7c: {  	_ =	shalt  }
0x7d: {  	_ =	shalt  }
0x7e: {  	_ =	shalt  }
0x7f: {  	_ =	shalt  }
0x80: {  	_ =	shalt  }
0x81: {  	_ =	shalt  }
0x82: {  	_ =	shalt  }
0x83: {  	_ =	shalt  }
0x84: {  	_ =	shalt  }
0x85: {  	_ =	shalt  }
0x86: {  	_ =	shalt  }
0x87: {  	_ =	shalt  }
.Lfunc_end0:
.L_simem_size_0:
called_computation.3_lowered:
.L_overlay_start_0:
0x88: {  	s2 =	sld [smem:$0x3FD9]  }
0x89: {  	s3 =	sld [smem:$0x3FFE];
	_ =	sdelay $0x1  }
0x8a: {  	s1 =	srdreg.scid  }
0x8b: {  	s0 =	sand.u32 $0x1, s1  }
0x8c: {  	s17 =	sshll.u32 s0, $0xA;
	s2 =	sadd.s32 s3, s2  }
0x8d: {  	s2 =	sadd.s32 s2, s17  }
0x8e: {  	[smem:$0x3FC3] =	sst s2  }
0x8f: {  	_ = 	snop  }
0x90: {  	s2 =	sld [smem:$0x3FD0];
	(tm) =	ssettm $0x1  }
0x91: {  	s18 =	sld [smem:$0x3FFB];
	_ =	sdelay $0x3  }
0x92: {  	_ =	strace s18  }
0x93: {  	s3 =	sld [smem:$0x3FFC];
	_ =	sdelay $0x3  }
0x94: {  	_ =	strace s3  }
0x95: {  	s3 =	sld [smem:$0x3FFD];
	_ =	sdelay $0x3  }
0x96: {  	_ =	strace s3  }
0x97: {  	_ =	strace $0x8FFFFFFF  }
0x98: {  	s19 =	sld [smem:$0x3FDB];
	_ =	sdelay $0x1  }
0x99: {  	s4 =	simm.s32 $_scs_section_size  }
0x9a: {  	s5 =	simm.s32 $_size__tile_overlayer_lowered;
	s6 =	simm.s32 $_tile_overlayer_lowered  }
0x9b: {  	s22 =	simm.s32 $0x1BFF;
	s21 =	sshll.u32 s6, $0x1;
	s3 =	sadd.s32 s4, s19  }
0x9c: {  	s7 =	simm.s32 $0x0;
	s20 =	sshll.u32 s5, $0x1;
	s5 =	sadd.s32 s21, s3  }
0x9d: {  	[timem:s7], [sflag:s22] =	dma.local [hbm:s5], s20  }
0x9e: {  	_ =	swait.ge [sflag:s22], s20  }
0x9f: {  	s4 =	ssub.s32 $0x0, s20;
	[sflag:s22] =	ssyncset.done $0x0  }
0xa0: {  	[sflag:s22] =	ssyncadd.s32 s4;
	_ =	sdelay $0x1  }
0xa1: {  	s23 =	simm.s32 $0x1B8B  }
0xa2: {  	_ =	swait.ge [sflag:s23], $0x1  }
0xa3: {  	[sflag:s23] =	ssyncset.done $0x0  }
0xa4: {  	s25 =	simm.s32 $0x1B8E;
	s24 =	sld [smem:$0x3FFE];
	[sflag:s23] =	ssyncadd.s32 $0xFFFFFFFF  }
0xa5: {  	s26 =	simm.s32 $execute0_lowered;
	[smem:$0x3FD2] =	sst s25  }
0xa6: {  	s5 =	sshll.u32 s26, $0x1;
	_ =	strace $0x8000004F;
	[dreg:$0x1] =	wrdreg $0xFFFFFFFF  }
0xa7: {  	s28 =	simm.s32 $_size_execute0_lowered;
	s3 =	sadd.s32 s3, s5;
	[dreg:$0x0] =	wrdreg $0x0  }
0xa8: {  	s5 =	sshll.u32 s28, $0x1;
	[dreg:$0x2] =	wrdreg s3  }
0xa9: {  	[dreg:$0x3] =	wrdreg s5  }
0xaa: {  	[dreg:$0x4] =	wrdreg $0xC0  }
0xab: {  	_ =	task [dreg:s7], $0x5FFFF  }
0xac: {  	[dreg:$0x1] =	wrdreg $0xFFFFFFFF  }
0xad: {  	[dreg:$0x0] =	wrdreg $0x60  }
0xae: {  	[dreg:$0x2] =	wrdreg s2  }
0xaf: {  	[dreg:$0x3] =	wrdreg s24  }
0xb0: {  	[dreg:$0x4] =	wrdreg $0x0  }
0xb1: {  	[dreg:$0x5] =	wrdreg $0x9  }
0xb2: {  	_ =	task.clear_ibuf [dreg:s7], $0x6FFFF;
	_ =	strace $0x9000004F  }
0xb3: {  	s29 =	simm.s32 $0x9;
	_ =	strace $0x80000051  }
0xb4: {  	_ =	swait.ge [sflag:s29], $0x1  }
0xb5: {  	[sflag:s29] =	ssyncadd.s32 $0xFFFFFFFF  }
0xb6: {  	_ =	strace $0x90000051  }
0xb7: {  	_ =	sfence  }
0xb8: {  	s30 =	sld [smem:$0x0];
	_ =	sdelay $0x2  }
0xb9: {  	s31 =	sshll.u32 s1, $0xD;
	s1 =	sshrl.u32 s1, $0x2  }
0xba: {  	s3 =	sand.u32 $0x4000, s31;
	s1 =	sadd.s32 s1, s30  }
0xbb: {  	s0 =	sor.u32 s3, s0;
	s1 =	sshll.u32 s1, $0x11  }
0xbc: {  	s0 =	sor.u32 s1, s0  }
0xbd: {  	s0 =	sadd.s32 $0x8F2B, s0  }
0xbe: {  	[sflag:s0] =	ssyncadd.remote.s32 $0x1  }
0xbf: {  	_ =	sfence.sel $0xFFFF  }
0xc0: {  	[dreg:$0x0] =	wrdreg $0xFFFFFFFF;
	(pc) =	sbr.abs _section_cstart, $3  }
0xc1: {  	[dreg:$0x1] =	wrdreg $0xFFFFFFFF  }
0xc2: {  	_ =	task.clear_ibuf [dreg:s7], $0x2FFFF;
	_ =	strace $0x9FFFFFFF  }
0xc3: {  	(tm) =	ssettm $0x7FFFFFFF  }
tec
execute0_lowered:
.L_overlay_start_1:
0x0: {  	(tag) =	ssettag $0x1  }
0x1: {  	s2 =	rddreg [dreg:$0x0]  }
0x2: {  	s5 =	rddreg [dreg:$0x1]  }
0x3: {  	s3 =	rddreg [dreg:$0x2]  }
0x4: {  	s0 =	rddreg [dreg:$0x3];
	s1 =	stileid.u32  }
0x5: {  	s6 =	srdreg.scid;
	s4 =	simm.s32 $0x0;
	s16 =	simm.s32 $0x15000  }
0x6: {  	s17 =	simm.s32 $0x80;
	s18 =	simm.s32 $0x16400;
	s19 =	simm.s32 $0x13C80  }
0x7: {  	s20 =	simm.s32 $0x1A400;
	s21 =	simm.s32 $0x1;
	s22 =	simm.s32 $0x2  }
0x8: {  	s23 =	simm.s32 $0x16300;
	s7 =	smul.u32 $0x13C00, s1;
	s6 =	sand.u32 $0x1, s6  }
0x9: {  	[smem:$0x7FF] =	sst s4;
	s9 =	sadd.s32 $0xEC00, s5;
	s24 =	smul.u32 $0x4F000, s1  }
0xa: {  	s11 =	sadd.s32 $0x4C00, s5;
	s30 =	sshll.u32 s1, $0x6;
	s8 =	smul.u32 $0x13C000, s6  }
0xb: {  	_ =	strace $0x80000050;
	s12 =	sshll.u32 s6, $0x4;
	s25 =	ssub.s32 $0x2, s6  }
0xc: {  	s6 =	sor.u32 $0x1C03, s30;
	s10 =	sshrl.u32 s7, $0x3;
	s26 =	sor.u32 s1, s12  }
0xd: {  	s28 =	sshrl.u32 s25, $0x1;
	s10 =	sadd.s32 s10, s5;
	s7 =	sadd.s32 s7, s8  }
0xe: {  	s8 =	sshrl.u32 s24, $0x2;
	s12 =	smul.u32 $0x2800, s26;
	s14 =	ssub.s32 s25, s28  }
0xf: {  	s29 =	smul.u32 $0x500, s26;
	s24 =	simm.s32 $0x16380;
	s7 =	sshrl.u32 s7, $0x3  }
0x10: {  	s25 =	simm.s32 $0x0;
	s15 =	sadd.s32 s8, s3;
	s13 =	sadd.s32 s7, s5  }
0x11: {  	s5 =	sadd.s32 $0x18C00, s10;
	s31 =	sshrl.u32 s12, $0x3;
	s7 =	sadd.s32 s9, s29  }
0x12: {  	s8 =	sadd.s32 s11, s29;
	s12 =	smax.u32 s14, $0x1;
	s10 =	sadd.s32 $0x280, s31  }
0x13: {  	s14 =	simm.s32 $0x3;
	s9 =	sadd.s32 s9, s10;
	s10 =	sadd.s32 s11, s10  }
0x14: {  	s11 =	sadd.s32 $0x40400, s13;
	s13 =	sshrl.u32 s15, $0x3;
	s15 =	simm.s32 $0x13C00  }
.LBB2_1:
0x15: {  	[spmem:s13], [sflag:s6] =	dma.local [hbm:s5], $0x2780  }
0x16: {  	_ =	swait.ge [sflag:s14], $0x2780  }
0x17: {  	[sflag:s14] =	ssyncset.done $0x0  }
0x18: {  	[sflag:s14] =	ssyncadd.s32 $0xFFFFD880  }
0x19: {  	[bflag:$0x0] =	sbarrier.arrive $0xFFFF  }
0x1a: {  	[tilespmem:s15], [sflag:$0x3] =	stream.linear.gather [hbm4b:s7+s4], $0x1400, $0x38;
	[tilespmem:$0x1E400] =	vst v63  }
0x1b: {  	_ =	swait.ge [sflag:s14], $0x1400  }
0x1c: {  	[sflag:s14] =	ssyncset.done $0x0  }
0x1d: {  	[sflag:s14] =	ssyncadd.s32 $0xFFFFEC00  }
0x1e: {  	[tilespmem:s16], [sflag:$0x3] =	stream.linear.gather [hbm4b:s8+s4], $0x1400, $0x38;
	[tilespmem:$0x1E400] =	vst v63  }
0x1f: {  	_ =	swait.ge [sflag:s14], $0x1400  }
0x20: {  	[sflag:s14] =	ssyncset.done $0x0  }
0x21: {  	[sflag:s14] =	ssyncadd.s32 $0xFFFFEC00  }
0x22: {  	[tilespmem:s18], [sflag:$0x1] =	stream.indirect.gather [hbm4b:s2+s17], $0x80, s15, s17, $0xb8;
	[tilespmem:$0x1E400] =	vst v63  }
0x23: {  	_ = 	snop  }
0x24: {  	[tilespmem:s20], [sflag:$0x2] =	stream.indirect.gather [hbm4b:s2+s17], $0x80, s19, s17, $0xb8;
	[tilespmem:$0x1E400] =	vst v63  }
0x25: {  	_ =	swait.ge [sflag:s21], $0x4000  }
0x26: {  	[sflag:s21] =	ssyncset.done $0x0  }
0x27: {  	s26 =	simm.s32 $0x15000;
	[sflag:s21] =	ssyncadd.s32 $0xFFFFC000  }
0x28: {  	[spmem:s3] =	stream.indirect.scatter.add.f32 [tilespmem:s18], [sflag:$0x3], $0x80, s26, s17, $0xb8;
	[tilespmem:$0x1E400] =	vst v63  }
0x29: {  	_ =	swait.ge [sflag:s14], $0x4000  }
0x2a: {  	[sflag:s14] =	ssyncset.done $0x0  }
0x2b: {  	s30 =	simm.s32 $0x13D00;
	[sflag:s14] =	ssyncadd.s32 $0xFFFFC000  }
0x2c: {  	[tilespmem:s18], [sflag:$0x1] =	stream.indirect.gather [hbm4b:s2+s17], $0x80, s30, s17, $0xb8;
	[tilespmem:$0x1E400] =	vst v63  }
0x2d: {  	_ =	swait.ge [sflag:s22], $0x4000  }
0x2e: {  	[sflag:s22] =	ssyncset.done $0x0  }
0x2f: {  	s31 =	simm.s32 $0x15080;
	[sflag:s22] =	ssyncadd.s32 $0xFFFFC000  }
0x30: {  	[spmem:s3] =	stream.indirect.scatter.add.f32 [tilespmem:s20], [sflag:$0x3], $0x80, s31, s17, $0xb8;
	[tilespmem:$0x1E400] =	vst v63  }
0x31: {  	_ =	swait.ge [sflag:s14], $0x4000  }
0x32: {  	[sflag:s14] =	ssyncset.done $0x0  }
0x33: {  	s28 =	simm.s32 $0x13D80;
	s26 =	simm.s32 $0x400;
	[sflag:s14] =	ssyncadd.s32 $0xFFFFC000  }
.LBB2_2:
0x34: {  	[tilespmem:s20], [sflag:$0x2] =	stream.indirect.gather [hbm4b:s2+s17], $0x80, s28, s17, $0xb8;
	[tilespmem:$0x1E400] =	vst v63  }
0x35: {  	s28 =	smov.u32 s26  }
0x36: {  	p0 =	sne.s32 s26, $0x4800;
	s26 =	sadd.s32 $0x400, s26;
	_ =	swait.ge [sflag:s21], $0x4000  }
0x37: {  	s28 =	sshra.s32 s28, $0x2;
	[sflag:s21] =	ssyncset.done $0x0  }
0x38: {  	s29 =	sadd.s32 $0x15000, s28;
	[sflag:s21] =	ssyncadd.s32 $0xFFFFC000  }
0x39: {  	[spmem:s3] =	stream.indirect.scatter.add.f32 [tilespmem:s18], [sflag:$0x3], $0x80, s29, s17, $0xb8;
	[tilespmem:$0x1E400] =	vst v63  }
0x3a: {  	_ =	swait.ge [sflag:s14], $0x4000  }
0x3b: {  	[sflag:s14] =	ssyncset.done $0x0  }
0x3c: {  	s29 =	sadd.s32 $0x13D00, s28;
	[sflag:s14] =	ssyncadd.s32 $0xFFFFC000  }
0x3d: {  	[tilespmem:s18], [sflag:$0x1] =	stream.indirect.gather [hbm4b:s2+s17], $0x80, s29, s17, $0xb8;
	[tilespmem:$0x1E400] =	vst v63  }
0x3e: {  	_ =	swait.ge [sflag:s22], $0x4000  }
0x3f: {  	[sflag:s22] =	ssyncset.done $0x0  }
.Ltmp0:
0x40: {  	s29 =	sadd.s32 $0x15080, s28;
	[sflag:s22] =	ssyncadd.s32 $0xFFFFC000;
	(pc) =	sbr.rel @p0 .LBB2_2-.Ltmp0, $4  }
0x41: {  	[spmem:s3] =	stream.indirect.scatter.add.f32 [tilespmem:s20], [sflag:$0x3], $0x80, s29, s17, $0xb8;
	[tilespmem:$0x1E400] =	vst v63  }
0x42: {  	_ =	swait.ge [sflag:s14], $0x4000  }
0x43: {  	[sflag:s14] =	ssyncset.done $0x0  }
0x44: {  	s28 =	sadd.s32 $0x13D80, s28;
	[sflag:s14] =	ssyncadd.s32 $0xFFFFC000  }
0x45: {  	[tilespmem:s20], [sflag:$0x2] =	stream.indirect.gather [hbm4b:s2+s17], $0x80, s28, s17, $0xb8;
	[tilespmem:$0x1E400] =	vst v63  }
0x46: {  	_ =	swait.ge [sflag:s21], $0x4000  }
0x47: {  	[sflag:s21] =	ssyncset.done $0x0  }
0x48: {  	[sflag:s21] =	ssyncadd.s32 $0xFFFFC000  }
0x49: {  	[spmem:s3] =	stream.indirect.scatter.add.f32 [tilespmem:s18], [sflag:$0x3], $0x80, s23, s17, $0xb8;
	[tilespmem:$0x1E400] =	vst v63  }
0x4a: {  	_ =	swait.ge [sflag:s14], $0x4000  }
0x4b: {  	[sflag:s14] =	ssyncset.done $0x0  }
0x4c: {  	[sflag:s14] =	ssyncadd.s32 $0xFFFFC000  }
0x4d: {  	_ =	swait.ge [sflag:s22], $0x4000  }
0x4e: {  	[sflag:s22] =	ssyncset.done $0x0  }
0x4f: {  	[sflag:s22] =	ssyncadd.s32 $0xFFFFC000  }
0x50: {  	[spmem:s3] =	stream.indirect.scatter.add.f32 [tilespmem:s20], [sflag:$0x3], $0x80, s24, s17, $0xb8;
	[tilespmem:$0x1E400] =	vst v63  }
0x51: {  	_ =	swait.ge [sflag:s14], $0x4000  }
0x52: {  	[sflag:s14] =	ssyncset.done $0x0  }
0x53: {  	s26 =	simm.s32 $0x0;
	[sflag:s14] =	ssyncadd.s32 $0xFFFFC000  }
0x54: {  	[tilespmem:s15], [sflag:$0x3] =	stream.linear.gather [hbm4b:s9+s26], $0x1400, $0x38;
	[tilespmem:$0x1E400] =	vst v63  }
0x55: {  	_ =	swait.ge [sflag:s14], $0x1400  }
0x56: {  	[sflag:s14] =	ssyncset.done $0x0  }
0x57: {  	[sflag:s14] =	ssyncadd.s32 $0xFFFFEC00  }
0x58: {  	[tilespmem:s16], [sflag:$0x3] =	stream.linear.gather [hbm4b:s10+s26], $0x1400, $0x38;
	[tilespmem:$0x1E400] =	vst v63  }
0x59: {  	_ =	swait.ge [sflag:s14], $0x1400  }
0x5a: {  	[sflag:s14] =	ssyncset.done $0x0  }
0x5b: {  	[sflag:s14] =	ssyncadd.s32 $0xFFFFEC00  }
0x5c: {  	[tilespmem:s18], [sflag:$0x1] =	stream.indirect.gather [hbm4b:s2+s17], $0x80, s15, s17, $0xb8;
	[tilespmem:$0x1E400] =	vst v63  }
0x5d: {  	_ = 	snop  }
0x5e: {  	[tilespmem:s20], [sflag:$0x2] =	stream.indirect.gather [hbm4b:s2+s17], $0x80, s19, s17, $0xb8;
	[tilespmem:$0x1E400] =	vst v63  }
0x5f: {  	_ =	swait.ge [sflag:s21], $0x4000  }
0x60: {  	[sflag:s21] =	ssyncset.done $0x0  }
0x61: {  	s29 =	simm.s32 $0x15000;
	[sflag:s21] =	ssyncadd.s32 $0xFFFFC000  }
0x62: {  	[spmem:s3] =	stream.indirect.scatter.add.f32 [tilespmem:s18], [sflag:$0x3], $0x80, s29, s17, $0xb8;
	[tilespmem:$0x1E400] =	vst v63  }
0x63: {  	_ =	swait.ge [sflag:s14], $0x4000  }
0x64: {  	[sflag:s14] =	ssyncset.done $0x0  }
0x65: {  	s30 =	simm.s32 $0x13D00;
	[sflag:s14] =	ssyncadd.s32 $0xFFFFC000  }
0x66: {  	[tilespmem:s18], [sflag:$0x1] =	stream.indirect.gather [hbm4b:s2+s17], $0x80, s30, s17, $0xb8;
	[tilespmem:$0x1E400] =	vst v63  }
0x67: {  	_ =	swait.ge [sflag:s22], $0x4000  }
0x68: {  	[sflag:s22] =	ssyncset.done $0x0  }
0x69: {  	s31 =	simm.s32 $0x15080;
	[sflag:s22] =	ssyncadd.s32 $0xFFFFC000  }
0x6a: {  	[spmem:s3] =	stream.indirect.scatter.add.f32 [tilespmem:s20], [sflag:$0x3], $0x80, s31, s17, $0xb8;
	[tilespmem:$0x1E400] =	vst v63  }
0x6b: {  	_ =	swait.ge [sflag:s14], $0x4000  }
0x6c: {  	[sflag:s14] =	ssyncset.done $0x0  }
0x6d: {  	s28 =	simm.s32 $0x13D80;
	s26 =	simm.s32 $0x400;
	[sflag:s14] =	ssyncadd.s32 $0xFFFFC000  }
.LBB2_4:
0x6e: {  	[tilespmem:s20], [sflag:$0x2] =	stream.indirect.gather [hbm4b:s2+s17], $0x80, s28, s17, $0xb8;
	[tilespmem:$0x1E400] =	vst v63  }
0x6f: {  	s28 =	smov.u32 s26  }
0x70: {  	p0 =	sne.s32 s26, $0x4800;
	s26 =	sadd.s32 $0x400, s26;
	_ =	swait.ge [sflag:s21], $0x4000  }
0x71: {  	s28 =	sshra.s32 s28, $0x2;
	[sflag:s21] =	ssyncset.done $0x0  }
0x72: {  	s29 =	sadd.s32 $0x15000, s28;
	[sflag:s21] =	ssyncadd.s32 $0xFFFFC000  }
0x73: {  	[spmem:s3] =	stream.indirect.scatter.add.f32 [tilespmem:s18], [sflag:$0x3], $0x80, s29, s17, $0xb8;
	[tilespmem:$0x1E400] =	vst v63  }
0x74: {  	_ =	swait.ge [sflag:s14], $0x4000  }
0x75: {  	[sflag:s14] =	ssyncset.done $0x0  }
0x76: {  	s29 =	sadd.s32 $0x13D00, s28;
	[sflag:s14] =	ssyncadd.s32 $0xFFFFC000  }
0x77: {  	[tilespmem:s18], [sflag:$0x1] =	stream.indirect.gather [hbm4b:s2+s17], $0x80, s29, s17, $0xb8;
	[tilespmem:$0x1E400] =	vst v63  }
0x78: {  	_ =	swait.ge [sflag:s22], $0x4000  }
0x79: {  	[sflag:s22] =	ssyncset.done $0x0  }
.Ltmp1:
0x7a: {  	s29 =	sadd.s32 $0x15080, s28;
	[sflag:s22] =	ssyncadd.s32 $0xFFFFC000;
	(pc) =	sbr.rel @p0 .LBB2_4-.Ltmp1, $4  }
0x7b: {  	[spmem:s3] =	stream.indirect.scatter.add.f32 [tilespmem:s20], [sflag:$0x3], $0x80, s29, s17, $0xb8;
	[tilespmem:$0x1E400] =	vst v63  }
0x7c: {  	_ =	swait.ge [sflag:s14], $0x4000  }
0x7d: {  	[sflag:s14] =	ssyncset.done $0x0  }
0x7e: {  	s28 =	sadd.s32 $0x13D80, s28;
	[sflag:s14] =	ssyncadd.s32 $0xFFFFC000  }
0x7f: {  	[tilespmem:s20], [sflag:$0x2] =	stream.indirect.gather [hbm4b:s2+s17], $0x80, s28, s17, $0xb8;
	[tilespmem:$0x1E400] =	vst v63  }
0x80: {  	_ =	swait.ge [sflag:s21], $0x4000  }
0x81: {  	[sflag:s21] =	ssyncset.done $0x0  }
0x82: {  	[sflag:s21] =	ssyncadd.s32 $0xFFFFC000  }
0x83: {  	[spmem:s3] =	stream.indirect.scatter.add.f32 [tilespmem:s18], [sflag:$0x3], $0x80, s23, s17, $0xb8;
	[tilespmem:$0x1E400] =	vst v63  }
0x84: {  	_ =	swait.ge [sflag:s14], $0x4000  }
0x85: {  	[sflag:s14] =	ssyncset.done $0x0  }
0x86: {  	[sflag:s14] =	ssyncadd.s32 $0xFFFFC000  }
0x87: {  	_ =	swait.ge [sflag:s22], $0x4000  }
0x88: {  	[sflag:s22] =	ssyncset.done $0x0  }
0x89: {  	[sflag:s22] =	ssyncadd.s32 $0xFFFFC000  }
0x8a: {  	[spmem:s3] =	stream.indirect.scatter.add.f32 [tilespmem:s20], [sflag:$0x3], $0x80, s24, s17, $0xb8;
	[tilespmem:$0x1E400] =	vst v63  }
0x8b: {  	_ =	swait.ge [sflag:s14], $0x4000  }
0x8c: {  	s25 =	sadd.s32 $0x1, s25;
	[sflag:s14] =	ssyncset.done $0x0  }
0x8d: {  	p0 =	sne.s32 s25, s12;
	[sflag:s14] =	ssyncadd.s32 $0xFFFFC000  }
.Ltmp2:
0x8e: {  	[bflag:$0x0] =	sbarrier.arrive $0xFFFF;
	(pc) =	sbr.rel @p0 .LBB2_1-.Ltmp2, $4  }
0x8f: {  	[hbm:s11], [sflag:s6] =	dma.local [spmem:s13], $0x2780  }
0x90: {  	_ =	swait.ge [sflag:s14], $0x2780  }
0x91: {  	[sflag:s14] =	ssyncset.done $0x0  }
0x92: {  	[sflag:s14] =	ssyncadd.s32 $0xFFFFD880  }
0x93: {  	_ =	sfence.sel $0x180000  }
0x94: {  	[bflag:$0x0] =	sbarrier.arrive $0xFFFF  }
0x95: {  	p0 =	sne.s32 s1, $0x0;
	_ =	strace $0x90000050  }
0x96: {  	s0 =	sadd.s32 @!p0 $0x100000, s0;
	[bflag:$0x2] =	sbarrier.arrive $0xFFFF  }
0x97: {  	[sflag:s0] =	ssyncadd.tile.s32 @!p0 $0x1;
	_ =	shalt  }
.Lfunc_end2:
_tile_overlayer_lowered:
.L_overlay_start_2:
0x98: {  	(tag) =	ssettag $0x2  }
0x99: {  	s0 =	rddreg [dreg:$0x0];
	s2 =	stileid.u32  }
0x9a: {  	s1 =	rddreg [dreg:$0x1];
	p0 =	sne.s32 s2, $0x0  }
0x9b: {  	s3 =	rddreg [dreg:$0x2];
	[bflag:$0x3] =	sbarrier.arrive $0xFFFF;
	s2 =	simm.s32 @!p0 $0x1C03  }
0x9c: {  	[timem:s3], [sflag:s2] =	dma.local @!p0 [hbm:s0], s1  }
0x9d: {  	s0 =	simm.s32 @!p0 $0x3  }
0x9e: {  	_ =	swait.ge @!p0 [sflag:s0], s1  }
0x9f: {  	s1 =	ssub.s32 @!p0 $0x0, s1;
	[sflag:s0] =	ssyncset.done @!p0 $0x0  }
0xa0: {  	[sflag:s0] =	ssyncadd.s32 @!p0 s1  }
0xa1: {  	[bflag:$0x3] =	sbarrier.arrive $0xFFFF  }
0xa2: {  	_ =	shalt  }

// kernel: kernel.24.cloned.1.call-start
scs
__scs_entry_jumppad:
0x0: {  	(pc) =	sbr.rel $0x88, $3  }
0x1: {  	(tag) =	ssettag $0x0;
	lr =	simm.s32 $0x1  }
0x2: {  	[smem:$0x3F9C] =	sst lr;
	_ =	strace $0xD0000000  }
0x3: {  	_ = 	snop  }
0x4: {  	_ = 	snop  }
0x5: {  	_ = 	snop  }
0x6: {  	_ = 	snop  }
0x7: {  	_ = 	snop  }
__scs_overlays_trampoline_lowered:
0x8: {  	[smem:$0x3FAB] =	sst s0  }
0x9: {  	[smem:$0x3FAC] =	sst s1  }
0xa: {  	[smem:$0x3FAD] =	sst s2  }
0xb: {  	[smem:$0x3FAE] =	sst s3  }
0xc: {  	[smem:$0x3FAF] =	sst s4  }
0xd: {  	[smem:$0x3FB0] =	sst s5  }
0xe: {  	[smem:$0x3FB1] =	sst s6  }
0xf: {  	[smem:$0x3FB2] =	sst s7  }
0x10: {  	[smem:$0x3FB3] =	sst s8  }
0x11: {  	[smem:$0x3FB4] =	sst s9;
	s0 =	simm.s32 @!p0 $0x0  }
0x12: {  	s1 =	sld [smem:$0x3F9A];
	s0 =	simm.s32 @p0 $0x1  }
0x13: {  	[smem:$0x3FB5] =	sst s0;
	s0 =	simm.s32 @!p1 $0x0  }
0x14: {  	s2 =	sld [smem:$0x3F99];
	s0 =	simm.s32 @p1 $0x1  }
0x15: {  	[smem:$0x3FB6] =	sst s0;
	s0 =	simm.s32 @!p2 $0x0  }
0x16: {  	s3 =	sld [smem:$0x3FDB];
	s0 =	simm.s32 @p2 $0x1  }
0x17: {  	s4 =	simm.s32 $0x1BF5;
	[smem:$0x3FB8] =	sst s0  }
0x18: {  	s0 =	sld [smem:$0x3F9B];
	_ =	swait.ge [sflag:s4], $0x0  }
0x19: {  	s7 =	sld [smem:$0x3F9C]  }
0x1a: {  	s8 =	sadd.s32 $0xFFFFE003, lr  }
0x1b: {  	s9 =	sadd.s32 $0xFFFFFEF7, lr;
	s5 =	simm.s32 $0xFFFFFFFF;
	p2 =	slt.u32 s8, $0xFFFFF086  }
0x1c: {  	p1 =	slt.u32 s9, $0xF7A;
	s5 =	simm.s32 @!p2 $0x0  }
0x1d: {  	s5 =	simm.s32 @p1 $0x1;
	p0 =	seq.s32 s7, s2  }
0x1e: {  	s7 =	smul.u32 @!p0 $0xF7A, s2;
	p2 =	seq.s32 @!p0 s5, $0x0  }
0x1f: {  	s9 =	smul.u32 $0xF7A, s1;
	s8 =	simm.s32 @!p0 $0x1BF5;
	p2 =	por !p2, p0  }
0x20: {  	[sflag:s8] =	ssyncset.s32 @!p0 $0xFFFFF086;
	s6 =	sadd.s32 @!p0 s3, s7;
	s7 =	simm.s32 @!p0 $0x108  }
0x21: {  	s3 =	sadd.s32 s3, s9;
	s6 =	sadd.s32 @!p0 $0x88, s6;
	s7 =	simm.s32 @p2 $0x1082  }
0x22: {  	[simem:s7], [sflag:s8] =	dma.local @!p0 [hbm:s6], $0xF7A  }
0x23: {  	s9 =	sor.u32 $0xD0000000, s2;
	s6 =	simm.s32 $0x108;
	_ =	swait.ge @!p0 [sflag:s8], $0x0  }
0x24: {  	s3 =	sadd.s32 $0x88, s3;
	s6 =	simm.s32 @!p1 $0x1082;
	[sflag:s4] =	ssyncset.s32 $0xFFFFF086  }
0x25: {  	[simem:s6], [sflag:s4] =	dma.local [hbm:s3], $0xF7A  }
0x26: {  	[smem:$0x3F9C] =	sst s1;
	(tag) =	ssettag s2;
	_ =	strace s9  }
0x27: {  	s1 =	sld [smem:$0x3FAC]  }
0x28: {  	s2 =	sld [smem:$0x3FAD]  }
0x29: {  	s4 =	sld [smem:$0x3FAF]  }
0x2a: {  	p0 =	seq.s32 s5, $0x0;
	s5 =	sld [smem:$0x3FB0]  }
0x2b: {  	s6 =	sld [smem:$0x3FB1]  }
0x2c: {  	s7 =	sld [smem:$0x3FB2]  }
0x2d: {  	s3 =	simm.s32 $0x108;
	s8 =	sld [smem:$0x3FB3]  }
0x2e: {  	s3 =	simm.s32 @!p0 $0x1082;
	s9 =	sld [smem:$0x3FB4]  }
0x2f: {  	lr =	sadd.s32 s0, s3;
	s0 =	sld [smem:$0x3FAB]  }
0x30: {  	s3 =	sld [smem:$0x3FAE]  }
0x31: {  	[smem:$0x3FB7] =	sst s10  }
0x32: {  	s10 =	sld [smem:$0x3FB5];
	_ =	sdelay $0x3  }
0x33: {  	p0 =	seq.s32 s10, $0x1;
	s10 =	sld [smem:$0x3FB7];
	_ =	sdelay $0x3  }
0x34: {  	[smem:$0x3FB7] =	sst s10  }
0x35: {  	s10 =	sld [smem:$0x3FB6];
	_ =	sdelay $0x3  }
0x36: {  	p1 =	seq.s32 s10, $0x1;
	s10 =	sld [smem:$0x3FB7];
	_ =	sdelay $0x3  }
0x37: {  	[smem:$0x3FB7] =	sst s10  }
0x38: {  	s10 =	sld [smem:$0x3FB8]  }
0x39: {  	_ = 	snop;
	(pc) =	sbr.ind lr, $3  }
0x3a: {  	_ = 	snop  }
0x3b: {  	_ = 	snop  }
0x3c: {  	p2 =	seq.s32 s10, $0x1;
	s10 =	sld [smem:$0x3FB7]  }
0x3d: {  	_ =	shalt  }
0x3e: {  	_ =	shalt  }
0x3f: {  	_ =	shalt  }
0x40: {  	_ =	shalt  }
0x41: {  	_ =	shalt  }
0x42: {  	_ =	shalt  }
0x43: {  	_ =	shalt  }
0x44: {  	_ =	shalt  }
0x45: {  	_ =	shalt  }
0x46: {  	_ =	shalt  }
0x47: {  	_ =	shalt  }
0x48: {  	_ =	shalt  }
0x49: {  	_ =	shalt  }
0x4a: {  	_ =	shalt  }
0x4b: {  	_ =	shalt  }
0x4c: {  	_ =	shalt  }
0x4d: {  	_ =	shalt  }
0x4e: {  	_ =	shalt  }
0x4f: {  	_ =	shalt  }
0x50: {  	_ =	shalt  }
0x51: {  	_ =	shalt  }
0x52: {  	_ =	shalt  }
0x53: {  	_ =	shalt  }
0x54: {  	_ =	shalt  }
0x55: {  	_ =	shalt  }
0x56: {  	_ =	shalt  }
0x57: {  	_ =	shalt  }
0x58: {  	_ =	shalt  }
0x59: {  	_ =	shalt  }
0x5a: {  	_ =	shalt  }
0x5b: {  	_ =	shalt  }
0x5c: {  	_ =	shalt  }
0x5d: {  	_ =	shalt  }
0x5e: {  	_ =	shalt  }
0x5f: {  	_ =	shalt  }
0x60: {  	_ =	shalt  }
0x61: {  	_ =	shalt  }
0x62: {  	_ =	shalt  }
0x63: {  	_ =	shalt  }
0x64: {  	_ =	shalt  }
0x65: {  	_ =	shalt  }
0x66: {  	_ =	shalt  }
0x67: {  	_ =	shalt  }
0x68: {  	_ =	shalt  }
0x69: {  	_ =	shalt  }
0x6a: {  	_ =	shalt  }
0x6b: {  	_ =	shalt  }
0x6c: {  	_ =	shalt  }
0x6d: {  	_ =	shalt  }
0x6e: {  	_ =	shalt  }
0x6f: {  	_ =	shalt  }
0x70: {  	_ =	shalt  }
0x71: {  	_ =	shalt  }
0x72: {  	_ =	shalt  }
0x73: {  	_ =	shalt  }
0x74: {  	_ =	shalt  }
0x75: {  	_ =	shalt  }
0x76: {  	_ =	shalt  }
0x77: {  	_ =	shalt  }
0x78: {  	_ =	shalt  }
0x79: {  	_ =	shalt  }
0x7a: {  	_ =	shalt  }
0x7b: {  	_ =	shalt  }
0x7c: {  	_ =	shalt  }
0x7d: {  	_ =	shalt  }
0x7e: {  	_ =	shalt  }
0x7f: {  	_ =	shalt  }
0x80: {  	_ =	shalt  }
0x81: {  	_ =	shalt  }
0x82: {  	_ =	shalt  }
0x83: {  	_ =	shalt  }
0x84: {  	_ =	shalt  }
0x85: {  	_ =	shalt  }
0x86: {  	_ =	shalt  }
0x87: {  	_ =	shalt  }
.Lfunc_end0:
.L_simem_size_0:
called_computation.4_lowered:
.L_overlay_start_0:
0x88: {  	s2 =	sld [smem:$0x3FD9]  }
0x89: {  	s3 =	sld [smem:$0x3FFE];
	_ =	sdelay $0x1  }
0x8a: {  	s1 =	srdreg.scid  }
0x8b: {  	s0 =	sand.u32 $0x1, s1  }
0x8c: {  	s17 =	sshll.u32 s0, $0xA;
	s2 =	sadd.s32 s3, s2  }
0x8d: {  	s2 =	sadd.s32 s2, s17  }
0x8e: {  	[smem:$0x3FC3] =	sst s2  }
0x8f: {  	_ = 	snop  }
0x90: {  	s2 =	sld [smem:$0x3FD0];
	(tm) =	ssettm $0x1  }
0x91: {  	s18 =	sld [smem:$0x3FFB];
	_ =	sdelay $0x3  }
0x92: {  	_ =	strace s18  }
0x93: {  	s3 =	sld [smem:$0x3FFC];
	_ =	sdelay $0x3  }
0x94: {  	_ =	strace s3  }
0x95: {  	s3 =	sld [smem:$0x3FFD];
	_ =	sdelay $0x3  }
0x96: {  	_ =	strace s3  }
0x97: {  	_ =	strace $0x8FFFFFFF  }
0x98: {  	s19 =	sld [smem:$0x3FDB];
	_ =	sdelay $0x1  }
0x99: {  	s4 =	simm.s32 $_scs_section_size  }
0x9a: {  	s5 =	simm.s32 $_size__tile_overlayer_lowered;
	s6 =	simm.s32 $_tile_overlayer_lowered  }
0x9b: {  	s22 =	simm.s32 $0x1BFF;
	s21 =	sshll.u32 s6, $0x1;
	s3 =	sadd.s32 s4, s19  }
0x9c: {  	s7 =	simm.s32 $0x0;
	s20 =	sshll.u32 s5, $0x1;
	s5 =	sadd.s32 s21, s3  }
0x9d: {  	[timem:s7], [sflag:s22] =	dma.local [hbm:s5], s20  }
0x9e: {  	_ =	swait.ge [sflag:s22], s20  }
0x9f: {  	s4 =	ssub.s32 $0x0, s20;
	[sflag:s22] =	ssyncset.done $0x0  }
0xa0: {  	[sflag:s22] =	ssyncadd.s32 s4;
	_ =	sdelay $0x1  }
0xa1: {  	s23 =	simm.s32 $0x1B8B  }
0xa2: {  	_ =	swait.ge [sflag:s23], $0x1  }
0xa3: {  	[sflag:s23] =	ssyncset.done $0x0  }
0xa4: {  	s25 =	simm.s32 $0x1B8E;
	s24 =	sld [smem:$0x3FFE];
	[sflag:s23] =	ssyncadd.s32 $0xFFFFFFFF  }
0xa5: {  	s26 =	simm.s32 $execute0_lowered;
	[smem:$0x3FD2] =	sst s25  }
0xa6: {  	s5 =	sshll.u32 s26, $0x1;
	_ =	strace $0x80000052;
	[dreg:$0x1] =	wrdreg $0xFFFFFFFF  }
0xa7: {  	s28 =	simm.s32 $_size_execute0_lowered;
	s3 =	sadd.s32 s3, s5;
	[dreg:$0x0] =	wrdreg $0x0  }
0xa8: {  	s5 =	sshll.u32 s28, $0x1;
	[dreg:$0x2] =	wrdreg s3  }
0xa9: {  	[dreg:$0x3] =	wrdreg s5  }
0xaa: {  	[dreg:$0x4] =	wrdreg $0xC0  }
0xab: {  	_ =	task [dreg:s7], $0x5FFFF  }
0xac: {  	[dreg:$0x1] =	wrdreg $0xFFFFFFFF  }
0xad: {  	[dreg:$0x0] =	wrdreg $0x60  }
0xae: {  	[dreg:$0x2] =	wrdreg s2  }
0xaf: {  	[dreg:$0x3] =	wrdreg s24  }
0xb0: {  	[dreg:$0x4] =	wrdreg $0x0  }
0xb1: {  	[dreg:$0x5] =	wrdreg $0x9  }
0xb2: {  	_ =	task.clear_ibuf [dreg:s7], $0x6FFFF;
	_ =	strace $0x90000052  }
0xb3: {  	s29 =	simm.s32 $0x9;
	_ =	strace $0x80000054  }
0xb4: {  	_ =	swait.ge [sflag:s29], $0x1  }
0xb5: {  	[sflag:s29] =	ssyncadd.s32 $0xFFFFFFFF  }
0xb6: {  	_ =	strace $0x90000054  }
0xb7: {  	_ =	sfence  }
0xb8: {  	s30 =	sld [smem:$0x0];
	_ =	sdelay $0x2  }
0xb9: {  	s31 =	sshll.u32 s1, $0xD;
	s1 =	sshrl.u32 s1, $0x2  }
0xba: {  	s3 =	sand.u32 $0x4000, s31;
	s1 =	sadd.s32 s1, s30  }
0xbb: {  	s0 =	sor.u32 s3, s0;
	s1 =	sshll.u32 s1, $0x11  }
0xbc: {  	s0 =	sor.u32 s1, s0  }
0xbd: {  	s0 =	sadd.s32 $0x8F2B, s0  }
0xbe: {  	[sflag:s0] =	ssyncadd.remote.s32 $0x1  }
0xbf: {  	_ =	sfence.sel $0xFFFF  }
0xc0: {  	[dreg:$0x0] =	wrdreg $0xFFFFFFFF;
	(pc) =	sbr.abs _section_cstart, $3  }
0xc1: {  	[dreg:$0x1] =	wrdreg $0xFFFFFFFF  }
0xc2: {  	_ =	task.clear_ibuf [dreg:s7], $0x2FFFF;
	_ =	strace $0x9FFFFFFF  }
0xc3: {  	(tm) =	ssettm $0x7FFFFFFF  }
tec
execute0_lowered:
.L_overlay_start_1:
0x0: {  	(tag) =	ssettag $0x1  }
0x1: {  	s2 =	rddreg [dreg:$0x0]  }
0x2: {  	s5 =	rddreg [dreg:$0x1]  }
0x3: {  	s3 =	rddreg [dreg:$0x2]  }
0x4: {  	s0 =	rddreg [dreg:$0x3];
	s1 =	stileid.u32  }
0x5: {  	s6 =	srdreg.scid;
	s4 =	simm.s32 $0x0;
	s16 =	simm.s32 $0x15000  }
0x6: {  	s17 =	simm.s32 $0x80;
	s18 =	simm.s32 $0x16400;
	s19 =	simm.s32 $0x13C80  }
0x7: {  	s20 =	simm.s32 $0x1A400;
	s21 =	simm.s32 $0x1;
	s22 =	simm.s32 $0x2  }
0x8: {  	s23 =	simm.s32 $0x16300;
	s7 =	smul.u32 $0x13C00, s1;
	s6 =	sand.u32 $0x1, s6  }
0x9: {  	[smem:$0x7FF] =	sst s4;
	s9 =	sadd.s32 $0xEC00, s5;
	s24 =	smul.u32 $0x4F000, s1  }
0xa: {  	s11 =	sadd.s32 $0x4C00, s5;
	s30 =	sshll.u32 s1, $0x6;
	s8 =	smul.u32 $0x13C000, s6  }
0xb: {  	_ =	strace $0x80000053;
	s12 =	sshll.u32 s6, $0x4;
	s25 =	ssub.s32 $0x2, s6  }
0xc: {  	s6 =	sor.u32 $0x1C03, s30;
	s10 =	sshrl.u32 s7, $0x3;
	s26 =	sor.u32 s1, s12  }
0xd: {  	s28 =	sshrl.u32 s25, $0x1;
	s10 =	sadd.s32 s10, s5;
	s7 =	sadd.s32 s7, s8  }
0xe: {  	s8 =	sshrl.u32 s24, $0x2;
	s12 =	smul.u32 $0x2800, s26;
	s14 =	ssub.s32 s25, s28  }
0xf: {  	s29 =	smul.u32 $0x500, s26;
	s24 =	simm.s32 $0x16380;
	s7 =	sshrl.u32 s7, $0x3  }
0x10: {  	s25 =	simm.s32 $0x0;
	s15 =	sadd.s32 s8, s3;
	s13 =	sadd.s32 s7, s5  }
0x11: {  	s5 =	sadd.s32 $0x18C00, s10;
	s31 =	sshrl.u32 s12, $0x3;
	s7 =	sadd.s32 s9, s29  }
0x12: {  	s8 =	sadd.s32 s11, s29;
	s12 =	smax.u32 s14, $0x1;
	s10 =	sadd.s32 $0x280, s31  }
0x13: {  	s14 =	simm.s32 $0x3;
	s9 =	sadd.s32 s9, s10;
	s10 =	sadd.s32 s11, s10  }
0x14: {  	s11 =	sadd.s32 $0x40400, s13;
	s13 =	sshrl.u32 s15, $0x3;
	s15 =	simm.s32 $0x13C00  }
.LBB2_1:
0x15: {  	[spmem:s13], [sflag:s6] =	dma.local [hbm:s5], $0x2780  }
0x16: {  	_ =	swait.ge [sflag:s14], $0x2780  }
0x17: {  	[sflag:s14] =	ssyncset.done $0x0  }
0x18: {  	[sflag:s14] =	ssyncadd.s32 $0xFFFFD880  }
0x19: {  	[bflag:$0x0] =	sbarrier.arrive $0xFFFF  }
0x1a: {  	[tilespmem:s15], [sflag:$0x3] =	stream.linear.gather [hbm4b:s7+s4], $0x1400, $0x38;
	[tilespmem:$0x1E400] =	vst v63  }
0x1b: {  	_ =	swait.ge [sflag:s14], $0x1400  }
0x1c: {  	[sflag:s14] =	ssyncset.done $0x0  }
0x1d: {  	[sflag:s14] =	ssyncadd.s32 $0xFFFFEC00  }
0x1e: {  	[tilespmem:s16], [sflag:$0x3] =	stream.linear.gather [hbm4b:s8+s4], $0x1400, $0x38;
	[tilespmem:$0x1E400] =	vst v63  }
0x1f: {  	_ =	swait.ge [sflag:s14], $0x1400  }
0x20: {  	[sflag:s14] =	ssyncset.done $0x0  }
0x21: {  	[sflag:s14] =	ssyncadd.s32 $0xFFFFEC00  }
0x22: {  	[tilespmem:s18], [sflag:$0x1] =	stream.indirect.gather [hbm4b:s2+s17], $0x80, s15, s17, $0xb8;
	[tilespmem:$0x1E400] =	vst v63  }
0x23: {  	_ = 	snop  }
0x24: {  	[tilespmem:s20], [sflag:$0x2] =	stream.indirect.gather [hbm4b:s2+s17], $0x80, s19, s17, $0xb8;
	[tilespmem:$0x1E400] =	vst v63  }
0x25: {  	_ =	swait.ge [sflag:s21], $0x4000  }
0x26: {  	[sflag:s21] =	ssyncset.done $0x0  }
0x27: {  	s26 =	simm.s32 $0x15000;
	[sflag:s21] =	ssyncadd.s32 $0xFFFFC000  }
0x28: {  	[spmem:s3] =	stream.indirect.scatter.add.f32 [tilespmem:s18], [sflag:$0x3], $0x80, s26, s17, $0xb8;
	[tilespmem:$0x1E400] =	vst v63  }
0x29: {  	_ =	swait.ge [sflag:s14], $0x4000  }
0x2a: {  	[sflag:s14] =	ssyncset.done $0x0  }
0x2b: {  	s30 =	simm.s32 $0x13D00;
	[sflag:s14] =	ssyncadd.s32 $0xFFFFC000  }
0x2c: {  	[tilespmem:s18], [sflag:$0x1] =	stream.indirect.gather [hbm4b:s2+s17], $0x80, s30, s17, $0xb8;
	[tilespmem:$0x1E400] =	vst v63  }
0x2d: {  	_ =	swait.ge [sflag:s22], $0x4000  }
0x2e: {  	[sflag:s22] =	ssyncset.done $0x0  }
0x2f: {  	s31 =	simm.s32 $0x15080;
	[sflag:s22] =	ssyncadd.s32 $0xFFFFC000  }
0x30: {  	[spmem:s3] =	stream.indirect.scatter.add.f32 [tilespmem:s20], [sflag:$0x3], $0x80, s31, s17, $0xb8;
	[tilespmem:$0x1E400] =	vst v63  }
0x31: {  	_ =	swait.ge [sflag:s14], $0x4000  }
0x32: {  	[sflag:s14] =	ssyncset.done $0x0  }
0x33: {  	s28 =	simm.s32 $0x13D80;
	s26 =	simm.s32 $0x400;
	[sflag:s14] =	ssyncadd.s32 $0xFFFFC000  }
.LBB2_2:
0x34: {  	[tilespmem:s20], [sflag:$0x2] =	stream.indirect.gather [hbm4b:s2+s17], $0x80, s28, s17, $0xb8;
	[tilespmem:$0x1E400] =	vst v63  }
0x35: {  	s28 =	smov.u32 s26  }
0x36: {  	p0 =	sne.s32 s26, $0x4800;
	s26 =	sadd.s32 $0x400, s26;
	_ =	swait.ge [sflag:s21], $0x4000  }
0x37: {  	s28 =	sshra.s32 s28, $0x2;
	[sflag:s21] =	ssyncset.done $0x0  }
0x38: {  	s29 =	sadd.s32 $0x15000, s28;
	[sflag:s21] =	ssyncadd.s32 $0xFFFFC000  }
0x39: {  	[spmem:s3] =	stream.indirect.scatter.add.f32 [tilespmem:s18], [sflag:$0x3], $0x80, s29, s17, $0xb8;
	[tilespmem:$0x1E400] =	vst v63  }
0x3a: {  	_ =	swait.ge [sflag:s14], $0x4000  }
0x3b: {  	[sflag:s14] =	ssyncset.done $0x0  }
0x3c: {  	s29 =	sadd.s32 $0x13D00, s28;
	[sflag:s14] =	ssyncadd.s32 $0xFFFFC000  }
0x3d: {  	[tilespmem:s18], [sflag:$0x1] =	stream.indirect.gather [hbm4b:s2+s17], $0x80, s29, s17, $0xb8;
	[tilespmem:$0x1E400] =	vst v63  }
0x3e: {  	_ =	swait.ge [sflag:s22], $0x4000  }
0x3f: {  	[sflag:s22] =	ssyncset.done $0x0  }
.Ltmp0:
0x40: {  	s29 =	sadd.s32 $0x15080, s28;
	[sflag:s22] =	ssyncadd.s32 $0xFFFFC000;
	(pc) =	sbr.rel @p0 .LBB2_2-.Ltmp0, $4  }
0x41: {  	[spmem:s3] =	stream.indirect.scatter.add.f32 [tilespmem:s20], [sflag:$0x3], $0x80, s29, s17, $0xb8;
	[tilespmem:$0x1E400] =	vst v63  }
0x42: {  	_ =	swait.ge [sflag:s14], $0x4000  }
0x43: {  	[sflag:s14] =	ssyncset.done $0x0  }
0x44: {  	s28 =	sadd.s32 $0x13D80, s28;
	[sflag:s14] =	ssyncadd.s32 $0xFFFFC000  }
0x45: {  	[tilespmem:s20], [sflag:$0x2] =	stream.indirect.gather [hbm4b:s2+s17], $0x80, s28, s17, $0xb8;
	[tilespmem:$0x1E400] =	vst v63  }
0x46: {  	_ =	swait.ge [sflag:s21], $0x4000  }
0x47: {  	[sflag:s21] =	ssyncset.done $0x0  }
0x48: {  	[sflag:s21] =	ssyncadd.s32 $0xFFFFC000  }
0x49: {  	[spmem:s3] =	stream.indirect.scatter.add.f32 [tilespmem:s18], [sflag:$0x3], $0x80, s23, s17, $0xb8;
	[tilespmem:$0x1E400] =	vst v63  }
0x4a: {  	_ =	swait.ge [sflag:s14], $0x4000  }
0x4b: {  	[sflag:s14] =	ssyncset.done $0x0  }
0x4c: {  	[sflag:s14] =	ssyncadd.s32 $0xFFFFC000  }
0x4d: {  	_ =	swait.ge [sflag:s22], $0x4000  }
0x4e: {  	[sflag:s22] =	ssyncset.done $0x0  }
0x4f: {  	[sflag:s22] =	ssyncadd.s32 $0xFFFFC000  }
0x50: {  	[spmem:s3] =	stream.indirect.scatter.add.f32 [tilespmem:s20], [sflag:$0x3], $0x80, s24, s17, $0xb8;
	[tilespmem:$0x1E400] =	vst v63  }
0x51: {  	_ =	swait.ge [sflag:s14], $0x4000  }
0x52: {  	[sflag:s14] =	ssyncset.done $0x0  }
0x53: {  	s26 =	simm.s32 $0x0;
	[sflag:s14] =	ssyncadd.s32 $0xFFFFC000  }
0x54: {  	[tilespmem:s15], [sflag:$0x3] =	stream.linear.gather [hbm4b:s9+s26], $0x1400, $0x38;
	[tilespmem:$0x1E400] =	vst v63  }
0x55: {  	_ =	swait.ge [sflag:s14], $0x1400  }
0x56: {  	[sflag:s14] =	ssyncset.done $0x0  }
0x57: {  	[sflag:s14] =	ssyncadd.s32 $0xFFFFEC00  }
0x58: {  	[tilespmem:s16], [sflag:$0x3] =	stream.linear.gather [hbm4b:s10+s26], $0x1400, $0x38;
	[tilespmem:$0x1E400] =	vst v63  }
0x59: {  	_ =	swait.ge [sflag:s14], $0x1400  }
0x5a: {  	[sflag:s14] =	ssyncset.done $0x0  }
0x5b: {  	[sflag:s14] =	ssyncadd.s32 $0xFFFFEC00  }
0x5c: {  	[tilespmem:s18], [sflag:$0x1] =	stream.indirect.gather [hbm4b:s2+s17], $0x80, s15, s17, $0xb8;
	[tilespmem:$0x1E400] =	vst v63  }
0x5d: {  	_ = 	snop  }
0x5e: {  	[tilespmem:s20], [sflag:$0x2] =	stream.indirect.gather [hbm4b:s2+s17], $0x80, s19, s17, $0xb8;
	[tilespmem:$0x1E400] =	vst v63  }
0x5f: {  	_ =	swait.ge [sflag:s21], $0x4000  }
0x60: {  	[sflag:s21] =	ssyncset.done $0x0  }
0x61: {  	s29 =	simm.s32 $0x15000;
	[sflag:s21] =	ssyncadd.s32 $0xFFFFC000  }
0x62: {  	[spmem:s3] =	stream.indirect.scatter.add.f32 [tilespmem:s18], [sflag:$0x3], $0x80, s29, s17, $0xb8;
	[tilespmem:$0x1E400] =	vst v63  }
0x63: {  	_ =	swait.ge [sflag:s14], $0x4000  }
0x64: {  	[sflag:s14] =	ssyncset.done $0x0  }
0x65: {  	s30 =	simm.s32 $0x13D00;
	[sflag:s14] =	ssyncadd.s32 $0xFFFFC000  }
0x66: {  	[tilespmem:s18], [sflag:$0x1] =	stream.indirect.gather [hbm4b:s2+s17], $0x80, s30, s17, $0xb8;
	[tilespmem:$0x1E400] =	vst v63  }
0x67: {  	_ =	swait.ge [sflag:s22], $0x4000  }
0x68: {  	[sflag:s22] =	ssyncset.done $0x0  }
0x69: {  	s31 =	simm.s32 $0x15080;
	[sflag:s22] =	ssyncadd.s32 $0xFFFFC000  }
0x6a: {  	[spmem:s3] =	stream.indirect.scatter.add.f32 [tilespmem:s20], [sflag:$0x3], $0x80, s31, s17, $0xb8;
	[tilespmem:$0x1E400] =	vst v63  }
0x6b: {  	_ =	swait.ge [sflag:s14], $0x4000  }
0x6c: {  	[sflag:s14] =	ssyncset.done $0x0  }
0x6d: {  	s28 =	simm.s32 $0x13D80;
	s26 =	simm.s32 $0x400;
	[sflag:s14] =	ssyncadd.s32 $0xFFFFC000  }
.LBB2_4:
0x6e: {  	[tilespmem:s20], [sflag:$0x2] =	stream.indirect.gather [hbm4b:s2+s17], $0x80, s28, s17, $0xb8;
	[tilespmem:$0x1E400] =	vst v63  }
0x6f: {  	s28 =	smov.u32 s26  }
0x70: {  	p0 =	sne.s32 s26, $0x4800;
	s26 =	sadd.s32 $0x400, s26;
	_ =	swait.ge [sflag:s21], $0x4000  }
0x71: {  	s28 =	sshra.s32 s28, $0x2;
	[sflag:s21] =	ssyncset.done $0x0  }
0x72: {  	s29 =	sadd.s32 $0x15000, s28;
	[sflag:s21] =	ssyncadd.s32 $0xFFFFC000  }
0x73: {  	[spmem:s3] =	stream.indirect.scatter.add.f32 [tilespmem:s18], [sflag:$0x3], $0x80, s29, s17, $0xb8;
	[tilespmem:$0x1E400] =	vst v63  }
0x74: {  	_ =	swait.ge [sflag:s14], $0x4000  }
0x75: {  	[sflag:s14] =	ssyncset.done $0x0  }
0x76: {  	s29 =	sadd.s32 $0x13D00, s28;
	[sflag:s14] =	ssyncadd.s32 $0xFFFFC000  }
0x77: {  	[tilespmem:s18], [sflag:$0x1] =	stream.indirect.gather [hbm4b:s2+s17], $0x80, s29, s17, $0xb8;
	[tilespmem:$0x1E400] =	vst v63  }
0x78: {  	_ =	swait.ge [sflag:s22], $0x4000  }
0x79: {  	[sflag:s22] =	ssyncset.done $0x0  }
.Ltmp1:
0x7a: {  	s29 =	sadd.s32 $0x15080, s28;
	[sflag:s22] =	ssyncadd.s32 $0xFFFFC000;
	(pc) =	sbr.rel @p0 .LBB2_4-.Ltmp1, $4  }
0x7b: {  	[spmem:s3] =	stream.indirect.scatter.add.f32 [tilespmem:s20], [sflag:$0x3], $0x80, s29, s17, $0xb8;
	[tilespmem:$0x1E400] =	vst v63  }
0x7c: {  	_ =	swait.ge [sflag:s14], $0x4000  }
0x7d: {  	[sflag:s14] =	ssyncset.done $0x0  }
0x7e: {  	s28 =	sadd.s32 $0x13D80, s28;
	[sflag:s14] =	ssyncadd.s32 $0xFFFFC000  }
0x7f: {  	[tilespmem:s20], [sflag:$0x2] =	stream.indirect.gather [hbm4b:s2+s17], $0x80, s28, s17, $0xb8;
	[tilespmem:$0x1E400] =	vst v63  }
0x80: {  	_ =	swait.ge [sflag:s21], $0x4000  }
0x81: {  	[sflag:s21] =	ssyncset.done $0x0  }
0x82: {  	[sflag:s21] =	ssyncadd.s32 $0xFFFFC000  }
0x83: {  	[spmem:s3] =	stream.indirect.scatter.add.f32 [tilespmem:s18], [sflag:$0x3], $0x80, s23, s17, $0xb8;
	[tilespmem:$0x1E400] =	vst v63  }
0x84: {  	_ =	swait.ge [sflag:s14], $0x4000  }
0x85: {  	[sflag:s14] =	ssyncset.done $0x0  }
0x86: {  	[sflag:s14] =	ssyncadd.s32 $0xFFFFC000  }
0x87: {  	_ =	swait.ge [sflag:s22], $0x4000  }
0x88: {  	[sflag:s22] =	ssyncset.done $0x0  }
0x89: {  	[sflag:s22] =	ssyncadd.s32 $0xFFFFC000  }
0x8a: {  	[spmem:s3] =	stream.indirect.scatter.add.f32 [tilespmem:s20], [sflag:$0x3], $0x80, s24, s17, $0xb8;
	[tilespmem:$0x1E400] =	vst v63  }
0x8b: {  	_ =	swait.ge [sflag:s14], $0x4000  }
0x8c: {  	s25 =	sadd.s32 $0x1, s25;
	[sflag:s14] =	ssyncset.done $0x0  }
0x8d: {  	p0 =	sne.s32 s25, s12;
	[sflag:s14] =	ssyncadd.s32 $0xFFFFC000  }
.Ltmp2:
0x8e: {  	[bflag:$0x0] =	sbarrier.arrive $0xFFFF;
	(pc) =	sbr.rel @p0 .LBB2_1-.Ltmp2, $4  }
0x8f: {  	[hbm:s11], [sflag:s6] =	dma.local [spmem:s13], $0x2780  }
0x90: {  	_ =	swait.ge [sflag:s14], $0x2780  }
0x91: {  	[sflag:s14] =	ssyncset.done $0x0  }
0x92: {  	[sflag:s14] =	ssyncadd.s32 $0xFFFFD880  }
0x93: {  	_ =	sfence.sel $0x180000  }
0x94: {  	[bflag:$0x0] =	sbarrier.arrive $0xFFFF  }
0x95: {  	p0 =	sne.s32 s1, $0x0;
	_ =	strace $0x90000053  }
0x96: {  	s0 =	sadd.s32 @!p0 $0x100000, s0;
	[bflag:$0x2] =	sbarrier.arrive $0xFFFF  }
0x97: {  	[sflag:s0] =	ssyncadd.tile.s32 @!p0 $0x1;
	_ =	shalt  }
.Lfunc_end2:
_tile_overlayer_lowered:
.L_overlay_start_2:
0x98: {  	(tag) =	ssettag $0x2  }
0x99: {  	s0 =	rddreg [dreg:$0x0];
	s2 =	stileid.u32  }
0x9a: {  	s1 =	rddreg [dreg:$0x1];
	p0 =	sne.s32 s2, $0x0  }
0x9b: {  	s3 =	rddreg [dreg:$0x2];
	[bflag:$0x3] =	sbarrier.arrive $0xFFFF;
	s2 =	simm.s32 @!p0 $0x1C03  }
0x9c: {  	[timem:s3], [sflag:s2] =	dma.local @!p0 [hbm:s0], s1  }
0x9d: {  	s0 =	simm.s32 @!p0 $0x3  }
0x9e: {  	_ =	swait.ge @!p0 [sflag:s0], s1  }
0x9f: {  	s1 =	ssub.s32 @!p0 $0x0, s1;
	[sflag:s0] =	ssyncset.done @!p0 $0x0  }
0xa0: {  	[sflag:s0] =	ssyncadd.s32 @!p0 s1  }
0xa1: {  	[bflag:$0x3] =	sbarrier.arrive $0xFFFF  }
0xa2: {  	_ =	shalt  }

</sc_bundles>
